<compile_context>
chip_gen: v7x
topology: tpu7x:2x2x1
jax: 0.10.2.dev20260603
libtpu: 0.0.44.dev20260713+nightly
codegen_flags: <defaults>
</compile_context>

<pallas_src>
import functools

import jax
import jax.numpy as jnp
from jax import lax
from jax.experimental import pallas as pl
from jax.experimental.pallas import tpu as pltpu
from jax.experimental.pallas import tpu_sc as plsc

N = 50000
E = 800000
D = 64
H = 32
L = 1024
NC = 2
NS = 16
BATCH = 128
CHUNK = 20
_NB0 = -(-(E // NS) // BATCH)
NB = -(-_NB0 // CHUNK) * CHUNK
EPW = NB * BATCH
EPAD = NS * EPW - E
TRASH = 48
RPS = -(-(N + TRASH) // NS)
NACC = NS * RPS
RLAST = N - (NS - 1) * RPS


def _make_segsum(chunk=CHUNK):
    assert NB % chunk == 0 and chunk % 5 == 0
    nch = NB // chunk
    assert nch % 2 == 0
    mesh = plsc.VectorSubcoreMesh(
        core_axis_name="c", subcore_axis_name="s", num_cores=NC, num_subcores=NS
    )

    @functools.partial(
        pl.kernel,
        out_type=jax.ShapeDtypeStruct((NC, N, H), jnp.float32),
        mesh=mesh,
        scratch_types=[
            pltpu.VMEM((chunk, BATCH), jnp.int32),
            pltpu.VMEM((chunk, BATCH), jnp.int32),
            pltpu.VMEM((chunk, BATCH), jnp.int32),
            pltpu.VMEM((chunk, BATCH), jnp.int32),
            pltpu.VMEM((BATCH, H), jnp.float32),
            pltpu.VMEM((BATCH, H), jnp.float32),
            pltpu.VMEM((BATCH, H), jnp.float32),
            pltpu.VMEM((BATCH, H), jnp.float32),
            pltpu.VMEM((BATCH, H), jnp.float32),
            pltpu.VMEM_SHARED((NACC, H), jnp.float32),
            pltpu.SemaphoreType.DMA,
            pltpu.SemaphoreType.DMA,
            pltpu.SemaphoreType.DMA,
            pltpu.SemaphoreType.DMA,
            pltpu.SemaphoreType.DMA,
            pltpu.SemaphoreType.DMA,
            pltpu.SemaphoreType.DMA,
            pltpu.SemaphoreType.DMA,
            pltpu.SemaphoreType.DMA,
            pltpu.SemaphoreType.DMA,
            pltpu.SemaphoreType.DMA,
            pltpu.SemaphoreType.DMA,
        ],
        compiler_params=pltpu.CompilerParams(use_tc_tiling_on_sc=False),
    )
    def segsum(hf_hbm, src_hbm, dst_hbm, zeros_hbm, out_hbm,
               idx_s0, idx_d0, idx_s1, idx_d1, r0, r1, r2, r3, r4, acc,
               gs0, gs1, gs2, gs3, gs4, ss0, ss1, ss2, ss3, ss4, is0, is1):
        c = lax.axis_index("c")
        s = lax.axis_index("s")
        w = c * NS + s
        rows = (r0, r1, r2, r3, r4)
        gsem = (gs0, gs1, gs2, gs3, gs4)
        ssem = (ss0, ss1, ss2, ss3, ss4)
        pltpu.sync_copy(zeros_hbm, acc.at[pl.ds(s * RPS, RPS)])
        plsc.subcore_barrier()

        def stage(k, idxs, idxd, isem):
            pltpu.async_copy(src_hbm.at[w, pl.ds(k * chunk, chunk)], idxs,
                             isem)
            pltpu.async_copy(dst_hbm.at[w, pl.ds(k * chunk, chunk)], idxd,
                             isem)

        def run_chunk(k, idxs, idxd, isem, pre):
            if pre is not None:
                cond, pk, pidxs, pidxd, pisem = pre
                pl.when(cond)(lambda: stage(pk, pidxs, pidxd, pisem))
            pltpu.make_async_copy(src_hbm.at[w, pl.ds(k * chunk, chunk)],
                                  idxs, isem).wait()
            pltpu.make_async_copy(dst_hbm.at[w, pl.ds(k * chunk, chunk)],
                                  idxd, isem).wait()
            pltpu.async_copy(hf_hbm.at[idxs.at[0]], rows[0], gsem[0])
            pltpu.async_copy(hf_hbm.at[idxs.at[1]], rows[1], gsem[1])
            pltpu.async_copy(hf_hbm.at[idxs.at[2]], rows[2], gsem[2])

            def quint(q, cc):
                for i in range(5):
                    j = 5 * q + i
                    b = i
                    b3 = (i + 3) % 5
                    pltpu.make_async_copy(hf_hbm.at[idxs.at[j]], rows[b],
                                          gsem[b]).wait()
                    pltpu.async_copy(rows[b], acc.at[idxd.at[j]], ssem[b],
                                     add=True)

                    def _wait_prev(b3=b3, j=j):
                        pltpu.make_async_copy(rows[b3], acc.at[idxd.at[j - 2]],
                                              ssem[b3]).wait()

                    def _next_gather(b3=b3, j=j):
                        pltpu.async_copy(hf_hbm.at[idxs.at[j + 3]], rows[b3],
                                         gsem[b3])

                    pl.when(j >= 2)(_wait_prev)
                    pl.when(j < chunk - 3)(_next_gather)
                return cc

            lax.fori_loop(0, chunk // 5, quint, 0, unroll=False)
            pltpu.make_async_copy(rows[(chunk - 2) % 5],
                                  acc.at[idxd.at[chunk - 2]],
                                  ssem[(chunk - 2) % 5]).wait()
            pltpu.make_async_copy(rows[(chunk - 1) % 5],
                                  acc.at[idxd.at[chunk - 1]],
                                  ssem[(chunk - 1) % 5]).wait()

        stage(0, idx_s0, idx_d0, is0)

        def pairloop(k2, cc):
            k0 = 2 * k2
            run_chunk(k0, idx_s0, idx_d0, is0,
                      (k0 + 1 < nch, k0 + 1, idx_s1, idx_d1, is1))
            run_chunk(k0 + 1, idx_s1, idx_d1, is1,
                      (k2 < nch // 2 - 1, k0 + 2, idx_s0, idx_d0, is0))
            return cc

        lax.fori_loop(0, nch // 2, pairloop, 0, unroll=False)
        plsc.subcore_barrier()

        @pl.when(s < NS - 1)
        def _():
            pltpu.sync_copy(acc.at[pl.ds(s * RPS, RPS)],
                            out_hbm.at[c, pl.ds(s * RPS, RPS)])

        @pl.when(s == NS - 1)
        def _():
            pltpu.sync_copy(acc.at[pl.ds((NS - 1) * RPS, RLAST)],
                            out_hbm.at[c, pl.ds((NS - 1) * RPS, RLAST)])

    return segsum


_segsum = _make_segsum()


def _layer_body(ope_ref, h_ref, agg_ref, w_ref, b_ref, wr_ref, br_ref,
                oa_ref, ob_ref):
    h = h_ref[...]
    agg = jnp.concatenate([agg_ref[0], agg_ref[1]], axis=-1)
    g = jnp.dot(ope_ref[0, 0] * h + agg, w_ref[...],
                preferred_element_type=jnp.float32) + b_ref[...]
    r = jnp.maximum(g, 0.0)
    t = jnp.dot(r, wr_ref[...], preferred_element_type=jnp.float32) + br_ref[...]
    hn = jnp.maximum(t, 0.0) + r
    oa_ref[...] = hn[:, :H]
    ob_ref[...] = hn[:, H:]


def _final_body(ope_ref, ha_ref, hb_ref, agg_ref, w_ref, b_ref,
                wr_ref, br_ref, wout_ref, bout_ref, out_ref):
    h = jnp.concatenate([ha_ref[...], hb_ref[...]], axis=-1)
    agg = jnp.concatenate([agg_ref[0], agg_ref[1]], axis=-1)
    g = jnp.dot(ope_ref[0, 0] * h + agg, w_ref[...],
                preferred_element_type=jnp.float32) + b_ref[...]
    r = jnp.maximum(g, 0.0)
    t = jnp.dot(r, wr_ref[...], preferred_element_type=jnp.float32) + br_ref[...]
    h2 = jnp.maximum(t, 0.0) + r
    m = (h + h2) * 0.5
    out_ref[...] = jnp.dot(m, wout_ref[...],
                           preferred_element_type=jnp.float32) + bout_ref[...]


_R1 = 2000
_R2 = 2000

_smem_spec = pl.BlockSpec(memory_space=pltpu.SMEM)


def _const_spec(shape):
    return pl.BlockSpec(shape, lambda i: (0,) * len(shape))


_layer_call = pl.pallas_call(
    _layer_body,
    grid=(N // _R1,),
    in_specs=[
        _smem_spec,
        pl.BlockSpec((_R1, D), lambda i: (i, 0)),
        pl.BlockSpec((NC, _R1, H), lambda i: (0, i, 0)),
        _const_spec((D, D)),
        _const_spec((1, D)),
        _const_spec((D, D)),
        _const_spec((1, D)),
    ],
    out_specs=[
        pl.BlockSpec((_R1, H), lambda i: (i, 0)),
        pl.BlockSpec((_R1, H), lambda i: (i, 0)),
    ],
    out_shape=[
        jax.ShapeDtypeStruct((N, H), jnp.float32),
        jax.ShapeDtypeStruct((N, H), jnp.float32),
    ],
)

_final_call = pl.pallas_call(
    _final_body,
    grid=(N // _R2,),
    in_specs=[
        _smem_spec,
        pl.BlockSpec((_R2, H), lambda i: (i, 0)),
        pl.BlockSpec((_R2, H), lambda i: (i, 0)),
        pl.BlockSpec((NC, _R2, H), lambda i: (0, i, 0)),
        _const_spec((D, D)),
        _const_spec((1, D)),
        _const_spec((D, D)),
        _const_spec((1, D)),
        _const_spec((D, L)),
        _const_spec((1, L)),
    ],
    out_specs=pl.BlockSpec((_R2, L), lambda i: (i, 0)),
    out_shape=jax.ShapeDtypeStruct((N, L), jnp.float32),
)


def kernel(inputs, edge_index, eps1, W1, b1, Wr1, br1, eps2, W2, b2, Wr2, br2,
           Wout, bout):
    src = edge_index[0]
    dst = edge_index[1]
    pad = jnp.arange(EPAD, dtype=jnp.int32)
    src3 = jnp.concatenate([src, pad % N]).reshape(NS, NB, BATCH)
    src4 = jnp.concatenate([src3, src3 + N])
    dst3 = jnp.concatenate([dst, N + pad % TRASH]).reshape(NS, NB, BATCH)
    dst4 = jnp.concatenate([dst3, dst3])
    zeros = jnp.zeros((RPS, H), jnp.float32)

    h0f = jnp.concatenate([inputs[:, :H], inputs[:, H:]], axis=0)
    agg1 = _segsum(h0f, src4, dst4, zeros)

    ope1 = (1.0 + eps1).reshape(1, 1)
    ope2 = (1.0 + eps2).reshape(1, 1)
    h1a, h1b = _layer_call(ope1, inputs, agg1,
                           W1, b1.reshape(1, D), Wr1, br1.reshape(1, D))

    h1f = jnp.concatenate([h1a, h1b], axis=0)
    agg2 = _segsum(h1f, src4, dst4, zeros)

    out = _final_call(ope2, h1a, h1b, agg2,
                      W2, b2.reshape(1, D), Wr2, br2.reshape(1, D),
                      Wout, bout.reshape(1, L))
    return out

# --- scband reference (transcript-rebuilt; emitter-appended) ---
"""Pipeline reference for scband-label-gcnattention-rnnv5-56246891709054 (READ-ONLY COPY).

The authoritative reference and input builder live on the scoring server;
editing this copy changes nothing except your own understanding.
"""

import jax, jax.numpy as jnp
import numpy as np

N = 50000      # n_nodes
E = 800000     # n_edges
D = 64         # hidden_size*2
L = 1024       # num_labels

# Module structure (eval mode, dropout=identity):
# linear_size = [D] + [64] + [D] = [64, 64, 64] -> two GINConv layers 64->64
# each followed by Sequential(ReLU, Dropout, Residual(64, 64))
# GINConv(sum, learn_eps): h = Linear((1+eps)*h_dst + sum_{j in N(i)} h_src_j)
# Residual(x) = relu(x @ Wr + br) + x
# stack_embed: stack per-layer hidden for final dst nodes -> [N, n_layers, D]
# outputs = mean over layer axis -> final Linear(D, num_labels)

def setup_inputs(seed: int = 0) -> dict:
    key = jax.random.key(seed)
    ks = jax.random.split(key, 16)
    scale = 0.05
    inputs = jax.random.normal(ks[0], (N, D), dtype=jnp.float32)
    edge_index = jax.random.randint(ks[1], (2, E), 0, N, dtype=jnp.int32)
    params = {
        'eps1': jnp.zeros((), dtype=jnp.float32),
        'W1': jax.random.normal(ks[2], (D, D), dtype=jnp.float32) * scale,
        'b1': jnp.zeros((D,), dtype=jnp.float32),
        'Wr1': jax.random.normal(ks[3], (D, D), dtype=jnp.float32) * scale,
        'br1': jnp.zeros((D,), dtype=jnp.float32),
        'eps2': jnp.zeros((), dtype=jnp.float32),
        'W2': jax.random.normal(ks[4], (D, D), dtype=jnp.float32) * scale,
        'b2': jnp.zeros((D,), dtype=jnp.float32),
        'Wr2': jax.random.normal(ks[5], (D, D), dtype=jnp.float32) * scale,
        'br2': jnp.zeros((D,), dtype=jnp.float32),
        'Wout': jax.random.normal(ks[6], (D, L), dtype=jnp.float32) * scale,
        'bout': jnp.zeros((L,), dtype=jnp.float32),
    }
    return {'inputs': inputs, 'edge_index': edge_index, **params}


def _gin_conv(h, src, dst, eps, W, b):
    # sum aggregation over incoming edges (scatter-add), GIN update
    msg = jnp.take(h, src, axis=0)                       # gather [E, D]
    agg = jax.ops.segment_sum(msg, dst, num_segments=N)  # scatter-add [N, D]
    return ((1.0 + eps) * h + agg) @ W + b


def _residual_block(h, Wr, br):
    # Sequential(ReLU, Dropout(eval=identity), Residual)
    h = jax.nn.relu(h)
    return jax.nn.relu(h @ Wr + br) + h


def reference(inputs, edge_index, eps1, W1, b1, Wr1, br1, eps2, W2, b2, Wr2, br2, Wout, bout):
    src = edge_index[0]
    dst = edge_index[1]
    hidden_list = []
    h = inputs
    h = _gin_conv(h, src, dst, eps1, W1, b1)
    h = _residual_block(h, Wr1, br1)
    hidden_list.append(h)
    h = _gin_conv(h, src, dst, eps2, W2, b2)
    h = _residual_block(h, Wr2, br2)
    hidden_list.append(h)
    stacked_hidden = jnp.stack(hidden_list, axis=1)      # [N, 2, D]
    outputs = stacked_hidden.mean(axis=1)                # [N, D]
    outputs = outputs @ Wout + bout                      # [N, num_labels]
    return outputs

if __name__ == "__main__":
    import jax
    _d = setup_inputs()
    print(jax.jit(kernel)(*tuple(_d.values())))

</pallas_src>

<mosaic_0001>
#map = affine_map<(d0, d1) -> (0, 0)>
#map1 = affine_map<(d0, d1) -> (0, 0, 0)>
module attributes {stable_mosaic.version = 14 : i64} {
  func.func @segsum(%arg0: i32, %arg1: i32, %arg2: memref<100000x32xf32, #tpu.memory_space<hbm>>, %arg3: memref<32x400x128xi32, #tpu.memory_space<hbm>>, %arg4: memref<32x400x128xi32, #tpu.memory_space<hbm>>, %arg5: memref<3128x32xf32, #tpu.memory_space<hbm>>, %arg6: memref<2x50000x32xf32, #tpu.memory_space<hbm>>, %arg7: memref<20x128xi32, #tpu.memory_space<vmem>>, %arg8: memref<20x128xi32, #tpu.memory_space<vmem>>, %arg9: memref<20x128xi32, #tpu.memory_space<vmem>>, %arg10: memref<20x128xi32, #tpu.memory_space<vmem>>, %arg11: memref<128x32xf32, #tpu.memory_space<vmem>>, %arg12: memref<128x32xf32, #tpu.memory_space<vmem>>, %arg13: memref<128x32xf32, #tpu.memory_space<vmem>>, %arg14: memref<128x32xf32, #tpu.memory_space<vmem>>, %arg15: memref<128x32xf32, #tpu.memory_space<vmem>>, %arg16: memref<50048x32xf32, #tpu.memory_space<vmem_shared>>, %arg17: memref<!tpu.dma_semaphore, #tpu.memory_space<semaphore_mem>>, %arg18: memref<!tpu.dma_semaphore, #tpu.memory_space<semaphore_mem>>, %arg19: memref<!tpu.dma_semaphore, #tpu.memory_space<semaphore_mem>>, %arg20: memref<!tpu.dma_semaphore, #tpu.memory_space<semaphore_mem>>, %arg21: memref<!tpu.dma_semaphore, #tpu.memory_space<semaphore_mem>>, %arg22: memref<!tpu.dma_semaphore, #tpu.memory_space<semaphore_mem>>, %arg23: memref<!tpu.dma_semaphore, #tpu.memory_space<semaphore_mem>>, %arg24: memref<!tpu.dma_semaphore, #tpu.memory_space<semaphore_mem>>, %arg25: memref<!tpu.dma_semaphore, #tpu.memory_space<semaphore_mem>>, %arg26: memref<!tpu.dma_semaphore, #tpu.memory_space<semaphore_mem>>, %arg27: memref<!tpu.dma_semaphore, #tpu.memory_space<semaphore_mem>>, %arg28: memref<!tpu.dma_semaphore, #tpu.memory_space<semaphore_mem>>) attributes {dimension_semantics = [#tpu.dimension_semantics<core_parallel>, #tpu.dimension_semantics<subcore_parallel>], iteration_bounds = array<i64: 2, 16>, scalar_prefetch = 0 : i64, scratch_operands = 22 : i64, tpu.core_type = #tpu.core_type<sc_vector_subcore>, window_params = [{transform_indices = #map}, {transform_indices = #map1}, {transform_indices = #map1}, {transform_indices = #map}, {transform_indices = #map1}]} {
    %mul3A = arith.constant 16 : i32
    %mul3A_0 = arith.muli %arg0, %mul3A : i32
    %add3A = arith.addi %mul3A_0, %arg1 : i32
    %mul3A_1 = arith.constant 3128 : i32
    %mul3A_2 = arith.muli %arg1, %mul3A_1 : i32
    "tpu.region"() ({
      %run_scoped3A = tpu.sem_alloc : memref<!tpu.dma_semaphore, #tpu.memory_space<semaphore_mem>>
      %dma_start3A_30 = arith.constant 0 : i32
      %dma_start3A_31 = tpu.memref_slice %arg16[%mul3A_2, %dma_start3A_30] : memref<50048x32xf32, #tpu.memory_space<vmem_shared>> -> memref<3128x32xf32, #tpu.memory_space<vmem_shared>>
      tpu.enqueue_dma source(%arg5 : memref<3128x32xf32, #tpu.memory_space<hbm>>) target(%dma_start3A_31 : memref<3128x32xf32, #tpu.memory_space<vmem_shared>>) target_semaphore(%run_scoped3A : memref<!tpu.dma_semaphore, #tpu.memory_space<semaphore_mem>>)
      %dma_wait3A = arith.constant 0 : i32
      %dma_wait3A_32 = tpu.memref_slice %arg16[%mul3A_2, %dma_wait3A] : memref<50048x32xf32, #tpu.memory_space<vmem_shared>> -> memref<3128x32xf32, #tpu.memory_space<vmem_shared>>
      tpu.wait_dma2 semaphore(%run_scoped3A : memref<!tpu.dma_semaphore, #tpu.memory_space<semaphore_mem>>) src(%arg5 : memref<3128x32xf32, #tpu.memory_space<hbm>>) dst(%dma_wait3A_32 : memref<3128x32xf32, #tpu.memory_space<vmem_shared>>)
      tpu.yield
    }) : () -> ()
    %barrier3A = arith.constant 0 : index
    tpu.barrier barrier_id(%barrier3A)
    %dma_start3A = arith.constant 0 : i32
    %dma_start3A_3 = arith.constant 0 : i32
    %dma_start3A_4 = tpu.memref_slice %arg3[%add3A, %dma_start3A, %dma_start3A_3] : memref<32x400x128xi32, #tpu.memory_space<hbm>> -> memref<1x20x128xi32, #tpu.memory_space<hbm>>
    %dma_start3A_5 = tpu.memref_squeeze %dma_start3A_4 : memref<1x20x128xi32, #tpu.memory_space<hbm>> -> memref<20x128xi32, #tpu.memory_space<hbm>>
    %dma_start3A_6 = arith.constant 0 : i32
    %dma_start3A_7 = arith.constant 0 : i32
    %dma_start3A_8 = tpu.memref_slice %arg3[%add3A, %dma_start3A_6, %dma_start3A_7] : memref<32x400x128xi32, #tpu.memory_space<hbm>> -> memref<1x20x128xi32, #tpu.memory_space<hbm>>
    %dma_start3A_9 = tpu.memref_squeeze %dma_start3A_8 : memref<1x20x128xi32, #tpu.memory_space<hbm>> -> memref<20x128xi32, #tpu.memory_space<hbm>>
    tpu.enqueue_dma source(%dma_start3A_9 : memref<20x128xi32, #tpu.memory_space<hbm>>) target(%arg7 : memref<20x128xi32, #tpu.memory_space<vmem>>) target_semaphore(%arg27 : memref<!tpu.dma_semaphore, #tpu.memory_space<semaphore_mem>>)
    %dma_start3A_10 = arith.constant 0 : i32
    %dma_start3A_11 = arith.constant 0 : i32
    %dma_start3A_12 = tpu.memref_slice %arg4[%add3A, %dma_start3A_10, %dma_start3A_11] : memref<32x400x128xi32, #tpu.memory_space<hbm>> -> memref<1x20x128xi32, #tpu.memory_space<hbm>>
    %dma_start3A_13 = tpu.memref_squeeze %dma_start3A_12 : memref<1x20x128xi32, #tpu.memory_space<hbm>> -> memref<20x128xi32, #tpu.memory_space<hbm>>
    %dma_start3A_14 = arith.constant 0 : i32
    %dma_start3A_15 = arith.constant 0 : i32
    %dma_start3A_16 = tpu.memref_slice %arg4[%add3A, %dma_start3A_14, %dma_start3A_15] : memref<32x400x128xi32, #tpu.memory_space<hbm>> -> memref<1x20x128xi32, #tpu.memory_space<hbm>>
    %dma_start3A_17 = tpu.memref_squeeze %dma_start3A_16 : memref<1x20x128xi32, #tpu.memory_space<hbm>> -> memref<20x128xi32, #tpu.memory_space<hbm>>
    tpu.enqueue_dma source(%dma_start3A_17 : memref<20x128xi32, #tpu.memory_space<hbm>>) target(%arg8 : memref<20x128xi32, #tpu.memory_space<vmem>>) target_semaphore(%arg27 : memref<!tpu.dma_semaphore, #tpu.memory_space<semaphore_mem>>)
    %scan3A = arith.constant 0 : i32
    %scan3A_18 = arith.constant 0 : i32
    %scan3A_19 = arith.constant 10 : i32
    %scan3A_20 = arith.addi %scan3A_18, %scan3A_19 : i32
    %scan3A_21 = arith.constant 1 : i32
    scf.for %scan3A_30 = %scan3A_18 to %scan3A_20 step %scan3A_21  : i32 {
      %mul3A_31 = arith.constant 2 : i32
      %mul3A_32 = arith.muli %mul3A_31, %scan3A_30 : i32
      %add3A_33 = arith.constant 1 : i32
      %add3A_34 = arith.addi %mul3A_32, %add3A_33 : i32
      %lt3A_35 = arith.constant 20 : i32
      %lt3A_36 = arith.cmpi slt, %add3A_34, %lt3A_35 : i32
      %add3A_37 = arith.constant 1 : i32
      %add3A_38 = arith.addi %mul3A_32, %add3A_37 : i32
      %convert_element_type3A_39 = arith.extui %lt3A_36 : i1 to i32
      %cond3A_40 = arith.constant 0 : i32
      %cond3A_41 = arith.cmpi ne, %convert_element_type3A_39, %cond3A_40 : i32
      scf.if %cond3A_41 {
        %mul3A_164 = arith.constant 20 : i32
        %mul3A_165 = arith.muli %add3A_38, %mul3A_164 : i32
        %dma_start3A_166 = arith.constant 0 : i32
        %dma_start3A_167 = tpu.memref_slice %arg3[%add3A, %mul3A_165, %dma_start3A_166] : memref<32x400x128xi32, #tpu.memory_space<hbm>> -> memref<1x20x128xi32, #tpu.memory_space<hbm>>
        %dma_start3A_168 = tpu.memref_squeeze %dma_start3A_167 : memref<1x20x128xi32, #tpu.memory_space<hbm>> -> memref<20x128xi32, #tpu.memory_space<hbm>>
        %dma_start3A_169 = arith.constant 0 : i32
        %dma_start3A_170 = tpu.memref_slice %arg3[%add3A, %mul3A_165, %dma_start3A_169] : memref<32x400x128xi32, #tpu.memory_space<hbm>> -> memref<1x20x128xi32, #tpu.memory_space<hbm>>
        %dma_start3A_171 = tpu.memref_squeeze %dma_start3A_170 : memref<1x20x128xi32, #tpu.memory_space<hbm>> -> memref<20x128xi32, #tpu.memory_space<hbm>>
        tpu.enqueue_dma source(%dma_start3A_171 : memref<20x128xi32, #tpu.memory_space<hbm>>) target(%arg9 : memref<20x128xi32, #tpu.memory_space<vmem>>) target_semaphore(%arg28 : memref<!tpu.dma_semaphore, #tpu.memory_space<semaphore_mem>>)
        %mul3A_172 = arith.constant 20 : i32
        %mul3A_173 = arith.muli %add3A_38, %mul3A_172 : i32
        %dma_start3A_174 = arith.constant 0 : i32
        %dma_start3A_175 = tpu.memref_slice %arg4[%add3A, %mul3A_173, %dma_start3A_174] : memref<32x400x128xi32, #tpu.memory_space<hbm>> -> memref<1x20x128xi32, #tpu.memory_space<hbm>>
        %dma_start3A_176 = tpu.memref_squeeze %dma_start3A_175 : memref<1x20x128xi32, #tpu.memory_space<hbm>> -> memref<20x128xi32, #tpu.memory_space<hbm>>
        %dma_start3A_177 = arith.constant 0 : i32
        %dma_start3A_178 = tpu.memref_slice %arg4[%add3A, %mul3A_173, %dma_start3A_177] : memref<32x400x128xi32, #tpu.memory_space<hbm>> -> memref<1x20x128xi32, #tpu.memory_space<hbm>>
        %dma_start3A_179 = tpu.memref_squeeze %dma_start3A_178 : memref<1x20x128xi32, #tpu.memory_space<hbm>> -> memref<20x128xi32, #tpu.memory_space<hbm>>
        tpu.enqueue_dma source(%dma_start3A_179 : memref<20x128xi32, #tpu.memory_space<hbm>>) target(%arg10 : memref<20x128xi32, #tpu.memory_space<vmem>>) target_semaphore(%arg28 : memref<!tpu.dma_semaphore, #tpu.memory_space<semaphore_mem>>)
      } else {
      }
      %mul3A_42 = arith.constant 20 : i32
      %mul3A_43 = arith.muli %mul3A_32, %mul3A_42 : i32
      %dma_wait3A = arith.constant 0 : i32
      %dma_wait3A_44 = tpu.memref_slice %arg3[%add3A, %mul3A_43, %dma_wait3A] : memref<32x400x128xi32, #tpu.memory_space<hbm>> -> memref<1x20x128xi32, #tpu.memory_space<hbm>>
      %dma_wait3A_45 = tpu.memref_squeeze %dma_wait3A_44 : memref<1x20x128xi32, #tpu.memory_space<hbm>> -> memref<20x128xi32, #tpu.memory_space<hbm>>
      %dma_wait3A_46 = arith.constant 0 : i32
      %dma_wait3A_47 = tpu.memref_slice %arg3[%add3A, %mul3A_43, %dma_wait3A_46] : memref<32x400x128xi32, #tpu.memory_space<hbm>> -> memref<1x20x128xi32, #tpu.memory_space<hbm>>
      %dma_wait3A_48 = tpu.memref_squeeze %dma_wait3A_47 : memref<1x20x128xi32, #tpu.memory_space<hbm>> -> memref<20x128xi32, #tpu.memory_space<hbm>>
      tpu.wait_dma2 semaphore(%arg27 : memref<!tpu.dma_semaphore, #tpu.memory_space<semaphore_mem>>) src(%dma_wait3A_48 : memref<20x128xi32, #tpu.memory_space<hbm>>) dst(%arg7 : memref<20x128xi32, #tpu.memory_space<vmem>>)
      %mul3A_49 = arith.constant 20 : i32
      %mul3A_50 = arith.muli %mul3A_32, %mul3A_49 : i32
      %dma_wait3A_51 = arith.constant 0 : i32
      %dma_wait3A_52 = tpu.memref_slice %arg4[%add3A, %mul3A_50, %dma_wait3A_51] : memref<32x400x128xi32, #tpu.memory_space<hbm>> -> memref<1x20x128xi32, #tpu.memory_space<hbm>>
      %dma_wait3A_53 = tpu.memref_squeeze %dma_wait3A_52 : memref<1x20x128xi32, #tpu.memory_space<hbm>> -> memref<20x128xi32, #tpu.memory_space<hbm>>
      %dma_wait3A_54 = arith.constant 0 : i32
      %dma_wait3A_55 = tpu.memref_slice %arg4[%add3A, %mul3A_50, %dma_wait3A_54] : memref<32x400x128xi32, #tpu.memory_space<hbm>> -> memref<1x20x128xi32, #tpu.memory_space<hbm>>
      %dma_wait3A_56 = tpu.memref_squeeze %dma_wait3A_55 : memref<1x20x128xi32, #tpu.memory_space<hbm>> -> memref<20x128xi32, #tpu.memory_space<hbm>>
      tpu.wait_dma2 semaphore(%arg27 : memref<!tpu.dma_semaphore, #tpu.memory_space<semaphore_mem>>) src(%dma_wait3A_56 : memref<20x128xi32, #tpu.memory_space<hbm>>) dst(%arg8 : memref<20x128xi32, #tpu.memory_space<vmem>>)
      %dma_start3A_57 = arith.constant 0 : i32
      %dma_start3A_58 = arith.constant 0 : i32
      %dma_start3A_59 = tpu.memref_slice %arg7[%dma_start3A_57, %dma_start3A_58] : memref<20x128xi32, #tpu.memory_space<vmem>> -> memref<1x128xi32, #tpu.memory_space<vmem>>
      %dma_start3A_60 = tpu.memref_squeeze %dma_start3A_59 : memref<1x128xi32, #tpu.memory_space<vmem>> -> memref<128xi32, #tpu.memory_space<vmem>>
      %dma_start3A_61 = arith.constant 0 : i32
      %dma_start3A_62 = arith.constant 0 : i32
      %dma_start3A_63 = tpu.memref_slice %arg2[%dma_start3A_61, %dma_start3A_62] : memref<100000x32xf32, #tpu.memory_space<hbm>> -> memref<100000x32xf32, #tpu.memory_space<hbm>>
      tpu.enqueue_indirect_dma source(%dma_start3A_63 : memref<100000x32xf32, #tpu.memory_space<hbm>>) target(%arg11 : memref<128x32xf32, #tpu.memory_space<vmem>>) offsets(%dma_start3A_60 : memref<128xi32, #tpu.memory_space<vmem>>) semaphore(%arg17 : memref<!tpu.dma_semaphore, #tpu.memory_space<semaphore_mem>>)
      %dma_start3A_64 = arith.constant 1 : i32
      %dma_start3A_65 = arith.constant 0 : i32
      %dma_start3A_66 = tpu.memref_slice %arg7[%dma_start3A_64, %dma_start3A_65] : memref<20x128xi32, #tpu.memory_space<vmem>> -> memref<1x128xi32, #tpu.memory_space<vmem>>
      %dma_start3A_67 = tpu.memref_squeeze %dma_start3A_66 : memref<1x128xi32, #tpu.memory_space<vmem>> -> memref<128xi32, #tpu.memory_space<vmem>>
      %dma_start3A_68 = arith.constant 0 : i32
      %dma_start3A_69 = arith.constant 0 : i32
      %dma_start3A_70 = tpu.memref_slice %arg2[%dma_start3A_68, %dma_start3A_69] : memref<100000x32xf32, #tpu.memory_space<hbm>> -> memref<100000x32xf32, #tpu.memory_space<hbm>>
      tpu.enqueue_indirect_dma source(%dma_start3A_70 : memref<100000x32xf32, #tpu.memory_space<hbm>>) target(%arg12 : memref<128x32xf32, #tpu.memory_space<vmem>>) offsets(%dma_start3A_67 : memref<128xi32, #tpu.memory_space<vmem>>) semaphore(%arg18 : memref<!tpu.dma_semaphore, #tpu.memory_space<semaphore_mem>>)
      %dma_start3A_71 = arith.constant 2 : i32
      %dma_start3A_72 = arith.constant 0 : i32
      %dma_start3A_73 = tpu.memref_slice %arg7[%dma_start3A_71, %dma_start3A_72] : memref<20x128xi32, #tpu.memory_space<vmem>> -> memref<1x128xi32, #tpu.memory_space<vmem>>
      %dma_start3A_74 = tpu.memref_squeeze %dma_start3A_73 : memref<1x128xi32, #tpu.memory_space<vmem>> -> memref<128xi32, #tpu.memory_space<vmem>>
      %dma_start3A_75 = arith.constant 0 : i32
      %dma_start3A_76 = arith.constant 0 : i32
      %dma_start3A_77 = tpu.memref_slice %arg2[%dma_start3A_75, %dma_start3A_76] : memref<100000x32xf32, #tpu.memory_space<hbm>> -> memref<100000x32xf32, #tpu.memory_space<hbm>>
      tpu.enqueue_indirect_dma source(%dma_start3A_77 : memref<100000x32xf32, #tpu.memory_space<hbm>>) target(%arg13 : memref<128x32xf32, #tpu.memory_space<vmem>>) offsets(%dma_start3A_74 : memref<128xi32, #tpu.memory_space<vmem>>) semaphore(%arg19 : memref<!tpu.dma_semaphore, #tpu.memory_space<semaphore_mem>>)
      %scan3A_78 = arith.constant 0 : i32
      %scan3A_79 = arith.constant 0 : i32
      %scan3A_80 = arith.constant 4 : i32
      %scan3A_81 = arith.addi %scan3A_79, %scan3A_80 : i32
      %scan3A_82 = arith.constant 1 : i32
      scf.for %scan3A_164 = %scan3A_79 to %scan3A_81 step %scan3A_82  : i32 {
        %mul3A_165 = arith.constant 5 : i32
        %mul3A_166 = arith.muli %mul3A_165, %scan3A_164 : i32
        %add3A_167 = arith.constant 0 : i32
        %add3A_168 = arith.addi %mul3A_166, %add3A_167 : i32
        %dma_wait3A_169 = arith.constant 0 : i32
        %dma_wait3A_170 = tpu.memref_slice %arg7[%add3A_168, %dma_wait3A_169] : memref<20x128xi32, #tpu.memory_space<vmem>> -> memref<1x128xi32, #tpu.memory_space<vmem>>
        %dma_wait3A_171 = tpu.memref_squeeze %dma_wait3A_170 : memref<1x128xi32, #tpu.memory_space<vmem>> -> memref<128xi32, #tpu.memory_space<vmem>>
        %dma_wait3A_172 = arith.constant 0 : i32
        %dma_wait3A_173 = arith.constant 0 : i32
        %dma_wait3A_174 = tpu.memref_slice %arg2[%dma_wait3A_172, %dma_wait3A_173] : memref<100000x32xf32, #tpu.memory_space<hbm>> -> memref<100000x32xf32, #tpu.memory_space<hbm>>
        tpu.wait_indirect_dma semaphore(%arg17 : memref<!tpu.dma_semaphore, #tpu.memory_space<semaphore_mem>>) src(%dma_wait3A_174 : memref<100000x32xf32, #tpu.memory_space<hbm>>) dst(%arg11 : memref<128x32xf32, #tpu.memory_space<vmem>>)
        %dma_start3A_175 = arith.constant 0 : i32
        %dma_start3A_176 = tpu.memref_slice %arg8[%add3A_168, %dma_start3A_175] : memref<20x128xi32, #tpu.memory_space<vmem>> -> memref<1x128xi32, #tpu.memory_space<vmem>>
        %dma_start3A_177 = tpu.memref_squeeze %dma_start3A_176 : memref<1x128xi32, #tpu.memory_space<vmem>> -> memref<128xi32, #tpu.memory_space<vmem>>
        %dma_start3A_178 = arith.constant 0 : i32
        %dma_start3A_179 = arith.constant 0 : i32
        %dma_start3A_180 = tpu.memref_slice %arg16[%dma_start3A_178, %dma_start3A_179] : memref<50048x32xf32, #tpu.memory_space<vmem_shared>> -> memref<50048x32xf32, #tpu.memory_space<vmem_shared>>
        tpu.enqueue_indirect_dma source(%arg11 : memref<128x32xf32, #tpu.memory_space<vmem>>) target(%dma_start3A_180 : memref<50048x32xf32, #tpu.memory_space<vmem_shared>>) offsets(%dma_start3A_177 : memref<128xi32, #tpu.memory_space<vmem>>) semaphore(%arg22 : memref<!tpu.dma_semaphore, #tpu.memory_space<semaphore_mem>>) {add = true}
        %ge3A = arith.constant 2 : i32
        %ge3A_181 = arith.cmpi sge, %add3A_168, %ge3A : i32
        %convert_element_type3A_182 = arith.extui %ge3A_181 : i1 to i32
        %cond3A_183 = arith.constant 0 : i32
        %cond3A_184 = arith.cmpi ne, %convert_element_type3A_182, %cond3A_183 : i32
        scf.if %cond3A_184 {
          %sub3A = arith.constant 2 : i32
          %sub3A_294 = arith.subi %add3A_168, %sub3A : i32
          %dma_wait3A_295 = arith.constant 0 : i32
          %dma_wait3A_296 = tpu.memref_slice %arg8[%sub3A_294, %dma_wait3A_295] : memref<20x128xi32, #tpu.memory_space<vmem>> -> memref<1x128xi32, #tpu.memory_space<vmem>>
          %dma_wait3A_297 = tpu.memref_squeeze %dma_wait3A_296 : memref<1x128xi32, #tpu.memory_space<vmem>> -> memref<128xi32, #tpu.memory_space<vmem>>
          %dma_wait3A_298 = arith.constant 0 : i32
          %dma_wait3A_299 = arith.constant 0 : i32
          %dma_wait3A_300 = tpu.memref_slice %arg16[%dma_wait3A_298, %dma_wait3A_299] : memref<50048x32xf32, #tpu.memory_space<vmem_shared>> -> memref<50048x32xf32, #tpu.memory_space<vmem_shared>>
          tpu.wait_indirect_dma semaphore(%arg25 : memref<!tpu.dma_semaphore, #tpu.memory_space<semaphore_mem>>) src(%arg14 : memref<128x32xf32, #tpu.memory_space<vmem>>) dst(%dma_wait3A_300 : memref<50048x32xf32, #tpu.memory_space<vmem_shared>>)
        } else {
        }
        %lt3A_185 = arith.constant 17 : i32
        %lt3A_186 = arith.cmpi slt, %add3A_168, %lt3A_185 : i32
        %convert_element_type3A_187 = arith.extui %lt3A_186 : i1 to i32
        %cond3A_188 = arith.constant 0 : i32
        %cond3A_189 = arith.cmpi ne, %convert_element_type3A_187, %cond3A_188 : i32
        scf.if %cond3A_189 {
          %add3A_294 = arith.constant 3 : i32
          %add3A_295 = arith.addi %add3A_168, %add3A_294 : i32
          %dma_start3A_296 = arith.constant 0 : i32
          %dma_start3A_297 = tpu.memref_slice %arg7[%add3A_295, %dma_start3A_296] : memref<20x128xi32, #tpu.memory_space<vmem>> -> memref<1x128xi32, #tpu.memory_space<vmem>>
          %dma_start3A_298 = tpu.memref_squeeze %dma_start3A_297 : memref<1x128xi32, #tpu.memory_space<vmem>> -> memref<128xi32, #tpu.memory_space<vmem>>
          %dma_start3A_299 = arith.constant 0 : i32
          %dma_start3A_300 = arith.constant 0 : i32
          %dma_start3A_301 = tpu.memref_slice %arg2[%dma_start3A_299, %dma_start3A_300] : memref<100000x32xf32, #tpu.memory_space<hbm>> -> memref<100000x32xf32, #tpu.memory_space<hbm>>
          tpu.enqueue_indirect_dma source(%dma_start3A_301 : memref<100000x32xf32, #tpu.memory_space<hbm>>) target(%arg14 : memref<128x32xf32, #tpu.memory_space<vmem>>) offsets(%dma_start3A_298 : memref<128xi32, #tpu.memory_space<vmem>>) semaphore(%arg20 : memref<!tpu.dma_semaphore, #tpu.memory_space<semaphore_mem>>)
        } else {
        }
        %mul3A_190 = arith.constant 5 : i32
        %mul3A_191 = arith.muli %mul3A_190, %scan3A_164 : i32
        %add3A_192 = arith.constant 1 : i32
        %add3A_193 = arith.addi %mul3A_191, %add3A_192 : i32
        %dma_wait3A_194 = arith.constant 0 : i32
        %dma_wait3A_195 = tpu.memref_slice %arg7[%add3A_193, %dma_wait3A_194] : memref<20x128xi32, #tpu.memory_space<vmem>> -> memref<1x128xi32, #tpu.memory_space<vmem>>
        %dma_wait3A_196 = tpu.memref_squeeze %dma_wait3A_195 : memref<1x128xi32, #tpu.memory_space<vmem>> -> memref<128xi32, #tpu.memory_space<vmem>>
        %dma_wait3A_197 = arith.constant 0 : i32
        %dma_wait3A_198 = arith.constant 0 : i32
        %dma_wait3A_199 = tpu.memref_slice %arg2[%dma_wait3A_197, %dma_wait3A_198] : memref<100000x32xf32, #tpu.memory_space<hbm>> -> memref<100000x32xf32, #tpu.memory_space<hbm>>
        tpu.wait_indirect_dma semaphore(%arg18 : memref<!tpu.dma_semaphore, #tpu.memory_space<semaphore_mem>>) src(%dma_wait3A_199 : memref<100000x32xf32, #tpu.memory_space<hbm>>) dst(%arg12 : memref<128x32xf32, #tpu.memory_space<vmem>>)
        %dma_start3A_200 = arith.constant 0 : i32
        %dma_start3A_201 = tpu.memref_slice %arg8[%add3A_193, %dma_start3A_200] : memref<20x128xi32, #tpu.memory_space<vmem>> -> memref<1x128xi32, #tpu.memory_space<vmem>>
        %dma_start3A_202 = tpu.memref_squeeze %dma_start3A_201 : memref<1x128xi32, #tpu.memory_space<vmem>> -> memref<128xi32, #tpu.memory_space<vmem>>
        %dma_start3A_203 = arith.constant 0 : i32
        %dma_start3A_204 = arith.constant 0 : i32
        %dma_start3A_205 = tpu.memref_slice %arg16[%dma_start3A_203, %dma_start3A_204] : memref<50048x32xf32, #tpu.memory_space<vmem_shared>> -> memref<50048x32xf32, #tpu.memory_space<vmem_shared>>
        tpu.enqueue_indirect_dma source(%arg12 : memref<128x32xf32, #tpu.memory_space<vmem>>) target(%dma_start3A_205 : memref<50048x32xf32, #tpu.memory_space<vmem_shared>>) offsets(%dma_start3A_202 : memref<128xi32, #tpu.memory_space<vmem>>) semaphore(%arg23 : memref<!tpu.dma_semaphore, #tpu.memory_space<semaphore_mem>>) {add = true}
        %ge3A_206 = arith.constant 2 : i32
        %ge3A_207 = arith.cmpi sge, %add3A_193, %ge3A_206 : i32
        %convert_element_type3A_208 = arith.extui %ge3A_207 : i1 to i32
        %cond3A_209 = arith.constant 0 : i32
        %cond3A_210 = arith.cmpi ne, %convert_element_type3A_208, %cond3A_209 : i32
        scf.if %cond3A_210 {
          %sub3A = arith.constant 2 : i32
          %sub3A_294 = arith.subi %add3A_193, %sub3A : i32
          %dma_wait3A_295 = arith.constant 0 : i32
          %dma_wait3A_296 = tpu.memref_slice %arg8[%sub3A_294, %dma_wait3A_295] : memref<20x128xi32, #tpu.memory_space<vmem>> -> memref<1x128xi32, #tpu.memory_space<vmem>>
          %dma_wait3A_297 = tpu.memref_squeeze %dma_wait3A_296 : memref<1x128xi32, #tpu.memory_space<vmem>> -> memref<128xi32, #tpu.memory_space<vmem>>
          %dma_wait3A_298 = arith.constant 0 : i32
          %dma_wait3A_299 = arith.constant 0 : i32
          %dma_wait3A_300 = tpu.memref_slice %arg16[%dma_wait3A_298, %dma_wait3A_299] : memref<50048x32xf32, #tpu.memory_space<vmem_shared>> -> memref<50048x32xf32, #tpu.memory_space<vmem_shared>>
          tpu.wait_indirect_dma semaphore(%arg26 : memref<!tpu.dma_semaphore, #tpu.memory_space<semaphore_mem>>) src(%arg15 : memref<128x32xf32, #tpu.memory_space<vmem>>) dst(%dma_wait3A_300 : memref<50048x32xf32, #tpu.memory_space<vmem_shared>>)
        } else {
        }
        %lt3A_211 = arith.constant 17 : i32
        %lt3A_212 = arith.cmpi slt, %add3A_193, %lt3A_211 : i32
        %convert_element_type3A_213 = arith.extui %lt3A_212 : i1 to i32
        %cond3A_214 = arith.constant 0 : i32
        %cond3A_215 = arith.cmpi ne, %convert_element_type3A_213, %cond3A_214 : i32
        scf.if %cond3A_215 {
          %add3A_294 = arith.constant 3 : i32
          %add3A_295 = arith.addi %add3A_193, %add3A_294 : i32
          %dma_start3A_296 = arith.constant 0 : i32
          %dma_start3A_297 = tpu.memref_slice %arg7[%add3A_295, %dma_start3A_296] : memref<20x128xi32, #tpu.memory_space<vmem>> -> memref<1x128xi32, #tpu.memory_space<vmem>>
          %dma_start3A_298 = tpu.memref_squeeze %dma_start3A_297 : memref<1x128xi32, #tpu.memory_space<vmem>> -> memref<128xi32, #tpu.memory_space<vmem>>
          %dma_start3A_299 = arith.constant 0 : i32
          %dma_start3A_300 = arith.constant 0 : i32
          %dma_start3A_301 = tpu.memref_slice %arg2[%dma_start3A_299, %dma_start3A_300] : memref<100000x32xf32, #tpu.memory_space<hbm>> -> memref<100000x32xf32, #tpu.memory_space<hbm>>
          tpu.enqueue_indirect_dma source(%dma_start3A_301 : memref<100000x32xf32, #tpu.memory_space<hbm>>) target(%arg15 : memref<128x32xf32, #tpu.memory_space<vmem>>) offsets(%dma_start3A_298 : memref<128xi32, #tpu.memory_space<vmem>>) semaphore(%arg21 : memref<!tpu.dma_semaphore, #tpu.memory_space<semaphore_mem>>)
        } else {
        }
        %mul3A_216 = arith.constant 5 : i32
        %mul3A_217 = arith.muli %mul3A_216, %scan3A_164 : i32
        %add3A_218 = arith.constant 2 : i32
        %add3A_219 = arith.addi %mul3A_217, %add3A_218 : i32
        %dma_wait3A_220 = arith.constant 0 : i32
        %dma_wait3A_221 = tpu.memref_slice %arg7[%add3A_219, %dma_wait3A_220] : memref<20x128xi32, #tpu.memory_space<vmem>> -> memref<1x128xi32, #tpu.memory_space<vmem>>
        %dma_wait3A_222 = tpu.memref_squeeze %dma_wait3A_221 : memref<1x128xi32, #tpu.memory_space<vmem>> -> memref<128xi32, #tpu.memory_space<vmem>>
        %dma_wait3A_223 = arith.constant 0 : i32
        %dma_wait3A_224 = arith.constant 0 : i32
        %dma_wait3A_225 = tpu.memref_slice %arg2[%dma_wait3A_223, %dma_wait3A_224] : memref<100000x32xf32, #tpu.memory_space<hbm>> -> memref<100000x32xf32, #tpu.memory_space<hbm>>
        tpu.wait_indirect_dma semaphore(%arg19 : memref<!tpu.dma_semaphore, #tpu.memory_space<semaphore_mem>>) src(%dma_wait3A_225 : memref<100000x32xf32, #tpu.memory_space<hbm>>) dst(%arg13 : memref<128x32xf32, #tpu.memory_space<vmem>>)
        %dma_start3A_226 = arith.constant 0 : i32
        %dma_start3A_227 = tpu.memref_slice %arg8[%add3A_219, %dma_start3A_226] : memref<20x128xi32, #tpu.memory_space<vmem>> -> memref<1x128xi32, #tpu.memory_space<vmem>>
        %dma_start3A_228 = tpu.memref_squeeze %dma_start3A_227 : memref<1x128xi32, #tpu.memory_space<vmem>> -> memref<128xi32, #tpu.memory_space<vmem>>
        %dma_start3A_229 = arith.constant 0 : i32
        %dma_start3A_230 = arith.constant 0 : i32
        %dma_start3A_231 = tpu.memref_slice %arg16[%dma_start3A_229, %dma_start3A_230] : memref<50048x32xf32, #tpu.memory_space<vmem_shared>> -> memref<50048x32xf32, #tpu.memory_space<vmem_shared>>
        tpu.enqueue_indirect_dma source(%arg13 : memref<128x32xf32, #tpu.memory_space<vmem>>) target(%dma_start3A_231 : memref<50048x32xf32, #tpu.memory_space<vmem_shared>>) offsets(%dma_start3A_228 : memref<128xi32, #tpu.memory_space<vmem>>) semaphore(%arg24 : memref<!tpu.dma_semaphore, #tpu.memory_space<semaphore_mem>>) {add = true}
        %ge3A_232 = arith.constant 2 : i32
        %ge3A_233 = arith.cmpi sge, %add3A_219, %ge3A_232 : i32
        %convert_element_type3A_234 = arith.extui %ge3A_233 : i1 to i32
        %cond3A_235 = arith.constant 0 : i32
        %cond3A_236 = arith.cmpi ne, %convert_element_type3A_234, %cond3A_235 : i32
        scf.if %cond3A_236 {
          %sub3A = arith.constant 2 : i32
          %sub3A_294 = arith.subi %add3A_219, %sub3A : i32
          %dma_wait3A_295 = arith.constant 0 : i32
          %dma_wait3A_296 = tpu.memref_slice %arg8[%sub3A_294, %dma_wait3A_295] : memref<20x128xi32, #tpu.memory_space<vmem>> -> memref<1x128xi32, #tpu.memory_space<vmem>>
          %dma_wait3A_297 = tpu.memref_squeeze %dma_wait3A_296 : memref<1x128xi32, #tpu.memory_space<vmem>> -> memref<128xi32, #tpu.memory_space<vmem>>
          %dma_wait3A_298 = arith.constant 0 : i32
          %dma_wait3A_299 = arith.constant 0 : i32
          %dma_wait3A_300 = tpu.memref_slice %arg16[%dma_wait3A_298, %dma_wait3A_299] : memref<50048x32xf32, #tpu.memory_space<vmem_shared>> -> memref<50048x32xf32, #tpu.memory_space<vmem_shared>>
          tpu.wait_indirect_dma semaphore(%arg22 : memref<!tpu.dma_semaphore, #tpu.memory_space<semaphore_mem>>) src(%arg11 : memref<128x32xf32, #tpu.memory_space<vmem>>) dst(%dma_wait3A_300 : memref<50048x32xf32, #tpu.memory_space<vmem_shared>>)
        } else {
        }
        %lt3A_237 = arith.constant 17 : i32
        %lt3A_238 = arith.cmpi slt, %add3A_219, %lt3A_237 : i32
        %convert_element_type3A_239 = arith.extui %lt3A_238 : i1 to i32
        %cond3A_240 = arith.constant 0 : i32
        %cond3A_241 = arith.cmpi ne, %convert_element_type3A_239, %cond3A_240 : i32
        scf.if %cond3A_241 {
          %add3A_294 = arith.constant 3 : i32
          %add3A_295 = arith.addi %add3A_219, %add3A_294 : i32
          %dma_start3A_296 = arith.constant 0 : i32
          %dma_start3A_297 = tpu.memref_slice %arg7[%add3A_295, %dma_start3A_296] : memref<20x128xi32, #tpu.memory_space<vmem>> -> memref<1x128xi32, #tpu.memory_space<vmem>>
          %dma_start3A_298 = tpu.memref_squeeze %dma_start3A_297 : memref<1x128xi32, #tpu.memory_space<vmem>> -> memref<128xi32, #tpu.memory_space<vmem>>
          %dma_start3A_299 = arith.constant 0 : i32
          %dma_start3A_300 = arith.constant 0 : i32
          %dma_start3A_301 = tpu.memref_slice %arg2[%dma_start3A_299, %dma_start3A_300] : memref<100000x32xf32, #tpu.memory_space<hbm>> -> memref<100000x32xf32, #tpu.memory_space<hbm>>
          tpu.enqueue_indirect_dma source(%dma_start3A_301 : memref<100000x32xf32, #tpu.memory_space<hbm>>) target(%arg11 : memref<128x32xf32, #tpu.memory_space<vmem>>) offsets(%dma_start3A_298 : memref<128xi32, #tpu.memory_space<vmem>>) semaphore(%arg17 : memref<!tpu.dma_semaphore, #tpu.memory_space<semaphore_mem>>)
        } else {
        }
        %mul3A_242 = arith.constant 5 : i32
        %mul3A_243 = arith.muli %mul3A_242, %scan3A_164 : i32
        %add3A_244 = arith.constant 3 : i32
        %add3A_245 = arith.addi %mul3A_243, %add3A_244 : i32
        %dma_wait3A_246 = arith.constant 0 : i32
        %dma_wait3A_247 = tpu.memref_slice %arg7[%add3A_245, %dma_wait3A_246] : memref<20x128xi32, #tpu.memory_space<vmem>> -> memref<1x128xi32, #tpu.memory_space<vmem>>
        %dma_wait3A_248 = tpu.memref_squeeze %dma_wait3A_247 : memref<1x128xi32, #tpu.memory_space<vmem>> -> memref<128xi32, #tpu.memory_space<vmem>>
        %dma_wait3A_249 = arith.constant 0 : i32
        %dma_wait3A_250 = arith.constant 0 : i32
        %dma_wait3A_251 = tpu.memref_slice %arg2[%dma_wait3A_249, %dma_wait3A_250] : memref<100000x32xf32, #tpu.memory_space<hbm>> -> memref<100000x32xf32, #tpu.memory_space<hbm>>
        tpu.wait_indirect_dma semaphore(%arg20 : memref<!tpu.dma_semaphore, #tpu.memory_space<semaphore_mem>>) src(%dma_wait3A_251 : memref<100000x32xf32, #tpu.memory_space<hbm>>) dst(%arg14 : memref<128x32xf32, #tpu.memory_space<vmem>>)
        %dma_start3A_252 = arith.constant 0 : i32
        %dma_start3A_253 = tpu.memref_slice %arg8[%add3A_245, %dma_start3A_252] : memref<20x128xi32, #tpu.memory_space<vmem>> -> memref<1x128xi32, #tpu.memory_space<vmem>>
        %dma_start3A_254 = tpu.memref_squeeze %dma_start3A_253 : memref<1x128xi32, #tpu.memory_space<vmem>> -> memref<128xi32, #tpu.memory_space<vmem>>
        %dma_start3A_255 = arith.constant 0 : i32
        %dma_start3A_256 = arith.constant 0 : i32
        %dma_start3A_257 = tpu.memref_slice %arg16[%dma_start3A_255, %dma_start3A_256] : memref<50048x32xf32, #tpu.memory_space<vmem_shared>> -> memref<50048x32xf32, #tpu.memory_space<vmem_shared>>
        tpu.enqueue_indirect_dma source(%arg14 : memref<128x32xf32, #tpu.memory_space<vmem>>) target(%dma_start3A_257 : memref<50048x32xf32, #tpu.memory_space<vmem_shared>>) offsets(%dma_start3A_254 : memref<128xi32, #tpu.memory_space<vmem>>) semaphore(%arg25 : memref<!tpu.dma_semaphore, #tpu.memory_space<semaphore_mem>>) {add = true}
        %ge3A_258 = arith.constant 2 : i32
        %ge3A_259 = arith.cmpi sge, %add3A_245, %ge3A_258 : i32
        %convert_element_type3A_260 = arith.extui %ge3A_259 : i1 to i32
        %cond3A_261 = arith.constant 0 : i32
        %cond3A_262 = arith.cmpi ne, %convert_element_type3A_260, %cond3A_261 : i32
        scf.if %cond3A_262 {
          %sub3A = arith.constant 2 : i32
          %sub3A_294 = arith.subi %add3A_245, %sub3A : i32
          %dma_wait3A_295 = arith.constant 0 : i32
          %dma_wait3A_296 = tpu.memref_slice %arg8[%sub3A_294, %dma_wait3A_295] : memref<20x128xi32, #tpu.memory_space<vmem>> -> memref<1x128xi32, #tpu.memory_space<vmem>>
          %dma_wait3A_297 = tpu.memref_squeeze %dma_wait3A_296 : memref<1x128xi32, #tpu.memory_space<vmem>> -> memref<128xi32, #tpu.memory_space<vmem>>
          %dma_wait3A_298 = arith.constant 0 : i32
          %dma_wait3A_299 = arith.constant 0 : i32
          %dma_wait3A_300 = tpu.memref_slice %arg16[%dma_wait3A_298, %dma_wait3A_299] : memref<50048x32xf32, #tpu.memory_space<vmem_shared>> -> memref<50048x32xf32, #tpu.memory_space<vmem_shared>>
          tpu.wait_indirect_dma semaphore(%arg23 : memref<!tpu.dma_semaphore, #tpu.memory_space<semaphore_mem>>) src(%arg12 : memref<128x32xf32, #tpu.memory_space<vmem>>) dst(%dma_wait3A_300 : memref<50048x32xf32, #tpu.memory_space<vmem_shared>>)
        } else {
        }
        %lt3A_263 = arith.constant 17 : i32
        %lt3A_264 = arith.cmpi slt, %add3A_245, %lt3A_263 : i32
        %convert_element_type3A_265 = arith.extui %lt3A_264 : i1 to i32
        %cond3A_266 = arith.constant 0 : i32
        %cond3A_267 = arith.cmpi ne, %convert_element_type3A_265, %cond3A_266 : i32
        scf.if %cond3A_267 {
          %add3A_294 = arith.constant 3 : i32
          %add3A_295 = arith.addi %add3A_245, %add3A_294 : i32
          %dma_start3A_296 = arith.constant 0 : i32
          %dma_start3A_297 = tpu.memref_slice %arg7[%add3A_295, %dma_start3A_296] : memref<20x128xi32, #tpu.memory_space<vmem>> -> memref<1x128xi32, #tpu.memory_space<vmem>>
          %dma_start3A_298 = tpu.memref_squeeze %dma_start3A_297 : memref<1x128xi32, #tpu.memory_space<vmem>> -> memref<128xi32, #tpu.memory_space<vmem>>
          %dma_start3A_299 = arith.constant 0 : i32
          %dma_start3A_300 = arith.constant 0 : i32
          %dma_start3A_301 = tpu.memref_slice %arg2[%dma_start3A_299, %dma_start3A_300] : memref<100000x32xf32, #tpu.memory_space<hbm>> -> memref<100000x32xf32, #tpu.memory_space<hbm>>
          tpu.enqueue_indirect_dma source(%dma_start3A_301 : memref<100000x32xf32, #tpu.memory_space<hbm>>) target(%arg12 : memref<128x32xf32, #tpu.memory_space<vmem>>) offsets(%dma_start3A_298 : memref<128xi32, #tpu.memory_space<vmem>>) semaphore(%arg18 : memref<!tpu.dma_semaphore, #tpu.memory_space<semaphore_mem>>)
        } else {
        }
        %mul3A_268 = arith.constant 5 : i32
        %mul3A_269 = arith.muli %mul3A_268, %scan3A_164 : i32
        %add3A_270 = arith.constant 4 : i32
        %add3A_271 = arith.addi %mul3A_269, %add3A_270 : i32
        %dma_wait3A_272 = arith.constant 0 : i32
        %dma_wait3A_273 = tpu.memref_slice %arg7[%add3A_271, %dma_wait3A_272] : memref<20x128xi32, #tpu.memory_space<vmem>> -> memref<1x128xi32, #tpu.memory_space<vmem>>
        %dma_wait3A_274 = tpu.memref_squeeze %dma_wait3A_273 : memref<1x128xi32, #tpu.memory_space<vmem>> -> memref<128xi32, #tpu.memory_space<vmem>>
        %dma_wait3A_275 = arith.constant 0 : i32
        %dma_wait3A_276 = arith.constant 0 : i32
        %dma_wait3A_277 = tpu.memref_slice %arg2[%dma_wait3A_275, %dma_wait3A_276] : memref<100000x32xf32, #tpu.memory_space<hbm>> -> memref<100000x32xf32, #tpu.memory_space<hbm>>
        tpu.wait_indirect_dma semaphore(%arg21 : memref<!tpu.dma_semaphore, #tpu.memory_space<semaphore_mem>>) src(%dma_wait3A_277 : memref<100000x32xf32, #tpu.memory_space<hbm>>) dst(%arg15 : memref<128x32xf32, #tpu.memory_space<vmem>>)
        %dma_start3A_278 = arith.constant 0 : i32
        %dma_start3A_279 = tpu.memref_slice %arg8[%add3A_271, %dma_start3A_278] : memref<20x128xi32, #tpu.memory_space<vmem>> -> memref<1x128xi32, #tpu.memory_space<vmem>>
        %dma_start3A_280 = tpu.memref_squeeze %dma_start3A_279 : memref<1x128xi32, #tpu.memory_space<vmem>> -> memref<128xi32, #tpu.memory_space<vmem>>
        %dma_start3A_281 = arith.constant 0 : i32
        %dma_start3A_282 = arith.constant 0 : i32
        %dma_start3A_283 = tpu.memref_slice %arg16[%dma_start3A_281, %dma_start3A_282] : memref<50048x32xf32, #tpu.memory_space<vmem_shared>> -> memref<50048x32xf32, #tpu.memory_space<vmem_shared>>
        tpu.enqueue_indirect_dma source(%arg15 : memref<128x32xf32, #tpu.memory_space<vmem>>) target(%dma_start3A_283 : memref<50048x32xf32, #tpu.memory_space<vmem_shared>>) offsets(%dma_start3A_280 : memref<128xi32, #tpu.memory_space<vmem>>) semaphore(%arg26 : memref<!tpu.dma_semaphore, #tpu.memory_space<semaphore_mem>>) {add = true}
        %ge3A_284 = arith.constant 2 : i32
        %ge3A_285 = arith.cmpi sge, %add3A_271, %ge3A_284 : i32
        %convert_element_type3A_286 = arith.extui %ge3A_285 : i1 to i32
        %cond3A_287 = arith.constant 0 : i32
        %cond3A_288 = arith.cmpi ne, %convert_element_type3A_286, %cond3A_287 : i32
        scf.if %cond3A_288 {
          %sub3A = arith.constant 2 : i32
          %sub3A_294 = arith.subi %add3A_271, %sub3A : i32
          %dma_wait3A_295 = arith.constant 0 : i32
          %dma_wait3A_296 = tpu.memref_slice %arg8[%sub3A_294, %dma_wait3A_295] : memref<20x128xi32, #tpu.memory_space<vmem>> -> memref<1x128xi32, #tpu.memory_space<vmem>>
          %dma_wait3A_297 = tpu.memref_squeeze %dma_wait3A_296 : memref<1x128xi32, #tpu.memory_space<vmem>> -> memref<128xi32, #tpu.memory_space<vmem>>
          %dma_wait3A_298 = arith.constant 0 : i32
          %dma_wait3A_299 = arith.constant 0 : i32
          %dma_wait3A_300 = tpu.memref_slice %arg16[%dma_wait3A_298, %dma_wait3A_299] : memref<50048x32xf32, #tpu.memory_space<vmem_shared>> -> memref<50048x32xf32, #tpu.memory_space<vmem_shared>>
          tpu.wait_indirect_dma semaphore(%arg24 : memref<!tpu.dma_semaphore, #tpu.memory_space<semaphore_mem>>) src(%arg13 : memref<128x32xf32, #tpu.memory_space<vmem>>) dst(%dma_wait3A_300 : memref<50048x32xf32, #tpu.memory_space<vmem_shared>>)
        } else {
        }
        %lt3A_289 = arith.constant 17 : i32
        %lt3A_290 = arith.cmpi slt, %add3A_271, %lt3A_289 : i32
        %convert_element_type3A_291 = arith.extui %lt3A_290 : i1 to i32
        %cond3A_292 = arith.constant 0 : i32
        %cond3A_293 = arith.cmpi ne, %convert_element_type3A_291, %cond3A_292 : i32
        scf.if %cond3A_293 {
          %add3A_294 = arith.constant 3 : i32
          %add3A_295 = arith.addi %add3A_271, %add3A_294 : i32
          %dma_start3A_296 = arith.constant 0 : i32
          %dma_start3A_297 = tpu.memref_slice %arg7[%add3A_295, %dma_start3A_296] : memref<20x128xi32, #tpu.memory_space<vmem>> -> memref<1x128xi32, #tpu.memory_space<vmem>>
          %dma_start3A_298 = tpu.memref_squeeze %dma_start3A_297 : memref<1x128xi32, #tpu.memory_space<vmem>> -> memref<128xi32, #tpu.memory_space<vmem>>
          %dma_start3A_299 = arith.constant 0 : i32
          %dma_start3A_300 = arith.constant 0 : i32
          %dma_start3A_301 = tpu.memref_slice %arg2[%dma_start3A_299, %dma_start3A_300] : memref<100000x32xf32, #tpu.memory_space<hbm>> -> memref<100000x32xf32, #tpu.memory_space<hbm>>
          tpu.enqueue_indirect_dma source(%dma_start3A_301 : memref<100000x32xf32, #tpu.memory_space<hbm>>) target(%arg13 : memref<128x32xf32, #tpu.memory_space<vmem>>) offsets(%dma_start3A_298 : memref<128xi32, #tpu.memory_space<vmem>>) semaphore(%arg19 : memref<!tpu.dma_semaphore, #tpu.memory_space<semaphore_mem>>)
        } else {
        }
      }
      %scan3A_83 = arith.constant 4 : i32
      %dma_wait3A_84 = arith.constant 18 : i32
      %dma_wait3A_85 = arith.constant 0 : i32
      %dma_wait3A_86 = tpu.memref_slice %arg8[%dma_wait3A_84, %dma_wait3A_85] : memref<20x128xi32, #tpu.memory_space<vmem>> -> memref<1x128xi32, #tpu.memory_space<vmem>>
      %dma_wait3A_87 = tpu.memref_squeeze %dma_wait3A_86 : memref<1x128xi32, #tpu.memory_space<vmem>> -> memref<128xi32, #tpu.memory_space<vmem>>
      %dma_wait3A_88 = arith.constant 0 : i32
      %dma_wait3A_89 = arith.constant 0 : i32
      %dma_wait3A_90 = tpu.memref_slice %arg16[%dma_wait3A_88, %dma_wait3A_89] : memref<50048x32xf32, #tpu.memory_space<vmem_shared>> -> memref<50048x32xf32, #tpu.memory_space<vmem_shared>>
      tpu.wait_indirect_dma semaphore(%arg25 : memref<!tpu.dma_semaphore, #tpu.memory_space<semaphore_mem>>) src(%arg14 : memref<128x32xf32, #tpu.memory_space<vmem>>) dst(%dma_wait3A_90 : memref<50048x32xf32, #tpu.memory_space<vmem_shared>>)
      %dma_wait3A_91 = arith.constant 19 : i32
      %dma_wait3A_92 = arith.constant 0 : i32
      %dma_wait3A_93 = tpu.memref_slice %arg8[%dma_wait3A_91, %dma_wait3A_92] : memref<20x128xi32, #tpu.memory_space<vmem>> -> memref<1x128xi32, #tpu.memory_space<vmem>>
      %dma_wait3A_94 = tpu.memref_squeeze %dma_wait3A_93 : memref<1x128xi32, #tpu.memory_space<vmem>> -> memref<128xi32, #tpu.memory_space<vmem>>
      %dma_wait3A_95 = arith.constant 0 : i32
      %dma_wait3A_96 = arith.constant 0 : i32
      %dma_wait3A_97 = tpu.memref_slice %arg16[%dma_wait3A_95, %dma_wait3A_96] : memref<50048x32xf32, #tpu.memory_space<vmem_shared>> -> memref<50048x32xf32, #tpu.memory_space<vmem_shared>>
      tpu.wait_indirect_dma semaphore(%arg26 : memref<!tpu.dma_semaphore, #tpu.memory_space<semaphore_mem>>) src(%arg15 : memref<128x32xf32, #tpu.memory_space<vmem>>) dst(%dma_wait3A_97 : memref<50048x32xf32, #tpu.memory_space<vmem_shared>>)
      %add3A_98 = arith.constant 1 : i32
      %add3A_99 = arith.addi %mul3A_32, %add3A_98 : i32
      %lt3A_100 = arith.constant 9 : i32
      %lt3A_101 = arith.cmpi slt, %scan3A_30, %lt3A_100 : i32
      %add3A_102 = arith.constant 2 : i32
      %add3A_103 = arith.addi %mul3A_32, %add3A_102 : i32
      %convert_element_type3A_104 = arith.extui %lt3A_101 : i1 to i32
      %cond3A_105 = arith.constant 0 : i32
      %cond3A_106 = arith.cmpi ne, %convert_element_type3A_104, %cond3A_105 : i32
      scf.if %cond3A_106 {
        %mul3A_164 = arith.constant 20 : i32
        %mul3A_165 = arith.muli %add3A_103, %mul3A_164 : i32
        %dma_start3A_166 = arith.constant 0 : i32
        %dma_start3A_167 = tpu.memref_slice %arg3[%add3A, %mul3A_165, %dma_start3A_166] : memref<32x400x128xi32, #tpu.memory_space<hbm>> -> memref<1x20x128xi32, #tpu.memory_space<hbm>>
        %dma_start3A_168 = tpu.memref_squeeze %dma_start3A_167 : memref<1x20x128xi32, #tpu.memory_space<hbm>> -> memref<20x128xi32, #tpu.memory_space<hbm>>
        %dma_start3A_169 = arith.constant 0 : i32
        %dma_start3A_170 = tpu.memref_slice %arg3[%add3A, %mul3A_165, %dma_start3A_169] : memref<32x400x128xi32, #tpu.memory_space<hbm>> -> memref<1x20x128xi32, #tpu.memory_space<hbm>>
        %dma_start3A_171 = tpu.memref_squeeze %dma_start3A_170 : memref<1x20x128xi32, #tpu.memory_space<hbm>> -> memref<20x128xi32, #tpu.memory_space<hbm>>
        tpu.enqueue_dma source(%dma_start3A_171 : memref<20x128xi32, #tpu.memory_space<hbm>>) target(%arg7 : memref<20x128xi32, #tpu.memory_space<vmem>>) target_semaphore(%arg27 : memref<!tpu.dma_semaphore, #tpu.memory_space<semaphore_mem>>)
        %mul3A_172 = arith.constant 20 : i32
        %mul3A_173 = arith.muli %add3A_103, %mul3A_172 : i32
        %dma_start3A_174 = arith.constant 0 : i32
        %dma_start3A_175 = tpu.memref_slice %arg4[%add3A, %mul3A_173, %dma_start3A_174] : memref<32x400x128xi32, #tpu.memory_space<hbm>> -> memref<1x20x128xi32, #tpu.memory_space<hbm>>
        %dma_start3A_176 = tpu.memref_squeeze %dma_start3A_175 : memref<1x20x128xi32, #tpu.memory_space<hbm>> -> memref<20x128xi32, #tpu.memory_space<hbm>>
        %dma_start3A_177 = arith.constant 0 : i32
        %dma_start3A_178 = tpu.memref_slice %arg4[%add3A, %mul3A_173, %dma_start3A_177] : memref<32x400x128xi32, #tpu.memory_space<hbm>> -> memref<1x20x128xi32, #tpu.memory_space<hbm>>
        %dma_start3A_179 = tpu.memref_squeeze %dma_start3A_178 : memref<1x20x128xi32, #tpu.memory_space<hbm>> -> memref<20x128xi32, #tpu.memory_space<hbm>>
        tpu.enqueue_dma source(%dma_start3A_179 : memref<20x128xi32, #tpu.memory_space<hbm>>) target(%arg8 : memref<20x128xi32, #tpu.memory_space<vmem>>) target_semaphore(%arg27 : memref<!tpu.dma_semaphore, #tpu.memory_space<semaphore_mem>>)
      } else {
      }
      %mul3A_107 = arith.constant 20 : i32
      %mul3A_108 = arith.muli %add3A_99, %mul3A_107 : i32
      %dma_wait3A_109 = arith.constant 0 : i32
      %dma_wait3A_110 = tpu.memref_slice %arg3[%add3A, %mul3A_108, %dma_wait3A_109] : memref<32x400x128xi32, #tpu.memory_space<hbm>> -> memref<1x20x128xi32, #tpu.memory_space<hbm>>
      %dma_wait3A_111 = tpu.memref_squeeze %dma_wait3A_110 : memref<1x20x128xi32, #tpu.memory_space<hbm>> -> memref<20x128xi32, #tpu.memory_space<hbm>>
      %dma_wait3A_112 = arith.constant 0 : i32
      %dma_wait3A_113 = tpu.memref_slice %arg3[%add3A, %mul3A_108, %dma_wait3A_112] : memref<32x400x128xi32, #tpu.memory_space<hbm>> -> memref<1x20x128xi32, #tpu.memory_space<hbm>>
      %dma_wait3A_114 = tpu.memref_squeeze %dma_wait3A_113 : memref<1x20x128xi32, #tpu.memory_space<hbm>> -> memref<20x128xi32, #tpu.memory_space<hbm>>
      tpu.wait_dma2 semaphore(%arg28 : memref<!tpu.dma_semaphore, #tpu.memory_space<semaphore_mem>>) src(%dma_wait3A_114 : memref<20x128xi32, #tpu.memory_space<hbm>>) dst(%arg9 : memref<20x128xi32, #tpu.memory_space<vmem>>)
      %mul3A_115 = arith.constant 20 : i32
      %mul3A_116 = arith.muli %add3A_99, %mul3A_115 : i32
      %dma_wait3A_117 = arith.constant 0 : i32
      %dma_wait3A_118 = tpu.memref_slice %arg4[%add3A, %mul3A_116, %dma_wait3A_117] : memref<32x400x128xi32, #tpu.memory_space<hbm>> -> memref<1x20x128xi32, #tpu.memory_space<hbm>>
      %dma_wait3A_119 = tpu.memref_squeeze %dma_wait3A_118 : memref<1x20x128xi32, #tpu.memory_space<hbm>> -> memref<20x128xi32, #tpu.memory_space<hbm>>
      %dma_wait3A_120 = arith.constant 0 : i32
      %dma_wait3A_121 = tpu.memref_slice %arg4[%add3A, %mul3A_116, %dma_wait3A_120] : memref<32x400x128xi32, #tpu.memory_space<hbm>> -> memref<1x20x128xi32, #tpu.memory_space<hbm>>
      %dma_wait3A_122 = tpu.memref_squeeze %dma_wait3A_121 : memref<1x20x128xi32, #tpu.memory_space<hbm>> -> memref<20x128xi32, #tpu.memory_space<hbm>>
      tpu.wait_dma2 semaphore(%arg28 : memref<!tpu.dma_semaphore, #tpu.memory_space<semaphore_mem>>) src(%dma_wait3A_122 : memref<20x128xi32, #tpu.memory_space<hbm>>) dst(%arg10 : memref<20x128xi32, #tpu.memory_space<vmem>>)
      %dma_start3A_123 = arith.constant 0 : i32
      %dma_start3A_124 = arith.constant 0 : i32
      %dma_start3A_125 = tpu.memref_slice %arg9[%dma_start3A_123, %dma_start3A_124] : memref<20x128xi32, #tpu.memory_space<vmem>> -> memref<1x128xi32, #tpu.memory_space<vmem>>
      %dma_start3A_126 = tpu.memref_squeeze %dma_start3A_125 : memref<1x128xi32, #tpu.memory_space<vmem>> -> memref<128xi32, #tpu.memory_space<vmem>>
      %dma_start3A_127 = arith.constant 0 : i32
      %dma_start3A_128 = arith.constant 0 : i32
      %dma_start3A_129 = tpu.memref_slice %arg2[%dma_start3A_127, %dma_start3A_128] : memref<100000x32xf32, #tpu.memory_space<hbm>> -> memref<100000x32xf32, #tpu.memory_space<hbm>>
      tpu.enqueue_indirect_dma source(%dma_start3A_129 : memref<100000x32xf32, #tpu.memory_space<hbm>>) target(%arg11 : memref<128x32xf32, #tpu.memory_space<vmem>>) offsets(%dma_start3A_126 : memref<128xi32, #tpu.memory_space<vmem>>) semaphore(%arg17 : memref<!tpu.dma_semaphore, #tpu.memory_space<semaphore_mem>>)
      %dma_start3A_130 = arith.constant 1 : i32
      %dma_start3A_131 = arith.constant 0 : i32
      %dma_start3A_132 = tpu.memref_slice %arg9[%dma_start3A_130, %dma_start3A_131] : memref<20x128xi32, #tpu.memory_space<vmem>> -> memref<1x128xi32, #tpu.memory_space<vmem>>
      %dma_start3A_133 = tpu.memref_squeeze %dma_start3A_132 : memref<1x128xi32, #tpu.memory_space<vmem>> -> memref<128xi32, #tpu.memory_space<vmem>>
      %dma_start3A_134 = arith.constant 0 : i32
      %dma_start3A_135 = arith.constant 0 : i32
      %dma_start3A_136 = tpu.memref_slice %arg2[%dma_start3A_134, %dma_start3A_135] : memref<100000x32xf32, #tpu.memory_space<hbm>> -> memref<100000x32xf32, #tpu.memory_space<hbm>>
      tpu.enqueue_indirect_dma source(%dma_start3A_136 : memref<100000x32xf32, #tpu.memory_space<hbm>>) target(%arg12 : memref<128x32xf32, #tpu.memory_space<vmem>>) offsets(%dma_start3A_133 : memref<128xi32, #tpu.memory_space<vmem>>) semaphore(%arg18 : memref<!tpu.dma_semaphore, #tpu.memory_space<semaphore_mem>>)
      %dma_start3A_137 = arith.constant 2 : i32
      %dma_start3A_138 = arith.constant 0 : i32
      %dma_start3A_139 = tpu.memref_slice %arg9[%dma_start3A_137, %dma_start3A_138] : memref<20x128xi32, #tpu.memory_space<vmem>> -> memref<1x128xi32, #tpu.memory_space<vmem>>
      %dma_start3A_140 = tpu.memref_squeeze %dma_start3A_139 : memref<1x128xi32, #tpu.memory_space<vmem>> -> memref<128xi32, #tpu.memory_space<vmem>>
      %dma_start3A_141 = arith.constant 0 : i32
      %dma_start3A_142 = arith.constant 0 : i32
      %dma_start3A_143 = tpu.memref_slice %arg2[%dma_start3A_141, %dma_start3A_142] : memref<100000x32xf32, #tpu.memory_space<hbm>> -> memref<100000x32xf32, #tpu.memory_space<hbm>>
      tpu.enqueue_indirect_dma source(%dma_start3A_143 : memref<100000x32xf32, #tpu.memory_space<hbm>>) target(%arg13 : memref<128x32xf32, #tpu.memory_space<vmem>>) offsets(%dma_start3A_140 : memref<128xi32, #tpu.memory_space<vmem>>) semaphore(%arg19 : memref<!tpu.dma_semaphore, #tpu.memory_space<semaphore_mem>>)
      %scan3A_144 = arith.constant 0 : i32
      %scan3A_145 = arith.constant 0 : i32
      %scan3A_146 = arith.constant 4 : i32
      %scan3A_147 = arith.addi %scan3A_145, %scan3A_146 : i32
      %scan3A_148 = arith.constant 1 : i32
      scf.for %scan3A_164 = %scan3A_145 to %scan3A_147 step %scan3A_148  : i32 {
        %mul3A_165 = arith.constant 5 : i32
        %mul3A_166 = arith.muli %mul3A_165, %scan3A_164 : i32
        %add3A_167 = arith.constant 0 : i32
        %add3A_168 = arith.addi %mul3A_166, %add3A_167 : i32
        %dma_wait3A_169 = arith.constant 0 : i32
        %dma_wait3A_170 = tpu.memref_slice %arg9[%add3A_168, %dma_wait3A_169] : memref<20x128xi32, #tpu.memory_space<vmem>> -> memref<1x128xi32, #tpu.memory_space<vmem>>
        %dma_wait3A_171 = tpu.memref_squeeze %dma_wait3A_170 : memref<1x128xi32, #tpu.memory_space<vmem>> -> memref<128xi32, #tpu.memory_space<vmem>>
        %dma_wait3A_172 = arith.constant 0 : i32
        %dma_wait3A_173 = arith.constant 0 : i32
        %dma_wait3A_174 = tpu.memref_slice %arg2[%dma_wait3A_172, %dma_wait3A_173] : memref<100000x32xf32, #tpu.memory_space<hbm>> -> memref<100000x32xf32, #tpu.memory_space<hbm>>
        tpu.wait_indirect_dma semaphore(%arg17 : memref<!tpu.dma_semaphore, #tpu.memory_space<semaphore_mem>>) src(%dma_wait3A_174 : memref<100000x32xf32, #tpu.memory_space<hbm>>) dst(%arg11 : memref<128x32xf32, #tpu.memory_space<vmem>>)
        %dma_start3A_175 = arith.constant 0 : i32
        %dma_start3A_176 = tpu.memref_slice %arg10[%add3A_168, %dma_start3A_175] : memref<20x128xi32, #tpu.memory_space<vmem>> -> memref<1x128xi32, #tpu.memory_space<vmem>>
        %dma_start3A_177 = tpu.memref_squeeze %dma_start3A_176 : memref<1x128xi32, #tpu.memory_space<vmem>> -> memref<128xi32, #tpu.memory_space<vmem>>
        %dma_start3A_178 = arith.constant 0 : i32
        %dma_start3A_179 = arith.constant 0 : i32
        %dma_start3A_180 = tpu.memref_slice %arg16[%dma_start3A_178, %dma_start3A_179] : memref<50048x32xf32, #tpu.memory_space<vmem_shared>> -> memref<50048x32xf32, #tpu.memory_space<vmem_shared>>
        tpu.enqueue_indirect_dma source(%arg11 : memref<128x32xf32, #tpu.memory_space<vmem>>) target(%dma_start3A_180 : memref<50048x32xf32, #tpu.memory_space<vmem_shared>>) offsets(%dma_start3A_177 : memref<128xi32, #tpu.memory_space<vmem>>) semaphore(%arg22 : memref<!tpu.dma_semaphore, #tpu.memory_space<semaphore_mem>>) {add = true}
        %ge3A = arith.constant 2 : i32
        %ge3A_181 = arith.cmpi sge, %add3A_168, %ge3A : i32
        %convert_element_type3A_182 = arith.extui %ge3A_181 : i1 to i32
        %cond3A_183 = arith.constant 0 : i32
        %cond3A_184 = arith.cmpi ne, %convert_element_type3A_182, %cond3A_183 : i32
        scf.if %cond3A_184 {
          %sub3A = arith.constant 2 : i32
          %sub3A_294 = arith.subi %add3A_168, %sub3A : i32
          %dma_wait3A_295 = arith.constant 0 : i32
          %dma_wait3A_296 = tpu.memref_slice %arg10[%sub3A_294, %dma_wait3A_295] : memref<20x128xi32, #tpu.memory_space<vmem>> -> memref<1x128xi32, #tpu.memory_space<vmem>>
          %dma_wait3A_297 = tpu.memref_squeeze %dma_wait3A_296 : memref<1x128xi32, #tpu.memory_space<vmem>> -> memref<128xi32, #tpu.memory_space<vmem>>
          %dma_wait3A_298 = arith.constant 0 : i32
          %dma_wait3A_299 = arith.constant 0 : i32
          %dma_wait3A_300 = tpu.memref_slice %arg16[%dma_wait3A_298, %dma_wait3A_299] : memref<50048x32xf32, #tpu.memory_space<vmem_shared>> -> memref<50048x32xf32, #tpu.memory_space<vmem_shared>>
          tpu.wait_indirect_dma semaphore(%arg25 : memref<!tpu.dma_semaphore, #tpu.memory_space<semaphore_mem>>) src(%arg14 : memref<128x32xf32, #tpu.memory_space<vmem>>) dst(%dma_wait3A_300 : memref<50048x32xf32, #tpu.memory_space<vmem_shared>>)
        } else {
        }
        %lt3A_185 = arith.constant 17 : i32
        %lt3A_186 = arith.cmpi slt, %add3A_168, %lt3A_185 : i32
        %convert_element_type3A_187 = arith.extui %lt3A_186 : i1 to i32
        %cond3A_188 = arith.constant 0 : i32
        %cond3A_189 = arith.cmpi ne, %convert_element_type3A_187, %cond3A_188 : i32
        scf.if %cond3A_189 {
          %add3A_294 = arith.constant 3 : i32
          %add3A_295 = arith.addi %add3A_168, %add3A_294 : i32
          %dma_start3A_296 = arith.constant 0 : i32
          %dma_start3A_297 = tpu.memref_slice %arg9[%add3A_295, %dma_start3A_296] : memref<20x128xi32, #tpu.memory_space<vmem>> -> memref<1x128xi32, #tpu.memory_space<vmem>>
          %dma_start3A_298 = tpu.memref_squeeze %dma_start3A_297 : memref<1x128xi32, #tpu.memory_space<vmem>> -> memref<128xi32, #tpu.memory_space<vmem>>
          %dma_start3A_299 = arith.constant 0 : i32
          %dma_start3A_300 = arith.constant 0 : i32
          %dma_start3A_301 = tpu.memref_slice %arg2[%dma_start3A_299, %dma_start3A_300] : memref<100000x32xf32, #tpu.memory_space<hbm>> -> memref<100000x32xf32, #tpu.memory_space<hbm>>
          tpu.enqueue_indirect_dma source(%dma_start3A_301 : memref<100000x32xf32, #tpu.memory_space<hbm>>) target(%arg14 : memref<128x32xf32, #tpu.memory_space<vmem>>) offsets(%dma_start3A_298 : memref<128xi32, #tpu.memory_space<vmem>>) semaphore(%arg20 : memref<!tpu.dma_semaphore, #tpu.memory_space<semaphore_mem>>)
        } else {
        }
        %mul3A_190 = arith.constant 5 : i32
        %mul3A_191 = arith.muli %mul3A_190, %scan3A_164 : i32
        %add3A_192 = arith.constant 1 : i32
        %add3A_193 = arith.addi %mul3A_191, %add3A_192 : i32
        %dma_wait3A_194 = arith.constant 0 : i32
        %dma_wait3A_195 = tpu.memref_slice %arg9[%add3A_193, %dma_wait3A_194] : memref<20x128xi32, #tpu.memory_space<vmem>> -> memref<1x128xi32, #tpu.memory_space<vmem>>
        %dma_wait3A_196 = tpu.memref_squeeze %dma_wait3A_195 : memref<1x128xi32, #tpu.memory_space<vmem>> -> memref<128xi32, #tpu.memory_space<vmem>>
        %dma_wait3A_197 = arith.constant 0 : i32
        %dma_wait3A_198 = arith.constant 0 : i32
        %dma_wait3A_199 = tpu.memref_slice %arg2[%dma_wait3A_197, %dma_wait3A_198] : memref<100000x32xf32, #tpu.memory_space<hbm>> -> memref<100000x32xf32, #tpu.memory_space<hbm>>
        tpu.wait_indirect_dma semaphore(%arg18 : memref<!tpu.dma_semaphore, #tpu.memory_space<semaphore_mem>>) src(%dma_wait3A_199 : memref<100000x32xf32, #tpu.memory_space<hbm>>) dst(%arg12 : memref<128x32xf32, #tpu.memory_space<vmem>>)
        %dma_start3A_200 = arith.constant 0 : i32
        %dma_start3A_201 = tpu.memref_slice %arg10[%add3A_193, %dma_start3A_200] : memref<20x128xi32, #tpu.memory_space<vmem>> -> memref<1x128xi32, #tpu.memory_space<vmem>>
        %dma_start3A_202 = tpu.memref_squeeze %dma_start3A_201 : memref<1x128xi32, #tpu.memory_space<vmem>> -> memref<128xi32, #tpu.memory_space<vmem>>
        %dma_start3A_203 = arith.constant 0 : i32
        %dma_start3A_204 = arith.constant 0 : i32
        %dma_start3A_205 = tpu.memref_slice %arg16[%dma_start3A_203, %dma_start3A_204] : memref<50048x32xf32, #tpu.memory_space<vmem_shared>> -> memref<50048x32xf32, #tpu.memory_space<vmem_shared>>
        tpu.enqueue_indirect_dma source(%arg12 : memref<128x32xf32, #tpu.memory_space<vmem>>) target(%dma_start3A_205 : memref<50048x32xf32, #tpu.memory_space<vmem_shared>>) offsets(%dma_start3A_202 : memref<128xi32, #tpu.memory_space<vmem>>) semaphore(%arg23 : memref<!tpu.dma_semaphore, #tpu.memory_space<semaphore_mem>>) {add = true}
        %ge3A_206 = arith.constant 2 : i32
        %ge3A_207 = arith.cmpi sge, %add3A_193, %ge3A_206 : i32
        %convert_element_type3A_208 = arith.extui %ge3A_207 : i1 to i32
        %cond3A_209 = arith.constant 0 : i32
        %cond3A_210 = arith.cmpi ne, %convert_element_type3A_208, %cond3A_209 : i32
        scf.if %cond3A_210 {
          %sub3A = arith.constant 2 : i32
          %sub3A_294 = arith.subi %add3A_193, %sub3A : i32
          %dma_wait3A_295 = arith.constant 0 : i32
          %dma_wait3A_296 = tpu.memref_slice %arg10[%sub3A_294, %dma_wait3A_295] : memref<20x128xi32, #tpu.memory_space<vmem>> -> memref<1x128xi32, #tpu.memory_space<vmem>>
          %dma_wait3A_297 = tpu.memref_squeeze %dma_wait3A_296 : memref<1x128xi32, #tpu.memory_space<vmem>> -> memref<128xi32, #tpu.memory_space<vmem>>
          %dma_wait3A_298 = arith.constant 0 : i32
          %dma_wait3A_299 = arith.constant 0 : i32
          %dma_wait3A_300 = tpu.memref_slice %arg16[%dma_wait3A_298, %dma_wait3A_299] : memref<50048x32xf32, #tpu.memory_space<vmem_shared>> -> memref<50048x32xf32, #tpu.memory_space<vmem_shared>>
          tpu.wait_indirect_dma semaphore(%arg26 : memref<!tpu.dma_semaphore, #tpu.memory_space<semaphore_mem>>) src(%arg15 : memref<128x32xf32, #tpu.memory_space<vmem>>) dst(%dma_wait3A_300 : memref<50048x32xf32, #tpu.memory_space<vmem_shared>>)
        } else {
        }
        %lt3A_211 = arith.constant 17 : i32
        %lt3A_212 = arith.cmpi slt, %add3A_193, %lt3A_211 : i32
        %convert_element_type3A_213 = arith.extui %lt3A_212 : i1 to i32
        %cond3A_214 = arith.constant 0 : i32
        %cond3A_215 = arith.cmpi ne, %convert_element_type3A_213, %cond3A_214 : i32
        scf.if %cond3A_215 {
          %add3A_294 = arith.constant 3 : i32
          %add3A_295 = arith.addi %add3A_193, %add3A_294 : i32
          %dma_start3A_296 = arith.constant 0 : i32
          %dma_start3A_297 = tpu.memref_slice %arg9[%add3A_295, %dma_start3A_296] : memref<20x128xi32, #tpu.memory_space<vmem>> -> memref<1x128xi32, #tpu.memory_space<vmem>>
          %dma_start3A_298 = tpu.memref_squeeze %dma_start3A_297 : memref<1x128xi32, #tpu.memory_space<vmem>> -> memref<128xi32, #tpu.memory_space<vmem>>
          %dma_start3A_299 = arith.constant 0 : i32
          %dma_start3A_300 = arith.constant 0 : i32
          %dma_start3A_301 = tpu.memref_slice %arg2[%dma_start3A_299, %dma_start3A_300] : memref<100000x32xf32, #tpu.memory_space<hbm>> -> memref<100000x32xf32, #tpu.memory_space<hbm>>
          tpu.enqueue_indirect_dma source(%dma_start3A_301 : memref<100000x32xf32, #tpu.memory_space<hbm>>) target(%arg15 : memref<128x32xf32, #tpu.memory_space<vmem>>) offsets(%dma_start3A_298 : memref<128xi32, #tpu.memory_space<vmem>>) semaphore(%arg21 : memref<!tpu.dma_semaphore, #tpu.memory_space<semaphore_mem>>)
        } else {
        }
        %mul3A_216 = arith.constant 5 : i32
        %mul3A_217 = arith.muli %mul3A_216, %scan3A_164 : i32
        %add3A_218 = arith.constant 2 : i32
        %add3A_219 = arith.addi %mul3A_217, %add3A_218 : i32
        %dma_wait3A_220 = arith.constant 0 : i32
        %dma_wait3A_221 = tpu.memref_slice %arg9[%add3A_219, %dma_wait3A_220] : memref<20x128xi32, #tpu.memory_space<vmem>> -> memref<1x128xi32, #tpu.memory_space<vmem>>
        %dma_wait3A_222 = tpu.memref_squeeze %dma_wait3A_221 : memref<1x128xi32, #tpu.memory_space<vmem>> -> memref<128xi32, #tpu.memory_space<vmem>>
        %dma_wait3A_223 = arith.constant 0 : i32
        %dma_wait3A_224 = arith.constant 0 : i32
        %dma_wait3A_225 = tpu.memref_slice %arg2[%dma_wait3A_223, %dma_wait3A_224] : memref<100000x32xf32, #tpu.memory_space<hbm>> -> memref<100000x32xf32, #tpu.memory_space<hbm>>
        tpu.wait_indirect_dma semaphore(%arg19 : memref<!tpu.dma_semaphore, #tpu.memory_space<semaphore_mem>>) src(%dma_wait3A_225 : memref<100000x32xf32, #tpu.memory_space<hbm>>) dst(%arg13 : memref<128x32xf32, #tpu.memory_space<vmem>>)
        %dma_start3A_226 = arith.constant 0 : i32
        %dma_start3A_227 = tpu.memref_slice %arg10[%add3A_219, %dma_start3A_226] : memref<20x128xi32, #tpu.memory_space<vmem>> -> memref<1x128xi32, #tpu.memory_space<vmem>>
        %dma_start3A_228 = tpu.memref_squeeze %dma_start3A_227 : memref<1x128xi32, #tpu.memory_space<vmem>> -> memref<128xi32, #tpu.memory_space<vmem>>
        %dma_start3A_229 = arith.constant 0 : i32
        %dma_start3A_230 = arith.constant 0 : i32
        %dma_start3A_231 = tpu.memref_slice %arg16[%dma_start3A_229, %dma_start3A_230] : memref<50048x32xf32, #tpu.memory_space<vmem_shared>> -> memref<50048x32xf32, #tpu.memory_space<vmem_shared>>
        tpu.enqueue_indirect_dma source(%arg13 : memref<128x32xf32, #tpu.memory_space<vmem>>) target(%dma_start3A_231 : memref<50048x32xf32, #tpu.memory_space<vmem_shared>>) offsets(%dma_start3A_228 : memref<128xi32, #tpu.memory_space<vmem>>) semaphore(%arg24 : memref<!tpu.dma_semaphore, #tpu.memory_space<semaphore_mem>>) {add = true}
        %ge3A_232 = arith.constant 2 : i32
        %ge3A_233 = arith.cmpi sge, %add3A_219, %ge3A_232 : i32
        %convert_element_type3A_234 = arith.extui %ge3A_233 : i1 to i32
        %cond3A_235 = arith.constant 0 : i32
        %cond3A_236 = arith.cmpi ne, %convert_element_type3A_234, %cond3A_235 : i32
        scf.if %cond3A_236 {
          %sub3A = arith.constant 2 : i32
          %sub3A_294 = arith.subi %add3A_219, %sub3A : i32
          %dma_wait3A_295 = arith.constant 0 : i32
          %dma_wait3A_296 = tpu.memref_slice %arg10[%sub3A_294, %dma_wait3A_295] : memref<20x128xi32, #tpu.memory_space<vmem>> -> memref<1x128xi32, #tpu.memory_space<vmem>>
          %dma_wait3A_297 = tpu.memref_squeeze %dma_wait3A_296 : memref<1x128xi32, #tpu.memory_space<vmem>> -> memref<128xi32, #tpu.memory_space<vmem>>
          %dma_wait3A_298 = arith.constant 0 : i32
          %dma_wait3A_299 = arith.constant 0 : i32
          %dma_wait3A_300 = tpu.memref_slice %arg16[%dma_wait3A_298, %dma_wait3A_299] : memref<50048x32xf32, #tpu.memory_space<vmem_shared>> -> memref<50048x32xf32, #tpu.memory_space<vmem_shared>>
          tpu.wait_indirect_dma semaphore(%arg22 : memref<!tpu.dma_semaphore, #tpu.memory_space<semaphore_mem>>) src(%arg11 : memref<128x32xf32, #tpu.memory_space<vmem>>) dst(%dma_wait3A_300 : memref<50048x32xf32, #tpu.memory_space<vmem_shared>>)
        } else {
        }
        %lt3A_237 = arith.constant 17 : i32
        %lt3A_238 = arith.cmpi slt, %add3A_219, %lt3A_237 : i32
        %convert_element_type3A_239 = arith.extui %lt3A_238 : i1 to i32
        %cond3A_240 = arith.constant 0 : i32
        %cond3A_241 = arith.cmpi ne, %convert_element_type3A_239, %cond3A_240 : i32
        scf.if %cond3A_241 {
          %add3A_294 = arith.constant 3 : i32
          %add3A_295 = arith.addi %add3A_219, %add3A_294 : i32
          %dma_start3A_296 = arith.constant 0 : i32
          %dma_start3A_297 = tpu.memref_slice %arg9[%add3A_295, %dma_start3A_296] : memref<20x128xi32, #tpu.memory_space<vmem>> -> memref<1x128xi32, #tpu.memory_space<vmem>>
          %dma_start3A_298 = tpu.memref_squeeze %dma_start3A_297 : memref<1x128xi32, #tpu.memory_space<vmem>> -> memref<128xi32, #tpu.memory_space<vmem>>
          %dma_start3A_299 = arith.constant 0 : i32
          %dma_start3A_300 = arith.constant 0 : i32
          %dma_start3A_301 = tpu.memref_slice %arg2[%dma_start3A_299, %dma_start3A_300] : memref<100000x32xf32, #tpu.memory_space<hbm>> -> memref<100000x32xf32, #tpu.memory_space<hbm>>
          tpu.enqueue_indirect_dma source(%dma_start3A_301 : memref<100000x32xf32, #tpu.memory_space<hbm>>) target(%arg11 : memref<128x32xf32, #tpu.memory_space<vmem>>) offsets(%dma_start3A_298 : memref<128xi32, #tpu.memory_space<vmem>>) semaphore(%arg17 : memref<!tpu.dma_semaphore, #tpu.memory_space<semaphore_mem>>)
        } else {
        }
        %mul3A_242 = arith.constant 5 : i32
        %mul3A_243 = arith.muli %mul3A_242, %scan3A_164 : i32
        %add3A_244 = arith.constant 3 : i32
        %add3A_245 = arith.addi %mul3A_243, %add3A_244 : i32
        %dma_wait3A_246 = arith.constant 0 : i32
        %dma_wait3A_247 = tpu.memref_slice %arg9[%add3A_245, %dma_wait3A_246] : memref<20x128xi32, #tpu.memory_space<vmem>> -> memref<1x128xi32, #tpu.memory_space<vmem>>
        %dma_wait3A_248 = tpu.memref_squeeze %dma_wait3A_247 : memref<1x128xi32, #tpu.memory_space<vmem>> -> memref<128xi32, #tpu.memory_space<vmem>>
        %dma_wait3A_249 = arith.constant 0 : i32
        %dma_wait3A_250 = arith.constant 0 : i32
        %dma_wait3A_251 = tpu.memref_slice %arg2[%dma_wait3A_249, %dma_wait3A_250] : memref<100000x32xf32, #tpu.memory_space<hbm>> -> memref<100000x32xf32, #tpu.memory_space<hbm>>
        tpu.wait_indirect_dma semaphore(%arg20 : memref<!tpu.dma_semaphore, #tpu.memory_space<semaphore_mem>>) src(%dma_wait3A_251 : memref<100000x32xf32, #tpu.memory_space<hbm>>) dst(%arg14 : memref<128x32xf32, #tpu.memory_space<vmem>>)
        %dma_start3A_252 = arith.constant 0 : i32
        %dma_start3A_253 = tpu.memref_slice %arg10[%add3A_245, %dma_start3A_252] : memref<20x128xi32, #tpu.memory_space<vmem>> -> memref<1x128xi32, #tpu.memory_space<vmem>>
        %dma_start3A_254 = tpu.memref_squeeze %dma_start3A_253 : memref<1x128xi32, #tpu.memory_space<vmem>> -> memref<128xi32, #tpu.memory_space<vmem>>
        %dma_start3A_255 = arith.constant 0 : i32
        %dma_start3A_256 = arith.constant 0 : i32
        %dma_start3A_257 = tpu.memref_slice %arg16[%dma_start3A_255, %dma_start3A_256] : memref<50048x32xf32, #tpu.memory_space<vmem_shared>> -> memref<50048x32xf32, #tpu.memory_space<vmem_shared>>
        tpu.enqueue_indirect_dma source(%arg14 : memref<128x32xf32, #tpu.memory_space<vmem>>) target(%dma_start3A_257 : memref<50048x32xf32, #tpu.memory_space<vmem_shared>>) offsets(%dma_start3A_254 : memref<128xi32, #tpu.memory_space<vmem>>) semaphore(%arg25 : memref<!tpu.dma_semaphore, #tpu.memory_space<semaphore_mem>>) {add = true}
        %ge3A_258 = arith.constant 2 : i32
        %ge3A_259 = arith.cmpi sge, %add3A_245, %ge3A_258 : i32
        %convert_element_type3A_260 = arith.extui %ge3A_259 : i1 to i32
        %cond3A_261 = arith.constant 0 : i32
        %cond3A_262 = arith.cmpi ne, %convert_element_type3A_260, %cond3A_261 : i32
        scf.if %cond3A_262 {
          %sub3A = arith.constant 2 : i32
          %sub3A_294 = arith.subi %add3A_245, %sub3A : i32
          %dma_wait3A_295 = arith.constant 0 : i32
          %dma_wait3A_296 = tpu.memref_slice %arg10[%sub3A_294, %dma_wait3A_295] : memref<20x128xi32, #tpu.memory_space<vmem>> -> memref<1x128xi32, #tpu.memory_space<vmem>>
          %dma_wait3A_297 = tpu.memref_squeeze %dma_wait3A_296 : memref<1x128xi32, #tpu.memory_space<vmem>> -> memref<128xi32, #tpu.memory_space<vmem>>
          %dma_wait3A_298 = arith.constant 0 : i32
          %dma_wait3A_299 = arith.constant 0 : i32
          %dma_wait3A_300 = tpu.memref_slice %arg16[%dma_wait3A_298, %dma_wait3A_299] : memref<50048x32xf32, #tpu.memory_space<vmem_shared>> -> memref<50048x32xf32, #tpu.memory_space<vmem_shared>>
          tpu.wait_indirect_dma semaphore(%arg23 : memref<!tpu.dma_semaphore, #tpu.memory_space<semaphore_mem>>) src(%arg12 : memref<128x32xf32, #tpu.memory_space<vmem>>) dst(%dma_wait3A_300 : memref<50048x32xf32, #tpu.memory_space<vmem_shared>>)
        } else {
        }
        %lt3A_263 = arith.constant 17 : i32
        %lt3A_264 = arith.cmpi slt, %add3A_245, %lt3A_263 : i32
        %convert_element_type3A_265 = arith.extui %lt3A_264 : i1 to i32
        %cond3A_266 = arith.constant 0 : i32
        %cond3A_267 = arith.cmpi ne, %convert_element_type3A_265, %cond3A_266 : i32
        scf.if %cond3A_267 {
          %add3A_294 = arith.constant 3 : i32
          %add3A_295 = arith.addi %add3A_245, %add3A_294 : i32
          %dma_start3A_296 = arith.constant 0 : i32
          %dma_start3A_297 = tpu.memref_slice %arg9[%add3A_295, %dma_start3A_296] : memref<20x128xi32, #tpu.memory_space<vmem>> -> memref<1x128xi32, #tpu.memory_space<vmem>>
          %dma_start3A_298 = tpu.memref_squeeze %dma_start3A_297 : memref<1x128xi32, #tpu.memory_space<vmem>> -> memref<128xi32, #tpu.memory_space<vmem>>
          %dma_start3A_299 = arith.constant 0 : i32
          %dma_start3A_300 = arith.constant 0 : i32
          %dma_start3A_301 = tpu.memref_slice %arg2[%dma_start3A_299, %dma_start3A_300] : memref<100000x32xf32, #tpu.memory_space<hbm>> -> memref<100000x32xf32, #tpu.memory_space<hbm>>
          tpu.enqueue_indirect_dma source(%dma_start3A_301 : memref<100000x32xf32, #tpu.memory_space<hbm>>) target(%arg12 : memref<128x32xf32, #tpu.memory_space<vmem>>) offsets(%dma_start3A_298 : memref<128xi32, #tpu.memory_space<vmem>>) semaphore(%arg18 : memref<!tpu.dma_semaphore, #tpu.memory_space<semaphore_mem>>)
        } else {
        }
        %mul3A_268 = arith.constant 5 : i32
        %mul3A_269 = arith.muli %mul3A_268, %scan3A_164 : i32
        %add3A_270 = arith.constant 4 : i32
        %add3A_271 = arith.addi %mul3A_269, %add3A_270 : i32
        %dma_wait3A_272 = arith.constant 0 : i32
        %dma_wait3A_273 = tpu.memref_slice %arg9[%add3A_271, %dma_wait3A_272] : memref<20x128xi32, #tpu.memory_space<vmem>> -> memref<1x128xi32, #tpu.memory_space<vmem>>
        %dma_wait3A_274 = tpu.memref_squeeze %dma_wait3A_273 : memref<1x128xi32, #tpu.memory_space<vmem>> -> memref<128xi32, #tpu.memory_space<vmem>>
        %dma_wait3A_275 = arith.constant 0 : i32
        %dma_wait3A_276 = arith.constant 0 : i32
        %dma_wait3A_277 = tpu.memref_slice %arg2[%dma_wait3A_275, %dma_wait3A_276] : memref<100000x32xf32, #tpu.memory_space<hbm>> -> memref<100000x32xf32, #tpu.memory_space<hbm>>
        tpu.wait_indirect_dma semaphore(%arg21 : memref<!tpu.dma_semaphore, #tpu.memory_space<semaphore_mem>>) src(%dma_wait3A_277 : memref<100000x32xf32, #tpu.memory_space<hbm>>) dst(%arg15 : memref<128x32xf32, #tpu.memory_space<vmem>>)
        %dma_start3A_278 = arith.constant 0 : i32
        %dma_start3A_279 = tpu.memref_slice %arg10[%add3A_271, %dma_start3A_278] : memref<20x128xi32, #tpu.memory_space<vmem>> -> memref<1x128xi32, #tpu.memory_space<vmem>>
        %dma_start3A_280 = tpu.memref_squeeze %dma_start3A_279 : memref<1x128xi32, #tpu.memory_space<vmem>> -> memref<128xi32, #tpu.memory_space<vmem>>
        %dma_start3A_281 = arith.constant 0 : i32
        %dma_start3A_282 = arith.constant 0 : i32
        %dma_start3A_283 = tpu.memref_slice %arg16[%dma_start3A_281, %dma_start3A_282] : memref<50048x32xf32, #tpu.memory_space<vmem_shared>> -> memref<50048x32xf32, #tpu.memory_space<vmem_shared>>
        tpu.enqueue_indirect_dma source(%arg15 : memref<128x32xf32, #tpu.memory_space<vmem>>) target(%dma_start3A_283 : memref<50048x32xf32, #tpu.memory_space<vmem_shared>>) offsets(%dma_start3A_280 : memref<128xi32, #tpu.memory_space<vmem>>) semaphore(%arg26 : memref<!tpu.dma_semaphore, #tpu.memory_space<semaphore_mem>>) {add = true}
        %ge3A_284 = arith.constant 2 : i32
        %ge3A_285 = arith.cmpi sge, %add3A_271, %ge3A_284 : i32
        %convert_element_type3A_286 = arith.extui %ge3A_285 : i1 to i32
        %cond3A_287 = arith.constant 0 : i32
        %cond3A_288 = arith.cmpi ne, %convert_element_type3A_286, %cond3A_287 : i32
        scf.if %cond3A_288 {
          %sub3A = arith.constant 2 : i32
          %sub3A_294 = arith.subi %add3A_271, %sub3A : i32
          %dma_wait3A_295 = arith.constant 0 : i32
          %dma_wait3A_296 = tpu.memref_slice %arg10[%sub3A_294, %dma_wait3A_295] : memref<20x128xi32, #tpu.memory_space<vmem>> -> memref<1x128xi32, #tpu.memory_space<vmem>>
          %dma_wait3A_297 = tpu.memref_squeeze %dma_wait3A_296 : memref<1x128xi32, #tpu.memory_space<vmem>> -> memref<128xi32, #tpu.memory_space<vmem>>
          %dma_wait3A_298 = arith.constant 0 : i32
          %dma_wait3A_299 = arith.constant 0 : i32
          %dma_wait3A_300 = tpu.memref_slice %arg16[%dma_wait3A_298, %dma_wait3A_299] : memref<50048x32xf32, #tpu.memory_space<vmem_shared>> -> memref<50048x32xf32, #tpu.memory_space<vmem_shared>>
          tpu.wait_indirect_dma semaphore(%arg24 : memref<!tpu.dma_semaphore, #tpu.memory_space<semaphore_mem>>) src(%arg13 : memref<128x32xf32, #tpu.memory_space<vmem>>) dst(%dma_wait3A_300 : memref<50048x32xf32, #tpu.memory_space<vmem_shared>>)
        } else {
        }
        %lt3A_289 = arith.constant 17 : i32
        %lt3A_290 = arith.cmpi slt, %add3A_271, %lt3A_289 : i32
        %convert_element_type3A_291 = arith.extui %lt3A_290 : i1 to i32
        %cond3A_292 = arith.constant 0 : i32
        %cond3A_293 = arith.cmpi ne, %convert_element_type3A_291, %cond3A_292 : i32
        scf.if %cond3A_293 {
          %add3A_294 = arith.constant 3 : i32
          %add3A_295 = arith.addi %add3A_271, %add3A_294 : i32
          %dma_start3A_296 = arith.constant 0 : i32
          %dma_start3A_297 = tpu.memref_slice %arg9[%add3A_295, %dma_start3A_296] : memref<20x128xi32, #tpu.memory_space<vmem>> -> memref<1x128xi32, #tpu.memory_space<vmem>>
          %dma_start3A_298 = tpu.memref_squeeze %dma_start3A_297 : memref<1x128xi32, #tpu.memory_space<vmem>> -> memref<128xi32, #tpu.memory_space<vmem>>
          %dma_start3A_299 = arith.constant 0 : i32
          %dma_start3A_300 = arith.constant 0 : i32
          %dma_start3A_301 = tpu.memref_slice %arg2[%dma_start3A_299, %dma_start3A_300] : memref<100000x32xf32, #tpu.memory_space<hbm>> -> memref<100000x32xf32, #tpu.memory_space<hbm>>
          tpu.enqueue_indirect_dma source(%dma_start3A_301 : memref<100000x32xf32, #tpu.memory_space<hbm>>) target(%arg13 : memref<128x32xf32, #tpu.memory_space<vmem>>) offsets(%dma_start3A_298 : memref<128xi32, #tpu.memory_space<vmem>>) semaphore(%arg19 : memref<!tpu.dma_semaphore, #tpu.memory_space<semaphore_mem>>)
        } else {
        }
      }
      %scan3A_149 = arith.constant 4 : i32
      %dma_wait3A_150 = arith.constant 18 : i32
      %dma_wait3A_151 = arith.constant 0 : i32
      %dma_wait3A_152 = tpu.memref_slice %arg10[%dma_wait3A_150, %dma_wait3A_151] : memref<20x128xi32, #tpu.memory_space<vmem>> -> memref<1x128xi32, #tpu.memory_space<vmem>>
      %dma_wait3A_153 = tpu.memref_squeeze %dma_wait3A_152 : memref<1x128xi32, #tpu.memory_space<vmem>> -> memref<128xi32, #tpu.memory_space<vmem>>
      %dma_wait3A_154 = arith.constant 0 : i32
      %dma_wait3A_155 = arith.constant 0 : i32
      %dma_wait3A_156 = tpu.memref_slice %arg16[%dma_wait3A_154, %dma_wait3A_155] : memref<50048x32xf32, #tpu.memory_space<vmem_shared>> -> memref<50048x32xf32, #tpu.memory_space<vmem_shared>>
      tpu.wait_indirect_dma semaphore(%arg25 : memref<!tpu.dma_semaphore, #tpu.memory_space<semaphore_mem>>) src(%arg14 : memref<128x32xf32, #tpu.memory_space<vmem>>) dst(%dma_wait3A_156 : memref<50048x32xf32, #tpu.memory_space<vmem_shared>>)
      %dma_wait3A_157 = arith.constant 19 : i32
      %dma_wait3A_158 = arith.constant 0 : i32
      %dma_wait3A_159 = tpu.memref_slice %arg10[%dma_wait3A_157, %dma_wait3A_158] : memref<20x128xi32, #tpu.memory_space<vmem>> -> memref<1x128xi32, #tpu.memory_space<vmem>>
      %dma_wait3A_160 = tpu.memref_squeeze %dma_wait3A_159 : memref<1x128xi32, #tpu.memory_space<vmem>> -> memref<128xi32, #tpu.memory_space<vmem>>
      %dma_wait3A_161 = arith.constant 0 : i32
      %dma_wait3A_162 = arith.constant 0 : i32
      %dma_wait3A_163 = tpu.memref_slice %arg16[%dma_wait3A_161, %dma_wait3A_162] : memref<50048x32xf32, #tpu.memory_space<vmem_shared>> -> memref<50048x32xf32, #tpu.memory_space<vmem_shared>>
      tpu.wait_indirect_dma semaphore(%arg26 : memref<!tpu.dma_semaphore, #tpu.memory_space<semaphore_mem>>) src(%arg15 : memref<128x32xf32, #tpu.memory_space<vmem>>) dst(%dma_wait3A_163 : memref<50048x32xf32, #tpu.memory_space<vmem_shared>>)
    }
    %scan3A_22 = arith.constant 10 : i32
    %barrier3A_23 = arith.constant 0 : index
    tpu.barrier barrier_id(%barrier3A_23)
    %lt3A = arith.constant 15 : i32
    %lt3A_24 = arith.cmpi slt, %arg1, %lt3A : i32
    %convert_element_type3A = arith.extui %lt3A_24 : i1 to i32
    %cond3A = arith.constant 0 : i32
    %cond3A_25 = arith.cmpi ne, %convert_element_type3A, %cond3A : i32
    scf.if %cond3A_25 {
      %mul3A_30 = arith.constant 3128 : i32
      %mul3A_31 = arith.muli %arg1, %mul3A_30 : i32
      %mul3A_32 = arith.constant 3128 : i32
      %mul3A_33 = arith.muli %arg1, %mul3A_32 : i32
      "tpu.region"() ({
        %run_scoped3A = tpu.sem_alloc : memref<!tpu.dma_semaphore, #tpu.memory_space<semaphore_mem>>
        %dma_start3A_34 = arith.constant 0 : i32
        %dma_start3A_35 = tpu.memref_slice %arg6[%arg0, %mul3A_33, %dma_start3A_34] : memref<2x50000x32xf32, #tpu.memory_space<hbm>> -> memref<1x3128x32xf32, #tpu.memory_space<hbm>>
        %dma_start3A_36 = tpu.memref_squeeze %dma_start3A_35 : memref<1x3128x32xf32, #tpu.memory_space<hbm>> -> memref<3128x32xf32, #tpu.memory_space<hbm>>
        %dma_start3A_37 = arith.constant 0 : i32
        %dma_start3A_38 = tpu.memref_slice %arg16[%mul3A_31, %dma_start3A_37] : memref<50048x32xf32, #tpu.memory_space<vmem_shared>> -> memref<3128x32xf32, #tpu.memory_space<vmem_shared>>
        tpu.enqueue_dma source(%dma_start3A_38 : memref<3128x32xf32, #tpu.memory_space<vmem_shared>>) target(%dma_start3A_36 : memref<3128x32xf32, #tpu.memory_space<hbm>>) target_semaphore(%run_scoped3A : memref<!tpu.dma_semaphore, #tpu.memory_space<semaphore_mem>>)
        %dma_wait3A = arith.constant 0 : i32
        %dma_wait3A_39 = tpu.memref_slice %arg6[%arg0, %mul3A_33, %dma_wait3A] : memref<2x50000x32xf32, #tpu.memory_space<hbm>> -> memref<1x3128x32xf32, #tpu.memory_space<hbm>>
        %dma_wait3A_40 = tpu.memref_squeeze %dma_wait3A_39 : memref<1x3128x32xf32, #tpu.memory_space<hbm>> -> memref<3128x32xf32, #tpu.memory_space<hbm>>
        %dma_wait3A_41 = arith.constant 0 : i32
        %dma_wait3A_42 = tpu.memref_slice %arg16[%mul3A_31, %dma_wait3A_41] : memref<50048x32xf32, #tpu.memory_space<vmem_shared>> -> memref<3128x32xf32, #tpu.memory_space<vmem_shared>>
        tpu.wait_dma2 semaphore(%run_scoped3A : memref<!tpu.dma_semaphore, #tpu.memory_space<semaphore_mem>>) src(%dma_wait3A_42 : memref<3128x32xf32, #tpu.memory_space<vmem_shared>>) dst(%dma_wait3A_40 : memref<3128x32xf32, #tpu.memory_space<hbm>>)
        tpu.yield
      }) : () -> ()
    } else {
    }
    %eq3A = arith.constant 15 : i32
    %eq3A_26 = arith.cmpi eq, %arg1, %eq3A : i32
    %convert_element_type3A_27 = arith.extui %eq3A_26 : i1 to i32
    %cond3A_28 = arith.constant 0 : i32
    %cond3A_29 = arith.cmpi ne, %convert_element_type3A_27, %cond3A_28 : i32
    scf.if %cond3A_29 {
      "tpu.region"() ({
        %run_scoped3A = tpu.sem_alloc : memref<!tpu.dma_semaphore, #tpu.memory_space<semaphore_mem>>
        %dma_start3A_30 = arith.constant 46920 : i32
        %dma_start3A_31 = arith.constant 0 : i32
        %dma_start3A_32 = tpu.memref_slice %arg6[%arg0, %dma_start3A_30, %dma_start3A_31] : memref<2x50000x32xf32, #tpu.memory_space<hbm>> -> memref<1x3080x32xf32, #tpu.memory_space<hbm>>
        %dma_start3A_33 = tpu.memref_squeeze %dma_start3A_32 : memref<1x3080x32xf32, #tpu.memory_space<hbm>> -> memref<3080x32xf32, #tpu.memory_space<hbm>>
        %dma_start3A_34 = arith.constant 46920 : i32
        %dma_start3A_35 = arith.constant 0 : i32
        %dma_start3A_36 = tpu.memref_slice %arg16[%dma_start3A_34, %dma_start3A_35] : memref<50048x32xf32, #tpu.memory_space<vmem_shared>> -> memref<3080x32xf32, #tpu.memory_space<vmem_shared>>
        tpu.enqueue_dma source(%dma_start3A_36 : memref<3080x32xf32, #tpu.memory_space<vmem_shared>>) target(%dma_start3A_33 : memref<3080x32xf32, #tpu.memory_space<hbm>>) target_semaphore(%run_scoped3A : memref<!tpu.dma_semaphore, #tpu.memory_space<semaphore_mem>>)
        %dma_wait3A = arith.constant 46920 : i32
        %dma_wait3A_37 = arith.constant 0 : i32
        %dma_wait3A_38 = tpu.memref_slice %arg6[%arg0, %dma_wait3A, %dma_wait3A_37] : memref<2x50000x32xf32, #tpu.memory_space<hbm>> -> memref<1x3080x32xf32, #tpu.memory_space<hbm>>
        %dma_wait3A_39 = tpu.memref_squeeze %dma_wait3A_38 : memref<1x3080x32xf32, #tpu.memory_space<hbm>> -> memref<3080x32xf32, #tpu.memory_space<hbm>>
        %dma_wait3A_40 = arith.constant 46920 : i32
        %dma_wait3A_41 = arith.constant 0 : i32
        %dma_wait3A_42 = tpu.memref_slice %arg16[%dma_wait3A_40, %dma_wait3A_41] : memref<50048x32xf32, #tpu.memory_space<vmem_shared>> -> memref<3080x32xf32, #tpu.memory_space<vmem_shared>>
        tpu.wait_dma2 semaphore(%run_scoped3A : memref<!tpu.dma_semaphore, #tpu.memory_space<semaphore_mem>>) src(%dma_wait3A_42 : memref<3080x32xf32, #tpu.memory_space<vmem_shared>>) dst(%dma_wait3A_39 : memref<3080x32xf32, #tpu.memory_space<hbm>>)
        tpu.yield
      }) : () -> ()
    } else {
    }
    return
  }
}

#map = affine_map<(d0, d1) -> (0, 0)>
#map1 = affine_map<(d0, d1) -> (0, 0, 0)>
module attributes {stable_mosaic.version = 14 : i64} {
  func.func @segsum(%arg0: i32, %arg1: i32, %arg2: memref<100000x32xf32, #tpu.memory_space<hbm>>, %arg3: memref<32x400x128xi32, #tpu.memory_space<hbm>>, %arg4: memref<32x400x128xi32, #tpu.memory_space<hbm>>, %arg5: memref<3128x32xf32, #tpu.memory_space<hbm>>, %arg6: memref<2x50000x32xf32, #tpu.memory_space<hbm>>, %arg7: memref<20x128xi32, #tpu.memory_space<vmem>>, %arg8: memref<20x128xi32, #tpu.memory_space<vmem>>, %arg9: memref<20x128xi32, #tpu.memory_space<vmem>>, %arg10: memref<20x128xi32, #tpu.memory_space<vmem>>, %arg11: memref<128x32xf32, #tpu.memory_space<vmem>>, %arg12: memref<128x32xf32, #tpu.memory_space<vmem>>, %arg13: memref<128x32xf32, #tpu.memory_space<vmem>>, %arg14: memref<128x32xf32, #tpu.memory_space<vmem>>, %arg15: memref<128x32xf32, #tpu.memory_space<vmem>>, %arg16: memref<50048x32xf32, #tpu.memory_space<vmem_shared>>, %arg17: memref<!tpu.dma_semaphore, #tpu.memory_space<semaphore_mem>>, %arg18: memref<!tpu.dma_semaphore, #tpu.memory_space<semaphore_mem>>, %arg19: memref<!tpu.dma_semaphore, #tpu.memory_space<semaphore_mem>>, %arg20: memref<!tpu.dma_semaphore, #tpu.memory_space<semaphore_mem>>, %arg21: memref<!tpu.dma_semaphore, #tpu.memory_space<semaphore_mem>>, %arg22: memref<!tpu.dma_semaphore, #tpu.memory_space<semaphore_mem>>, %arg23: memref<!tpu.dma_semaphore, #tpu.memory_space<semaphore_mem>>, %arg24: memref<!tpu.dma_semaphore, #tpu.memory_space<semaphore_mem>>, %arg25: memref<!tpu.dma_semaphore, #tpu.memory_space<semaphore_mem>>, %arg26: memref<!tpu.dma_semaphore, #tpu.memory_space<semaphore_mem>>, %arg27: memref<!tpu.dma_semaphore, #tpu.memory_space<semaphore_mem>>, %arg28: memref<!tpu.dma_semaphore, #tpu.memory_space<semaphore_mem>>) attributes {dimension_semantics = [#tpu.dimension_semantics<core_parallel>, #tpu.dimension_semantics<subcore_parallel>], iteration_bounds = array<i64: 2, 16>, scalar_prefetch = 0 : i64, scratch_operands = 22 : i64, tpu.core_type = #tpu.core_type<sc_vector_subcore>, window_params = [{transform_indices = #map}, {transform_indices = #map1}, {transform_indices = #map1}, {transform_indices = #map}, {transform_indices = #map1}]} {
    %mul3A = arith.constant 16 : i32
    %mul3A_0 = arith.muli %arg0, %mul3A : i32
    %add3A = arith.addi %mul3A_0, %arg1 : i32
    %mul3A_1 = arith.constant 3128 : i32
    %mul3A_2 = arith.muli %arg1, %mul3A_1 : i32
    "tpu.region"() ({
      %run_scoped3A = tpu.sem_alloc : memref<!tpu.dma_semaphore, #tpu.memory_space<semaphore_mem>>
      %dma_start3A_30 = arith.constant 0 : i32
      %dma_start3A_31 = tpu.memref_slice %arg16[%mul3A_2, %dma_start3A_30] : memref<50048x32xf32, #tpu.memory_space<vmem_shared>> -> memref<3128x32xf32, #tpu.memory_space<vmem_shared>>
      tpu.enqueue_dma source(%arg5 : memref<3128x32xf32, #tpu.memory_space<hbm>>) target(%dma_start3A_31 : memref<3128x32xf32, #tpu.memory_space<vmem_shared>>) target_semaphore(%run_scoped3A : memref<!tpu.dma_semaphore, #tpu.memory_space<semaphore_mem>>)
      %dma_wait3A = arith.constant 0 : i32
      %dma_wait3A_32 = tpu.memref_slice %arg16[%mul3A_2, %dma_wait3A] : memref<50048x32xf32, #tpu.memory_space<vmem_shared>> -> memref<3128x32xf32, #tpu.memory_space<vmem_shared>>
      tpu.wait_dma2 semaphore(%run_scoped3A : memref<!tpu.dma_semaphore, #tpu.memory_space<semaphore_mem>>) src(%arg5 : memref<3128x32xf32, #tpu.memory_space<hbm>>) dst(%dma_wait3A_32 : memref<3128x32xf32, #tpu.memory_space<vmem_shared>>)
      tpu.yield
    }) : () -> ()
    %barrier3A = arith.constant 0 : index
    tpu.barrier barrier_id(%barrier3A)
    %dma_start3A = arith.constant 0 : i32
    %dma_start3A_3 = arith.constant 0 : i32
    %dma_start3A_4 = tpu.memref_slice %arg3[%add3A, %dma_start3A, %dma_start3A_3] : memref<32x400x128xi32, #tpu.memory_space<hbm>> -> memref<1x20x128xi32, #tpu.memory_space<hbm>>
    %dma_start3A_5 = tpu.memref_squeeze %dma_start3A_4 : memref<1x20x128xi32, #tpu.memory_space<hbm>> -> memref<20x128xi32, #tpu.memory_space<hbm>>
    %dma_start3A_6 = arith.constant 0 : i32
    %dma_start3A_7 = arith.constant 0 : i32
    %dma_start3A_8 = tpu.memref_slice %arg3[%add3A, %dma_start3A_6, %dma_start3A_7] : memref<32x400x128xi32, #tpu.memory_space<hbm>> -> memref<1x20x128xi32, #tpu.memory_space<hbm>>
    %dma_start3A_9 = tpu.memref_squeeze %dma_start3A_8 : memref<1x20x128xi32, #tpu.memory_space<hbm>> -> memref<20x128xi32, #tpu.memory_space<hbm>>
    tpu.enqueue_dma source(%dma_start3A_9 : memref<20x128xi32, #tpu.memory_space<hbm>>) target(%arg7 : memref<20x128xi32, #tpu.memory_space<vmem>>) target_semaphore(%arg27 : memref<!tpu.dma_semaphore, #tpu.memory_space<semaphore_mem>>)
    %dma_start3A_10 = arith.constant 0 : i32
    %dma_start3A_11 = arith.constant 0 : i32
    %dma_start3A_12 = tpu.memref_slice %arg4[%add3A, %dma_start3A_10, %dma_start3A_11] : memref<32x400x128xi32, #tpu.memory_space<hbm>> -> memref<1x20x128xi32, #tpu.memory_space<hbm>>
    %dma_start3A_13 = tpu.memref_squeeze %dma_start3A_12 : memref<1x20x128xi32, #tpu.memory_space<hbm>> -> memref<20x128xi32, #tpu.memory_space<hbm>>
    %dma_start3A_14 = arith.constant 0 : i32
    %dma_start3A_15 = arith.constant 0 : i32
    %dma_start3A_16 = tpu.memref_slice %arg4[%add3A, %dma_start3A_14, %dma_start3A_15] : memref<32x400x128xi32, #tpu.memory_space<hbm>> -> memref<1x20x128xi32, #tpu.memory_space<hbm>>
    %dma_start3A_17 = tpu.memref_squeeze %dma_start3A_16 : memref<1x20x128xi32, #tpu.memory_space<hbm>> -> memref<20x128xi32, #tpu.memory_space<hbm>>
    tpu.enqueue_dma source(%dma_start3A_17 : memref<20x128xi32, #tpu.memory_space<hbm>>) target(%arg8 : memref<20x128xi32, #tpu.memory_space<vmem>>) target_semaphore(%arg27 : memref<!tpu.dma_semaphore, #tpu.memory_space<semaphore_mem>>)
    %scan3A = arith.constant 0 : i32
    %scan3A_18 = arith.constant 0 : i32
    %scan3A_19 = arith.constant 10 : i32
    %scan3A_20 = arith.addi %scan3A_18, %scan3A_19 : i32
    %scan3A_21 = arith.constant 1 : i32
    scf.for %scan3A_30 = %scan3A_18 to %scan3A_20 step %scan3A_21  : i32 {
      %mul3A_31 = arith.constant 2 : i32
      %mul3A_32 = arith.muli %mul3A_31, %scan3A_30 : i32
      %add3A_33 = arith.constant 1 : i32
      %add3A_34 = arith.addi %mul3A_32, %add3A_33 : i32
      %lt3A_35 = arith.constant 20 : i32
      %lt3A_36 = arith.cmpi slt, %add3A_34, %lt3A_35 : i32
      %add3A_37 = arith.constant 1 : i32
      %add3A_38 = arith.addi %mul3A_32, %add3A_37 : i32
      %convert_element_type3A_39 = arith.extui %lt3A_36 : i1 to i32
      %cond3A_40 = arith.constant 0 : i32
      %cond3A_41 = arith.cmpi ne, %convert_element_type3A_39, %cond3A_40 : i32
      scf.if %cond3A_41 {
        %mul3A_164 = arith.constant 20 : i32
        %mul3A_165 = arith.muli %add3A_38, %mul3A_164 : i32
        %dma_start3A_166 = arith.constant 0 : i32
        %dma_start3A_167 = tpu.memref_slice %arg3[%add3A, %mul3A_165, %dma_start3A_166] : memref<32x400x128xi32, #tpu.memory_space<hbm>> -> memref<1x20x128xi32, #tpu.memory_space<hbm>>
        %dma_start3A_168 = tpu.memref_squeeze %dma_start3A_167 : memref<1x20x128xi32, #tpu.memory_space<hbm>> -> memref<20x128xi32, #tpu.memory_space<hbm>>
        %dma_start3A_169 = arith.constant 0 : i32
        %dma_start3A_170 = tpu.memref_slice %arg3[%add3A, %mul3A_165, %dma_start3A_169] : memref<32x400x128xi32, #tpu.memory_space<hbm>> -> memref<1x20x128xi32, #tpu.memory_space<hbm>>
        %dma_start3A_171 = tpu.memref_squeeze %dma_start3A_170 : memref<1x20x128xi32, #tpu.memory_space<hbm>> -> memref<20x128xi32, #tpu.memory_space<hbm>>
        tpu.enqueue_dma source(%dma_start3A_171 : memref<20x128xi32, #tpu.memory_space<hbm>>) target(%arg9 : memref<20x128xi32, #tpu.memory_space<vmem>>) target_semaphore(%arg28 : memref<!tpu.dma_semaphore, #tpu.memory_space<semaphore_mem>>)
        %mul3A_172 = arith.constant 20 : i32
        %mul3A_173 = arith.muli %add3A_38, %mul3A_172 : i32
        %dma_start3A_174 = arith.constant 0 : i32
        %dma_start3A_175 = tpu.memref_slice %arg4[%add3A, %mul3A_173, %dma_start3A_174] : memref<32x400x128xi32, #tpu.memory_space<hbm>> -> memref<1x20x128xi32, #tpu.memory_space<hbm>>
        %dma_start3A_176 = tpu.memref_squeeze %dma_start3A_175 : memref<1x20x128xi32, #tpu.memory_space<hbm>> -> memref<20x128xi32, #tpu.memory_space<hbm>>
        %dma_start3A_177 = arith.constant 0 : i32
        %dma_start3A_178 = tpu.memref_slice %arg4[%add3A, %mul3A_173, %dma_start3A_177] : memref<32x400x128xi32, #tpu.memory_space<hbm>> -> memref<1x20x128xi32, #tpu.memory_space<hbm>>
        %dma_start3A_179 = tpu.memref_squeeze %dma_start3A_178 : memref<1x20x128xi32, #tpu.memory_space<hbm>> -> memref<20x128xi32, #tpu.memory_space<hbm>>
        tpu.enqueue_dma source(%dma_start3A_179 : memref<20x128xi32, #tpu.memory_space<hbm>>) target(%arg10 : memref<20x128xi32, #tpu.memory_space<vmem>>) target_semaphore(%arg28 : memref<!tpu.dma_semaphore, #tpu.memory_space<semaphore_mem>>)
      } else {
      }
      %mul3A_42 = arith.constant 20 : i32
      %mul3A_43 = arith.muli %mul3A_32, %mul3A_42 : i32
      %dma_wait3A = arith.constant 0 : i32
      %dma_wait3A_44 = tpu.memref_slice %arg3[%add3A, %mul3A_43, %dma_wait3A] : memref<32x400x128xi32, #tpu.memory_space<hbm>> -> memref<1x20x128xi32, #tpu.memory_space<hbm>>
      %dma_wait3A_45 = tpu.memref_squeeze %dma_wait3A_44 : memref<1x20x128xi32, #tpu.memory_space<hbm>> -> memref<20x128xi32, #tpu.memory_space<hbm>>
      %dma_wait3A_46 = arith.constant 0 : i32
      %dma_wait3A_47 = tpu.memref_slice %arg3[%add3A, %mul3A_43, %dma_wait3A_46] : memref<32x400x128xi32, #tpu.memory_space<hbm>> -> memref<1x20x128xi32, #tpu.memory_space<hbm>>
      %dma_wait3A_48 = tpu.memref_squeeze %dma_wait3A_47 : memref<1x20x128xi32, #tpu.memory_space<hbm>> -> memref<20x128xi32, #tpu.memory_space<hbm>>
      tpu.wait_dma2 semaphore(%arg27 : memref<!tpu.dma_semaphore, #tpu.memory_space<semaphore_mem>>) src(%dma_wait3A_48 : memref<20x128xi32, #tpu.memory_space<hbm>>) dst(%arg7 : memref<20x128xi32, #tpu.memory_space<vmem>>)
      %mul3A_49 = arith.constant 20 : i32
      %mul3A_50 = arith.muli %mul3A_32, %mul3A_49 : i32
      %dma_wait3A_51 = arith.constant 0 : i32
      %dma_wait3A_52 = tpu.memref_slice %arg4[%add3A, %mul3A_50, %dma_wait3A_51] : memref<32x400x128xi32, #tpu.memory_space<hbm>> -> memref<1x20x128xi32, #tpu.memory_space<hbm>>
      %dma_wait3A_53 = tpu.memref_squeeze %dma_wait3A_52 : memref<1x20x128xi32, #tpu.memory_space<hbm>> -> memref<20x128xi32, #tpu.memory_space<hbm>>
      %dma_wait3A_54 = arith.constant 0 : i32
      %dma_wait3A_55 = tpu.memref_slice %arg4[%add3A, %mul3A_50, %dma_wait3A_54] : memref<32x400x128xi32, #tpu.memory_space<hbm>> -> memref<1x20x128xi32, #tpu.memory_space<hbm>>
      %dma_wait3A_56 = tpu.memref_squeeze %dma_wait3A_55 : memref<1x20x128xi32, #tpu.memory_space<hbm>> -> memref<20x128xi32, #tpu.memory_space<hbm>>
      tpu.wait_dma2 semaphore(%arg27 : memref<!tpu.dma_semaphore, #tpu.memory_space<semaphore_mem>>) src(%dma_wait3A_56 : memref<20x128xi32, #tpu.memory_space<hbm>>) dst(%arg8 : memref<20x128xi32, #tpu.memory_space<vmem>>)
      %dma_start3A_57 = arith.constant 0 : i32
      %dma_start3A_58 = arith.constant 0 : i32
      %dma_start3A_59 = tpu.memref_slice %arg7[%dma_start3A_57, %dma_start3A_58] : memref<20x128xi32, #tpu.memory_space<vmem>> -> memref<1x128xi32, #tpu.memory_space<vmem>>
      %dma_start3A_60 = tpu.memref_squeeze %dma_start3A_59 : memref<1x128xi32, #tpu.memory_space<vmem>> -> memref<128xi32, #tpu.memory_space<vmem>>
      %dma_start3A_61 = arith.constant 0 : i32
      %dma_start3A_62 = arith.constant 0 : i32
      %dma_start3A_63 = tpu.memref_slice %arg2[%dma_start3A_61, %dma_start3A_62] : memref<100000x32xf32, #tpu.memory_space<hbm>> -> memref<100000x32xf32, #tpu.memory_space<hbm>>
      tpu.enqueue_indirect_dma source(%dma_start3A_63 : memref<100000x32xf32, #tpu.memory_space<hbm>>) target(%arg11 : memref<128x32xf32, #tpu.memory_space<vmem>>) offsets(%dma_start3A_60 : memref<128xi32, #tpu.memory_space<vmem>>) semaphore(%arg17 : memref<!tpu.dma_semaphore, #tpu.memory_space<semaphore_mem>>)
      %dma_start3A_64 = arith.constant 1 : i32
      %dma_start3A_65 = arith.constant 0 : i32
      %dma_start3A_66 = tpu.memref_slice %arg7[%dma_start3A_64, %dma_start3A_65] : memref<20x128xi32, #tpu.memory_space<vmem>> -> memref<1x128xi32, #tpu.memory_space<vmem>>
      %dma_start3A_67 = tpu.memref_squeeze %dma_start3A_66 : memref<1x128xi32, #tpu.memory_space<vmem>> -> memref<128xi32, #tpu.memory_space<vmem>>
      %dma_start3A_68 = arith.constant 0 : i32
      %dma_start3A_69 = arith.constant 0 : i32
      %dma_start3A_70 = tpu.memref_slice %arg2[%dma_start3A_68, %dma_start3A_69] : memref<100000x32xf32, #tpu.memory_space<hbm>> -> memref<100000x32xf32, #tpu.memory_space<hbm>>
      tpu.enqueue_indirect_dma source(%dma_start3A_70 : memref<100000x32xf32, #tpu.memory_space<hbm>>) target(%arg12 : memref<128x32xf32, #tpu.memory_space<vmem>>) offsets(%dma_start3A_67 : memref<128xi32, #tpu.memory_space<vmem>>) semaphore(%arg18 : memref<!tpu.dma_semaphore, #tpu.memory_space<semaphore_mem>>)
      %dma_start3A_71 = arith.constant 2 : i32
      %dma_start3A_72 = arith.constant 0 : i32
      %dma_start3A_73 = tpu.memref_slice %arg7[%dma_start3A_71, %dma_start3A_72] : memref<20x128xi32, #tpu.memory_space<vmem>> -> memref<1x128xi32, #tpu.memory_space<vmem>>
      %dma_start3A_74 = tpu.memref_squeeze %dma_start3A_73 : memref<1x128xi32, #tpu.memory_space<vmem>> -> memref<128xi32, #tpu.memory_space<vmem>>
      %dma_start3A_75 = arith.constant 0 : i32
      %dma_start3A_76 = arith.constant 0 : i32
      %dma_start3A_77 = tpu.memref_slice %arg2[%dma_start3A_75, %dma_start3A_76] : memref<100000x32xf32, #tpu.memory_space<hbm>> -> memref<100000x32xf32, #tpu.memory_space<hbm>>
      tpu.enqueue_indirect_dma source(%dma_start3A_77 : memref<100000x32xf32, #tpu.memory_space<hbm>>) target(%arg13 : memref<128x32xf32, #tpu.memory_space<vmem>>) offsets(%dma_start3A_74 : memref<128xi32, #tpu.memory_space<vmem>>) semaphore(%arg19 : memref<!tpu.dma_semaphore, #tpu.memory_space<semaphore_mem>>)
      %scan3A_78 = arith.constant 0 : i32
      %scan3A_79 = arith.constant 0 : i32
      %scan3A_80 = arith.constant 4 : i32
      %scan3A_81 = arith.addi %scan3A_79, %scan3A_80 : i32
      %scan3A_82 = arith.constant 1 : i32
      scf.for %scan3A_164 = %scan3A_79 to %scan3A_81 step %scan3A_82  : i32 {
        %mul3A_165 = arith.constant 5 : i32
        %mul3A_166 = arith.muli %mul3A_165, %scan3A_164 : i32
        %add3A_167 = arith.constant 0 : i32
        %add3A_168 = arith.addi %mul3A_166, %add3A_167 : i32
        %dma_wait3A_169 = arith.constant 0 : i32
        %dma_wait3A_170 = tpu.memref_slice %arg7[%add3A_168, %dma_wait3A_169] : memref<20x128xi32, #tpu.memory_space<vmem>> -> memref<1x128xi32, #tpu.memory_space<vmem>>
        %dma_wait3A_171 = tpu.memref_squeeze %dma_wait3A_170 : memref<1x128xi32, #tpu.memory_space<vmem>> -> memref<128xi32, #tpu.memory_space<vmem>>
        %dma_wait3A_172 = arith.constant 0 : i32
        %dma_wait3A_173 = arith.constant 0 : i32
        %dma_wait3A_174 = tpu.memref_slice %arg2[%dma_wait3A_172, %dma_wait3A_173] : memref<100000x32xf32, #tpu.memory_space<hbm>> -> memref<100000x32xf32, #tpu.memory_space<hbm>>
        tpu.wait_indirect_dma semaphore(%arg17 : memref<!tpu.dma_semaphore, #tpu.memory_space<semaphore_mem>>) src(%dma_wait3A_174 : memref<100000x32xf32, #tpu.memory_space<hbm>>) dst(%arg11 : memref<128x32xf32, #tpu.memory_space<vmem>>)
        %dma_start3A_175 = arith.constant 0 : i32
        %dma_start3A_176 = tpu.memref_slice %arg8[%add3A_168, %dma_start3A_175] : memref<20x128xi32, #tpu.memory_space<vmem>> -> memref<1x128xi32, #tpu.memory_space<vmem>>
        %dma_start3A_177 = tpu.memref_squeeze %dma_start3A_176 : memref<1x128xi32, #tpu.memory_space<vmem>> -> memref<128xi32, #tpu.memory_space<vmem>>
        %dma_start3A_178 = arith.constant 0 : i32
        %dma_start3A_179 = arith.constant 0 : i32
        %dma_start3A_180 = tpu.memref_slice %arg16[%dma_start3A_178, %dma_start3A_179] : memref<50048x32xf32, #tpu.memory_space<vmem_shared>> -> memref<50048x32xf32, #tpu.memory_space<vmem_shared>>
        tpu.enqueue_indirect_dma source(%arg11 : memref<128x32xf32, #tpu.memory_space<vmem>>) target(%dma_start3A_180 : memref<50048x32xf32, #tpu.memory_space<vmem_shared>>) offsets(%dma_start3A_177 : memref<128xi32, #tpu.memory_space<vmem>>) semaphore(%arg22 : memref<!tpu.dma_semaphore, #tpu.memory_space<semaphore_mem>>) {add = true}
        %ge3A = arith.constant 2 : i32
        %ge3A_181 = arith.cmpi sge, %add3A_168, %ge3A : i32
        %convert_element_type3A_182 = arith.extui %ge3A_181 : i1 to i32
        %cond3A_183 = arith.constant 0 : i32
        %cond3A_184 = arith.cmpi ne, %convert_element_type3A_182, %cond3A_183 : i32
        scf.if %cond3A_184 {
          %sub3A = arith.constant 2 : i32
          %sub3A_294 = arith.subi %add3A_168, %sub3A : i32
          %dma_wait3A_295 = arith.constant 0 : i32
          %dma_wait3A_296 = tpu.memref_slice %arg8[%sub3A_294, %dma_wait3A_295] : memref<20x128xi32, #tpu.memory_space<vmem>> -> memref<1x128xi32, #tpu.memory_space<vmem>>
          %dma_wait3A_297 = tpu.memref_squeeze %dma_wait3A_296 : memref<1x128xi32, #tpu.memory_space<vmem>> -> memref<128xi32, #tpu.memory_space<vmem>>
          %dma_wait3A_298 = arith.constant 0 : i32
          %dma_wait3A_299 = arith.constant 0 : i32
          %dma_wait3A_300 = tpu.memref_slice %arg16[%dma_wait3A_298, %dma_wait3A_299] : memref<50048x32xf32, #tpu.memory_space<vmem_shared>> -> memref<50048x32xf32, #tpu.memory_space<vmem_shared>>
          tpu.wait_indirect_dma semaphore(%arg25 : memref<!tpu.dma_semaphore, #tpu.memory_space<semaphore_mem>>) src(%arg14 : memref<128x32xf32, #tpu.memory_space<vmem>>) dst(%dma_wait3A_300 : memref<50048x32xf32, #tpu.memory_space<vmem_shared>>)
        } else {
        }
        %lt3A_185 = arith.constant 17 : i32
        %lt3A_186 = arith.cmpi slt, %add3A_168, %lt3A_185 : i32
        %convert_element_type3A_187 = arith.extui %lt3A_186 : i1 to i32
        %cond3A_188 = arith.constant 0 : i32
        %cond3A_189 = arith.cmpi ne, %convert_element_type3A_187, %cond3A_188 : i32
        scf.if %cond3A_189 {
          %add3A_294 = arith.constant 3 : i32
          %add3A_295 = arith.addi %add3A_168, %add3A_294 : i32
          %dma_start3A_296 = arith.constant 0 : i32
          %dma_start3A_297 = tpu.memref_slice %arg7[%add3A_295, %dma_start3A_296] : memref<20x128xi32, #tpu.memory_space<vmem>> -> memref<1x128xi32, #tpu.memory_space<vmem>>
          %dma_start3A_298 = tpu.memref_squeeze %dma_start3A_297 : memref<1x128xi32, #tpu.memory_space<vmem>> -> memref<128xi32, #tpu.memory_space<vmem>>
          %dma_start3A_299 = arith.constant 0 : i32
          %dma_start3A_300 = arith.constant 0 : i32
          %dma_start3A_301 = tpu.memref_slice %arg2[%dma_start3A_299, %dma_start3A_300] : memref<100000x32xf32, #tpu.memory_space<hbm>> -> memref<100000x32xf32, #tpu.memory_space<hbm>>
          tpu.enqueue_indirect_dma source(%dma_start3A_301 : memref<100000x32xf32, #tpu.memory_space<hbm>>) target(%arg14 : memref<128x32xf32, #tpu.memory_space<vmem>>) offsets(%dma_start3A_298 : memref<128xi32, #tpu.memory_space<vmem>>) semaphore(%arg20 : memref<!tpu.dma_semaphore, #tpu.memory_space<semaphore_mem>>)
        } else {
        }
        %mul3A_190 = arith.constant 5 : i32
        %mul3A_191 = arith.muli %mul3A_190, %scan3A_164 : i32
        %add3A_192 = arith.constant 1 : i32
        %add3A_193 = arith.addi %mul3A_191, %add3A_192 : i32
        %dma_wait3A_194 = arith.constant 0 : i32
        %dma_wait3A_195 = tpu.memref_slice %arg7[%add3A_193, %dma_wait3A_194] : memref<20x128xi32, #tpu.memory_space<vmem>> -> memref<1x128xi32, #tpu.memory_space<vmem>>
        %dma_wait3A_196 = tpu.memref_squeeze %dma_wait3A_195 : memref<1x128xi32, #tpu.memory_space<vmem>> -> memref<128xi32, #tpu.memory_space<vmem>>
        %dma_wait3A_197 = arith.constant 0 : i32
        %dma_wait3A_198 = arith.constant 0 : i32
        %dma_wait3A_199 = tpu.memref_slice %arg2[%dma_wait3A_197, %dma_wait3A_198] : memref<100000x32xf32, #tpu.memory_space<hbm>> -> memref<100000x32xf32, #tpu.memory_space<hbm>>
        tpu.wait_indirect_dma semaphore(%arg18 : memref<!tpu.dma_semaphore, #tpu.memory_space<semaphore_mem>>) src(%dma_wait3A_199 : memref<100000x32xf32, #tpu.memory_space<hbm>>) dst(%arg12 : memref<128x32xf32, #tpu.memory_space<vmem>>)
        %dma_start3A_200 = arith.constant 0 : i32
        %dma_start3A_201 = tpu.memref_slice %arg8[%add3A_193, %dma_start3A_200] : memref<20x128xi32, #tpu.memory_space<vmem>> -> memref<1x128xi32, #tpu.memory_space<vmem>>
        %dma_start3A_202 = tpu.memref_squeeze %dma_start3A_201 : memref<1x128xi32, #tpu.memory_space<vmem>> -> memref<128xi32, #tpu.memory_space<vmem>>
        %dma_start3A_203 = arith.constant 0 : i32
        %dma_start3A_204 = arith.constant 0 : i32
        %dma_start3A_205 = tpu.memref_slice %arg16[%dma_start3A_203, %dma_start3A_204] : memref<50048x32xf32, #tpu.memory_space<vmem_shared>> -> memref<50048x32xf32, #tpu.memory_space<vmem_shared>>
        tpu.enqueue_indirect_dma source(%arg12 : memref<128x32xf32, #tpu.memory_space<vmem>>) target(%dma_start3A_205 : memref<50048x32xf32, #tpu.memory_space<vmem_shared>>) offsets(%dma_start3A_202 : memref<128xi32, #tpu.memory_space<vmem>>) semaphore(%arg23 : memref<!tpu.dma_semaphore, #tpu.memory_space<semaphore_mem>>) {add = true}
        %ge3A_206 = arith.constant 2 : i32
        %ge3A_207 = arith.cmpi sge, %add3A_193, %ge3A_206 : i32
        %convert_element_type3A_208 = arith.extui %ge3A_207 : i1 to i32
        %cond3A_209 = arith.constant 0 : i32
        %cond3A_210 = arith.cmpi ne, %convert_element_type3A_208, %cond3A_209 : i32
        scf.if %cond3A_210 {
          %sub3A = arith.constant 2 : i32
          %sub3A_294 = arith.subi %add3A_193, %sub3A : i32
          %dma_wait3A_295 = arith.constant 0 : i32
          %dma_wait3A_296 = tpu.memref_slice %arg8[%sub3A_294, %dma_wait3A_295] : memref<20x128xi32, #tpu.memory_space<vmem>> -> memref<1x128xi32, #tpu.memory_space<vmem>>
          %dma_wait3A_297 = tpu.memref_squeeze %dma_wait3A_296 : memref<1x128xi32, #tpu.memory_space<vmem>> -> memref<128xi32, #tpu.memory_space<vmem>>
          %dma_wait3A_298 = arith.constant 0 : i32
          %dma_wait3A_299 = arith.constant 0 : i32
          %dma_wait3A_300 = tpu.memref_slice %arg16[%dma_wait3A_298, %dma_wait3A_299] : memref<50048x32xf32, #tpu.memory_space<vmem_shared>> -> memref<50048x32xf32, #tpu.memory_space<vmem_shared>>
          tpu.wait_indirect_dma semaphore(%arg26 : memref<!tpu.dma_semaphore, #tpu.memory_space<semaphore_mem>>) src(%arg15 : memref<128x32xf32, #tpu.memory_space<vmem>>) dst(%dma_wait3A_300 : memref<50048x32xf32, #tpu.memory_space<vmem_shared>>)
        } else {
        }
        %lt3A_211 = arith.constant 17 : i32
        %lt3A_212 = arith.cmpi slt, %add3A_193, %lt3A_211 : i32
        %convert_element_type3A_213 = arith.extui %lt3A_212 : i1 to i32
        %cond3A_214 = arith.constant 0 : i32
        %cond3A_215 = arith.cmpi ne, %convert_element_type3A_213, %cond3A_214 : i32
        scf.if %cond3A_215 {
          %add3A_294 = arith.constant 3 : i32
          %add3A_295 = arith.addi %add3A_193, %add3A_294 : i32
          %dma_start3A_296 = arith.constant 0 : i32
          %dma_start3A_297 = tpu.memref_slice %arg7[%add3A_295, %dma_start3A_296] : memref<20x128xi32, #tpu.memory_space<vmem>> -> memref<1x128xi32, #tpu.memory_space<vmem>>
          %dma_start3A_298 = tpu.memref_squeeze %dma_start3A_297 : memref<1x128xi32, #tpu.memory_space<vmem>> -> memref<128xi32, #tpu.memory_space<vmem>>
          %dma_start3A_299 = arith.constant 0 : i32
          %dma_start3A_300 = arith.constant 0 : i32
          %dma_start3A_301 = tpu.memref_slice %arg2[%dma_start3A_299, %dma_start3A_300] : memref<100000x32xf32, #tpu.memory_space<hbm>> -> memref<100000x32xf32, #tpu.memory_space<hbm>>
          tpu.enqueue_indirect_dma source(%dma_start3A_301 : memref<100000x32xf32, #tpu.memory_space<hbm>>) target(%arg15 : memref<128x32xf32, #tpu.memory_space<vmem>>) offsets(%dma_start3A_298 : memref<128xi32, #tpu.memory_space<vmem>>) semaphore(%arg21 : memref<!tpu.dma_semaphore, #tpu.memory_space<semaphore_mem>>)
        } else {
        }
        %mul3A_216 = arith.constant 5 : i32
        %mul3A_217 = arith.muli %mul3A_216, %scan3A_164 : i32
        %add3A_218 = arith.constant 2 : i32
        %add3A_219 = arith.addi %mul3A_217, %add3A_218 : i32
        %dma_wait3A_220 = arith.constant 0 : i32
        %dma_wait3A_221 = tpu.memref_slice %arg7[%add3A_219, %dma_wait3A_220] : memref<20x128xi32, #tpu.memory_space<vmem>> -> memref<1x128xi32, #tpu.memory_space<vmem>>
        %dma_wait3A_222 = tpu.memref_squeeze %dma_wait3A_221 : memref<1x128xi32, #tpu.memory_space<vmem>> -> memref<128xi32, #tpu.memory_space<vmem>>
        %dma_wait3A_223 = arith.constant 0 : i32
        %dma_wait3A_224 = arith.constant 0 : i32
        %dma_wait3A_225 = tpu.memref_slice %arg2[%dma_wait3A_223, %dma_wait3A_224] : memref<100000x32xf32, #tpu.memory_space<hbm>> -> memref<100000x32xf32, #tpu.memory_space<hbm>>
        tpu.wait_indirect_dma semaphore(%arg19 : memref<!tpu.dma_semaphore, #tpu.memory_space<semaphore_mem>>) src(%dma_wait3A_225 : memref<100000x32xf32, #tpu.memory_space<hbm>>) dst(%arg13 : memref<128x32xf32, #tpu.memory_space<vmem>>)
        %dma_start3A_226 = arith.constant 0 : i32
        %dma_start3A_227 = tpu.memref_slice %arg8[%add3A_219, %dma_start3A_226] : memref<20x128xi32, #tpu.memory_space<vmem>> -> memref<1x128xi32, #tpu.memory_space<vmem>>
        %dma_start3A_228 = tpu.memref_squeeze %dma_start3A_227 : memref<1x128xi32, #tpu.memory_space<vmem>> -> memref<128xi32, #tpu.memory_space<vmem>>
        %dma_start3A_229 = arith.constant 0 : i32
        %dma_start3A_230 = arith.constant 0 : i32
        %dma_start3A_231 = tpu.memref_slice %arg16[%dma_start3A_229, %dma_start3A_230] : memref<50048x32xf32, #tpu.memory_space<vmem_shared>> -> memref<50048x32xf32, #tpu.memory_space<vmem_shared>>
        tpu.enqueue_indirect_dma source(%arg13 : memref<128x32xf32, #tpu.memory_space<vmem>>) target(%dma_start3A_231 : memref<50048x32xf32, #tpu.memory_space<vmem_shared>>) offsets(%dma_start3A_228 : memref<128xi32, #tpu.memory_space<vmem>>) semaphore(%arg24 : memref<!tpu.dma_semaphore, #tpu.memory_space<semaphore_mem>>) {add = true}
        %ge3A_232 = arith.constant 2 : i32
        %ge3A_233 = arith.cmpi sge, %add3A_219, %ge3A_232 : i32
        %convert_element_type3A_234 = arith.extui %ge3A_233 : i1 to i32
        %cond3A_235 = arith.constant 0 : i32
        %cond3A_236 = arith.cmpi ne, %convert_element_type3A_234, %cond3A_235 : i32
        scf.if %cond3A_236 {
          %sub3A = arith.constant 2 : i32
          %sub3A_294 = arith.subi %add3A_219, %sub3A : i32
          %dma_wait3A_295 = arith.constant 0 : i32
          %dma_wait3A_296 = tpu.memref_slice %arg8[%sub3A_294, %dma_wait3A_295] : memref<20x128xi32, #tpu.memory_space<vmem>> -> memref<1x128xi32, #tpu.memory_space<vmem>>
          %dma_wait3A_297 = tpu.memref_squeeze %dma_wait3A_296 : memref<1x128xi32, #tpu.memory_space<vmem>> -> memref<128xi32, #tpu.memory_space<vmem>>
          %dma_wait3A_298 = arith.constant 0 : i32
          %dma_wait3A_299 = arith.constant 0 : i32
          %dma_wait3A_300 = tpu.memref_slice %arg16[%dma_wait3A_298, %dma_wait3A_299] : memref<50048x32xf32, #tpu.memory_space<vmem_shared>> -> memref<50048x32xf32, #tpu.memory_space<vmem_shared>>
          tpu.wait_indirect_dma semaphore(%arg22 : memref<!tpu.dma_semaphore, #tpu.memory_space<semaphore_mem>>) src(%arg11 : memref<128x32xf32, #tpu.memory_space<vmem>>) dst(%dma_wait3A_300 : memref<50048x32xf32, #tpu.memory_space<vmem_shared>>)
        } else {
        }
        %lt3A_237 = arith.constant 17 : i32
        %lt3A_238 = arith.cmpi slt, %add3A_219, %lt3A_237 : i32
        %convert_element_type3A_239 = arith.extui %lt3A_238 : i1 to i32
        %cond3A_240 = arith.constant 0 : i32
        %cond3A_241 = arith.cmpi ne, %convert_element_type3A_239, %cond3A_240 : i32
        scf.if %cond3A_241 {
          %add3A_294 = arith.constant 3 : i32
          %add3A_295 = arith.addi %add3A_219, %add3A_294 : i32
          %dma_start3A_296 = arith.constant 0 : i32
          %dma_start3A_297 = tpu.memref_slice %arg7[%add3A_295, %dma_start3A_296] : memref<20x128xi32, #tpu.memory_space<vmem>> -> memref<1x128xi32, #tpu.memory_space<vmem>>
          %dma_start3A_298 = tpu.memref_squeeze %dma_start3A_297 : memref<1x128xi32, #tpu.memory_space<vmem>> -> memref<128xi32, #tpu.memory_space<vmem>>
          %dma_start3A_299 = arith.constant 0 : i32
          %dma_start3A_300 = arith.constant 0 : i32
          %dma_start3A_301 = tpu.memref_slice %arg2[%dma_start3A_299, %dma_start3A_300] : memref<100000x32xf32, #tpu.memory_space<hbm>> -> memref<100000x32xf32, #tpu.memory_space<hbm>>
          tpu.enqueue_indirect_dma source(%dma_start3A_301 : memref<100000x32xf32, #tpu.memory_space<hbm>>) target(%arg11 : memref<128x32xf32, #tpu.memory_space<vmem>>) offsets(%dma_start3A_298 : memref<128xi32, #tpu.memory_space<vmem>>) semaphore(%arg17 : memref<!tpu.dma_semaphore, #tpu.memory_space<semaphore_mem>>)
        } else {
        }
        %mul3A_242 = arith.constant 5 : i32
        %mul3A_243 = arith.muli %mul3A_242, %scan3A_164 : i32
        %add3A_244 = arith.constant 3 : i32
        %add3A_245 = arith.addi %mul3A_243, %add3A_244 : i32
        %dma_wait3A_246 = arith.constant 0 : i32
        %dma_wait3A_247 = tpu.memref_slice %arg7[%add3A_245, %dma_wait3A_246] : memref<20x128xi32, #tpu.memory_space<vmem>> -> memref<1x128xi32, #tpu.memory_space<vmem>>
        %dma_wait3A_248 = tpu.memref_squeeze %dma_wait3A_247 : memref<1x128xi32, #tpu.memory_space<vmem>> -> memref<128xi32, #tpu.memory_space<vmem>>
        %dma_wait3A_249 = arith.constant 0 : i32
        %dma_wait3A_250 = arith.constant 0 : i32
        %dma_wait3A_251 = tpu.memref_slice %arg2[%dma_wait3A_249, %dma_wait3A_250] : memref<100000x32xf32, #tpu.memory_space<hbm>> -> memref<100000x32xf32, #tpu.memory_space<hbm>>
        tpu.wait_indirect_dma semaphore(%arg20 : memref<!tpu.dma_semaphore, #tpu.memory_space<semaphore_mem>>) src(%dma_wait3A_251 : memref<100000x32xf32, #tpu.memory_space<hbm>>) dst(%arg14 : memref<128x32xf32, #tpu.memory_space<vmem>>)
        %dma_start3A_252 = arith.constant 0 : i32
        %dma_start3A_253 = tpu.memref_slice %arg8[%add3A_245, %dma_start3A_252] : memref<20x128xi32, #tpu.memory_space<vmem>> -> memref<1x128xi32, #tpu.memory_space<vmem>>
        %dma_start3A_254 = tpu.memref_squeeze %dma_start3A_253 : memref<1x128xi32, #tpu.memory_space<vmem>> -> memref<128xi32, #tpu.memory_space<vmem>>
        %dma_start3A_255 = arith.constant 0 : i32
        %dma_start3A_256 = arith.constant 0 : i32
        %dma_start3A_257 = tpu.memref_slice %arg16[%dma_start3A_255, %dma_start3A_256] : memref<50048x32xf32, #tpu.memory_space<vmem_shared>> -> memref<50048x32xf32, #tpu.memory_space<vmem_shared>>
        tpu.enqueue_indirect_dma source(%arg14 : memref<128x32xf32, #tpu.memory_space<vmem>>) target(%dma_start3A_257 : memref<50048x32xf32, #tpu.memory_space<vmem_shared>>) offsets(%dma_start3A_254 : memref<128xi32, #tpu.memory_space<vmem>>) semaphore(%arg25 : memref<!tpu.dma_semaphore, #tpu.memory_space<semaphore_mem>>) {add = true}
        %ge3A_258 = arith.constant 2 : i32
        %ge3A_259 = arith.cmpi sge, %add3A_245, %ge3A_258 : i32
        %convert_element_type3A_260 = arith.extui %ge3A_259 : i1 to i32
        %cond3A_261 = arith.constant 0 : i32
        %cond3A_262 = arith.cmpi ne, %convert_element_type3A_260, %cond3A_261 : i32
        scf.if %cond3A_262 {
          %sub3A = arith.constant 2 : i32
          %sub3A_294 = arith.subi %add3A_245, %sub3A : i32
          %dma_wait3A_295 = arith.constant 0 : i32
          %dma_wait3A_296 = tpu.memref_slice %arg8[%sub3A_294, %dma_wait3A_295] : memref<20x128xi32, #tpu.memory_space<vmem>> -> memref<1x128xi32, #tpu.memory_space<vmem>>
          %dma_wait3A_297 = tpu.memref_squeeze %dma_wait3A_296 : memref<1x128xi32, #tpu.memory_space<vmem>> -> memref<128xi32, #tpu.memory_space<vmem>>
          %dma_wait3A_298 = arith.constant 0 : i32
          %dma_wait3A_299 = arith.constant 0 : i32
          %dma_wait3A_300 = tpu.memref_slice %arg16[%dma_wait3A_298, %dma_wait3A_299] : memref<50048x32xf32, #tpu.memory_space<vmem_shared>> -> memref<50048x32xf32, #tpu.memory_space<vmem_shared>>
          tpu.wait_indirect_dma semaphore(%arg23 : memref<!tpu.dma_semaphore, #tpu.memory_space<semaphore_mem>>) src(%arg12 : memref<128x32xf32, #tpu.memory_space<vmem>>) dst(%dma_wait3A_300 : memref<50048x32xf32, #tpu.memory_space<vmem_shared>>)
        } else {
        }
        %lt3A_263 = arith.constant 17 : i32
        %lt3A_264 = arith.cmpi slt, %add3A_245, %lt3A_263 : i32
        %convert_element_type3A_265 = arith.extui %lt3A_264 : i1 to i32
        %cond3A_266 = arith.constant 0 : i32
        %cond3A_267 = arith.cmpi ne, %convert_element_type3A_265, %cond3A_266 : i32
        scf.if %cond3A_267 {
          %add3A_294 = arith.constant 3 : i32
          %add3A_295 = arith.addi %add3A_245, %add3A_294 : i32
          %dma_start3A_296 = arith.constant 0 : i32
          %dma_start3A_297 = tpu.memref_slice %arg7[%add3A_295, %dma_start3A_296] : memref<20x128xi32, #tpu.memory_space<vmem>> -> memref<1x128xi32, #tpu.memory_space<vmem>>
          %dma_start3A_298 = tpu.memref_squeeze %dma_start3A_297 : memref<1x128xi32, #tpu.memory_space<vmem>> -> memref<128xi32, #tpu.memory_space<vmem>>
          %dma_start3A_299 = arith.constant 0 : i32
          %dma_start3A_300 = arith.constant 0 : i32
          %dma_start3A_301 = tpu.memref_slice %arg2[%dma_start3A_299, %dma_start3A_300] : memref<100000x32xf32, #tpu.memory_space<hbm>> -> memref<100000x32xf32, #tpu.memory_space<hbm>>
          tpu.enqueue_indirect_dma source(%dma_start3A_301 : memref<100000x32xf32, #tpu.memory_space<hbm>>) target(%arg12 : memref<128x32xf32, #tpu.memory_space<vmem>>) offsets(%dma_start3A_298 : memref<128xi32, #tpu.memory_space<vmem>>) semaphore(%arg18 : memref<!tpu.dma_semaphore, #tpu.memory_space<semaphore_mem>>)
        } else {
        }
        %mul3A_268 = arith.constant 5 : i32
        %mul3A_269 = arith.muli %mul3A_268, %scan3A_164 : i32
        %add3A_270 = arith.constant 4 : i32
        %add3A_271 = arith.addi %mul3A_269, %add3A_270 : i32
        %dma_wait3A_272 = arith.constant 0 : i32
        %dma_wait3A_273 = tpu.memref_slice %arg7[%add3A_271, %dma_wait3A_272] : memref<20x128xi32, #tpu.memory_space<vmem>> -> memref<1x128xi32, #tpu.memory_space<vmem>>
        %dma_wait3A_274 = tpu.memref_squeeze %dma_wait3A_273 : memref<1x128xi32, #tpu.memory_space<vmem>> -> memref<128xi32, #tpu.memory_space<vmem>>
        %dma_wait3A_275 = arith.constant 0 : i32
        %dma_wait3A_276 = arith.constant 0 : i32
        %dma_wait3A_277 = tpu.memref_slice %arg2[%dma_wait3A_275, %dma_wait3A_276] : memref<100000x32xf32, #tpu.memory_space<hbm>> -> memref<100000x32xf32, #tpu.memory_space<hbm>>
        tpu.wait_indirect_dma semaphore(%arg21 : memref<!tpu.dma_semaphore, #tpu.memory_space<semaphore_mem>>) src(%dma_wait3A_277 : memref<100000x32xf32, #tpu.memory_space<hbm>>) dst(%arg15 : memref<128x32xf32, #tpu.memory_space<vmem>>)
        %dma_start3A_278 = arith.constant 0 : i32
        %dma_start3A_279 = tpu.memref_slice %arg8[%add3A_271, %dma_start3A_278] : memref<20x128xi32, #tpu.memory_space<vmem>> -> memref<1x128xi32, #tpu.memory_space<vmem>>
        %dma_start3A_280 = tpu.memref_squeeze %dma_start3A_279 : memref<1x128xi32, #tpu.memory_space<vmem>> -> memref<128xi32, #tpu.memory_space<vmem>>
        %dma_start3A_281 = arith.constant 0 : i32
        %dma_start3A_282 = arith.constant 0 : i32
        %dma_start3A_283 = tpu.memref_slice %arg16[%dma_start3A_281, %dma_start3A_282] : memref<50048x32xf32, #tpu.memory_space<vmem_shared>> -> memref<50048x32xf32, #tpu.memory_space<vmem_shared>>
        tpu.enqueue_indirect_dma source(%arg15 : memref<128x32xf32, #tpu.memory_space<vmem>>) target(%dma_start3A_283 : memref<50048x32xf32, #tpu.memory_space<vmem_shared>>) offsets(%dma_start3A_280 : memref<128xi32, #tpu.memory_space<vmem>>) semaphore(%arg26 : memref<!tpu.dma_semaphore, #tpu.memory_space<semaphore_mem>>) {add = true}
        %ge3A_284 = arith.constant 2 : i32
        %ge3A_285 = arith.cmpi sge, %add3A_271, %ge3A_284 : i32
        %convert_element_type3A_286 = arith.extui %ge3A_285 : i1 to i32
        %cond3A_287 = arith.constant 0 : i32
        %cond3A_288 = arith.cmpi ne, %convert_element_type3A_286, %cond3A_287 : i32
        scf.if %cond3A_288 {
          %sub3A = arith.constant 2 : i32
          %sub3A_294 = arith.subi %add3A_271, %sub3A : i32
          %dma_wait3A_295 = arith.constant 0 : i32
          %dma_wait3A_296 = tpu.memref_slice %arg8[%sub3A_294, %dma_wait3A_295] : memref<20x128xi32, #tpu.memory_space<vmem>> -> memref<1x128xi32, #tpu.memory_space<vmem>>
          %dma_wait3A_297 = tpu.memref_squeeze %dma_wait3A_296 : memref<1x128xi32, #tpu.memory_space<vmem>> -> memref<128xi32, #tpu.memory_space<vmem>>
          %dma_wait3A_298 = arith.constant 0 : i32
          %dma_wait3A_299 = arith.constant 0 : i32
          %dma_wait3A_300 = tpu.memref_slice %arg16[%dma_wait3A_298, %dma_wait3A_299] : memref<50048x32xf32, #tpu.memory_space<vmem_shared>> -> memref<50048x32xf32, #tpu.memory_space<vmem_shared>>
          tpu.wait_indirect_dma semaphore(%arg24 : memref<!tpu.dma_semaphore, #tpu.memory_space<semaphore_mem>>) src(%arg13 : memref<128x32xf32, #tpu.memory_space<vmem>>) dst(%dma_wait3A_300 : memref<50048x32xf32, #tpu.memory_space<vmem_shared>>)
        } else {
        }
        %lt3A_289 = arith.constant 17 : i32
        %lt3A_290 = arith.cmpi slt, %add3A_271, %lt3A_289 : i32
        %convert_element_type3A_291 = arith.extui %lt3A_290 : i1 to i32
        %cond3A_292 = arith.constant 0 : i32
        %cond3A_293 = arith.cmpi ne, %convert_element_type3A_291, %cond3A_292 : i32
        scf.if %cond3A_293 {
          %add3A_294 = arith.constant 3 : i32
          %add3A_295 = arith.addi %add3A_271, %add3A_294 : i32
          %dma_start3A_296 = arith.constant 0 : i32
          %dma_start3A_297 = tpu.memref_slice %arg7[%add3A_295, %dma_start3A_296] : memref<20x128xi32, #tpu.memory_space<vmem>> -> memref<1x128xi32, #tpu.memory_space<vmem>>
          %dma_start3A_298 = tpu.memref_squeeze %dma_start3A_297 : memref<1x128xi32, #tpu.memory_space<vmem>> -> memref<128xi32, #tpu.memory_space<vmem>>
          %dma_start3A_299 = arith.constant 0 : i32
          %dma_start3A_300 = arith.constant 0 : i32
          %dma_start3A_301 = tpu.memref_slice %arg2[%dma_start3A_299, %dma_start3A_300] : memref<100000x32xf32, #tpu.memory_space<hbm>> -> memref<100000x32xf32, #tpu.memory_space<hbm>>
          tpu.enqueue_indirect_dma source(%dma_start3A_301 : memref<100000x32xf32, #tpu.memory_space<hbm>>) target(%arg13 : memref<128x32xf32, #tpu.memory_space<vmem>>) offsets(%dma_start3A_298 : memref<128xi32, #tpu.memory_space<vmem>>) semaphore(%arg19 : memref<!tpu.dma_semaphore, #tpu.memory_space<semaphore_mem>>)
        } else {
        }
      }
      %scan3A_83 = arith.constant 4 : i32
      %dma_wait3A_84 = arith.constant 18 : i32
      %dma_wait3A_85 = arith.constant 0 : i32
      %dma_wait3A_86 = tpu.memref_slice %arg8[%dma_wait3A_84, %dma_wait3A_85] : memref<20x128xi32, #tpu.memory_space<vmem>> -> memref<1x128xi32, #tpu.memory_space<vmem>>
      %dma_wait3A_87 = tpu.memref_squeeze %dma_wait3A_86 : memref<1x128xi32, #tpu.memory_space<vmem>> -> memref<128xi32, #tpu.memory_space<vmem>>
      %dma_wait3A_88 = arith.constant 0 : i32
      %dma_wait3A_89 = arith.constant 0 : i32
      %dma_wait3A_90 = tpu.memref_slice %arg16[%dma_wait3A_88, %dma_wait3A_89] : memref<50048x32xf32, #tpu.memory_space<vmem_shared>> -> memref<50048x32xf32, #tpu.memory_space<vmem_shared>>
      tpu.wait_indirect_dma semaphore(%arg25 : memref<!tpu.dma_semaphore, #tpu.memory_space<semaphore_mem>>) src(%arg14 : memref<128x32xf32, #tpu.memory_space<vmem>>) dst(%dma_wait3A_90 : memref<50048x32xf32, #tpu.memory_space<vmem_shared>>)
      %dma_wait3A_91 = arith.constant 19 : i32
      %dma_wait3A_92 = arith.constant 0 : i32
      %dma_wait3A_93 = tpu.memref_slice %arg8[%dma_wait3A_91, %dma_wait3A_92] : memref<20x128xi32, #tpu.memory_space<vmem>> -> memref<1x128xi32, #tpu.memory_space<vmem>>
      %dma_wait3A_94 = tpu.memref_squeeze %dma_wait3A_93 : memref<1x128xi32, #tpu.memory_space<vmem>> -> memref<128xi32, #tpu.memory_space<vmem>>
      %dma_wait3A_95 = arith.constant 0 : i32
      %dma_wait3A_96 = arith.constant 0 : i32
      %dma_wait3A_97 = tpu.memref_slice %arg16[%dma_wait3A_95, %dma_wait3A_96] : memref<50048x32xf32, #tpu.memory_space<vmem_shared>> -> memref<50048x32xf32, #tpu.memory_space<vmem_shared>>
      tpu.wait_indirect_dma semaphore(%arg26 : memref<!tpu.dma_semaphore, #tpu.memory_space<semaphore_mem>>) src(%arg15 : memref<128x32xf32, #tpu.memory_space<vmem>>) dst(%dma_wait3A_97 : memref<50048x32xf32, #tpu.memory_space<vmem_shared>>)
      %add3A_98 = arith.constant 1 : i32
      %add3A_99 = arith.addi %mul3A_32, %add3A_98 : i32
      %lt3A_100 = arith.constant 9 : i32
      %lt3A_101 = arith.cmpi slt, %scan3A_30, %lt3A_100 : i32
      %add3A_102 = arith.constant 2 : i32
      %add3A_103 = arith.addi %mul3A_32, %add3A_102 : i32
      %convert_element_type3A_104 = arith.extui %lt3A_101 : i1 to i32
      %cond3A_105 = arith.constant 0 : i32
      %cond3A_106 = arith.cmpi ne, %convert_element_type3A_104, %cond3A_105 : i32
      scf.if %cond3A_106 {
        %mul3A_164 = arith.constant 20 : i32
        %mul3A_165 = arith.muli %add3A_103, %mul3A_164 : i32
        %dma_start3A_166 = arith.constant 0 : i32
        %dma_start3A_167 = tpu.memref_slice %arg3[%add3A, %mul3A_165, %dma_start3A_166] : memref<32x400x128xi32, #tpu.memory_space<hbm>> -> memref<1x20x128xi32, #tpu.memory_space<hbm>>
        %dma_start3A_168 = tpu.memref_squeeze %dma_start3A_167 : memref<1x20x128xi32, #tpu.memory_space<hbm>> -> memref<20x128xi32, #tpu.memory_space<hbm>>
        %dma_start3A_169 = arith.constant 0 : i32
        %dma_start3A_170 = tpu.memref_slice %arg3[%add3A, %mul3A_165, %dma_start3A_169] : memref<32x400x128xi32, #tpu.memory_space<hbm>> -> memref<1x20x128xi32, #tpu.memory_space<hbm>>
        %dma_start3A_171 = tpu.memref_squeeze %dma_start3A_170 : memref<1x20x128xi32, #tpu.memory_space<hbm>> -> memref<20x128xi32, #tpu.memory_space<hbm>>
        tpu.enqueue_dma source(%dma_start3A_171 : memref<20x128xi32, #tpu.memory_space<hbm>>) target(%arg7 : memref<20x128xi32, #tpu.memory_space<vmem>>) target_semaphore(%arg27 : memref<!tpu.dma_semaphore, #tpu.memory_space<semaphore_mem>>)
        %mul3A_172 = arith.constant 20 : i32
        %mul3A_173 = arith.muli %add3A_103, %mul3A_172 : i32
        %dma_start3A_174 = arith.constant 0 : i32
        %dma_start3A_175 = tpu.memref_slice %arg4[%add3A, %mul3A_173, %dma_start3A_174] : memref<32x400x128xi32, #tpu.memory_space<hbm>> -> memref<1x20x128xi32, #tpu.memory_space<hbm>>
        %dma_start3A_176 = tpu.memref_squeeze %dma_start3A_175 : memref<1x20x128xi32, #tpu.memory_space<hbm>> -> memref<20x128xi32, #tpu.memory_space<hbm>>
        %dma_start3A_177 = arith.constant 0 : i32
        %dma_start3A_178 = tpu.memref_slice %arg4[%add3A, %mul3A_173, %dma_start3A_177] : memref<32x400x128xi32, #tpu.memory_space<hbm>> -> memref<1x20x128xi32, #tpu.memory_space<hbm>>
        %dma_start3A_179 = tpu.memref_squeeze %dma_start3A_178 : memref<1x20x128xi32, #tpu.memory_space<hbm>> -> memref<20x128xi32, #tpu.memory_space<hbm>>
        tpu.enqueue_dma source(%dma_start3A_179 : memref<20x128xi32, #tpu.memory_space<hbm>>) target(%arg8 : memref<20x128xi32, #tpu.memory_space<vmem>>) target_semaphore(%arg27 : memref<!tpu.dma_semaphore, #tpu.memory_space<semaphore_mem>>)
      } else {
      }
      %mul3A_107 = arith.constant 20 : i32
      %mul3A_108 = arith.muli %add3A_99, %mul3A_107 : i32
      %dma_wait3A_109 = arith.constant 0 : i32
      %dma_wait3A_110 = tpu.memref_slice %arg3[%add3A, %mul3A_108, %dma_wait3A_109] : memref<32x400x128xi32, #tpu.memory_space<hbm>> -> memref<1x20x128xi32, #tpu.memory_space<hbm>>
      %dma_wait3A_111 = tpu.memref_squeeze %dma_wait3A_110 : memref<1x20x128xi32, #tpu.memory_space<hbm>> -> memref<20x128xi32, #tpu.memory_space<hbm>>
      %dma_wait3A_112 = arith.constant 0 : i32
      %dma_wait3A_113 = tpu.memref_slice %arg3[%add3A, %mul3A_108, %dma_wait3A_112] : memref<32x400x128xi32, #tpu.memory_space<hbm>> -> memref<1x20x128xi32, #tpu.memory_space<hbm>>
      %dma_wait3A_114 = tpu.memref_squeeze %dma_wait3A_113 : memref<1x20x128xi32, #tpu.memory_space<hbm>> -> memref<20x128xi32, #tpu.memory_space<hbm>>
      tpu.wait_dma2 semaphore(%arg28 : memref<!tpu.dma_semaphore, #tpu.memory_space<semaphore_mem>>) src(%dma_wait3A_114 : memref<20x128xi32, #tpu.memory_space<hbm>>) dst(%arg9 : memref<20x128xi32, #tpu.memory_space<vmem>>)
      %mul3A_115 = arith.constant 20 : i32
      %mul3A_116 = arith.muli %add3A_99, %mul3A_115 : i32
      %dma_wait3A_117 = arith.constant 0 : i32
      %dma_wait3A_118 = tpu.memref_slice %arg4[%add3A, %mul3A_116, %dma_wait3A_117] : memref<32x400x128xi32, #tpu.memory_space<hbm>> -> memref<1x20x128xi32, #tpu.memory_space<hbm>>
      %dma_wait3A_119 = tpu.memref_squeeze %dma_wait3A_118 : memref<1x20x128xi32, #tpu.memory_space<hbm>> -> memref<20x128xi32, #tpu.memory_space<hbm>>
      %dma_wait3A_120 = arith.constant 0 : i32
      %dma_wait3A_121 = tpu.memref_slice %arg4[%add3A, %mul3A_116, %dma_wait3A_120] : memref<32x400x128xi32, #tpu.memory_space<hbm>> -> memref<1x20x128xi32, #tpu.memory_space<hbm>>
      %dma_wait3A_122 = tpu.memref_squeeze %dma_wait3A_121 : memref<1x20x128xi32, #tpu.memory_space<hbm>> -> memref<20x128xi32, #tpu.memory_space<hbm>>
      tpu.wait_dma2 semaphore(%arg28 : memref<!tpu.dma_semaphore, #tpu.memory_space<semaphore_mem>>) src(%dma_wait3A_122 : memref<20x128xi32, #tpu.memory_space<hbm>>) dst(%arg10 : memref<20x128xi32, #tpu.memory_space<vmem>>)
      %dma_start3A_123 = arith.constant 0 : i32
      %dma_start3A_124 = arith.constant 0 : i32
      %dma_start3A_125 = tpu.memref_slice %arg9[%dma_start3A_123, %dma_start3A_124] : memref<20x128xi32, #tpu.memory_space<vmem>> -> memref<1x128xi32, #tpu.memory_space<vmem>>
      %dma_start3A_126 = tpu.memref_squeeze %dma_start3A_125 : memref<1x128xi32, #tpu.memory_space<vmem>> -> memref<128xi32, #tpu.memory_space<vmem>>
      %dma_start3A_127 = arith.constant 0 : i32
      %dma_start3A_128 = arith.constant 0 : i32
      %dma_start3A_129 = tpu.memref_slice %arg2[%dma_start3A_127, %dma_start3A_128] : memref<100000x32xf32, #tpu.memory_space<hbm>> -> memref<100000x32xf32, #tpu.memory_space<hbm>>
      tpu.enqueue_indirect_dma source(%dma_start3A_129 : memref<100000x32xf32, #tpu.memory_space<hbm>>) target(%arg11 : memref<128x32xf32, #tpu.memory_space<vmem>>) offsets(%dma_start3A_126 : memref<128xi32, #tpu.memory_space<vmem>>) semaphore(%arg17 : memref<!tpu.dma_semaphore, #tpu.memory_space<semaphore_mem>>)
      %dma_start3A_130 = arith.constant 1 : i32
      %dma_start3A_131 = arith.constant 0 : i32
      %dma_start3A_132 = tpu.memref_slice %arg9[%dma_start3A_130, %dma_start3A_131] : memref<20x128xi32, #tpu.memory_space<vmem>> -> memref<1x128xi32, #tpu.memory_space<vmem>>
      %dma_start3A_133 = tpu.memref_squeeze %dma_start3A_132 : memref<1x128xi32, #tpu.memory_space<vmem>> -> memref<128xi32, #tpu.memory_space<vmem>>
      %dma_start3A_134 = arith.constant 0 : i32
      %dma_start3A_135 = arith.constant 0 : i32
      %dma_start3A_136 = tpu.memref_slice %arg2[%dma_start3A_134, %dma_start3A_135] : memref<100000x32xf32, #tpu.memory_space<hbm>> -> memref<100000x32xf32, #tpu.memory_space<hbm>>
      tpu.enqueue_indirect_dma source(%dma_start3A_136 : memref<100000x32xf32, #tpu.memory_space<hbm>>) target(%arg12 : memref<128x32xf32, #tpu.memory_space<vmem>>) offsets(%dma_start3A_133 : memref<128xi32, #tpu.memory_space<vmem>>) semaphore(%arg18 : memref<!tpu.dma_semaphore, #tpu.memory_space<semaphore_mem>>)
      %dma_start3A_137 = arith.constant 2 : i32
      %dma_start3A_138 = arith.constant 0 : i32
      %dma_start3A_139 = tpu.memref_slice %arg9[%dma_start3A_137, %dma_start3A_138] : memref<20x128xi32, #tpu.memory_space<vmem>> -> memref<1x128xi32, #tpu.memory_space<vmem>>
      %dma_start3A_140 = tpu.memref_squeeze %dma_start3A_139 : memref<1x128xi32, #tpu.memory_space<vmem>> -> memref<128xi32, #tpu.memory_space<vmem>>
      %dma_start3A_141 = arith.constant 0 : i32
      %dma_start3A_142 = arith.constant 0 : i32
      %dma_start3A_143 = tpu.memref_slice %arg2[%dma_start3A_141, %dma_start3A_142] : memref<100000x32xf32, #tpu.memory_space<hbm>> -> memref<100000x32xf32, #tpu.memory_space<hbm>>
      tpu.enqueue_indirect_dma source(%dma_start3A_143 : memref<100000x32xf32, #tpu.memory_space<hbm>>) target(%arg13 : memref<128x32xf32, #tpu.memory_space<vmem>>) offsets(%dma_start3A_140 : memref<128xi32, #tpu.memory_space<vmem>>) semaphore(%arg19 : memref<!tpu.dma_semaphore, #tpu.memory_space<semaphore_mem>>)
      %scan3A_144 = arith.constant 0 : i32
      %scan3A_145 = arith.constant 0 : i32
      %scan3A_146 = arith.constant 4 : i32
      %scan3A_147 = arith.addi %scan3A_145, %scan3A_146 : i32
      %scan3A_148 = arith.constant 1 : i32
      scf.for %scan3A_164 = %scan3A_145 to %scan3A_147 step %scan3A_148  : i32 {
        %mul3A_165 = arith.constant 5 : i32
        %mul3A_166 = arith.muli %mul3A_165, %scan3A_164 : i32
        %add3A_167 = arith.constant 0 : i32
        %add3A_168 = arith.addi %mul3A_166, %add3A_167 : i32
        %dma_wait3A_169 = arith.constant 0 : i32
        %dma_wait3A_170 = tpu.memref_slice %arg9[%add3A_168, %dma_wait3A_169] : memref<20x128xi32, #tpu.memory_space<vmem>> -> memref<1x128xi32, #tpu.memory_space<vmem>>
        %dma_wait3A_171 = tpu.memref_squeeze %dma_wait3A_170 : memref<1x128xi32, #tpu.memory_space<vmem>> -> memref<128xi32, #tpu.memory_space<vmem>>
        %dma_wait3A_172 = arith.constant 0 : i32
        %dma_wait3A_173 = arith.constant 0 : i32
        %dma_wait3A_174 = tpu.memref_slice %arg2[%dma_wait3A_172, %dma_wait3A_173] : memref<100000x32xf32, #tpu.memory_space<hbm>> -> memref<100000x32xf32, #tpu.memory_space<hbm>>
        tpu.wait_indirect_dma semaphore(%arg17 : memref<!tpu.dma_semaphore, #tpu.memory_space<semaphore_mem>>) src(%dma_wait3A_174 : memref<100000x32xf32, #tpu.memory_space<hbm>>) dst(%arg11 : memref<128x32xf32, #tpu.memory_space<vmem>>)
        %dma_start3A_175 = arith.constant 0 : i32
        %dma_start3A_176 = tpu.memref_slice %arg10[%add3A_168, %dma_start3A_175] : memref<20x128xi32, #tpu.memory_space<vmem>> -> memref<1x128xi32, #tpu.memory_space<vmem>>
        %dma_start3A_177 = tpu.memref_squeeze %dma_start3A_176 : memref<1x128xi32, #tpu.memory_space<vmem>> -> memref<128xi32, #tpu.memory_space<vmem>>
        %dma_start3A_178 = arith.constant 0 : i32
        %dma_start3A_179 = arith.constant 0 : i32
        %dma_start3A_180 = tpu.memref_slice %arg16[%dma_start3A_178, %dma_start3A_179] : memref<50048x32xf32, #tpu.memory_space<vmem_shared>> -> memref<50048x32xf32, #tpu.memory_space<vmem_shared>>
        tpu.enqueue_indirect_dma source(%arg11 : memref<128x32xf32, #tpu.memory_space<vmem>>) target(%dma_start3A_180 : memref<50048x32xf32, #tpu.memory_space<vmem_shared>>) offsets(%dma_start3A_177 : memref<128xi32, #tpu.memory_space<vmem>>) semaphore(%arg22 : memref<!tpu.dma_semaphore, #tpu.memory_space<semaphore_mem>>) {add = true}
        %ge3A = arith.constant 2 : i32
        %ge3A_181 = arith.cmpi sge, %add3A_168, %ge3A : i32
        %convert_element_type3A_182 = arith.extui %ge3A_181 : i1 to i32
        %cond3A_183 = arith.constant 0 : i32
        %cond3A_184 = arith.cmpi ne, %convert_element_type3A_182, %cond3A_183 : i32
        scf.if %cond3A_184 {
          %sub3A = arith.constant 2 : i32
          %sub3A_294 = arith.subi %add3A_168, %sub3A : i32
          %dma_wait3A_295 = arith.constant 0 : i32
          %dma_wait3A_296 = tpu.memref_slice %arg10[%sub3A_294, %dma_wait3A_295] : memref<20x128xi32, #tpu.memory_space<vmem>> -> memref<1x128xi32, #tpu.memory_space<vmem>>
          %dma_wait3A_297 = tpu.memref_squeeze %dma_wait3A_296 : memref<1x128xi32, #tpu.memory_space<vmem>> -> memref<128xi32, #tpu.memory_space<vmem>>
          %dma_wait3A_298 = arith.constant 0 : i32
          %dma_wait3A_299 = arith.constant 0 : i32
          %dma_wait3A_300 = tpu.memref_slice %arg16[%dma_wait3A_298, %dma_wait3A_299] : memref<50048x32xf32, #tpu.memory_space<vmem_shared>> -> memref<50048x32xf32, #tpu.memory_space<vmem_shared>>
          tpu.wait_indirect_dma semaphore(%arg25 : memref<!tpu.dma_semaphore, #tpu.memory_space<semaphore_mem>>) src(%arg14 : memref<128x32xf32, #tpu.memory_space<vmem>>) dst(%dma_wait3A_300 : memref<50048x32xf32, #tpu.memory_space<vmem_shared>>)
        } else {
        }
        %lt3A_185 = arith.constant 17 : i32
        %lt3A_186 = arith.cmpi slt, %add3A_168, %lt3A_185 : i32
        %convert_element_type3A_187 = arith.extui %lt3A_186 : i1 to i32
        %cond3A_188 = arith.constant 0 : i32
        %cond3A_189 = arith.cmpi ne, %convert_element_type3A_187, %cond3A_188 : i32
        scf.if %cond3A_189 {
          %add3A_294 = arith.constant 3 : i32
          %add3A_295 = arith.addi %add3A_168, %add3A_294 : i32
          %dma_start3A_296 = arith.constant 0 : i32
          %dma_start3A_297 = tpu.memref_slice %arg9[%add3A_295, %dma_start3A_296] : memref<20x128xi32, #tpu.memory_space<vmem>> -> memref<1x128xi32, #tpu.memory_space<vmem>>
          %dma_start3A_298 = tpu.memref_squeeze %dma_start3A_297 : memref<1x128xi32, #tpu.memory_space<vmem>> -> memref<128xi32, #tpu.memory_space<vmem>>
          %dma_start3A_299 = arith.constant 0 : i32
          %dma_start3A_300 = arith.constant 0 : i32
          %dma_start3A_301 = tpu.memref_slice %arg2[%dma_start3A_299, %dma_start3A_300] : memref<100000x32xf32, #tpu.memory_space<hbm>> -> memref<100000x32xf32, #tpu.memory_space<hbm>>
          tpu.enqueue_indirect_dma source(%dma_start3A_301 : memref<100000x32xf32, #tpu.memory_space<hbm>>) target(%arg14 : memref<128x32xf32, #tpu.memory_space<vmem>>) offsets(%dma_start3A_298 : memref<128xi32, #tpu.memory_space<vmem>>) semaphore(%arg20 : memref<!tpu.dma_semaphore, #tpu.memory_space<semaphore_mem>>)
        } else {
        }
        %mul3A_190 = arith.constant 5 : i32
        %mul3A_191 = arith.muli %mul3A_190, %scan3A_164 : i32
        %add3A_192 = arith.constant 1 : i32
        %add3A_193 = arith.addi %mul3A_191, %add3A_192 : i32
        %dma_wait3A_194 = arith.constant 0 : i32
        %dma_wait3A_195 = tpu.memref_slice %arg9[%add3A_193, %dma_wait3A_194] : memref<20x128xi32, #tpu.memory_space<vmem>> -> memref<1x128xi32, #tpu.memory_space<vmem>>
        %dma_wait3A_196 = tpu.memref_squeeze %dma_wait3A_195 : memref<1x128xi32, #tpu.memory_space<vmem>> -> memref<128xi32, #tpu.memory_space<vmem>>
        %dma_wait3A_197 = arith.constant 0 : i32
        %dma_wait3A_198 = arith.constant 0 : i32
        %dma_wait3A_199 = tpu.memref_slice %arg2[%dma_wait3A_197, %dma_wait3A_198] : memref<100000x32xf32, #tpu.memory_space<hbm>> -> memref<100000x32xf32, #tpu.memory_space<hbm>>
        tpu.wait_indirect_dma semaphore(%arg18 : memref<!tpu.dma_semaphore, #tpu.memory_space<semaphore_mem>>) src(%dma_wait3A_199 : memref<100000x32xf32, #tpu.memory_space<hbm>>) dst(%arg12 : memref<128x32xf32, #tpu.memory_space<vmem>>)
        %dma_start3A_200 = arith.constant 0 : i32
        %dma_start3A_201 = tpu.memref_slice %arg10[%add3A_193, %dma_start3A_200] : memref<20x128xi32, #tpu.memory_space<vmem>> -> memref<1x128xi32, #tpu.memory_space<vmem>>
        %dma_start3A_202 = tpu.memref_squeeze %dma_start3A_201 : memref<1x128xi32, #tpu.memory_space<vmem>> -> memref<128xi32, #tpu.memory_space<vmem>>
        %dma_start3A_203 = arith.constant 0 : i32
        %dma_start3A_204 = arith.constant 0 : i32
        %dma_start3A_205 = tpu.memref_slice %arg16[%dma_start3A_203, %dma_start3A_204] : memref<50048x32xf32, #tpu.memory_space<vmem_shared>> -> memref<50048x32xf32, #tpu.memory_space<vmem_shared>>
        tpu.enqueue_indirect_dma source(%arg12 : memref<128x32xf32, #tpu.memory_space<vmem>>) target(%dma_start3A_205 : memref<50048x32xf32, #tpu.memory_space<vmem_shared>>) offsets(%dma_start3A_202 : memref<128xi32, #tpu.memory_space<vmem>>) semaphore(%arg23 : memref<!tpu.dma_semaphore, #tpu.memory_space<semaphore_mem>>) {add = true}
        %ge3A_206 = arith.constant 2 : i32
        %ge3A_207 = arith.cmpi sge, %add3A_193, %ge3A_206 : i32
        %convert_element_type3A_208 = arith.extui %ge3A_207 : i1 to i32
        %cond3A_209 = arith.constant 0 : i32
        %cond3A_210 = arith.cmpi ne, %convert_element_type3A_208, %cond3A_209 : i32
        scf.if %cond3A_210 {
          %sub3A = arith.constant 2 : i32
          %sub3A_294 = arith.subi %add3A_193, %sub3A : i32
          %dma_wait3A_295 = arith.constant 0 : i32
          %dma_wait3A_296 = tpu.memref_slice %arg10[%sub3A_294, %dma_wait3A_295] : memref<20x128xi32, #tpu.memory_space<vmem>> -> memref<1x128xi32, #tpu.memory_space<vmem>>
          %dma_wait3A_297 = tpu.memref_squeeze %dma_wait3A_296 : memref<1x128xi32, #tpu.memory_space<vmem>> -> memref<128xi32, #tpu.memory_space<vmem>>
          %dma_wait3A_298 = arith.constant 0 : i32
          %dma_wait3A_299 = arith.constant 0 : i32
          %dma_wait3A_300 = tpu.memref_slice %arg16[%dma_wait3A_298, %dma_wait3A_299] : memref<50048x32xf32, #tpu.memory_space<vmem_shared>> -> memref<50048x32xf32, #tpu.memory_space<vmem_shared>>
          tpu.wait_indirect_dma semaphore(%arg26 : memref<!tpu.dma_semaphore, #tpu.memory_space<semaphore_mem>>) src(%arg15 : memref<128x32xf32, #tpu.memory_space<vmem>>) dst(%dma_wait3A_300 : memref<50048x32xf32, #tpu.memory_space<vmem_shared>>)
        } else {
        }
        %lt3A_211 = arith.constant 17 : i32
        %lt3A_212 = arith.cmpi slt, %add3A_193, %lt3A_211 : i32
        %convert_element_type3A_213 = arith.extui %lt3A_212 : i1 to i32
        %cond3A_214 = arith.constant 0 : i32
        %cond3A_215 = arith.cmpi ne, %convert_element_type3A_213, %cond3A_214 : i32
        scf.if %cond3A_215 {
          %add3A_294 = arith.constant 3 : i32
          %add3A_295 = arith.addi %add3A_193, %add3A_294 : i32
          %dma_start3A_296 = arith.constant 0 : i32
          %dma_start3A_297 = tpu.memref_slice %arg9[%add3A_295, %dma_start3A_296] : memref<20x128xi32, #tpu.memory_space<vmem>> -> memref<1x128xi32, #tpu.memory_space<vmem>>
          %dma_start3A_298 = tpu.memref_squeeze %dma_start3A_297 : memref<1x128xi32, #tpu.memory_space<vmem>> -> memref<128xi32, #tpu.memory_space<vmem>>
          %dma_start3A_299 = arith.constant 0 : i32
          %dma_start3A_300 = arith.constant 0 : i32
          %dma_start3A_301 = tpu.memref_slice %arg2[%dma_start3A_299, %dma_start3A_300] : memref<100000x32xf32, #tpu.memory_space<hbm>> -> memref<100000x32xf32, #tpu.memory_space<hbm>>
          tpu.enqueue_indirect_dma source(%dma_start3A_301 : memref<100000x32xf32, #tpu.memory_space<hbm>>) target(%arg15 : memref<128x32xf32, #tpu.memory_space<vmem>>) offsets(%dma_start3A_298 : memref<128xi32, #tpu.memory_space<vmem>>) semaphore(%arg21 : memref<!tpu.dma_semaphore, #tpu.memory_space<semaphore_mem>>)
        } else {
        }
        %mul3A_216 = arith.constant 5 : i32
        %mul3A_217 = arith.muli %mul3A_216, %scan3A_164 : i32
        %add3A_218 = arith.constant 2 : i32
        %add3A_219 = arith.addi %mul3A_217, %add3A_218 : i32
        %dma_wait3A_220 = arith.constant 0 : i32
        %dma_wait3A_221 = tpu.memref_slice %arg9[%add3A_219, %dma_wait3A_220] : memref<20x128xi32, #tpu.memory_space<vmem>> -> memref<1x128xi32, #tpu.memory_space<vmem>>
        %dma_wait3A_222 = tpu.memref_squeeze %dma_wait3A_221 : memref<1x128xi32, #tpu.memory_space<vmem>> -> memref<128xi32, #tpu.memory_space<vmem>>
        %dma_wait3A_223 = arith.constant 0 : i32
        %dma_wait3A_224 = arith.constant 0 : i32
        %dma_wait3A_225 = tpu.memref_slice %arg2[%dma_wait3A_223, %dma_wait3A_224] : memref<100000x32xf32, #tpu.memory_space<hbm>> -> memref<100000x32xf32, #tpu.memory_space<hbm>>
        tpu.wait_indirect_dma semaphore(%arg19 : memref<!tpu.dma_semaphore, #tpu.memory_space<semaphore_mem>>) src(%dma_wait3A_225 : memref<100000x32xf32, #tpu.memory_space<hbm>>) dst(%arg13 : memref<128x32xf32, #tpu.memory_space<vmem>>)
        %dma_start3A_226 = arith.constant 0 : i32
        %dma_start3A_227 = tpu.memref_slice %arg10[%add3A_219, %dma_start3A_226] : memref<20x128xi32, #tpu.memory_space<vmem>> -> memref<1x128xi32, #tpu.memory_space<vmem>>
        %dma_start3A_228 = tpu.memref_squeeze %dma_start3A_227 : memref<1x128xi32, #tpu.memory_space<vmem>> -> memref<128xi32, #tpu.memory_space<vmem>>
        %dma_start3A_229 = arith.constant 0 : i32
        %dma_start3A_230 = arith.constant 0 : i32
        %dma_start3A_231 = tpu.memref_slice %arg16[%dma_start3A_229, %dma_start3A_230] : memref<50048x32xf32, #tpu.memory_space<vmem_shared>> -> memref<50048x32xf32, #tpu.memory_space<vmem_shared>>
        tpu.enqueue_indirect_dma source(%arg13 : memref<128x32xf32, #tpu.memory_space<vmem>>) target(%dma_start3A_231 : memref<50048x32xf32, #tpu.memory_space<vmem_shared>>) offsets(%dma_start3A_228 : memref<128xi32, #tpu.memory_space<vmem>>) semaphore(%arg24 : memref<!tpu.dma_semaphore, #tpu.memory_space<semaphore_mem>>) {add = true}
        %ge3A_232 = arith.constant 2 : i32
        %ge3A_233 = arith.cmpi sge, %add3A_219, %ge3A_232 : i32
        %convert_element_type3A_234 = arith.extui %ge3A_233 : i1 to i32
        %cond3A_235 = arith.constant 0 : i32
        %cond3A_236 = arith.cmpi ne, %convert_element_type3A_234, %cond3A_235 : i32
        scf.if %cond3A_236 {
          %sub3A = arith.constant 2 : i32
          %sub3A_294 = arith.subi %add3A_219, %sub3A : i32
          %dma_wait3A_295 = arith.constant 0 : i32
          %dma_wait3A_296 = tpu.memref_slice %arg10[%sub3A_294, %dma_wait3A_295] : memref<20x128xi32, #tpu.memory_space<vmem>> -> memref<1x128xi32, #tpu.memory_space<vmem>>
          %dma_wait3A_297 = tpu.memref_squeeze %dma_wait3A_296 : memref<1x128xi32, #tpu.memory_space<vmem>> -> memref<128xi32, #tpu.memory_space<vmem>>
          %dma_wait3A_298 = arith.constant 0 : i32
          %dma_wait3A_299 = arith.constant 0 : i32
          %dma_wait3A_300 = tpu.memref_slice %arg16[%dma_wait3A_298, %dma_wait3A_299] : memref<50048x32xf32, #tpu.memory_space<vmem_shared>> -> memref<50048x32xf32, #tpu.memory_space<vmem_shared>>
          tpu.wait_indirect_dma semaphore(%arg22 : memref<!tpu.dma_semaphore, #tpu.memory_space<semaphore_mem>>) src(%arg11 : memref<128x32xf32, #tpu.memory_space<vmem>>) dst(%dma_wait3A_300 : memref<50048x32xf32, #tpu.memory_space<vmem_shared>>)
        } else {
        }
        %lt3A_237 = arith.constant 17 : i32
        %lt3A_238 = arith.cmpi slt, %add3A_219, %lt3A_237 : i32
        %convert_element_type3A_239 = arith.extui %lt3A_238 : i1 to i32
        %cond3A_240 = arith.constant 0 : i32
        %cond3A_241 = arith.cmpi ne, %convert_element_type3A_239, %cond3A_240 : i32
        scf.if %cond3A_241 {
          %add3A_294 = arith.constant 3 : i32
          %add3A_295 = arith.addi %add3A_219, %add3A_294 : i32
          %dma_start3A_296 = arith.constant 0 : i32
          %dma_start3A_297 = tpu.memref_slice %arg9[%add3A_295, %dma_start3A_296] : memref<20x128xi32, #tpu.memory_space<vmem>> -> memref<1x128xi32, #tpu.memory_space<vmem>>
          %dma_start3A_298 = tpu.memref_squeeze %dma_start3A_297 : memref<1x128xi32, #tpu.memory_space<vmem>> -> memref<128xi32, #tpu.memory_space<vmem>>
          %dma_start3A_299 = arith.constant 0 : i32
          %dma_start3A_300 = arith.constant 0 : i32
          %dma_start3A_301 = tpu.memref_slice %arg2[%dma_start3A_299, %dma_start3A_300] : memref<100000x32xf32, #tpu.memory_space<hbm>> -> memref<100000x32xf32, #tpu.memory_space<hbm>>
          tpu.enqueue_indirect_dma source(%dma_start3A_301 : memref<100000x32xf32, #tpu.memory_space<hbm>>) target(%arg11 : memref<128x32xf32, #tpu.memory_space<vmem>>) offsets(%dma_start3A_298 : memref<128xi32, #tpu.memory_space<vmem>>) semaphore(%arg17 : memref<!tpu.dma_semaphore, #tpu.memory_space<semaphore_mem>>)
        } else {
        }
        %mul3A_242 = arith.constant 5 : i32
        %mul3A_243 = arith.muli %mul3A_242, %scan3A_164 : i32
        %add3A_244 = arith.constant 3 : i32
        %add3A_245 = arith.addi %mul3A_243, %add3A_244 : i32
        %dma_wait3A_246 = arith.constant 0 : i32
        %dma_wait3A_247 = tpu.memref_slice %arg9[%add3A_245, %dma_wait3A_246] : memref<20x128xi32, #tpu.memory_space<vmem>> -> memref<1x128xi32, #tpu.memory_space<vmem>>
        %dma_wait3A_248 = tpu.memref_squeeze %dma_wait3A_247 : memref<1x128xi32, #tpu.memory_space<vmem>> -> memref<128xi32, #tpu.memory_space<vmem>>
        %dma_wait3A_249 = arith.constant 0 : i32
        %dma_wait3A_250 = arith.constant 0 : i32
        %dma_wait3A_251 = tpu.memref_slice %arg2[%dma_wait3A_249, %dma_wait3A_250] : memref<100000x32xf32, #tpu.memory_space<hbm>> -> memref<100000x32xf32, #tpu.memory_space<hbm>>
        tpu.wait_indirect_dma semaphore(%arg20 : memref<!tpu.dma_semaphore, #tpu.memory_space<semaphore_mem>>) src(%dma_wait3A_251 : memref<100000x32xf32, #tpu.memory_space<hbm>>) dst(%arg14 : memref<128x32xf32, #tpu.memory_space<vmem>>)
        %dma_start3A_252 = arith.constant 0 : i32
        %dma_start3A_253 = tpu.memref_slice %arg10[%add3A_245, %dma_start3A_252] : memref<20x128xi32, #tpu.memory_space<vmem>> -> memref<1x128xi32, #tpu.memory_space<vmem>>
        %dma_start3A_254 = tpu.memref_squeeze %dma_start3A_253 : memref<1x128xi32, #tpu.memory_space<vmem>> -> memref<128xi32, #tpu.memory_space<vmem>>
        %dma_start3A_255 = arith.constant 0 : i32
        %dma_start3A_256 = arith.constant 0 : i32
        %dma_start3A_257 = tpu.memref_slice %arg16[%dma_start3A_255, %dma_start3A_256] : memref<50048x32xf32, #tpu.memory_space<vmem_shared>> -> memref<50048x32xf32, #tpu.memory_space<vmem_shared>>
        tpu.enqueue_indirect_dma source(%arg14 : memref<128x32xf32, #tpu.memory_space<vmem>>) target(%dma_start3A_257 : memref<50048x32xf32, #tpu.memory_space<vmem_shared>>) offsets(%dma_start3A_254 : memref<128xi32, #tpu.memory_space<vmem>>) semaphore(%arg25 : memref<!tpu.dma_semaphore, #tpu.memory_space<semaphore_mem>>) {add = true}
        %ge3A_258 = arith.constant 2 : i32
        %ge3A_259 = arith.cmpi sge, %add3A_245, %ge3A_258 : i32
        %convert_element_type3A_260 = arith.extui %ge3A_259 : i1 to i32
        %cond3A_261 = arith.constant 0 : i32
        %cond3A_262 = arith.cmpi ne, %convert_element_type3A_260, %cond3A_261 : i32
        scf.if %cond3A_262 {
          %sub3A = arith.constant 2 : i32
          %sub3A_294 = arith.subi %add3A_245, %sub3A : i32
          %dma_wait3A_295 = arith.constant 0 : i32
          %dma_wait3A_296 = tpu.memref_slice %arg10[%sub3A_294, %dma_wait3A_295] : memref<20x128xi32, #tpu.memory_space<vmem>> -> memref<1x128xi32, #tpu.memory_space<vmem>>
          %dma_wait3A_297 = tpu.memref_squeeze %dma_wait3A_296 : memref<1x128xi32, #tpu.memory_space<vmem>> -> memref<128xi32, #tpu.memory_space<vmem>>
          %dma_wait3A_298 = arith.constant 0 : i32
          %dma_wait3A_299 = arith.constant 0 : i32
          %dma_wait3A_300 = tpu.memref_slice %arg16[%dma_wait3A_298, %dma_wait3A_299] : memref<50048x32xf32, #tpu.memory_space<vmem_shared>> -> memref<50048x32xf32, #tpu.memory_space<vmem_shared>>
          tpu.wait_indirect_dma semaphore(%arg23 : memref<!tpu.dma_semaphore, #tpu.memory_space<semaphore_mem>>) src(%arg12 : memref<128x32xf32, #tpu.memory_space<vmem>>) dst(%dma_wait3A_300 : memref<50048x32xf32, #tpu.memory_space<vmem_shared>>)
        } else {
        }
        %lt3A_263 = arith.constant 17 : i32
        %lt3A_264 = arith.cmpi slt, %add3A_245, %lt3A_263 : i32
        %convert_element_type3A_265 = arith.extui %lt3A_264 : i1 to i32
        %cond3A_266 = arith.constant 0 : i32
        %cond3A_267 = arith.cmpi ne, %convert_element_type3A_265, %cond3A_266 : i32
        scf.if %cond3A_267 {
          %add3A_294 = arith.constant 3 : i32
          %add3A_295 = arith.addi %add3A_245, %add3A_294 : i32
          %dma_start3A_296 = arith.constant 0 : i32
          %dma_start3A_297 = tpu.memref_slice %arg9[%add3A_295, %dma_start3A_296] : memref<20x128xi32, #tpu.memory_space<vmem>> -> memref<1x128xi32, #tpu.memory_space<vmem>>
          %dma_start3A_298 = tpu.memref_squeeze %dma_start3A_297 : memref<1x128xi32, #tpu.memory_space<vmem>> -> memref<128xi32, #tpu.memory_space<vmem>>
          %dma_start3A_299 = arith.constant 0 : i32
          %dma_start3A_300 = arith.constant 0 : i32
          %dma_start3A_301 = tpu.memref_slice %arg2[%dma_start3A_299, %dma_start3A_300] : memref<100000x32xf32, #tpu.memory_space<hbm>> -> memref<100000x32xf32, #tpu.memory_space<hbm>>
          tpu.enqueue_indirect_dma source(%dma_start3A_301 : memref<100000x32xf32, #tpu.memory_space<hbm>>) target(%arg12 : memref<128x32xf32, #tpu.memory_space<vmem>>) offsets(%dma_start3A_298 : memref<128xi32, #tpu.memory_space<vmem>>) semaphore(%arg18 : memref<!tpu.dma_semaphore, #tpu.memory_space<semaphore_mem>>)
        } else {
        }
        %mul3A_268 = arith.constant 5 : i32
        %mul3A_269 = arith.muli %mul3A_268, %scan3A_164 : i32
        %add3A_270 = arith.constant 4 : i32
        %add3A_271 = arith.addi %mul3A_269, %add3A_270 : i32
        %dma_wait3A_272 = arith.constant 0 : i32
        %dma_wait3A_273 = tpu.memref_slice %arg9[%add3A_271, %dma_wait3A_272] : memref<20x128xi32, #tpu.memory_space<vmem>> -> memref<1x128xi32, #tpu.memory_space<vmem>>
        %dma_wait3A_274 = tpu.memref_squeeze %dma_wait3A_273 : memref<1x128xi32, #tpu.memory_space<vmem>> -> memref<128xi32, #tpu.memory_space<vmem>>
        %dma_wait3A_275 = arith.constant 0 : i32
        %dma_wait3A_276 = arith.constant 0 : i32
        %dma_wait3A_277 = tpu.memref_slice %arg2[%dma_wait3A_275, %dma_wait3A_276] : memref<100000x32xf32, #tpu.memory_space<hbm>> -> memref<100000x32xf32, #tpu.memory_space<hbm>>
        tpu.wait_indirect_dma semaphore(%arg21 : memref<!tpu.dma_semaphore, #tpu.memory_space<semaphore_mem>>) src(%dma_wait3A_277 : memref<100000x32xf32, #tpu.memory_space<hbm>>) dst(%arg15 : memref<128x32xf32, #tpu.memory_space<vmem>>)
        %dma_start3A_278 = arith.constant 0 : i32
        %dma_start3A_279 = tpu.memref_slice %arg10[%add3A_271, %dma_start3A_278] : memref<20x128xi32, #tpu.memory_space<vmem>> -> memref<1x128xi32, #tpu.memory_space<vmem>>
        %dma_start3A_280 = tpu.memref_squeeze %dma_start3A_279 : memref<1x128xi32, #tpu.memory_space<vmem>> -> memref<128xi32, #tpu.memory_space<vmem>>
        %dma_start3A_281 = arith.constant 0 : i32
        %dma_start3A_282 = arith.constant 0 : i32
        %dma_start3A_283 = tpu.memref_slice %arg16[%dma_start3A_281, %dma_start3A_282] : memref<50048x32xf32, #tpu.memory_space<vmem_shared>> -> memref<50048x32xf32, #tpu.memory_space<vmem_shared>>
        tpu.enqueue_indirect_dma source(%arg15 : memref<128x32xf32, #tpu.memory_space<vmem>>) target(%dma_start3A_283 : memref<50048x32xf32, #tpu.memory_space<vmem_shared>>) offsets(%dma_start3A_280 : memref<128xi32, #tpu.memory_space<vmem>>) semaphore(%arg26 : memref<!tpu.dma_semaphore, #tpu.memory_space<semaphore_mem>>) {add = true}
        %ge3A_284 = arith.constant 2 : i32
        %ge3A_285 = arith.cmpi sge, %add3A_271, %ge3A_284 : i32
        %convert_element_type3A_286 = arith.extui %ge3A_285 : i1 to i32
        %cond3A_287 = arith.constant 0 : i32
        %cond3A_288 = arith.cmpi ne, %convert_element_type3A_286, %cond3A_287 : i32
        scf.if %cond3A_288 {
          %sub3A = arith.constant 2 : i32
          %sub3A_294 = arith.subi %add3A_271, %sub3A : i32
          %dma_wait3A_295 = arith.constant 0 : i32
          %dma_wait3A_296 = tpu.memref_slice %arg10[%sub3A_294, %dma_wait3A_295] : memref<20x128xi32, #tpu.memory_space<vmem>> -> memref<1x128xi32, #tpu.memory_space<vmem>>
          %dma_wait3A_297 = tpu.memref_squeeze %dma_wait3A_296 : memref<1x128xi32, #tpu.memory_space<vmem>> -> memref<128xi32, #tpu.memory_space<vmem>>
          %dma_wait3A_298 = arith.constant 0 : i32
          %dma_wait3A_299 = arith.constant 0 : i32
          %dma_wait3A_300 = tpu.memref_slice %arg16[%dma_wait3A_298, %dma_wait3A_299] : memref<50048x32xf32, #tpu.memory_space<vmem_shared>> -> memref<50048x32xf32, #tpu.memory_space<vmem_shared>>
          tpu.wait_indirect_dma semaphore(%arg24 : memref<!tpu.dma_semaphore, #tpu.memory_space<semaphore_mem>>) src(%arg13 : memref<128x32xf32, #tpu.memory_space<vmem>>) dst(%dma_wait3A_300 : memref<50048x32xf32, #tpu.memory_space<vmem_shared>>)
        } else {
        }
        %lt3A_289 = arith.constant 17 : i32
        %lt3A_290 = arith.cmpi slt, %add3A_271, %lt3A_289 : i32
        %convert_element_type3A_291 = arith.extui %lt3A_290 : i1 to i32
        %cond3A_292 = arith.constant 0 : i32
        %cond3A_293 = arith.cmpi ne, %convert_element_type3A_291, %cond3A_292 : i32
        scf.if %cond3A_293 {
          %add3A_294 = arith.constant 3 : i32
          %add3A_295 = arith.addi %add3A_271, %add3A_294 : i32
          %dma_start3A_296 = arith.constant 0 : i32
          %dma_start3A_297 = tpu.memref_slice %arg9[%add3A_295, %dma_start3A_296] : memref<20x128xi32, #tpu.memory_space<vmem>> -> memref<1x128xi32, #tpu.memory_space<vmem>>
          %dma_start3A_298 = tpu.memref_squeeze %dma_start3A_297 : memref<1x128xi32, #tpu.memory_space<vmem>> -> memref<128xi32, #tpu.memory_space<vmem>>
          %dma_start3A_299 = arith.constant 0 : i32
          %dma_start3A_300 = arith.constant 0 : i32
          %dma_start3A_301 = tpu.memref_slice %arg2[%dma_start3A_299, %dma_start3A_300] : memref<100000x32xf32, #tpu.memory_space<hbm>> -> memref<100000x32xf32, #tpu.memory_space<hbm>>
          tpu.enqueue_indirect_dma source(%dma_start3A_301 : memref<100000x32xf32, #tpu.memory_space<hbm>>) target(%arg13 : memref<128x32xf32, #tpu.memory_space<vmem>>) offsets(%dma_start3A_298 : memref<128xi32, #tpu.memory_space<vmem>>) semaphore(%arg19 : memref<!tpu.dma_semaphore, #tpu.memory_space<semaphore_mem>>)
        } else {
        }
      }
      %scan3A_149 = arith.constant 4 : i32
      %dma_wait3A_150 = arith.constant 18 : i32
      %dma_wait3A_151 = arith.constant 0 : i32
      %dma_wait3A_152 = tpu.memref_slice %arg10[%dma_wait3A_150, %dma_wait3A_151] : memref<20x128xi32, #tpu.memory_space<vmem>> -> memref<1x128xi32, #tpu.memory_space<vmem>>
      %dma_wait3A_153 = tpu.memref_squeeze %dma_wait3A_152 : memref<1x128xi32, #tpu.memory_space<vmem>> -> memref<128xi32, #tpu.memory_space<vmem>>
      %dma_wait3A_154 = arith.constant 0 : i32
      %dma_wait3A_155 = arith.constant 0 : i32
      %dma_wait3A_156 = tpu.memref_slice %arg16[%dma_wait3A_154, %dma_wait3A_155] : memref<50048x32xf32, #tpu.memory_space<vmem_shared>> -> memref<50048x32xf32, #tpu.memory_space<vmem_shared>>
      tpu.wait_indirect_dma semaphore(%arg25 : memref<!tpu.dma_semaphore, #tpu.memory_space<semaphore_mem>>) src(%arg14 : memref<128x32xf32, #tpu.memory_space<vmem>>) dst(%dma_wait3A_156 : memref<50048x32xf32, #tpu.memory_space<vmem_shared>>)
      %dma_wait3A_157 = arith.constant 19 : i32
      %dma_wait3A_158 = arith.constant 0 : i32
      %dma_wait3A_159 = tpu.memref_slice %arg10[%dma_wait3A_157, %dma_wait3A_158] : memref<20x128xi32, #tpu.memory_space<vmem>> -> memref<1x128xi32, #tpu.memory_space<vmem>>
      %dma_wait3A_160 = tpu.memref_squeeze %dma_wait3A_159 : memref<1x128xi32, #tpu.memory_space<vmem>> -> memref<128xi32, #tpu.memory_space<vmem>>
      %dma_wait3A_161 = arith.constant 0 : i32
      %dma_wait3A_162 = arith.constant 0 : i32
      %dma_wait3A_163 = tpu.memref_slice %arg16[%dma_wait3A_161, %dma_wait3A_162] : memref<50048x32xf32, #tpu.memory_space<vmem_shared>> -> memref<50048x32xf32, #tpu.memory_space<vmem_shared>>
      tpu.wait_indirect_dma semaphore(%arg26 : memref<!tpu.dma_semaphore, #tpu.memory_space<semaphore_mem>>) src(%arg15 : memref<128x32xf32, #tpu.memory_space<vmem>>) dst(%dma_wait3A_163 : memref<50048x32xf32, #tpu.memory_space<vmem_shared>>)
    }
    %scan3A_22 = arith.constant 10 : i32
    %barrier3A_23 = arith.constant 0 : index
    tpu.barrier barrier_id(%barrier3A_23)
    %lt3A = arith.constant 15 : i32
    %lt3A_24 = arith.cmpi slt, %arg1, %lt3A : i32
    %convert_element_type3A = arith.extui %lt3A_24 : i1 to i32
    %cond3A = arith.constant 0 : i32
    %cond3A_25 = arith.cmpi ne, %convert_element_type3A, %cond3A : i32
    scf.if %cond3A_25 {
      %mul3A_30 = arith.constant 3128 : i32
      %mul3A_31 = arith.muli %arg1, %mul3A_30 : i32
      %mul3A_32 = arith.constant 3128 : i32
      %mul3A_33 = arith.muli %arg1, %mul3A_32 : i32
      "tpu.region"() ({
        %run_scoped3A = tpu.sem_alloc : memref<!tpu.dma_semaphore, #tpu.memory_space<semaphore_mem>>
        %dma_start3A_34 = arith.constant 0 : i32
        %dma_start3A_35 = tpu.memref_slice %arg6[%arg0, %mul3A_33, %dma_start3A_34] : memref<2x50000x32xf32, #tpu.memory_space<hbm>> -> memref<1x3128x32xf32, #tpu.memory_space<hbm>>
        %dma_start3A_36 = tpu.memref_squeeze %dma_start3A_35 : memref<1x3128x32xf32, #tpu.memory_space<hbm>> -> memref<3128x32xf32, #tpu.memory_space<hbm>>
        %dma_start3A_37 = arith.constant 0 : i32
        %dma_start3A_38 = tpu.memref_slice %arg16[%mul3A_31, %dma_start3A_37] : memref<50048x32xf32, #tpu.memory_space<vmem_shared>> -> memref<3128x32xf32, #tpu.memory_space<vmem_shared>>
        tpu.enqueue_dma source(%dma_start3A_38 : memref<3128x32xf32, #tpu.memory_space<vmem_shared>>) target(%dma_start3A_36 : memref<3128x32xf32, #tpu.memory_space<hbm>>) target_semaphore(%run_scoped3A : memref<!tpu.dma_semaphore, #tpu.memory_space<semaphore_mem>>)
        %dma_wait3A = arith.constant 0 : i32
        %dma_wait3A_39 = tpu.memref_slice %arg6[%arg0, %mul3A_33, %dma_wait3A] : memref<2x50000x32xf32, #tpu.memory_space<hbm>> -> memref<1x3128x32xf32, #tpu.memory_space<hbm>>
        %dma_wait3A_40 = tpu.memref_squeeze %dma_wait3A_39 : memref<1x3128x32xf32, #tpu.memory_space<hbm>> -> memref<3128x32xf32, #tpu.memory_space<hbm>>
        %dma_wait3A_41 = arith.constant 0 : i32
        %dma_wait3A_42 = tpu.memref_slice %arg16[%mul3A_31, %dma_wait3A_41] : memref<50048x32xf32, #tpu.memory_space<vmem_shared>> -> memref<3128x32xf32, #tpu.memory_space<vmem_shared>>
        tpu.wait_dma2 semaphore(%run_scoped3A : memref<!tpu.dma_semaphore, #tpu.memory_space<semaphore_mem>>) src(%dma_wait3A_42 : memref<3128x32xf32, #tpu.memory_space<vmem_shared>>) dst(%dma_wait3A_40 : memref<3128x32xf32, #tpu.memory_space<hbm>>)
        tpu.yield
      }) : () -> ()
    } else {
    }
    %eq3A = arith.constant 15 : i32
    %eq3A_26 = arith.cmpi eq, %arg1, %eq3A : i32
    %convert_element_type3A_27 = arith.extui %eq3A_26 : i1 to i32
    %cond3A_28 = arith.constant 0 : i32
    %cond3A_29 = arith.cmpi ne, %convert_element_type3A_27, %cond3A_28 : i32
    scf.if %cond3A_29 {
      "tpu.region"() ({
        %run_scoped3A = tpu.sem_alloc : memref<!tpu.dma_semaphore, #tpu.memory_space<semaphore_mem>>
        %dma_start3A_30 = arith.constant 46920 : i32
        %dma_start3A_31 = arith.constant 0 : i32
        %dma_start3A_32 = tpu.memref_slice %arg6[%arg0, %dma_start3A_30, %dma_start3A_31] : memref<2x50000x32xf32, #tpu.memory_space<hbm>> -> memref<1x3080x32xf32, #tpu.memory_space<hbm>>
        %dma_start3A_33 = tpu.memref_squeeze %dma_start3A_32 : memref<1x3080x32xf32, #tpu.memory_space<hbm>> -> memref<3080x32xf32, #tpu.memory_space<hbm>>
        %dma_start3A_34 = arith.constant 46920 : i32
        %dma_start3A_35 = arith.constant 0 : i32
        %dma_start3A_36 = tpu.memref_slice %arg16[%dma_start3A_34, %dma_start3A_35] : memref<50048x32xf32, #tpu.memory_space<vmem_shared>> -> memref<3080x32xf32, #tpu.memory_space<vmem_shared>>
        tpu.enqueue_dma source(%dma_start3A_36 : memref<3080x32xf32, #tpu.memory_space<vmem_shared>>) target(%dma_start3A_33 : memref<3080x32xf32, #tpu.memory_space<hbm>>) target_semaphore(%run_scoped3A : memref<!tpu.dma_semaphore, #tpu.memory_space<semaphore_mem>>)
        %dma_wait3A = arith.constant 46920 : i32
        %dma_wait3A_37 = arith.constant 0 : i32
        %dma_wait3A_38 = tpu.memref_slice %arg6[%arg0, %dma_wait3A, %dma_wait3A_37] : memref<2x50000x32xf32, #tpu.memory_space<hbm>> -> memref<1x3080x32xf32, #tpu.memory_space<hbm>>
        %dma_wait3A_39 = tpu.memref_squeeze %dma_wait3A_38 : memref<1x3080x32xf32, #tpu.memory_space<hbm>> -> memref<3080x32xf32, #tpu.memory_space<hbm>>
        %dma_wait3A_40 = arith.constant 46920 : i32
        %dma_wait3A_41 = arith.constant 0 : i32
        %dma_wait3A_42 = tpu.memref_slice %arg16[%dma_wait3A_40, %dma_wait3A_41] : memref<50048x32xf32, #tpu.memory_space<vmem_shared>> -> memref<3080x32xf32, #tpu.memory_space<vmem_shared>>
        tpu.wait_dma2 semaphore(%run_scoped3A : memref<!tpu.dma_semaphore, #tpu.memory_space<semaphore_mem>>) src(%dma_wait3A_42 : memref<3080x32xf32, #tpu.memory_space<vmem_shared>>) dst(%dma_wait3A_39 : memref<3080x32xf32, #tpu.memory_space<hbm>>)
        tpu.yield
      }) : () -> ()
    } else {
    }
    return
  }
}

module attributes {stable_mosaic.version = 14 : i64} {
  func.func @_layer_body(%arg0: i32, %arg1: memref<1x1xf32, #tpu.memory_space<smem>>, %arg2: memref<2000x64xf32, #tpu.memory_space<vmem>>, %arg3: memref<2x2000x32xf32, #tpu.memory_space<vmem>>, %arg4: memref<64x64xf32, #tpu.memory_space<vmem>>, %arg5: memref<1x64xf32, #tpu.memory_space<vmem>>, %arg6: memref<64x64xf32, #tpu.memory_space<vmem>>, %arg7: memref<1x64xf32, #tpu.memory_space<vmem>>, %arg8: memref<2000x32xf32, #tpu.memory_space<vmem>>, %arg9: memref<2000x32xf32, #tpu.memory_space<vmem>>) attributes {dimension_semantics = [#tpu.dimension_semantics<arbitrary>], iteration_bounds = array<i64: 25>, scalar_prefetch = 0 : i64, scratch_operands = 0 : i64, tpu.core_type = #tpu.core_type<tc>, window_params = [{transform_indices = @transform_0, window_bounds = array<i64: 1, 1>}, {transform_indices = @transform_1, window_bounds = array<i64: 2000, 64>}, {transform_indices = @transform_2, window_bounds = array<i64: 2, 2000, 32>}, {pipeline_mode = #tpu.pipeline_mode<synchronous>, transform_indices = @transform_3, window_bounds = array<i64: 64, 64>}, {pipeline_mode = #tpu.pipeline_mode<synchronous>, transform_indices = @transform_4, window_bounds = array<i64: 1, 64>}, {pipeline_mode = #tpu.pipeline_mode<synchronous>, transform_indices = @transform_5, window_bounds = array<i64: 64, 64>}, {pipeline_mode = #tpu.pipeline_mode<synchronous>, transform_indices = @transform_6, window_bounds = array<i64: 1, 64>}, {transform_indices = @transform_7, window_bounds = array<i64: 2000, 32>}, {transform_indices = @transform_8, window_bounds = array<i64: 2000, 32>}]} {
    %get3A = arith.constant 0 : index
    %get3A_0 = arith.constant 0 : index
    %get3A_1 = vector.load %arg2[%get3A, %get3A_0] : memref<2000x64xf32, #tpu.memory_space<vmem>>, vector<2000x64xf32>
    %get3A_2 = arith.constant 0 : index
    %get3A_3 = arith.constant 0 : index
    %get3A_4 = arith.constant 0 : index
    %get3A_5 = vector.load %arg3[%get3A_2, %get3A_3, %get3A_4] : memref<2x2000x32xf32, #tpu.memory_space<vmem>>, vector<1x2000x32xf32>
    %get3A_6 = vector.shape_cast %get3A_5 : vector<1x2000x32xf32> to vector<2000x32xf32>
    %get3A_7 = arith.constant 1 : index
    %get3A_8 = arith.constant 0 : index
    %get3A_9 = arith.constant 0 : index
    %get3A_10 = vector.load %arg3[%get3A_7, %get3A_8, %get3A_9] : memref<2x2000x32xf32, #tpu.memory_space<vmem>>, vector<1x2000x32xf32>
    %get3A_11 = vector.shape_cast %get3A_10 : vector<1x2000x32xf32> to vector<2000x32xf32>
    %concatenate3A = tpu.concatenate %get3A_6, %get3A_11 in 1 : vector<2000x32xf32>, vector<2000x32xf32> -> vector<2000x64xf32>
    %get3A_12 = arith.constant 0 : index
    %get3A_13 = arith.constant 0 : index
    %get3A_14 = memref.load %arg1[%get3A_12, %get3A_13] : memref<1x1xf32, #tpu.memory_space<smem>>
    %mul3A = vector.broadcast %get3A_14 : f32 to vector<2000x64xf32>
    %mul3A_15 = arith.mulf %mul3A, %get3A_1 : vector<2000x64xf32>
    %add3A = arith.addf %mul3A_15, %concatenate3A : vector<2000x64xf32>
    %get3A_16 = arith.constant 0 : index
    %get3A_17 = arith.constant 0 : index
    %get3A_18 = vector.load %arg4[%get3A_16, %get3A_17] : memref<64x64xf32, #tpu.memory_space<vmem>>, vector<64x64xf32>
    %dot_general3A = arith.constant dense<0.000000e+00> : vector<2000x64xf32>
    %dot_general3A_19 = tpu.matmul %add3A, %get3A_18, %dot_general3A {dimension_numbers = #tpu.dot_dimension_numbers<[1], [0], [0], [1], [0, 0, 1, 1], [], []>, transpose_lhs_hint = false} : vector<2000x64xf32>, vector<64x64xf32>, vector<2000x64xf32> -> vector<2000x64xf32>
    %get3A_20 = arith.constant 0 : index
    %get3A_21 = arith.constant 0 : index
    %get3A_22 = vector.load %arg5[%get3A_20, %get3A_21] : memref<1x64xf32, #tpu.memory_space<vmem>>, vector<1x64xf32>
    %add3A_23 = vector.broadcast %get3A_22 : vector<1x64xf32> to vector<2000x64xf32>
    %add3A_24 = arith.addf %dot_general3A_19, %add3A_23 : vector<2000x64xf32>
    %max3A = arith.constant 0.000000e+00 : f32
    %max3A_25 = vector.broadcast %max3A : f32 to vector<2000x64xf32>
    %max3A_26 = arith.maximumf %add3A_24, %max3A_25 : vector<2000x64xf32>
    %get3A_27 = arith.constant 0 : index
    %get3A_28 = arith.constant 0 : index
    %get3A_29 = vector.load %arg6[%get3A_27, %get3A_28] : memref<64x64xf32, #tpu.memory_space<vmem>>, vector<64x64xf32>
    %dot_general3A_30 = arith.constant dense<0.000000e+00> : vector<2000x64xf32>
    %dot_general3A_31 = tpu.matmul %max3A_26, %get3A_29, %dot_general3A_30 {dimension_numbers = #tpu.dot_dimension_numbers<[1], [0], [0], [1], [0, 0, 1, 1], [], []>, transpose_lhs_hint = false} : vector<2000x64xf32>, vector<64x64xf32>, vector<2000x64xf32> -> vector<2000x64xf32>
    %get3A_32 = arith.constant 0 : index
    %get3A_33 = arith.constant 0 : index
    %get3A_34 = vector.load %arg7[%get3A_32, %get3A_33] : memref<1x64xf32, #tpu.memory_space<vmem>>, vector<1x64xf32>
    %add3A_35 = vector.broadcast %get3A_34 : vector<1x64xf32> to vector<2000x64xf32>
    %add3A_36 = arith.addf %dot_general3A_31, %add3A_35 : vector<2000x64xf32>
    %max3A_37 = arith.constant 0.000000e+00 : f32
    %max3A_38 = vector.broadcast %max3A_37 : f32 to vector<2000x64xf32>
    %max3A_39 = arith.maximumf %add3A_36, %max3A_38 : vector<2000x64xf32>
    %add3A_40 = arith.addf %max3A_39, %max3A_26 : vector<2000x64xf32>
    %slice3A = vector.extract_strided_slice %add3A_40 {offsets = [0, 0], sizes = [2000, 32], strides = [1, 1]} : vector<2000x64xf32> to vector<2000x32xf32>
    %swap3A = arith.constant 0 : index
    %swap3A_41 = arith.constant 0 : index
    %swap3A_42 = vector.load %arg8[%swap3A, %swap3A_41] : memref<2000x32xf32, #tpu.memory_space<vmem>>, vector<2000x32xf32>
    tpu.vector_store %arg8[%swap3A, %swap3A_41], %slice3A {strides = array<i32>} : memref<2000x32xf32, #tpu.memory_space<vmem>>, vector<2000x32xf32>,
    %slice3A_43 = vector.extract_strided_slice %add3A_40 {offsets = [0, 32], sizes = [2000, 32], strides = [1, 1]} : vector<2000x64xf32> to vector<2000x32xf32>
    %swap3A_44 = arith.constant 0 : index
    %swap3A_45 = arith.constant 0 : index
    %swap3A_46 = vector.load %arg9[%swap3A_44, %swap3A_45] : memref<2000x32xf32, #tpu.memory_space<vmem>>, vector<2000x32xf32>
    tpu.vector_store %arg9[%swap3A_44, %swap3A_45], %slice3A_43 {strides = array<i32>} : memref<2000x32xf32, #tpu.memory_space<vmem>>, vector<2000x32xf32>,
    return
  }
  func.func @transform_0(%arg0: i32) -> (i32, i32) {
    %c0_i32 = arith.constant 0 : i32
    %c0_i32_0 = arith.constant 0 : i32
    %c0_i32_1 = arith.constant 0 : i32
    return %c0_i32, %c0_i32_0 : i32, i32
  }
  func.func @transform_1(%arg0: i32) -> (i32, i32) {
    %c0_i32 = arith.constant 0 : i32
    %c0_i32_0 = arith.constant 0 : i32
    return %arg0, %c0_i32 : i32, i32
  }
  func.func @transform_2(%arg0: i32) -> (i32, i32, i32) {
    %c0_i32 = arith.constant 0 : i32
    %c0_i32_0 = arith.constant 0 : i32
    %c0_i32_1 = arith.constant 0 : i32
    return %c0_i32, %arg0, %c0_i32_0 : i32, i32, i32
  }
  func.func @transform_3(%arg0: i32) -> (i32, i32) {
    %c0_i32 = arith.constant 0 : i32
    %c0_i32_0 = arith.constant 0 : i32
    %c0_i32_1 = arith.constant 0 : i32
    return %c0_i32, %c0_i32_0 : i32, i32
  }
  func.func @transform_4(%arg0: i32) -> (i32, i32) {
    %c0_i32 = arith.constant 0 : i32
    %c0_i32_0 = arith.constant 0 : i32
    %c0_i32_1 = arith.constant 0 : i32
    return %c0_i32, %c0_i32_0 : i32, i32
  }
  func.func @transform_5(%arg0: i32) -> (i32, i32) {
    %c0_i32 = arith.constant 0 : i32
    %c0_i32_0 = arith.constant 0 : i32
    %c0_i32_1 = arith.constant 0 : i32
    return %c0_i32, %c0_i32_0 : i32, i32
  }
  func.func @transform_6(%arg0: i32) -> (i32, i32) {
    %c0_i32 = arith.constant 0 : i32
    %c0_i32_0 = arith.constant 0 : i32
    %c0_i32_1 = arith.constant 0 : i32
    return %c0_i32, %c0_i32_0 : i32, i32
  }
  func.func @transform_7(%arg0: i32) -> (i32, i32) {
    %c0_i32 = arith.constant 0 : i32
    %c0_i32_0 = arith.constant 0 : i32
    return %arg0, %c0_i32 : i32, i32
  }
  func.func @transform_8(%arg0: i32) -> (i32, i32) {
    %c0_i32 = arith.constant 0 : i32
    %c0_i32_0 = arith.constant 0 : i32
    return %arg0, %c0_i32 : i32, i32
  }
}

module attributes {stable_mosaic.version = 14 : i64} {
  func.func @_final_body(%arg0: i32, %arg1: memref<1x1xf32, #tpu.memory_space<smem>>, %arg2: memref<2000x32xf32, #tpu.memory_space<vmem>>, %arg3: memref<2000x32xf32, #tpu.memory_space<vmem>>, %arg4: memref<2x2000x32xf32, #tpu.memory_space<vmem>>, %arg5: memref<64x64xf32, #tpu.memory_space<vmem>>, %arg6: memref<1x64xf32, #tpu.memory_space<vmem>>, %arg7: memref<64x64xf32, #tpu.memory_space<vmem>>, %arg8: memref<1x64xf32, #tpu.memory_space<vmem>>, %arg9: memref<64x1024xf32, #tpu.memory_space<vmem>>, %arg10: memref<1x1024xf32, #tpu.memory_space<vmem>>, %arg11: memref<2000x1024xf32, #tpu.memory_space<vmem>>) attributes {dimension_semantics = [#tpu.dimension_semantics<arbitrary>], iteration_bounds = array<i64: 25>, scalar_prefetch = 0 : i64, scratch_operands = 0 : i64, tpu.core_type = #tpu.core_type<tc>, window_params = [{transform_indices = @transform_0, window_bounds = array<i64: 1, 1>}, {transform_indices = @transform_1, window_bounds = array<i64: 2000, 32>}, {transform_indices = @transform_2, window_bounds = array<i64: 2000, 32>}, {transform_indices = @transform_3, window_bounds = array<i64: 2, 2000, 32>}, {pipeline_mode = #tpu.pipeline_mode<synchronous>, transform_indices = @transform_4, window_bounds = array<i64: 64, 64>}, {pipeline_mode = #tpu.pipeline_mode<synchronous>, transform_indices = @transform_5, window_bounds = array<i64: 1, 64>}, {pipeline_mode = #tpu.pipeline_mode<synchronous>, transform_indices = @transform_6, window_bounds = array<i64: 64, 64>}, {pipeline_mode = #tpu.pipeline_mode<synchronous>, transform_indices = @transform_7, window_bounds = array<i64: 1, 64>}, {pipeline_mode = #tpu.pipeline_mode<synchronous>, transform_indices = @transform_8, window_bounds = array<i64: 64, 1024>}, {pipeline_mode = #tpu.pipeline_mode<synchronous>, transform_indices = @transform_9, window_bounds = array<i64: 1, 1024>}, {transform_indices = @transform_10, window_bounds = array<i64: 2000, 1024>}]} {
    %get3A = arith.constant 0 : index
    %get3A_0 = arith.constant 0 : index
    %get3A_1 = vector.load %arg2[%get3A, %get3A_0] : memref<2000x32xf32, #tpu.memory_space<vmem>>, vector<2000x32xf32>
    %get3A_2 = arith.constant 0 : index
    %get3A_3 = arith.constant 0 : index
    %get3A_4 = vector.load %arg3[%get3A_2, %get3A_3] : memref<2000x32xf32, #tpu.memory_space<vmem>>, vector<2000x32xf32>
    %concatenate3A = tpu.concatenate %get3A_1, %get3A_4 in 1 : vector<2000x32xf32>, vector<2000x32xf32> -> vector<2000x64xf32>
    %get3A_5 = arith.constant 0 : index
    %get3A_6 = arith.constant 0 : index
    %get3A_7 = arith.constant 0 : index
    %get3A_8 = vector.load %arg4[%get3A_5, %get3A_6, %get3A_7] : memref<2x2000x32xf32, #tpu.memory_space<vmem>>, vector<1x2000x32xf32>
    %get3A_9 = vector.shape_cast %get3A_8 : vector<1x2000x32xf32> to vector<2000x32xf32>
    %get3A_10 = arith.constant 1 : index
    %get3A_11 = arith.constant 0 : index
    %get3A_12 = arith.constant 0 : index
    %get3A_13 = vector.load %arg4[%get3A_10, %get3A_11, %get3A_12] : memref<2x2000x32xf32, #tpu.memory_space<vmem>>, vector<1x2000x32xf32>
    %get3A_14 = vector.shape_cast %get3A_13 : vector<1x2000x32xf32> to vector<2000x32xf32>
    %concatenate3A_15 = tpu.concatenate %get3A_9, %get3A_14 in 1 : vector<2000x32xf32>, vector<2000x32xf32> -> vector<2000x64xf32>
    %get3A_16 = arith.constant 0 : index
    %get3A_17 = arith.constant 0 : index
    %get3A_18 = memref.load %arg1[%get3A_16, %get3A_17] : memref<1x1xf32, #tpu.memory_space<smem>>
    %mul3A = vector.broadcast %get3A_18 : f32 to vector<2000x64xf32>
    %mul3A_19 = arith.mulf %mul3A, %concatenate3A : vector<2000x64xf32>
    %add3A = arith.addf %mul3A_19, %concatenate3A_15 : vector<2000x64xf32>
    %get3A_20 = arith.constant 0 : index
    %get3A_21 = arith.constant 0 : index
    %get3A_22 = vector.load %arg5[%get3A_20, %get3A_21] : memref<64x64xf32, #tpu.memory_space<vmem>>, vector<64x64xf32>
    %dot_general3A = arith.constant dense<0.000000e+00> : vector<2000x64xf32>
    %dot_general3A_23 = tpu.matmul %add3A, %get3A_22, %dot_general3A {dimension_numbers = #tpu.dot_dimension_numbers<[1], [0], [0], [1], [0, 0, 1, 1], [], []>, transpose_lhs_hint = false} : vector<2000x64xf32>, vector<64x64xf32>, vector<2000x64xf32> -> vector<2000x64xf32>
    %get3A_24 = arith.constant 0 : index
    %get3A_25 = arith.constant 0 : index
    %get3A_26 = vector.load %arg6[%get3A_24, %get3A_25] : memref<1x64xf32, #tpu.memory_space<vmem>>, vector<1x64xf32>
    %add3A_27 = vector.broadcast %get3A_26 : vector<1x64xf32> to vector<2000x64xf32>
    %add3A_28 = arith.addf %dot_general3A_23, %add3A_27 : vector<2000x64xf32>
    %max3A = arith.constant 0.000000e+00 : f32
    %max3A_29 = vector.broadcast %max3A : f32 to vector<2000x64xf32>
    %max3A_30 = arith.maximumf %add3A_28, %max3A_29 : vector<2000x64xf32>
    %get3A_31 = arith.constant 0 : index
    %get3A_32 = arith.constant 0 : index
    %get3A_33 = vector.load %arg7[%get3A_31, %get3A_32] : memref<64x64xf32, #tpu.memory_space<vmem>>, vector<64x64xf32>
    %dot_general3A_34 = arith.constant dense<0.000000e+00> : vector<2000x64xf32>
    %dot_general3A_35 = tpu.matmul %max3A_30, %get3A_33, %dot_general3A_34 {dimension_numbers = #tpu.dot_dimension_numbers<[1], [0], [0], [1], [0, 0, 1, 1], [], []>, transpose_lhs_hint = false} : vector<2000x64xf32>, vector<64x64xf32>, vector<2000x64xf32> -> vector<2000x64xf32>
    %get3A_36 = arith.constant 0 : index
    %get3A_37 = arith.constant 0 : index
    %get3A_38 = vector.load %arg8[%get3A_36, %get3A_37] : memref<1x64xf32, #tpu.memory_space<vmem>>, vector<1x64xf32>
    %add3A_39 = vector.broadcast %get3A_38 : vector<1x64xf32> to vector<2000x64xf32>
    %add3A_40 = arith.addf %dot_general3A_35, %add3A_39 : vector<2000x64xf32>
    %max3A_41 = arith.constant 0.000000e+00 : f32
    %max3A_42 = vector.broadcast %max3A_41 : f32 to vector<2000x64xf32>
    %max3A_43 = arith.maximumf %add3A_40, %max3A_42 : vector<2000x64xf32>
    %add3A_44 = arith.addf %max3A_43, %max3A_30 : vector<2000x64xf32>
    %add3A_45 = arith.addf %concatenate3A, %add3A_44 : vector<2000x64xf32>
    %mul3A_46 = arith.constant 5.000000e-01 : f32
    %mul3A_47 = vector.broadcast %mul3A_46 : f32 to vector<2000x64xf32>
    %mul3A_48 = arith.mulf %add3A_45, %mul3A_47 : vector<2000x64xf32>
    %get3A_49 = arith.constant 0 : index
    %get3A_50 = arith.constant 0 : index
    %get3A_51 = vector.load %arg9[%get3A_49, %get3A_50] : memref<64x1024xf32, #tpu.memory_space<vmem>>, vector<64x1024xf32>
    %dot_general3A_52 = arith.constant dense<0.000000e+00> : vector<2000x1024xf32>
    %dot_general3A_53 = tpu.matmul %mul3A_48, %get3A_51, %dot_general3A_52 {dimension_numbers = #tpu.dot_dimension_numbers<[1], [0], [0], [1], [0, 0, 1, 1], [], []>, transpose_lhs_hint = false} : vector<2000x64xf32>, vector<64x1024xf32>, vector<2000x1024xf32> -> vector<2000x1024xf32>
    %get3A_54 = arith.constant 0 : index
    %get3A_55 = arith.constant 0 : index
    %get3A_56 = vector.load %arg10[%get3A_54, %get3A_55] : memref<1x1024xf32, #tpu.memory_space<vmem>>, vector<1x1024xf32>
    %add3A_57 = vector.broadcast %get3A_56 : vector<1x1024xf32> to vector<2000x1024xf32>
    %add3A_58 = arith.addf %dot_general3A_53, %add3A_57 : vector<2000x1024xf32>
    %swap3A = arith.constant 0 : index
    %swap3A_59 = arith.constant 0 : index
    %swap3A_60 = vector.load %arg11[%swap3A, %swap3A_59] : memref<2000x1024xf32, #tpu.memory_space<vmem>>, vector<2000x1024xf32>
    tpu.vector_store %arg11[%swap3A, %swap3A_59], %add3A_58 {strides = array<i32>} : memref<2000x1024xf32, #tpu.memory_space<vmem>>, vector<2000x1024xf32>,
    return
  }
  func.func @transform_0(%arg0: i32) -> (i32, i32) {
    %c0_i32 = arith.constant 0 : i32
    %c0_i32_0 = arith.constant 0 : i32
    %c0_i32_1 = arith.constant 0 : i32
    return %c0_i32, %c0_i32_0 : i32, i32
  }
  func.func @transform_1(%arg0: i32) -> (i32, i32) {
    %c0_i32 = arith.constant 0 : i32
    %c0_i32_0 = arith.constant 0 : i32
    return %arg0, %c0_i32 : i32, i32
  }
  func.func @transform_2(%arg0: i32) -> (i32, i32) {
    %c0_i32 = arith.constant 0 : i32
    %c0_i32_0 = arith.constant 0 : i32
    return %arg0, %c0_i32 : i32, i32
  }
  func.func @transform_3(%arg0: i32) -> (i32, i32, i32) {
    %c0_i32 = arith.constant 0 : i32
    %c0_i32_0 = arith.constant 0 : i32
    %c0_i32_1 = arith.constant 0 : i32
    return %c0_i32, %arg0, %c0_i32_0 : i32, i32, i32
  }
  func.func @transform_4(%arg0: i32) -> (i32, i32) {
    %c0_i32 = arith.constant 0 : i32
    %c0_i32_0 = arith.constant 0 : i32
    %c0_i32_1 = arith.constant 0 : i32
    return %c0_i32, %c0_i32_0 : i32, i32
  }
  func.func @transform_5(%arg0: i32) -> (i32, i32) {
    %c0_i32 = arith.constant 0 : i32
    %c0_i32_0 = arith.constant 0 : i32
    %c0_i32_1 = arith.constant 0 : i32
    return %c0_i32, %c0_i32_0 : i32, i32
  }
  func.func @transform_6(%arg0: i32) -> (i32, i32) {
    %c0_i32 = arith.constant 0 : i32
    %c0_i32_0 = arith.constant 0 : i32
    %c0_i32_1 = arith.constant 0 : i32
    return %c0_i32, %c0_i32_0 : i32, i32
  }
  func.func @transform_7(%arg0: i32) -> (i32, i32) {
    %c0_i32 = arith.constant 0 : i32
    %c0_i32_0 = arith.constant 0 : i32
    %c0_i32_1 = arith.constant 0 : i32
    return %c0_i32, %c0_i32_0 : i32, i32
  }
  func.func @transform_8(%arg0: i32) -> (i32, i32) {
    %c0_i32 = arith.constant 0 : i32
    %c0_i32_0 = arith.constant 0 : i32
    %c0_i32_1 = arith.constant 0 : i32
    return %c0_i32, %c0_i32_0 : i32, i32
  }
  func.func @transform_9(%arg0: i32) -> (i32, i32) {
    %c0_i32 = arith.constant 0 : i32
    %c0_i32_0 = arith.constant 0 : i32
    %c0_i32_1 = arith.constant 0 : i32
    return %c0_i32, %c0_i32_0 : i32, i32
  }
  func.func @transform_10(%arg0: i32) -> (i32, i32) {
    %c0_i32 = arith.constant 0 : i32
    %c0_i32_0 = arith.constant 0 : i32
    return %arg0, %c0_i32 : i32, i32
  }
}

</mosaic_0001>

<sc_bundles>
// kernel: kernel.6.cloned.1.call-start
scs
__scs_entry_jumppad:
0x0: {  	(pc) =	sbr.rel $0x88, $3  }
0x1: {  	(tag) =	ssettag $0x0;
	lr =	simm.s32 $0x1  }
0x2: {  	[smem:$0x3F93] =	sst lr;
	_ =	strace $0xD0000000  }
0x3: {  	_ = 	snop  }
0x4: {  	_ = 	snop  }
0x5: {  	_ = 	snop  }
0x6: {  	_ = 	snop  }
0x7: {  	_ = 	snop  }
__scs_overlays_trampoline_lowered:
0x8: {  	[smem:$0x3FA2] =	sst s0  }
0x9: {  	[smem:$0x3FA3] =	sst s1  }
0xa: {  	[smem:$0x3FA4] =	sst s2  }
0xb: {  	[smem:$0x3FA5] =	sst s3  }
0xc: {  	[smem:$0x3FA6] =	sst s4  }
0xd: {  	[smem:$0x3FA7] =	sst s5  }
0xe: {  	[smem:$0x3FA8] =	sst s6  }
0xf: {  	[smem:$0x3FA9] =	sst s7  }
0x10: {  	[smem:$0x3FAA] =	sst s8  }
0x11: {  	[smem:$0x3FAB] =	sst s9;
	s0 =	simm.s32 @!p0 $0x0  }
0x12: {  	s1 =	sld [smem:$0x3F91];
	s0 =	simm.s32 @p0 $0x1  }
0x13: {  	[smem:$0x3FAC] =	sst s0;
	s0 =	simm.s32 @!p1 $0x0  }
0x14: {  	s2 =	sld [smem:$0x3F90];
	s0 =	simm.s32 @p1 $0x1  }
0x15: {  	[smem:$0x3FAD] =	sst s0;
	s0 =	simm.s32 @!p2 $0x0  }
0x16: {  	s3 =	sld [smem:$0x3FDB];
	s0 =	simm.s32 @p2 $0x1  }
0x17: {  	s4 =	simm.s32 $0x1BF5;
	[smem:$0x3FAF] =	sst s0  }
0x18: {  	s0 =	sld [smem:$0x3F92];
	_ =	swait.ge [sflag:s4], $0x0  }
0x19: {  	s7 =	sld [smem:$0x3F93]  }
0x1a: {  	s8 =	sadd.s32 $0xFFFFE003, lr  }
0x1b: {  	s9 =	sadd.s32 $0xFFFFFEF7, lr;
	s5 =	simm.s32 $0xFFFFFFFF;
	p2 =	slt.u32 s8, $0xFFFFF086  }
0x1c: {  	p1 =	slt.u32 s9, $0xF7A;
	s5 =	simm.s32 @!p2 $0x0  }
0x1d: {  	s5 =	simm.s32 @p1 $0x1;
	p0 =	seq.s32 s7, s2  }
0x1e: {  	s7 =	smul.u32 @!p0 $0xF7A, s2;
	p2 =	seq.s32 @!p0 s5, $0x0  }
0x1f: {  	s9 =	smul.u32 $0xF7A, s1;
	s8 =	simm.s32 @!p0 $0x1BF5;
	p2 =	por !p2, p0  }
0x20: {  	[sflag:s8] =	ssyncset.s32 @!p0 $0xFFFFF086;
	s6 =	sadd.s32 @!p0 s3, s7;
	s7 =	simm.s32 @!p0 $0x108  }
0x21: {  	s3 =	sadd.s32 s3, s9;
	s6 =	sadd.s32 @!p0 $0x88, s6;
	s7 =	simm.s32 @p2 $0x1082  }
0x22: {  	[simem:s7], [sflag:s8] =	dma.local @!p0 [hbm:s6], $0xF7A  }
0x23: {  	s9 =	sor.u32 $0xD0000000, s2;
	s6 =	simm.s32 $0x108;
	_ =	swait.ge @!p0 [sflag:s8], $0x0  }
0x24: {  	s3 =	sadd.s32 $0x88, s3;
	s6 =	simm.s32 @!p1 $0x1082;
	[sflag:s4] =	ssyncset.s32 $0xFFFFF086  }
0x25: {  	[simem:s6], [sflag:s4] =	dma.local [hbm:s3], $0xF7A  }
0x26: {  	[smem:$0x3F93] =	sst s1;
	(tag) =	ssettag s2;
	_ =	strace s9  }
0x27: {  	s1 =	sld [smem:$0x3FA3]  }
0x28: {  	s2 =	sld [smem:$0x3FA4]  }
0x29: {  	s4 =	sld [smem:$0x3FA6]  }
0x2a: {  	p0 =	seq.s32 s5, $0x0;
	s5 =	sld [smem:$0x3FA7]  }
0x2b: {  	s6 =	sld [smem:$0x3FA8]  }
0x2c: {  	s7 =	sld [smem:$0x3FA9]  }
0x2d: {  	s3 =	simm.s32 $0x108;
	s8 =	sld [smem:$0x3FAA]  }
0x2e: {  	s3 =	simm.s32 @!p0 $0x1082;
	s9 =	sld [smem:$0x3FAB]  }
0x2f: {  	lr =	sadd.s32 s0, s3;
	s0 =	sld [smem:$0x3FA2]  }
0x30: {  	s3 =	sld [smem:$0x3FA5]  }
0x31: {  	[smem:$0x3FAE] =	sst s10  }
0x32: {  	s10 =	sld [smem:$0x3FAC];
	_ =	sdelay $0x3  }
0x33: {  	p0 =	seq.s32 s10, $0x1;
	s10 =	sld [smem:$0x3FAE];
	_ =	sdelay $0x3  }
0x34: {  	[smem:$0x3FAE] =	sst s10  }
0x35: {  	s10 =	sld [smem:$0x3FAD];
	_ =	sdelay $0x3  }
0x36: {  	p1 =	seq.s32 s10, $0x1;
	s10 =	sld [smem:$0x3FAE];
	_ =	sdelay $0x3  }
0x37: {  	[smem:$0x3FAE] =	sst s10  }
0x38: {  	s10 =	sld [smem:$0x3FAF]  }
0x39: {  	_ = 	snop;
	(pc) =	sbr.ind lr, $3  }
0x3a: {  	_ = 	snop  }
0x3b: {  	_ = 	snop  }
0x3c: {  	p2 =	seq.s32 s10, $0x1;
	s10 =	sld [smem:$0x3FAE]  }
0x3d: {  	_ =	shalt  }
0x3e: {  	_ =	shalt  }
0x3f: {  	_ =	shalt  }
0x40: {  	_ =	shalt  }
0x41: {  	_ =	shalt  }
0x42: {  	_ =	shalt  }
0x43: {  	_ =	shalt  }
0x44: {  	_ =	shalt  }
0x45: {  	_ =	shalt  }
0x46: {  	_ =	shalt  }
0x47: {  	_ =	shalt  }
0x48: {  	_ =	shalt  }
0x49: {  	_ =	shalt  }
0x4a: {  	_ =	shalt  }
0x4b: {  	_ =	shalt  }
0x4c: {  	_ =	shalt  }
0x4d: {  	_ =	shalt  }
0x4e: {  	_ =	shalt  }
0x4f: {  	_ =	shalt  }
0x50: {  	_ =	shalt  }
0x51: {  	_ =	shalt  }
0x52: {  	_ =	shalt  }
0x53: {  	_ =	shalt  }
0x54: {  	_ =	shalt  }
0x55: {  	_ =	shalt  }
0x56: {  	_ =	shalt  }
0x57: {  	_ =	shalt  }
0x58: {  	_ =	shalt  }
0x59: {  	_ =	shalt  }
0x5a: {  	_ =	shalt  }
0x5b: {  	_ =	shalt  }
0x5c: {  	_ =	shalt  }
0x5d: {  	_ =	shalt  }
0x5e: {  	_ =	shalt  }
0x5f: {  	_ =	shalt  }
0x60: {  	_ =	shalt  }
0x61: {  	_ =	shalt  }
0x62: {  	_ =	shalt  }
0x63: {  	_ =	shalt  }
0x64: {  	_ =	shalt  }
0x65: {  	_ =	shalt  }
0x66: {  	_ =	shalt  }
0x67: {  	_ =	shalt  }
0x68: {  	_ =	shalt  }
0x69: {  	_ =	shalt  }
0x6a: {  	_ =	shalt  }
0x6b: {  	_ =	shalt  }
0x6c: {  	_ =	shalt  }
0x6d: {  	_ =	shalt  }
0x6e: {  	_ =	shalt  }
0x6f: {  	_ =	shalt  }
0x70: {  	_ =	shalt  }
0x71: {  	_ =	shalt  }
0x72: {  	_ =	shalt  }
0x73: {  	_ =	shalt  }
0x74: {  	_ =	shalt  }
0x75: {  	_ =	shalt  }
0x76: {  	_ =	shalt  }
0x77: {  	_ =	shalt  }
0x78: {  	_ =	shalt  }
0x79: {  	_ =	shalt  }
0x7a: {  	_ =	shalt  }
0x7b: {  	_ =	shalt  }
0x7c: {  	_ =	shalt  }
0x7d: {  	_ =	shalt  }
0x7e: {  	_ =	shalt  }
0x7f: {  	_ =	shalt  }
0x80: {  	_ =	shalt  }
0x81: {  	_ =	shalt  }
0x82: {  	_ =	shalt  }
0x83: {  	_ =	shalt  }
0x84: {  	_ =	shalt  }
0x85: {  	_ =	shalt  }
0x86: {  	_ =	shalt  }
0x87: {  	_ =	shalt  }
.Lfunc_end0:
.L_simem_size_0:
called_computation_lowered:
.L_overlay_start_0:
0x88: {  	s2 =	sld [smem:$0x3FD9]  }
0x89: {  	s3 =	sld [smem:$0x3FFE];
	_ =	sdelay $0x1  }
0x8a: {  	s1 =	srdreg.scid  }
0x8b: {  	s0 =	sand.u32 $0x1, s1  }
0x8c: {  	s16 =	sshll.u32 s0, $0xA;
	s2 =	sadd.s32 s3, s2  }
0x8d: {  	s2 =	sadd.s32 s2, s16  }
0x8e: {  	[smem:$0x3FBA] =	sst s2  }
0x8f: {  	_ = 	snop  }
0x90: {  	(tm) =	ssettm $0x1  }
0x91: {  	s17 =	sld [smem:$0x3FFB];
	_ =	sdelay $0x3  }
0x92: {  	_ =	strace s17  }
0x93: {  	s2 =	sld [smem:$0x3FFC];
	_ =	sdelay $0x3  }
0x94: {  	_ =	strace s2  }
0x95: {  	s2 =	sld [smem:$0x3FFD];
	_ =	sdelay $0x3  }
0x96: {  	_ =	strace s2  }
0x97: {  	_ =	strace $0x8FFFFFFF  }
0x98: {  	s18 =	sld [smem:$0x3FDB];
	_ =	sdelay $0x1  }
0x99: {  	s19 =	simm.s32 $_scs_section_size  }
0x9a: {  	s4 =	simm.s32 $_size__tile_overlayer_lowered;
	s5 =	simm.s32 $_tile_overlayer_lowered  }
0x9b: {  	s22 =	simm.s32 $0x1BFF;
	s21 =	sshll.u32 s5, $0x1;
	s2 =	sadd.s32 s19, s18  }
0x9c: {  	s6 =	simm.s32 $0x0;
	s20 =	sshll.u32 s4, $0x1;
	s4 =	sadd.s32 s21, s2  }
0x9d: {  	[timem:s6], [sflag:s22] =	dma.local [hbm:s4], s20  }
0x9e: {  	_ =	swait.ge [sflag:s22], s20  }
0x9f: {  	s3 =	ssub.s32 $0x0, s20;
	[sflag:s22] =	ssyncset.done $0x0  }
0xa0: {  	[sflag:s22] =	ssyncadd.s32 s3;
	_ =	sdelay $0x1  }
0xa1: {  	s23 =	simm.s32 $0x1B8B  }
0xa2: {  	_ =	swait.ge [sflag:s23], $0x1  }
0xa3: {  	[sflag:s23] =	ssyncset.done $0x0  }
0xa4: {  	s25 =	simm.s32 $0x1B8E;
	s24 =	sld [smem:$0x3FFE];
	[sflag:s23] =	ssyncadd.s32 $0xFFFFFFFF  }
0xa5: {  	s26 =	simm.s32 $execute0_lowered;
	[smem:$0x3FD2] =	sst s25  }
0xa6: {  	s4 =	sshll.u32 s26, $0x1;
	_ =	strace $0x80000046;
	[dreg:$0x1] =	wrdreg $0xFFFFFFFF  }
0xa7: {  	s28 =	simm.s32 $_size_execute0_lowered;
	s2 =	sadd.s32 s2, s4;
	[dreg:$0x0] =	wrdreg $0x0  }
0xa8: {  	s4 =	sshll.u32 s28, $0x1;
	[dreg:$0x2] =	wrdreg s2  }
0xa9: {  	[dreg:$0x3] =	wrdreg s4  }
0xaa: {  	[dreg:$0x4] =	wrdreg $0xC0  }
0xab: {  	_ =	task [dreg:s6], $0x5FFFF  }
0xac: {  	[dreg:$0x1] =	wrdreg $0xFFFFFFFF  }
0xad: {  	[dreg:$0x0] =	wrdreg $0x60  }
0xae: {  	[dreg:$0x2] =	wrdreg s24  }
0xaf: {  	[dreg:$0x3] =	wrdreg $0x78000  }
0xb0: {  	[dreg:$0x4] =	wrdreg $0x9  }
0xb1: {  	_ =	task.clear_ibuf [dreg:s6], $0x5FFFF;
	_ =	strace $0x90000046  }
0xb2: {  	s29 =	simm.s32 $0x9;
	_ =	strace $0x80000048  }
0xb3: {  	_ =	swait.ge [sflag:s29], $0x1  }
0xb4: {  	[sflag:s29] =	ssyncadd.s32 $0xFFFFFFFF  }
0xb5: {  	_ =	strace $0x90000048  }
0xb6: {  	_ =	sfence  }
0xb7: {  	s30 =	sld [smem:$0x0];
	_ =	sdelay $0x2  }
0xb8: {  	s31 =	sshll.u32 s1, $0xD;
	s1 =	sshrl.u32 s1, $0x2  }
0xb9: {  	s3 =	sand.u32 $0x4000, s31;
	s1 =	sadd.s32 s1, s30  }
0xba: {  	s0 =	sor.u32 s3, s0;
	s1 =	sshll.u32 s1, $0x11  }
0xbb: {  	s0 =	sor.u32 s1, s0  }
0xbc: {  	s0 =	sadd.s32 $0x8F2B, s0  }
0xbd: {  	[sflag:s0] =	ssyncadd.remote.s32 $0x1  }
0xbe: {  	_ =	sfence.sel $0xFFFF  }
0xbf: {  	[dreg:$0x0] =	wrdreg $0xFFFFFFFF;
	(pc) =	sbr.abs _section_cstart, $3  }
0xc0: {  	[dreg:$0x1] =	wrdreg $0xFFFFFFFF  }
0xc1: {  	_ =	task.clear_ibuf [dreg:s6], $0x2FFFF;
	_ =	strace $0x9FFFFFFF  }
0xc2: {  	(tm) =	ssettm $0x7FFFFFFF  }
0xc3: {  	_ =	shalt  }
tec
execute0_lowered:
.L_overlay_start_1:
0x0: {  	(tag) =	ssettag $0x1  }
0x1: {  	s0 =	srdreg.scid;
	s13 =	stileid.u32  }
0x2: {  	s1 =	sand.u32 $0x1, s0;
	s3 =	smul.u32 $0xC800, s13  }
0x3: {  	s0 =	smul.u32 $0xC8000, s1  }
0x4: {  	s7 =	rddreg [dreg:$0x0]  }
0x5: {  	s2 =	rddreg [dreg:$0x1];
	s0 =	sadd.s32 s3, s0;
	s3 =	simm.s32 $0x0  }
0x6: {  	s9 =	simm.s32 $0x180;
	[smem:$0x7FF] =	sst s3  }
0x7: {  	s10 =	simm.s32 $0xA80;
	_ =	strace $0x80000047;
	[dreg:$0x6] =	wrdreg s9  }
0x8: {  	s11 =	simm.s32 $0x200;
	[dreg:$0x7] =	wrdreg s10  }
0x9: {  	s12 =	simm.s32 $0xB00;
	[dreg:$0x8] =	wrdreg s11  }
0xa: {  	s14 =	simm.s32 $0x280;
	[dreg:$0x9] =	wrdreg s12  }
0xb: {  	s15 =	simm.s32 $0xB80;
	[dreg:$0xa] =	wrdreg s14  }
0xc: {  	s16 =	simm.s32 $0x300;
	[dreg:$0xb] =	wrdreg s15  }
0xd: {  	s17 =	simm.s32 $0xC00;
	[dreg:$0xc] =	wrdreg s16  }
0xe: {  	s18 =	simm.s32 $0x380;
	[dreg:$0xd] =	wrdreg s17  }
0xf: {  	s19 =	simm.s32 $0xC80;
	[dreg:$0xe] =	wrdreg s18  }
0x10: {  	s20 =	simm.s32 $0x400;
	[dreg:$0xf] =	wrdreg s19  }
0x11: {  	s21 =	simm.s32 $0xD00;
	[dreg:$0x10] =	wrdreg s20  }
0x12: {  	s22 =	simm.s32 $0x480;
	[dreg:$0x11] =	wrdreg s21  }
0x13: {  	s23 =	simm.s32 $0xD80;
	[dreg:$0x12] =	wrdreg s22  }
0x14: {  	s24 =	simm.s32 $0x500;
	[dreg:$0x13] =	wrdreg s23  }
0x15: {  	s25 =	simm.s32 $0xE00;
	[dreg:$0x14] =	wrdreg s24  }
0x16: {  	s26 =	simm.s32 $0x580;
	[dreg:$0x15] =	wrdreg s25  }
0x17: {  	s5 =	sadd.s32 $0xA00, s0;
	s0 =	sadd.s32 $0x1400, s0;
	[dreg:$0x16] =	wrdreg s26  }
0x18: {  	s9 =	simm.s32 $0x600;
	[smem:$0x7EE] =	sst s0  }
0x19: {  	s10 =	simm.s32 $0xF00;
	[dreg:$0x18] =	wrdreg s9  }
0x1a: {  	s11 =	simm.s32 $0x680;
	[dreg:$0x19] =	wrdreg s10  }
0x1b: {  	s12 =	simm.s32 $0xF80;
	[dreg:$0x1a] =	wrdreg s11  }
0x1c: {  	s14 =	simm.s32 $0x700;
	[dreg:$0x1b] =	wrdreg s12  }
0x1d: {  	s15 =	simm.s32 $0x1000;
	[dreg:$0x1c] =	wrdreg s14  }
0x1e: {  	s16 =	simm.s32 $0x780;
	[dreg:$0x1d] =	wrdreg s15  }
0x1f: {  	s17 =	simm.s32 $0x1080;
	[dreg:$0x1e] =	wrdreg s16  }
0x20: {  	s18 =	simm.s32 $0x800;
	[dreg:$0x1f] =	wrdreg s17  }
0x21: {  	s19 =	simm.s32 $0x1100;
	[smem:$0x7C3] =	sst s18  }
0x22: {  	s20 =	simm.s32 $0x880;
	[smem:$0x7C4] =	sst s19  }
0x23: {  	s21 =	simm.s32 $0x1180;
	[smem:$0x7C5] =	sst s20  }
0x24: {  	s22 =	simm.s32 $0x900;
	[smem:$0x7C6] =	sst s21  }
0x25: {  	s23 =	simm.s32 $0x1200;
	[smem:$0x7C7] =	sst s22  }
0x26: {  	s24 =	simm.s32 $0x980;
	[smem:$0x7C8] =	sst s23  }
0x27: {  	s4 =	sadd.s32 $0x2C00, s7;
	s25 =	simm.s32 $0x1280;
	[smem:$0x7C9] =	sst s24  }
0x28: {  	s6 =	sshrl.u32 s5, $0x3;
	s26 =	simm.s32 $0x1300;
	[smem:$0x7CA] =	sst s25  }
0x29: {  	s5 =	sadd.s32 $0x34C00, s7;
	s8 =	sadd.s32 s6, s4;
	[smem:$0x7CB] =	sst s26  }
0x2a: {  	s6 =	sadd.s32 s6, s5;
	[dreg:$0x3] =	wrdreg s8  }
0x2b: {  	s9 =	simm.s32 $0x1480;
	[dreg:$0x4] =	wrdreg s6  }
0x2c: {  	s10 =	simm.s32 $0x1500;
	[smem:$0x7CD] =	sst s9  }
0x2d: {  	s11 =	simm.s32 $0x1580;
	[smem:$0x7CE] =	sst s10  }
0x2e: {  	s12 =	simm.s32 $0x1E80;
	[smem:$0x7CF] =	sst s11  }
0x2f: {  	s14 =	simm.s32 $0x1600;
	[smem:$0x7D1] =	sst s12  }
0x30: {  	s15 =	simm.s32 $0x1F00;
	[smem:$0x7D2] =	sst s14  }
0x31: {  	s17 =	simm.s32 $0x1680;
	[smem:$0x7D3] =	sst s15  }
0x32: {  	s18 =	simm.s32 $0x1F80;
	[smem:$0x7D4] =	sst s17  }
0x33: {  	s19 =	simm.s32 $0x1700;
	[smem:$0x7D5] =	sst s18  }
0x34: {  	s21 =	simm.s32 $0x2000;
	[smem:$0x7D6] =	sst s19  }
0x35: {  	s22 =	simm.s32 $0x1780;
	[smem:$0x7D7] =	sst s21  }
0x36: {  	s23 =	simm.s32 $0x2080;
	[smem:$0x7D8] =	sst s22  }
0x37: {  	s24 =	simm.s32 $0x1800;
	[smem:$0x7D9] =	sst s23  }
0x38: {  	s25 =	simm.s32 $0x2100;
	[smem:$0x7DA] =	sst s24  }
0x39: {  	s26 =	simm.s32 $0x1880;
	[smem:$0x7DB] =	sst s25  }
0x3a: {  	s8 =	simm.s32 $0x100;
	[smem:$0x7DC] =	sst s26  }
0x3b: {  	s9 =	sadd.s32 $0xC8800, s7;
	[dreg:$0x5] =	wrdreg s8  }
0x3c: {  	s28 =	simm.s32 $0x1;
	s18 =	simm.s32 $0x2200;
	[smem:$0x7D0] =	sst s9  }
0x3d: {  	s29 =	simm.s32 $0x5800;
	s19 =	simm.s32 $0x1980;
	[smem:$0x7E0] =	sst s18  }
0x3e: {  	s30 =	simm.s32 $0x2;
	s22 =	simm.s32 $0x1A00;
	[smem:$0x7E2] =	sst s19  }
0x3f: {  	s31 =	simm.s32 $0x6800;
	s23 =	simm.s32 $0x2300;
	[smem:$0x7E4] =	sst s22  }
0x40: {  	s16 =	ssub.s32 $0x2, s1;
	s24 =	simm.s32 $0x1A80;
	[smem:$0x7E6] =	sst s23  }
0x41: {  	s20 =	sshll.u32 s1, $0x4;
	s25 =	simm.s32 $0x2380;
	[smem:$0x7E7] =	sst s24  }
0x42: {  	s10 =	sshrl.u32 s16, $0x1;
	s26 =	simm.s32 $0x1B00;
	[smem:$0x7E8] =	sst s25  }
0x43: {  	s12 =	sshll.u32 s13, $0x6;
	s8 =	simm.s32 $0xE80;
	[smem:$0x7EA] =	sst s26  }
0x44: {  	s15 =	sor.u32 $0x1C0D, s12;
	s12 =	simm.s32 $0x2180;
	[dreg:$0x17] =	wrdreg s8  }
0x45: {  	s9 =	ssub.s32 s16, s10;
	s16 =	simm.s32 $0x1900;
	[smem:$0x7DD] =	sst s12  }
0x46: {  	s10 =	sor.u32 s13, s20;
	s20 =	simm.s32 $0x2280;
	[smem:$0x7DF] =	sst s16  }
0x47: {  	p0 =	seq.s32 s13, $0xF;
	s18 =	simm.s32 $0x2500;
	[smem:$0x7E3] =	sst s20  }
0x48: {  	s1 =	smul.u32 $0x186A00, s1;
	s19 =	simm.s32 $0x1C80;
	[smem:$0x7F3] =	sst s18  }
0x49: {  	s6 =	sadd.s32 $0x66C00, s7;
	s22 =	simm.s32 $0x2600;
	[smem:$0x7F4] =	sst s19  }
0x4a: {  	s7 =	sadd.s32 $0xCBA00, s7;
	s23 =	simm.s32 $0x1D80;
	[smem:$0x7F7] =	sst s22  }
0x4b: {  	s11 =	smul.u32 $0x18700, s13;
	s24 =	simm.s32 $0x2680;
	[smem:$0x7F8] =	sst s23  }
0x4c: {  	s25 =	simm.s32 $0x2700;
	s26 =	simm.s32 $0x2780;
	[smem:$0x7F9] =	sst s24  }
0x4d: {  	s13 =	simm.s32 $0x9;
	s8 =	simm.s32 $0x1380;
	[smem:$0x7FA] =	sst s25  }
0x4e: {  	s14 =	sadd.s32 s11, s2;
	s10 =	smul.u32 $0xC800, s10;
	[smem:$0x7FB] =	sst s26  }
0x4f: {  	s21 =	sadd.s32 s11, s1;
	s1 =	sshrl.u32 s1, $0x3;
	[smem:$0x7FD] =	sst s15  }
0x50: {  	s11 =	smax.u32 s9, $0x1;
	s12 =	simm.s32 $0x2480;
	[smem:$0x7CC] =	sst s8  }
0x51: {  	s16 =	simm.s32 $0x1C00;
	s20 =	simm.s32 $0x2580;
	[smem:$0x7EC] =	sst s11  }
0x52: {  	s19 =	simm.s32 $0x1400;
	s22 =	simm.s32 $0x80;
	[smem:$0x7EF] =	sst s12  }
0x53: {  	s23 =	simm.s32 $0x2800;
	s24 =	simm.s32 $0x3800;
	[smem:$0x7F0] =	sst s14  }
0x54: {  	s26 =	simm.s32 $0x4800;
	s1 =	sadd.s32 s7, s1;
	[smem:$0x7F2] =	sst s16  }
0x55: {  	s8 =	simm.s32 $0x2400;
	[smem:$0x7F5] =	sst s20;
	s20 =	simm.s32 $0x1E00  }
0x56: {  	s10 =	sshrl.u32 s10, $0x3;
	s1 =	sadd.s32 $0x2DD20, s1;
	[smem:$0x7EB] =	sst s8  }
0x57: {  	s11 =	simm.s32 $0x5;
	s17 =	sadd.s32 s5, s10;
	[smem:$0x7E9] =	sst s1  }
0x58: {  	s12 =	simm.s32 $0x8;
	s10 =	sadd.s32 s4, s10;
	[smem:$0x7DE] =	sst s17  }
0x59: {  	s16 =	simm.s32 $0xC;
	s1 =	simm.s32 $0x3;
	[smem:$0x7E1] =	sst s10  }
0x5a: {  	s10 =	sshrl.u32 s21, $0x3;
	s17 =	sshrl.u32 s14, $0x3;
	s21 =	simm.s32 $0x1D00  }
0x5b: {  	s14 =	simm.s32 $0xA;
	s10 =	sadd.s32 s7, s10;
	[smem:$0x7F1] =	sst s17  }
0x5c: {  	s7 =	sadd.s32 $0x16E900, s2;
	[smem:$0x7F6] =	sst s21;
	s21 =	simm.s32 $0xB  }
0x5d: {  	s17 =	simm.s32 $0x0;
	[smem:$0x7E5] =	sst s10;
	s10 =	simm.s32 $0x1B80  }
0x5e: {  	s0 =	sshrl.u32 @p0 s7, $0x3;
	s7 =	simm.s32 $0x4;
	[smem:$0x7ED] =	sst s10  }
0x5f: {  	[smem:$0x7FC] =	sst s0;
	s0 =	simm.s32 $0x6;
	s10 =	simm.s32 $0x7  }
.LBB2_1:
0x60: {  	s8 =	sld [smem:$0x7D0]  }
0x61: {  	s9 =	sld [smem:$0x7F1];
	_ =	sdelay $0x1  }
0x62: {  	[smem:$0x7C2] =	sst s17  }
0x63: {  	[spmem:s9], [sflag:s15] =	dma.local [hbm:s8], $0x30E0  }
0x64: {  	s15 =	simm.s32 $0xD  }
0x65: {  	_ =	swait.ge [sflag:s15], $0x30E0  }
0x66: {  	[sflag:s15] =	ssyncset.done $0x0  }
0x67: {  	[sflag:s15] =	ssyncadd.s32 $0xFFFFCF20  }
0x68: {  	[bflag:$0x0] =	sbarrier.arrive $0xFFFF  }
0x69: {  	s17 =	sld [smem:$0x7DE];
	_ =	sdelay $0x1  }
0x6a: {  	s25 =	sld [smem:$0x7E1]  }
0x6b: {  	[tilespmem:s3], [sflag:$0xB] =	stream.linear.gather [hbm4b:s17+s3], $0xA00, $0x38;
	[tilespmem:$0x1FF00] =	vst v63  }
0x6c: {  	s15 =	simm.s32 $0xA00;
	s18 =	rddreg [dreg:$0x4]  }
0x6d: {  	[tilespmem:s15], [sflag:$0xB] =	stream.linear.gather [hbm4b:s25+s3], $0xA00, $0x38;
	[tilespmem:$0x1FF00] =	vst v63  }
0x6e: {  	s8 =	sadd.s32 $0x0, s18;
	s17 =	rddreg [dreg:$0x3]  }
0x6f: {  	[tilespmem:s19], [sflag:$0xC] =	stream.linear.gather [hbm4b:s8+s3], $0xA00, $0x38;
	[tilespmem:$0x1FF00] =	vst v63  }
0x70: {  	s18 =	sadd.s32 $0x0, s17  }
0x71: {  	[tilespmem:s20], [sflag:$0xC] =	stream.linear.gather [hbm4b:s18+s3], $0xA00, $0x38;
	[tilespmem:$0x1FF00] =	vst v63  }
0x72: {  	_ =	swait.ge [sflag:s21], $0xA00  }
0x73: {  	[sflag:s21] =	ssyncset.done $0x0  }
0x74: {  	[sflag:s21] =	ssyncadd.s32 $0xFFFFF600  }
0x75: {  	_ =	swait.ge [sflag:s21], $0xA00  }
0x76: {  	[sflag:s21] =	ssyncset.done $0x0  }
0x77: {  	[sflag:s21] =	ssyncadd.s32 $0xFFFFF600  }
0x78: {  	[tilespmem:s23], [sflag:$0x1] =	stream.indirect.gather [hbm4b:s6+s22], $0x20, s3, s22, $0xb8;
	[tilespmem:$0x1FF00] =	vst v63  }
0x79: {  	_ = 	snop  }
0x7a: {  	[tilespmem:s24], [sflag:$0x2] =	stream.indirect.gather [hbm4b:s6+s22], $0x20, s22, s22, $0xb8;
	[tilespmem:$0x1FF00] =	vst v63  }
0x7b: {  	s25 =	rddreg [dreg:$0x5]  }
0x7c: {  	[tilespmem:s26], [sflag:$0x3] =	stream.indirect.gather [hbm4b:s6+s22], $0x20, s25, s22, $0xb8;
	[tilespmem:$0x1FF00] =	vst v63  }
0x7d: {  	_ =	swait.ge [sflag:s28], $0x1000  }
0x7e: {  	[sflag:s28] =	ssyncset.done $0x0  }
0x7f: {  	[sflag:s28] =	ssyncadd.s32 $0xFFFFF000  }
0x80: {  	[spmem:s2] =	stream.indirect.scatter.add.f32 [tilespmem:s23], [sflag:$0x6], $0x20, s15, s22, $0xb8;
	[tilespmem:$0x1FF00] =	vst v63  }
0x81: {  	s9 =	rddreg [dreg:$0x6]  }
0x82: {  	[tilespmem:s29], [sflag:$0x4] =	stream.indirect.gather [hbm4b:s6+s22], $0x20, s9, s22, $0xb8;
	[tilespmem:$0x1FF00] =	vst v63  }
0x83: {  	_ =	swait.ge [sflag:s30], $0x1000  }
0x84: {  	[sflag:s30] =	ssyncset.done $0x0  }
0x85: {  	s17 =	rddreg [dreg:$0x7];
	[sflag:s30] =	ssyncadd.s32 $0xFFFFF000  }
0x86: {  	[spmem:s2] =	stream.indirect.scatter.add.f32 [tilespmem:s24], [sflag:$0x7], $0x20, s17, s22, $0xb8;
	[tilespmem:$0x1FF00] =	vst v63  }
0x87: {  	s18 =	rddreg [dreg:$0x8]  }
0x88: {  	[tilespmem:s31], [sflag:$0x5] =	stream.indirect.gather [hbm4b:s6+s22], $0x20, s18, s22, $0xb8;
	[tilespmem:$0x1FF00] =	vst v63  }
0x89: {  	_ =	swait.ge [sflag:s1], $0x1000  }
0x8a: {  	[sflag:s1] =	ssyncset.done $0x0  }
0x8b: {  	s25 =	rddreg [dreg:$0x9];
	[sflag:s1] =	ssyncadd.s32 $0xFFFFF000  }
0x8c: {  	[spmem:s2] =	stream.indirect.scatter.add.f32 [tilespmem:s26], [sflag:$0x8], $0x20, s25, s22, $0xb8;
	[tilespmem:$0x1FF00] =	vst v63  }
0x8d: {  	_ =	swait.ge [sflag:s0], $0x1000  }
0x8e: {  	[sflag:s0] =	ssyncset.done $0x0  }
0x8f: {  	s9 =	rddreg [dreg:$0xa];
	[sflag:s0] =	ssyncadd.s32 $0xFFFFF000  }
0x90: {  	[tilespmem:s23], [sflag:$0x1] =	stream.indirect.gather [hbm4b:s6+s22], $0x20, s9, s22, $0xb8;
	[tilespmem:$0x1FF00] =	vst v63  }
0x91: {  	_ =	swait.ge [sflag:s7], $0x1000  }
0x92: {  	[sflag:s7] =	ssyncset.done $0x0  }
0x93: {  	s15 =	rddreg [dreg:$0xb];
	[sflag:s7] =	ssyncadd.s32 $0xFFFFF000  }
0x94: {  	[spmem:s2] =	stream.indirect.scatter.add.f32 [tilespmem:s29], [sflag:$0x9], $0x20, s15, s22, $0xb8;
	[tilespmem:$0x1FF00] =	vst v63  }
0x95: {  	_ =	swait.ge [sflag:s10], $0x1000  }
0x96: {  	[sflag:s10] =	ssyncset.done $0x0  }
0x97: {  	s17 =	rddreg [dreg:$0xc];
	[sflag:s10] =	ssyncadd.s32 $0xFFFFF000  }
0x98: {  	[tilespmem:s24], [sflag:$0x2] =	stream.indirect.gather [hbm4b:s6+s22], $0x20, s17, s22, $0xb8;
	[tilespmem:$0x1FF00] =	vst v63  }
0x99: {  	_ =	swait.ge [sflag:s11], $0x1000  }
0x9a: {  	[sflag:s11] =	ssyncset.done $0x0  }
0x9b: {  	s18 =	rddreg [dreg:$0xd];
	[sflag:s11] =	ssyncadd.s32 $0xFFFFF000  }
0x9c: {  	[spmem:s2] =	stream.indirect.scatter.add.f32 [tilespmem:s31], [sflag:$0xA], $0x20, s18, s22, $0xb8;
	[tilespmem:$0x1FF00] =	vst v63  }
0x9d: {  	_ =	swait.ge [sflag:s12], $0x1000  }
0x9e: {  	[sflag:s12] =	ssyncset.done $0x0  }
0x9f: {  	s25 =	rddreg [dreg:$0xe];
	[sflag:s12] =	ssyncadd.s32 $0xFFFFF000  }
0xa0: {  	[tilespmem:s26], [sflag:$0x3] =	stream.indirect.gather [hbm4b:s6+s22], $0x20, s25, s22, $0xb8;
	[tilespmem:$0x1FF00] =	vst v63  }
0xa1: {  	_ =	swait.ge [sflag:s28], $0x1000  }
0xa2: {  	[sflag:s28] =	ssyncset.done $0x0  }
0xa3: {  	s9 =	rddreg [dreg:$0xf];
	[sflag:s28] =	ssyncadd.s32 $0xFFFFF000  }
0xa4: {  	[spmem:s2] =	stream.indirect.scatter.add.f32 [tilespmem:s23], [sflag:$0x6], $0x20, s9, s22, $0xb8;
	[tilespmem:$0x1FF00] =	vst v63  }
0xa5: {  	_ =	swait.ge [sflag:s13], $0x1000  }
0xa6: {  	[sflag:s13] =	ssyncset.done $0x0  }
0xa7: {  	s15 =	rddreg [dreg:$0x10];
	[sflag:s13] =	ssyncadd.s32 $0xFFFFF000  }
0xa8: {  	[tilespmem:s29], [sflag:$0x4] =	stream.indirect.gather [hbm4b:s6+s22], $0x20, s15, s22, $0xb8;
	[tilespmem:$0x1FF00] =	vst v63  }
0xa9: {  	_ =	swait.ge [sflag:s30], $0x1000  }
0xaa: {  	[sflag:s30] =	ssyncset.done $0x0  }
0xab: {  	s17 =	rddreg [dreg:$0x11];
	[sflag:s30] =	ssyncadd.s32 $0xFFFFF000  }
0xac: {  	[spmem:s2] =	stream.indirect.scatter.add.f32 [tilespmem:s24], [sflag:$0x7], $0x20, s17, s22, $0xb8;
	[tilespmem:$0x1FF00] =	vst v63  }
0xad: {  	_ =	swait.ge [sflag:s14], $0x1000  }
0xae: {  	[sflag:s14] =	ssyncset.done $0x0  }
0xaf: {  	s18 =	rddreg [dreg:$0x12];
	[sflag:s14] =	ssyncadd.s32 $0xFFFFF000  }
0xb0: {  	[tilespmem:s31], [sflag:$0x5] =	stream.indirect.gather [hbm4b:s6+s22], $0x20, s18, s22, $0xb8;
	[tilespmem:$0x1FF00] =	vst v63  }
0xb1: {  	_ =	swait.ge [sflag:s1], $0x1000  }
0xb2: {  	[sflag:s1] =	ssyncset.done $0x0  }
0xb3: {  	s25 =	rddreg [dreg:$0x13];
	[sflag:s1] =	ssyncadd.s32 $0xFFFFF000  }
0xb4: {  	[spmem:s2] =	stream.indirect.scatter.add.f32 [tilespmem:s26], [sflag:$0x8], $0x20, s25, s22, $0xb8;
	[tilespmem:$0x1FF00] =	vst v63  }
0xb5: {  	_ =	swait.ge [sflag:s0], $0x1000  }
0xb6: {  	[sflag:s0] =	ssyncset.done $0x0  }
0xb7: {  	s9 =	rddreg [dreg:$0x14];
	[sflag:s0] =	ssyncadd.s32 $0xFFFFF000  }
0xb8: {  	[tilespmem:s23], [sflag:$0x1] =	stream.indirect.gather [hbm4b:s6+s22], $0x20, s9, s22, $0xb8;
	[tilespmem:$0x1FF00] =	vst v63  }
0xb9: {  	_ =	swait.ge [sflag:s7], $0x1000  }
0xba: {  	[sflag:s7] =	ssyncset.done $0x0  }
0xbb: {  	s15 =	rddreg [dreg:$0x15];
	[sflag:s7] =	ssyncadd.s32 $0xFFFFF000  }
0xbc: {  	[spmem:s2] =	stream.indirect.scatter.add.f32 [tilespmem:s29], [sflag:$0x9], $0x20, s15, s22, $0xb8;
	[tilespmem:$0x1FF00] =	vst v63  }
0xbd: {  	_ =	swait.ge [sflag:s10], $0x1000  }
0xbe: {  	[sflag:s10] =	ssyncset.done $0x0  }
0xbf: {  	s17 =	rddreg [dreg:$0x16];
	[sflag:s10] =	ssyncadd.s32 $0xFFFFF000  }
0xc0: {  	[tilespmem:s24], [sflag:$0x2] =	stream.indirect.gather [hbm4b:s6+s22], $0x20, s17, s22, $0xb8;
	[tilespmem:$0x1FF00] =	vst v63  }
0xc1: {  	_ =	swait.ge [sflag:s11], $0x1000  }
0xc2: {  	[sflag:s11] =	ssyncset.done $0x0  }
0xc3: {  	s18 =	rddreg [dreg:$0x17];
	[sflag:s11] =	ssyncadd.s32 $0xFFFFF000  }
0xc4: {  	[spmem:s2] =	stream.indirect.scatter.add.f32 [tilespmem:s31], [sflag:$0xA], $0x20, s18, s22, $0xb8;
	[tilespmem:$0x1FF00] =	vst v63  }
0xc5: {  	_ =	swait.ge [sflag:s12], $0x1000  }
0xc6: {  	[sflag:s12] =	ssyncset.done $0x0  }
0xc7: {  	s25 =	rddreg [dreg:$0x18];
	[sflag:s12] =	ssyncadd.s32 $0xFFFFF000  }
0xc8: {  	[tilespmem:s26], [sflag:$0x3] =	stream.indirect.gather [hbm4b:s6+s22], $0x20, s25, s22, $0xb8;
	[tilespmem:$0x1FF00] =	vst v63  }
0xc9: {  	_ =	swait.ge [sflag:s28], $0x1000  }
0xca: {  	[sflag:s28] =	ssyncset.done $0x0  }
0xcb: {  	s9 =	rddreg [dreg:$0x19];
	[sflag:s28] =	ssyncadd.s32 $0xFFFFF000  }
0xcc: {  	[spmem:s2] =	stream.indirect.scatter.add.f32 [tilespmem:s23], [sflag:$0x6], $0x20, s9, s22, $0xb8;
	[tilespmem:$0x1FF00] =	vst v63  }
0xcd: {  	_ =	swait.ge [sflag:s13], $0x1000  }
0xce: {  	[sflag:s13] =	ssyncset.done $0x0  }
0xcf: {  	s15 =	rddreg [dreg:$0x1a];
	[sflag:s13] =	ssyncadd.s32 $0xFFFFF000  }
0xd0: {  	[tilespmem:s29], [sflag:$0x4] =	stream.indirect.gather [hbm4b:s6+s22], $0x20, s15, s22, $0xb8;
	[tilespmem:$0x1FF00] =	vst v63  }
0xd1: {  	_ =	swait.ge [sflag:s30], $0x1000  }
0xd2: {  	[sflag:s30] =	ssyncset.done $0x0  }
0xd3: {  	s17 =	rddreg [dreg:$0x1b];
	[sflag:s30] =	ssyncadd.s32 $0xFFFFF000  }
0xd4: {  	[spmem:s2] =	stream.indirect.scatter.add.f32 [tilespmem:s24], [sflag:$0x7], $0x20, s17, s22, $0xb8;
	[tilespmem:$0x1FF00] =	vst v63  }
0xd5: {  	_ =	swait.ge [sflag:s14], $0x1000  }
0xd6: {  	[sflag:s14] =	ssyncset.done $0x0  }
0xd7: {  	s18 =	rddreg [dreg:$0x1c];
	[sflag:s14] =	ssyncadd.s32 $0xFFFFF000  }
0xd8: {  	[tilespmem:s31], [sflag:$0x5] =	stream.indirect.gather [hbm4b:s6+s22], $0x20, s18, s22, $0xb8;
	[tilespmem:$0x1FF00] =	vst v63  }
0xd9: {  	_ =	swait.ge [sflag:s1], $0x1000  }
0xda: {  	[sflag:s1] =	ssyncset.done $0x0  }
0xdb: {  	s25 =	rddreg [dreg:$0x1d];
	[sflag:s1] =	ssyncadd.s32 $0xFFFFF000  }
0xdc: {  	[spmem:s2] =	stream.indirect.scatter.add.f32 [tilespmem:s26], [sflag:$0x8], $0x20, s25, s22, $0xb8;
	[tilespmem:$0x1FF00] =	vst v63  }
0xdd: {  	_ =	swait.ge [sflag:s0], $0x1000  }
0xde: {  	[sflag:s0] =	ssyncset.done $0x0  }
0xdf: {  	s9 =	rddreg [dreg:$0x1e];
	[sflag:s0] =	ssyncadd.s32 $0xFFFFF000  }
0xe0: {  	[tilespmem:s23], [sflag:$0x1] =	stream.indirect.gather [hbm4b:s6+s22], $0x20, s9, s22, $0xb8;
	[tilespmem:$0x1FF00] =	vst v63  }
0xe1: {  	_ =	swait.ge [sflag:s7], $0x1000  }
0xe2: {  	[sflag:s7] =	ssyncset.done $0x0  }
0xe3: {  	s15 =	rddreg [dreg:$0x1f];
	[sflag:s7] =	ssyncadd.s32 $0xFFFFF000  }
0xe4: {  	[spmem:s2] =	stream.indirect.scatter.add.f32 [tilespmem:s29], [sflag:$0x9], $0x20, s15, s22, $0xb8;
	[tilespmem:$0x1FF00] =	vst v63  }
0xe5: {  	_ =	swait.ge [sflag:s10], $0x1000  }
0xe6: {  	s17 =	sld [smem:$0x7C3]  }
0xe7: {  	[sflag:s10] =	ssyncset.done $0x0  }
0xe8: {  	[sflag:s10] =	ssyncadd.s32 $0xFFFFF000  }
0xe9: {  	[tilespmem:s24], [sflag:$0x2] =	stream.indirect.gather [hbm4b:s6+s22], $0x20, s17, s22, $0xb8;
	[tilespmem:$0x1FF00] =	vst v63  }
0xea: {  	_ =	swait.ge [sflag:s11], $0x1000  }
0xeb: {  	s18 =	sld [smem:$0x7C4]  }
0xec: {  	[sflag:s11] =	ssyncset.done $0x0  }
0xed: {  	[sflag:s11] =	ssyncadd.s32 $0xFFFFF000  }
0xee: {  	[spmem:s2] =	stream.indirect.scatter.add.f32 [tilespmem:s31], [sflag:$0xA], $0x20, s18, s22, $0xb8;
	[tilespmem:$0x1FF00] =	vst v63  }
0xef: {  	_ =	swait.ge [sflag:s12], $0x1000  }
0xf0: {  	s25 =	sld [smem:$0x7C5]  }
0xf1: {  	[sflag:s12] =	ssyncset.done $0x0  }
0xf2: {  	[sflag:s12] =	ssyncadd.s32 $0xFFFFF000  }
0xf3: {  	[tilespmem:s26], [sflag:$0x3] =	stream.indirect.gather [hbm4b:s6+s22], $0x20, s25, s22, $0xb8;
	[tilespmem:$0x1FF00] =	vst v63  }
0xf4: {  	_ =	swait.ge [sflag:s28], $0x1000  }
0xf5: {  	s9 =	sld [smem:$0x7C6]  }
0xf6: {  	[sflag:s28] =	ssyncset.done $0x0  }
0xf7: {  	[sflag:s28] =	ssyncadd.s32 $0xFFFFF000  }
0xf8: {  	[spmem:s2] =	stream.indirect.scatter.add.f32 [tilespmem:s23], [sflag:$0x6], $0x20, s9, s22, $0xb8;
	[tilespmem:$0x1FF00] =	vst v63  }
0xf9: {  	_ =	swait.ge [sflag:s13], $0x1000  }
0xfa: {  	s15 =	sld [smem:$0x7C7]  }
0xfb: {  	[sflag:s13] =	ssyncset.done $0x0  }
0xfc: {  	[sflag:s13] =	ssyncadd.s32 $0xFFFFF000  }
0xfd: {  	[tilespmem:s29], [sflag:$0x4] =	stream.indirect.gather [hbm4b:s6+s22], $0x20, s15, s22, $0xb8;
	[tilespmem:$0x1FF00] =	vst v63  }
0xfe: {  	_ =	swait.ge [sflag:s30], $0x1000  }
0xff: {  	s17 =	sld [smem:$0x7C8]  }
0x100: {  	[sflag:s30] =	ssyncset.done $0x0  }
0x101: {  	[sflag:s30] =	ssyncadd.s32 $0xFFFFF000  }
0x102: {  	[spmem:s2] =	stream.indirect.scatter.add.f32 [tilespmem:s24], [sflag:$0x7], $0x20, s17, s22, $0xb8;
	[tilespmem:$0x1FF00] =	vst v63  }
0x103: {  	_ =	swait.ge [sflag:s14], $0x1000  }
0x104: {  	s18 =	sld [smem:$0x7C9]  }
0x105: {  	[sflag:s14] =	ssyncset.done $0x0  }
0x106: {  	[sflag:s14] =	ssyncadd.s32 $0xFFFFF000  }
0x107: {  	[tilespmem:s31], [sflag:$0x5] =	stream.indirect.gather [hbm4b:s6+s22], $0x20, s18, s22, $0xb8;
	[tilespmem:$0x1FF00] =	vst v63  }
0x108: {  	_ =	swait.ge [sflag:s1], $0x1000  }
0x109: {  	s25 =	sld [smem:$0x7CA]  }
0x10a: {  	[sflag:s1] =	ssyncset.done $0x0  }
0x10b: {  	[sflag:s1] =	ssyncadd.s32 $0xFFFFF000  }
0x10c: {  	[spmem:s2] =	stream.indirect.scatter.add.f32 [tilespmem:s26], [sflag:$0x8], $0x20, s25, s22, $0xb8;
	[tilespmem:$0x1FF00] =	vst v63  }
0x10d: {  	_ =	swait.ge [sflag:s0], $0x1000  }
0x10e: {  	[sflag:s0] =	ssyncset.done $0x0  }
0x10f: {  	[sflag:s0] =	ssyncadd.s32 $0xFFFFF000  }
0x110: {  	_ =	swait.ge [sflag:s7], $0x1000  }
0x111: {  	s9 =	sld [smem:$0x7CB]  }
0x112: {  	[sflag:s7] =	ssyncset.done $0x0  }
0x113: {  	[sflag:s7] =	ssyncadd.s32 $0xFFFFF000  }
0x114: {  	[spmem:s2] =	stream.indirect.scatter.add.f32 [tilespmem:s29], [sflag:$0x9], $0x20, s9, s22, $0xb8;
	[tilespmem:$0x1FF00] =	vst v63  }
0x115: {  	_ =	swait.ge [sflag:s10], $0x1000  }
0x116: {  	[sflag:s10] =	ssyncset.done $0x0  }
0x117: {  	[sflag:s10] =	ssyncadd.s32 $0xFFFFF000  }
0x118: {  	_ =	swait.ge [sflag:s11], $0x1000  }
0x119: {  	s15 =	sld [smem:$0x7CC]  }
0x11a: {  	[sflag:s11] =	ssyncset.done $0x0  }
0x11b: {  	[sflag:s11] =	ssyncadd.s32 $0xFFFFF000  }
0x11c: {  	[spmem:s2] =	stream.indirect.scatter.add.f32 [tilespmem:s31], [sflag:$0xA], $0x20, s15, s22, $0xb8;
	[tilespmem:$0x1FF00] =	vst v63  }
0x11d: {  	_ =	swait.ge [sflag:s12], $0x1000  }
0x11e: {  	[sflag:s12] =	ssyncset.done $0x0  }
0x11f: {  	[sflag:s12] =	ssyncadd.s32 $0xFFFFF000  }
0x120: {  	_ =	swait.ge [sflag:s13], $0x1000  }
0x121: {  	[sflag:s13] =	ssyncset.done $0x0  }
0x122: {  	[sflag:s13] =	ssyncadd.s32 $0xFFFFF000  }
0x123: {  	_ =	swait.ge [sflag:s14], $0x1000  }
0x124: {  	s18 =	sld [smem:$0x7EE];
	_ =	sdelay $0x1  }
0x125: {  	p1 =	por $0x0, $0x0  }
0x126: {  	[sflag:s14] =	ssyncset.done $0x0;
	s8 =	sshrl.u32 @!p1 s18, $0x3  }
0x127: {  	s15 =	simm.s32 @!p1 $0x0;
	[sflag:s14] =	ssyncadd.s32 $0xFFFFF000;
	s9 =	sadd.s32 @!p1 s5, s8  }
0x128: {  	[tilespmem:s15], [sflag:$0xB] =	stream.linear.gather @!p1 [hbm4b:s9+s15], $0xA00, $0x38;
	[tilespmem:$0x1FF00] =	vst v63  }
0x129: {  	s8 =	sadd.s32 @!p1 s4, s8;
	s9 =	simm.s32 @!p1 $0xA00  }
0x12a: {  	[tilespmem:s9], [sflag:$0xB] =	stream.linear.gather @!p1 [hbm4b:s8+s15], $0xA00, $0x38;
	[tilespmem:$0x1FF00] =	vst v63  }
0x12b: {  	_ =	swait.ge [sflag:s16], $0xA00  }
0x12c: {  	[sflag:s16] =	ssyncset.done $0x0  }
0x12d: {  	[sflag:s16] =	ssyncadd.s32 $0xFFFFF600  }
0x12e: {  	_ =	swait.ge [sflag:s16], $0xA00  }
0x12f: {  	[sflag:s16] =	ssyncset.done $0x0  }
0x130: {  	s17 =	sld [smem:$0x7CD];
	[sflag:s16] =	ssyncadd.s32 $0xFFFFF600  }
0x131: {  	[tilespmem:s23], [sflag:$0x1] =	stream.indirect.gather [hbm4b:s6+s22], $0x20, s19, s22, $0xb8;
	[tilespmem:$0x1FF00] =	vst v63  }
0x132: {  	s25 =	sld [smem:$0x7CE]  }
0x133: {  	[tilespmem:s24], [sflag:$0x2] =	stream.indirect.gather [hbm4b:s6+s22], $0x20, s17, s22, $0xb8;
	[tilespmem:$0x1FF00] =	vst v63  }
0x134: {  	_ = 	snop  }
0x135: {  	[tilespmem:s26], [sflag:$0x3] =	stream.indirect.gather [hbm4b:s6+s22], $0x20, s25, s22, $0xb8;
	[tilespmem:$0x1FF00] =	vst v63  }
0x136: {  	_ =	swait.ge [sflag:s28], $0x1000  }
0x137: {  	[sflag:s28] =	ssyncset.done $0x0  }
0x138: {  	s9 =	sld [smem:$0x7CF];
	[sflag:s28] =	ssyncadd.s32 $0xFFFFF000  }
0x139: {  	[spmem:s2] =	stream.indirect.scatter.add.f32 [tilespmem:s23], [sflag:$0x6], $0x20, s20, s22, $0xb8;
	[tilespmem:$0x1FF00] =	vst v63  }
0x13a: {  	_ = 	snop  }
0x13b: {  	[tilespmem:s29], [sflag:$0x4] =	stream.indirect.gather [hbm4b:s6+s22], $0x20, s9, s22, $0xb8;
	[tilespmem:$0x1FF00] =	vst v63  }
0x13c: {  	_ =	swait.ge [sflag:s30], $0x1000  }
0x13d: {  	s15 =	sld [smem:$0x7D1]  }
0x13e: {  	[sflag:s30] =	ssyncset.done $0x0  }
0x13f: {  	s17 =	sld [smem:$0x7D2];
	[sflag:s30] =	ssyncadd.s32 $0xFFFFF000  }
0x140: {  	[spmem:s2] =	stream.indirect.scatter.add.f32 [tilespmem:s24], [sflag:$0x7], $0x20, s15, s22, $0xb8;
	[tilespmem:$0x1FF00] =	vst v63  }
0x141: {  	_ = 	snop  }
0x142: {  	[tilespmem:s31], [sflag:$0x5] =	stream.indirect.gather [hbm4b:s6+s22], $0x20, s17, s22, $0xb8;
	[tilespmem:$0x1FF00] =	vst v63  }
0x143: {  	_ =	swait.ge [sflag:s1], $0x1000  }
0x144: {  	s25 =	sld [smem:$0x7D3]  }
0x145: {  	[sflag:s1] =	ssyncset.done $0x0  }
0x146: {  	[sflag:s1] =	ssyncadd.s32 $0xFFFFF000  }
0x147: {  	[spmem:s2] =	stream.indirect.scatter.add.f32 [tilespmem:s26], [sflag:$0x8], $0x20, s25, s22, $0xb8;
	[tilespmem:$0x1FF00] =	vst v63  }
0x148: {  	_ =	swait.ge [sflag:s0], $0x1000  }
0x149: {  	s9 =	sld [smem:$0x7D4]  }
0x14a: {  	[sflag:s0] =	ssyncset.done $0x0  }
0x14b: {  	[sflag:s0] =	ssyncadd.s32 $0xFFFFF000  }
0x14c: {  	[tilespmem:s23], [sflag:$0x1] =	stream.indirect.gather [hbm4b:s6+s22], $0x20, s9, s22, $0xb8;
	[tilespmem:$0x1FF00] =	vst v63  }
0x14d: {  	_ =	swait.ge [sflag:s7], $0x1000  }
0x14e: {  	s15 =	sld [smem:$0x7D5]  }
0x14f: {  	[sflag:s7] =	ssyncset.done $0x0  }
0x150: {  	[sflag:s7] =	ssyncadd.s32 $0xFFFFF000  }
0x151: {  	[spmem:s2] =	stream.indirect.scatter.add.f32 [tilespmem:s29], [sflag:$0x9], $0x20, s15, s22, $0xb8;
	[tilespmem:$0x1FF00] =	vst v63  }
0x152: {  	_ =	swait.ge [sflag:s10], $0x1000  }
0x153: {  	s17 =	sld [smem:$0x7D6]  }
0x154: {  	[sflag:s10] =	ssyncset.done $0x0  }
0x155: {  	[sflag:s10] =	ssyncadd.s32 $0xFFFFF000  }
0x156: {  	[tilespmem:s24], [sflag:$0x2] =	stream.indirect.gather [hbm4b:s6+s22], $0x20, s17, s22, $0xb8;
	[tilespmem:$0x1FF00] =	vst v63  }
0x157: {  	_ =	swait.ge [sflag:s11], $0x1000  }
0x158: {  	s25 =	sld [smem:$0x7D7]  }
0x159: {  	[sflag:s11] =	ssyncset.done $0x0  }
0x15a: {  	[sflag:s11] =	ssyncadd.s32 $0xFFFFF000  }
0x15b: {  	[spmem:s2] =	stream.indirect.scatter.add.f32 [tilespmem:s31], [sflag:$0xA], $0x20, s25, s22, $0xb8;
	[tilespmem:$0x1FF00] =	vst v63  }
0x15c: {  	_ =	swait.ge [sflag:s12], $0x1000  }
0x15d: {  	s9 =	sld [smem:$0x7D8]  }
0x15e: {  	[sflag:s12] =	ssyncset.done $0x0  }
0x15f: {  	[sflag:s12] =	ssyncadd.s32 $0xFFFFF000  }
0x160: {  	[tilespmem:s26], [sflag:$0x3] =	stream.indirect.gather [hbm4b:s6+s22], $0x20, s9, s22, $0xb8;
	[tilespmem:$0x1FF00] =	vst v63  }
0x161: {  	_ =	swait.ge [sflag:s28], $0x1000  }
0x162: {  	s15 =	sld [smem:$0x7D9]  }
0x163: {  	[sflag:s28] =	ssyncset.done $0x0  }
0x164: {  	[sflag:s28] =	ssyncadd.s32 $0xFFFFF000  }
0x165: {  	[spmem:s2] =	stream.indirect.scatter.add.f32 [tilespmem:s23], [sflag:$0x6], $0x20, s15, s22, $0xb8;
	[tilespmem:$0x1FF00] =	vst v63  }
0x166: {  	_ =	swait.ge [sflag:s13], $0x1000  }
0x167: {  	s17 =	sld [smem:$0x7DA]  }
0x168: {  	[sflag:s13] =	ssyncset.done $0x0  }
0x169: {  	[sflag:s13] =	ssyncadd.s32 $0xFFFFF000  }
0x16a: {  	[tilespmem:s29], [sflag:$0x4] =	stream.indirect.gather [hbm4b:s6+s22], $0x20, s17, s22, $0xb8;
	[tilespmem:$0x1FF00] =	vst v63  }
0x16b: {  	_ =	swait.ge [sflag:s30], $0x1000  }
0x16c: {  	s25 =	sld [smem:$0x7DB]  }
0x16d: {  	[sflag:s30] =	ssyncset.done $0x0  }
0x16e: {  	[sflag:s30] =	ssyncadd.s32 $0xFFFFF000  }
0x16f: {  	[spmem:s2] =	stream.indirect.scatter.add.f32 [tilespmem:s24], [sflag:$0x7], $0x20, s25, s22, $0xb8;
	[tilespmem:$0x1FF00] =	vst v63  }
0x170: {  	_ =	swait.ge [sflag:s14], $0x1000  }
0x171: {  	s9 =	sld [smem:$0x7DC]  }
0x172: {  	[sflag:s14] =	ssyncset.done $0x0  }
0x173: {  	[sflag:s14] =	ssyncadd.s32 $0xFFFFF000  }
0x174: {  	[tilespmem:s31], [sflag:$0x5] =	stream.indirect.gather [hbm4b:s6+s22], $0x20, s9, s22, $0xb8;
	[tilespmem:$0x1FF00] =	vst v63  }
0x175: {  	_ =	swait.ge [sflag:s1], $0x1000  }
0x176: {  	s15 =	sld [smem:$0x7DD]  }
0x177: {  	[sflag:s1] =	ssyncset.done $0x0  }
0x178: {  	[sflag:s1] =	ssyncadd.s32 $0xFFFFF000  }
0x179: {  	[spmem:s2] =	stream.indirect.scatter.add.f32 [tilespmem:s26], [sflag:$0x8], $0x20, s15, s22, $0xb8;
	[tilespmem:$0x1FF00] =	vst v63  }
0x17a: {  	_ =	swait.ge [sflag:s0], $0x1000  }
0x17b: {  	s17 =	sld [smem:$0x7DF]  }
0x17c: {  	[sflag:s0] =	ssyncset.done $0x0  }
0x17d: {  	[sflag:s0] =	ssyncadd.s32 $0xFFFFF000  }
0x17e: {  	[tilespmem:s23], [sflag:$0x1] =	stream.indirect.gather [hbm4b:s6+s22], $0x20, s17, s22, $0xb8;
	[tilespmem:$0x1FF00] =	vst v63  }
0x17f: {  	_ =	swait.ge [sflag:s7], $0x1000  }
0x180: {  	s25 =	sld [smem:$0x7E0]  }
0x181: {  	[sflag:s7] =	ssyncset.done $0x0  }
0x182: {  	[sflag:s7] =	ssyncadd.s32 $0xFFFFF000  }
0x183: {  	[spmem:s2] =	stream.indirect.scatter.add.f32 [tilespmem:s29], [sflag:$0x9], $0x20, s25, s22, $0xb8;
	[tilespmem:$0x1FF00] =	vst v63  }
0x184: {  	_ =	swait.ge [sflag:s10], $0x1000  }
0x185: {  	s9 =	sld [smem:$0x7E2]  }
0x186: {  	[sflag:s10] =	ssyncset.done $0x0  }
0x187: {  	[sflag:s10] =	ssyncadd.s32 $0xFFFFF000  }
0x188: {  	[tilespmem:s24], [sflag:$0x2] =	stream.indirect.gather [hbm4b:s6+s22], $0x20, s9, s22, $0xb8;
	[tilespmem:$0x1FF00] =	vst v63  }
0x189: {  	_ =	swait.ge [sflag:s11], $0x1000  }
0x18a: {  	s15 =	sld [smem:$0x7E3]  }
0x18b: {  	[sflag:s11] =	ssyncset.done $0x0  }
0x18c: {  	[sflag:s11] =	ssyncadd.s32 $0xFFFFF000  }
0x18d: {  	[spmem:s2] =	stream.indirect.scatter.add.f32 [tilespmem:s31], [sflag:$0xA], $0x20, s15, s22, $0xb8;
	[tilespmem:$0x1FF00] =	vst v63  }
0x18e: {  	_ =	swait.ge [sflag:s12], $0x1000  }
0x18f: {  	s17 =	sld [smem:$0x7E4]  }
0x190: {  	[sflag:s12] =	ssyncset.done $0x0  }
0x191: {  	[sflag:s12] =	ssyncadd.s32 $0xFFFFF000  }
0x192: {  	[tilespmem:s26], [sflag:$0x3] =	stream.indirect.gather [hbm4b:s6+s22], $0x20, s17, s22, $0xb8;
	[tilespmem:$0x1FF00] =	vst v63  }
0x193: {  	_ =	swait.ge [sflag:s28], $0x1000  }
0x194: {  	s25 =	sld [smem:$0x7E6]  }
0x195: {  	[sflag:s28] =	ssyncset.done $0x0  }
0x196: {  	[sflag:s28] =	ssyncadd.s32 $0xFFFFF000  }
0x197: {  	[spmem:s2] =	stream.indirect.scatter.add.f32 [tilespmem:s23], [sflag:$0x6], $0x20, s25, s22, $0xb8;
	[tilespmem:$0x1FF00] =	vst v63  }
0x198: {  	_ =	swait.ge [sflag:s13], $0x1000  }
0x199: {  	s9 =	sld [smem:$0x7E7]  }
0x19a: {  	[sflag:s13] =	ssyncset.done $0x0  }
0x19b: {  	[sflag:s13] =	ssyncadd.s32 $0xFFFFF000  }
0x19c: {  	[tilespmem:s29], [sflag:$0x4] =	stream.indirect.gather [hbm4b:s6+s22], $0x20, s9, s22, $0xb8;
	[tilespmem:$0x1FF00] =	vst v63  }
0x19d: {  	_ =	swait.ge [sflag:s30], $0x1000  }
0x19e: {  	s15 =	sld [smem:$0x7E8]  }
0x19f: {  	[sflag:s30] =	ssyncset.done $0x0  }
0x1a0: {  	[sflag:s30] =	ssyncadd.s32 $0xFFFFF000  }
0x1a1: {  	[spmem:s2] =	stream.indirect.scatter.add.f32 [tilespmem:s24], [sflag:$0x7], $0x20, s15, s22, $0xb8;
	[tilespmem:$0x1FF00] =	vst v63  }
0x1a2: {  	_ =	swait.ge [sflag:s14], $0x1000  }
0x1a3: {  	s17 =	sld [smem:$0x7EA]  }
0x1a4: {  	[sflag:s14] =	ssyncset.done $0x0  }
0x1a5: {  	[sflag:s14] =	ssyncadd.s32 $0xFFFFF000  }
0x1a6: {  	[tilespmem:s31], [sflag:$0x5] =	stream.indirect.gather [hbm4b:s6+s22], $0x20, s17, s22, $0xb8;
	[tilespmem:$0x1FF00] =	vst v63  }
0x1a7: {  	_ =	swait.ge [sflag:s1], $0x1000  }
0x1a8: {  	s25 =	sld [smem:$0x7EB]  }
0x1a9: {  	[sflag:s1] =	ssyncset.done $0x0  }
0x1aa: {  	[sflag:s1] =	ssyncadd.s32 $0xFFFFF000  }
0x1ab: {  	[spmem:s2] =	stream.indirect.scatter.add.f32 [tilespmem:s26], [sflag:$0x8], $0x20, s25, s22, $0xb8;
	[tilespmem:$0x1FF00] =	vst v63  }
0x1ac: {  	_ =	swait.ge [sflag:s0], $0x1000  }
0x1ad: {  	s9 =	sld [smem:$0x7ED]  }
0x1ae: {  	[sflag:s0] =	ssyncset.done $0x0  }
0x1af: {  	[sflag:s0] =	ssyncadd.s32 $0xFFFFF000  }
0x1b0: {  	[tilespmem:s23], [sflag:$0x1] =	stream.indirect.gather [hbm4b:s6+s22], $0x20, s9, s22, $0xb8;
	[tilespmem:$0x1FF00] =	vst v63  }
0x1b1: {  	_ =	swait.ge [sflag:s7], $0x1000  }
0x1b2: {  	s15 =	sld [smem:$0x7EF]  }
0x1b3: {  	[sflag:s7] =	ssyncset.done $0x0  }
0x1b4: {  	[sflag:s7] =	ssyncadd.s32 $0xFFFFF000  }
0x1b5: {  	[spmem:s2] =	stream.indirect.scatter.add.f32 [tilespmem:s29], [sflag:$0x9], $0x20, s15, s22, $0xb8;
	[tilespmem:$0x1FF00] =	vst v63  }
0x1b6: {  	_ =	swait.ge [sflag:s10], $0x1000  }
0x1b7: {  	s17 =	sld [smem:$0x7F2]  }
0x1b8: {  	[sflag:s10] =	ssyncset.done $0x0  }
0x1b9: {  	[sflag:s10] =	ssyncadd.s32 $0xFFFFF000  }
0x1ba: {  	[tilespmem:s24], [sflag:$0x2] =	stream.indirect.gather [hbm4b:s6+s22], $0x20, s17, s22, $0xb8;
	[tilespmem:$0x1FF00] =	vst v63  }
0x1bb: {  	_ =	swait.ge [sflag:s11], $0x1000  }
0x1bc: {  	s25 =	sld [smem:$0x7F3]  }
0x1bd: {  	[sflag:s11] =	ssyncset.done $0x0  }
0x1be: {  	[sflag:s11] =	ssyncadd.s32 $0xFFFFF000  }
0x1bf: {  	[spmem:s2] =	stream.indirect.scatter.add.f32 [tilespmem:s31], [sflag:$0xA], $0x20, s25, s22, $0xb8;
	[tilespmem:$0x1FF00] =	vst v63  }
0x1c0: {  	_ =	swait.ge [sflag:s12], $0x1000  }
0x1c1: {  	s9 =	sld [smem:$0x7F4]  }
0x1c2: {  	[sflag:s12] =	ssyncset.done $0x0  }
0x1c3: {  	[sflag:s12] =	ssyncadd.s32 $0xFFFFF000  }
0x1c4: {  	[tilespmem:s26], [sflag:$0x3] =	stream.indirect.gather [hbm4b:s6+s22], $0x20, s9, s22, $0xb8;
	[tilespmem:$0x1FF00] =	vst v63  }
0x1c5: {  	_ =	swait.ge [sflag:s28], $0x1000  }
0x1c6: {  	s15 =	sld [smem:$0x7F5]  }
0x1c7: {  	[sflag:s28] =	ssyncset.done $0x0  }
0x1c8: {  	[sflag:s28] =	ssyncadd.s32 $0xFFFFF000  }
0x1c9: {  	[spmem:s2] =	stream.indirect.scatter.add.f32 [tilespmem:s23], [sflag:$0x6], $0x20, s15, s22, $0xb8;
	[tilespmem:$0x1FF00] =	vst v63  }
0x1ca: {  	_ =	swait.ge [sflag:s13], $0x1000  }
0x1cb: {  	s17 =	sld [smem:$0x7F6]  }
0x1cc: {  	[sflag:s13] =	ssyncset.done $0x0  }
0x1cd: {  	[sflag:s13] =	ssyncadd.s32 $0xFFFFF000  }
0x1ce: {  	[tilespmem:s29], [sflag:$0x4] =	stream.indirect.gather [hbm4b:s6+s22], $0x20, s17, s22, $0xb8;
	[tilespmem:$0x1FF00] =	vst v63  }
0x1cf: {  	_ =	swait.ge [sflag:s30], $0x1000  }
0x1d0: {  	s25 =	sld [smem:$0x7F7]  }
0x1d1: {  	[sflag:s30] =	ssyncset.done $0x0  }
0x1d2: {  	[sflag:s30] =	ssyncadd.s32 $0xFFFFF000  }
0x1d3: {  	[spmem:s2] =	stream.indirect.scatter.add.f32 [tilespmem:s24], [sflag:$0x7], $0x20, s25, s22, $0xb8;
	[tilespmem:$0x1FF00] =	vst v63  }
0x1d4: {  	_ =	swait.ge [sflag:s14], $0x1000  }
0x1d5: {  	s9 =	sld [smem:$0x7F8]  }
0x1d6: {  	[sflag:s14] =	ssyncset.done $0x0  }
0x1d7: {  	[sflag:s14] =	ssyncadd.s32 $0xFFFFF000  }
0x1d8: {  	[tilespmem:s31], [sflag:$0x5] =	stream.indirect.gather [hbm4b:s6+s22], $0x20, s9, s22, $0xb8;
	[tilespmem:$0x1FF00] =	vst v63  }
0x1d9: {  	_ =	swait.ge [sflag:s1], $0x1000  }
0x1da: {  	s15 =	sld [smem:$0x7F9]  }
0x1db: {  	[sflag:s1] =	ssyncset.done $0x0  }
0x1dc: {  	[sflag:s1] =	ssyncadd.s32 $0xFFFFF000  }
0x1dd: {  	[spmem:s2] =	stream.indirect.scatter.add.f32 [tilespmem:s26], [sflag:$0x8], $0x20, s15, s22, $0xb8;
	[tilespmem:$0x1FF00] =	vst v63  }
0x1de: {  	_ =	swait.ge [sflag:s0], $0x1000  }
0x1df: {  	[sflag:s0] =	ssyncset.done $0x0  }
0x1e0: {  	[sflag:s0] =	ssyncadd.s32 $0xFFFFF000  }
0x1e1: {  	_ =	swait.ge [sflag:s7], $0x1000  }
0x1e2: {  	s17 =	sld [smem:$0x7FA]  }
0x1e3: {  	[sflag:s7] =	ssyncset.done $0x0  }
0x1e4: {  	[sflag:s7] =	ssyncadd.s32 $0xFFFFF000  }
0x1e5: {  	[spmem:s2] =	stream.indirect.scatter.add.f32 [tilespmem:s29], [sflag:$0x9], $0x20, s17, s22, $0xb8;
	[tilespmem:$0x1FF00] =	vst v63  }
0x1e6: {  	_ =	swait.ge [sflag:s10], $0x1000  }
0x1e7: {  	[sflag:s10] =	ssyncset.done $0x0  }
0x1e8: {  	[sflag:s10] =	ssyncadd.s32 $0xFFFFF000  }
0x1e9: {  	_ =	swait.ge [sflag:s11], $0x1000  }
0x1ea: {  	s25 =	sld [smem:$0x7FB]  }
0x1eb: {  	[sflag:s11] =	ssyncset.done $0x0  }
0x1ec: {  	[sflag:s11] =	ssyncadd.s32 $0xFFFFF000  }
0x1ed: {  	[spmem:s2] =	stream.indirect.scatter.add.f32 [tilespmem:s31], [sflag:$0xA], $0x20, s25, s22, $0xb8;
	[tilespmem:$0x1FF00] =	vst v63  }
0x1ee: {  	_ =	swait.ge [sflag:s12], $0x1000  }
0x1ef: {  	[sflag:s12] =	ssyncset.done $0x0  }
0x1f0: {  	[sflag:s12] =	ssyncadd.s32 $0xFFFFF000  }
0x1f1: {  	_ =	swait.ge [sflag:s13], $0x1000  }
0x1f2: {  	[sflag:s13] =	ssyncset.done $0x0  }
0x1f3: {  	[sflag:s13] =	ssyncadd.s32 $0xFFFFF000  }
0x1f4: {  	s15 =	smov.u32 s18;
	s17 =	simm.s32 $0x500;
	_ =	swait.ge [sflag:s14], $0x1000  }
0x1f5: {  	s25 =	simm.s32 $0x280;
	s8 =	rddreg [dreg:$0x4];
	[sflag:s14] =	ssyncset.done $0x0  }
.LBB2_2:
0x1f6: {  	[sflag:s14] =	ssyncadd.s32 $0xFFFFF000;
	s18 =	rddreg [dreg:$0x3];
	s8 =	sadd.s32 s25, s8  }
0x1f7: {  	[tilespmem:s19], [sflag:$0xC] =	stream.linear.gather [hbm4b:s8+s3], $0xA00, $0x38;
	[tilespmem:$0x1FF00] =	vst v63  }
0x1f8: {  	s18 =	sadd.s32 s25, s18  }
0x1f9: {  	[tilespmem:s20], [sflag:$0xC] =	stream.linear.gather [hbm4b:s18+s3], $0xA00, $0x38;
	[tilespmem:$0x1FF00] =	vst v63  }
0x1fa: {  	_ =	swait.ge [sflag:s21], $0xA00  }
0x1fb: {  	[sflag:s21] =	ssyncset.done $0x0  }
0x1fc: {  	[sflag:s21] =	ssyncadd.s32 $0xFFFFF600  }
0x1fd: {  	_ =	swait.ge [sflag:s21], $0xA00  }
0x1fe: {  	[sflag:s21] =	ssyncset.done $0x0  }
0x1ff: {  	[sflag:s21] =	ssyncadd.s32 $0xFFFFF600  }
0x200: {  	[tilespmem:s23], [sflag:$0x1] =	stream.indirect.gather [hbm4b:s6+s22], $0x20, s3, s22, $0xb8;
	[tilespmem:$0x1FF00] =	vst v63  }
0x201: {  	_ = 	snop  }
0x202: {  	[tilespmem:s24], [sflag:$0x2] =	stream.indirect.gather [hbm4b:s6+s22], $0x20, s22, s22, $0xb8;
	[tilespmem:$0x1FF00] =	vst v63  }
0x203: {  	s18 =	rddreg [dreg:$0x5]  }
0x204: {  	[tilespmem:s26], [sflag:$0x3] =	stream.indirect.gather [hbm4b:s6+s22], $0x20, s18, s22, $0xb8;
	[tilespmem:$0x1FF00] =	vst v63  }
0x205: {  	_ =	swait.ge [sflag:s28], $0x1000  }
0x206: {  	[sflag:s28] =	ssyncset.done $0x0  }
0x207: {  	s18 =	simm.s32 $0xA00;
	[sflag:s28] =	ssyncadd.s32 $0xFFFFF000  }
0x208: {  	[spmem:s2] =	stream.indirect.scatter.add.f32 [tilespmem:s23], [sflag:$0x6], $0x20, s18, s22, $0xb8;
	[tilespmem:$0x1FF00] =	vst v63  }
0x209: {  	s8 =	rddreg [dreg:$0x6]  }
0x20a: {  	[tilespmem:s29], [sflag:$0x4] =	stream.indirect.gather [hbm4b:s6+s22], $0x20, s8, s22, $0xb8;
	[tilespmem:$0x1FF00] =	vst v63  }
0x20b: {  	_ =	swait.ge [sflag:s30], $0x1000  }
0x20c: {  	[sflag:s30] =	ssyncset.done $0x0  }
0x20d: {  	s8 =	rddreg [dreg:$0x7];
	[sflag:s30] =	ssyncadd.s32 $0xFFFFF000  }
0x20e: {  	[spmem:s2] =	stream.indirect.scatter.add.f32 [tilespmem:s24], [sflag:$0x7], $0x20, s8, s22, $0xb8;
	[tilespmem:$0x1FF00] =	vst v63  }
0x20f: {  	s18 =	rddreg [dreg:$0x8]  }
0x210: {  	[tilespmem:s31], [sflag:$0x5] =	stream.indirect.gather [hbm4b:s6+s22], $0x20, s18, s22, $0xb8;
	[tilespmem:$0x1FF00] =	vst v63  }
0x211: {  	_ =	swait.ge [sflag:s1], $0x1000  }
0x212: {  	[sflag:s1] =	ssyncset.done $0x0  }
0x213: {  	s18 =	rddreg [dreg:$0x9];
	[sflag:s1] =	ssyncadd.s32 $0xFFFFF000  }
0x214: {  	[spmem:s2] =	stream.indirect.scatter.add.f32 [tilespmem:s26], [sflag:$0x8], $0x20, s18, s22, $0xb8;
	[tilespmem:$0x1FF00] =	vst v63  }
0x215: {  	_ =	swait.ge [sflag:s0], $0x1000  }
0x216: {  	[sflag:s0] =	ssyncset.done $0x0  }
0x217: {  	s18 =	rddreg [dreg:$0xa];
	[sflag:s0] =	ssyncadd.s32 $0xFFFFF000  }
0x218: {  	[tilespmem:s23], [sflag:$0x1] =	stream.indirect.gather [hbm4b:s6+s22], $0x20, s18, s22, $0xb8;
	[tilespmem:$0x1FF00] =	vst v63  }
0x219: {  	_ =	swait.ge [sflag:s7], $0x1000  }
0x21a: {  	[sflag:s7] =	ssyncset.done $0x0  }
0x21b: {  	s18 =	rddreg [dreg:$0xb];
	[sflag:s7] =	ssyncadd.s32 $0xFFFFF000  }
0x21c: {  	[spmem:s2] =	stream.indirect.scatter.add.f32 [tilespmem:s29], [sflag:$0x9], $0x20, s18, s22, $0xb8;
	[tilespmem:$0x1FF00] =	vst v63  }
0x21d: {  	_ =	swait.ge [sflag:s10], $0x1000  }
0x21e: {  	[sflag:s10] =	ssyncset.done $0x0  }
0x21f: {  	s18 =	rddreg [dreg:$0xc];
	[sflag:s10] =	ssyncadd.s32 $0xFFFFF000  }
0x220: {  	[tilespmem:s24], [sflag:$0x2] =	stream.indirect.gather [hbm4b:s6+s22], $0x20, s18, s22, $0xb8;
	[tilespmem:$0x1FF00] =	vst v63  }
0x221: {  	_ =	swait.ge [sflag:s11], $0x1000  }
0x222: {  	[sflag:s11] =	ssyncset.done $0x0  }
0x223: {  	s18 =	rddreg [dreg:$0xd];
	[sflag:s11] =	ssyncadd.s32 $0xFFFFF000  }
0x224: {  	[spmem:s2] =	stream.indirect.scatter.add.f32 [tilespmem:s31], [sflag:$0xA], $0x20, s18, s22, $0xb8;
	[tilespmem:$0x1FF00] =	vst v63  }
0x225: {  	_ =	swait.ge [sflag:s12], $0x1000  }
0x226: {  	[sflag:s12] =	ssyncset.done $0x0  }
0x227: {  	s18 =	rddreg [dreg:$0xe];
	[sflag:s12] =	ssyncadd.s32 $0xFFFFF000  }
0x228: {  	[tilespmem:s26], [sflag:$0x3] =	stream.indirect.gather [hbm4b:s6+s22], $0x20, s18, s22, $0xb8;
	[tilespmem:$0x1FF00] =	vst v63  }
0x229: {  	_ =	swait.ge [sflag:s28], $0x1000  }
0x22a: {  	[sflag:s28] =	ssyncset.done $0x0  }
0x22b: {  	s18 =	rddreg [dreg:$0xf];
	[sflag:s28] =	ssyncadd.s32 $0xFFFFF000  }
0x22c: {  	[spmem:s2] =	stream.indirect.scatter.add.f32 [tilespmem:s23], [sflag:$0x6], $0x20, s18, s22, $0xb8;
	[tilespmem:$0x1FF00] =	vst v63  }
0x22d: {  	_ =	swait.ge [sflag:s13], $0x1000  }
0x22e: {  	[sflag:s13] =	ssyncset.done $0x0  }
0x22f: {  	s18 =	rddreg [dreg:$0x10];
	[sflag:s13] =	ssyncadd.s32 $0xFFFFF000  }
0x230: {  	[tilespmem:s29], [sflag:$0x4] =	stream.indirect.gather [hbm4b:s6+s22], $0x20, s18, s22, $0xb8;
	[tilespmem:$0x1FF00] =	vst v63  }
0x231: {  	_ =	swait.ge [sflag:s30], $0x1000  }
0x232: {  	[sflag:s30] =	ssyncset.done $0x0  }
0x233: {  	s18 =	rddreg [dreg:$0x11];
	[sflag:s30] =	ssyncadd.s32 $0xFFFFF000  }
0x234: {  	[spmem:s2] =	stream.indirect.scatter.add.f32 [tilespmem:s24], [sflag:$0x7], $0x20, s18, s22, $0xb8;
	[tilespmem:$0x1FF00] =	vst v63  }
0x235: {  	_ =	swait.ge [sflag:s14], $0x1000  }
0x236: {  	[sflag:s14] =	ssyncset.done $0x0  }
0x237: {  	s18 =	rddreg [dreg:$0x12];
	[sflag:s14] =	ssyncadd.s32 $0xFFFFF000  }
0x238: {  	[tilespmem:s31], [sflag:$0x5] =	stream.indirect.gather [hbm4b:s6+s22], $0x20, s18, s22, $0xb8;
	[tilespmem:$0x1FF00] =	vst v63  }
0x239: {  	_ =	swait.ge [sflag:s1], $0x1000  }
0x23a: {  	[sflag:s1] =	ssyncset.done $0x0  }
0x23b: {  	s18 =	rddreg [dreg:$0x13];
	[sflag:s1] =	ssyncadd.s32 $0xFFFFF000  }
0x23c: {  	[spmem:s2] =	stream.indirect.scatter.add.f32 [tilespmem:s26], [sflag:$0x8], $0x20, s18, s22, $0xb8;
	[tilespmem:$0x1FF00] =	vst v63  }
0x23d: {  	_ =	swait.ge [sflag:s0], $0x1000  }
0x23e: {  	[sflag:s0] =	ssyncset.done $0x0  }
0x23f: {  	s18 =	rddreg [dreg:$0x14];
	[sflag:s0] =	ssyncadd.s32 $0xFFFFF000  }
0x240: {  	[tilespmem:s23], [sflag:$0x1] =	stream.indirect.gather [hbm4b:s6+s22], $0x20, s18, s22, $0xb8;
	[tilespmem:$0x1FF00] =	vst v63  }
0x241: {  	_ =	swait.ge [sflag:s7], $0x1000  }
0x242: {  	[sflag:s7] =	ssyncset.done $0x0  }
0x243: {  	s18 =	rddreg [dreg:$0x15];
	[sflag:s7] =	ssyncadd.s32 $0xFFFFF000  }
0x244: {  	[spmem:s2] =	stream.indirect.scatter.add.f32 [tilespmem:s29], [sflag:$0x9], $0x20, s18, s22, $0xb8;
	[tilespmem:$0x1FF00] =	vst v63  }
0x245: {  	_ =	swait.ge [sflag:s10], $0x1000  }
0x246: {  	[sflag:s10] =	ssyncset.done $0x0  }
0x247: {  	s18 =	rddreg [dreg:$0x16];
	[sflag:s10] =	ssyncadd.s32 $0xFFFFF000  }
0x248: {  	[tilespmem:s24], [sflag:$0x2] =	stream.indirect.gather [hbm4b:s6+s22], $0x20, s18, s22, $0xb8;
	[tilespmem:$0x1FF00] =	vst v63  }
0x249: {  	_ =	swait.ge [sflag:s11], $0x1000  }
0x24a: {  	[sflag:s11] =	ssyncset.done $0x0  }
0x24b: {  	s18 =	rddreg [dreg:$0x17];
	[sflag:s11] =	ssyncadd.s32 $0xFFFFF000  }
0x24c: {  	[spmem:s2] =	stream.indirect.scatter.add.f32 [tilespmem:s31], [sflag:$0xA], $0x20, s18, s22, $0xb8;
	[tilespmem:$0x1FF00] =	vst v63  }
0x24d: {  	_ =	swait.ge [sflag:s12], $0x1000  }
0x24e: {  	[sflag:s12] =	ssyncset.done $0x0  }
0x24f: {  	s18 =	rddreg [dreg:$0x18];
	[sflag:s12] =	ssyncadd.s32 $0xFFFFF000  }
0x250: {  	[tilespmem:s26], [sflag:$0x3] =	stream.indirect.gather [hbm4b:s6+s22], $0x20, s18, s22, $0xb8;
	[tilespmem:$0x1FF00] =	vst v63  }
0x251: {  	_ =	swait.ge [sflag:s28], $0x1000  }
0x252: {  	[sflag:s28] =	ssyncset.done $0x0  }
0x253: {  	s18 =	rddreg [dreg:$0x19];
	[sflag:s28] =	ssyncadd.s32 $0xFFFFF000  }
0x254: {  	[spmem:s2] =	stream.indirect.scatter.add.f32 [tilespmem:s23], [sflag:$0x6], $0x20, s18, s22, $0xb8;
	[tilespmem:$0x1FF00] =	vst v63  }
0x255: {  	_ =	swait.ge [sflag:s13], $0x1000  }
0x256: {  	[sflag:s13] =	ssyncset.done $0x0  }
0x257: {  	s18 =	rddreg [dreg:$0x1a];
	[sflag:s13] =	ssyncadd.s32 $0xFFFFF000  }
0x258: {  	[tilespmem:s29], [sflag:$0x4] =	stream.indirect.gather [hbm4b:s6+s22], $0x20, s18, s22, $0xb8;
	[tilespmem:$0x1FF00] =	vst v63  }
0x259: {  	_ =	swait.ge [sflag:s30], $0x1000  }
0x25a: {  	[sflag:s30] =	ssyncset.done $0x0  }
0x25b: {  	s18 =	rddreg [dreg:$0x1b];
	[sflag:s30] =	ssyncadd.s32 $0xFFFFF000  }
0x25c: {  	[spmem:s2] =	stream.indirect.scatter.add.f32 [tilespmem:s24], [sflag:$0x7], $0x20, s18, s22, $0xb8;
	[tilespmem:$0x1FF00] =	vst v63  }
0x25d: {  	_ =	swait.ge [sflag:s14], $0x1000  }
0x25e: {  	[sflag:s14] =	ssyncset.done $0x0  }
0x25f: {  	s18 =	rddreg [dreg:$0x1c];
	[sflag:s14] =	ssyncadd.s32 $0xFFFFF000  }
0x260: {  	[tilespmem:s31], [sflag:$0x5] =	stream.indirect.gather [hbm4b:s6+s22], $0x20, s18, s22, $0xb8;
	[tilespmem:$0x1FF00] =	vst v63  }
0x261: {  	_ =	swait.ge [sflag:s1], $0x1000  }
0x262: {  	[sflag:s1] =	ssyncset.done $0x0  }
0x263: {  	s18 =	rddreg [dreg:$0x1d];
	[sflag:s1] =	ssyncadd.s32 $0xFFFFF000  }
0x264: {  	[spmem:s2] =	stream.indirect.scatter.add.f32 [tilespmem:s26], [sflag:$0x8], $0x20, s18, s22, $0xb8;
	[tilespmem:$0x1FF00] =	vst v63  }
0x265: {  	_ =	swait.ge [sflag:s0], $0x1000  }
0x266: {  	[sflag:s0] =	ssyncset.done $0x0  }
0x267: {  	s18 =	rddreg [dreg:$0x1e];
	[sflag:s0] =	ssyncadd.s32 $0xFFFFF000  }
0x268: {  	[tilespmem:s23], [sflag:$0x1] =	stream.indirect.gather [hbm4b:s6+s22], $0x20, s18, s22, $0xb8;
	[tilespmem:$0x1FF00] =	vst v63  }
0x269: {  	_ =	swait.ge [sflag:s7], $0x1000  }
0x26a: {  	[sflag:s7] =	ssyncset.done $0x0  }
0x26b: {  	s18 =	rddreg [dreg:$0x1f];
	[sflag:s7] =	ssyncadd.s32 $0xFFFFF000  }
0x26c: {  	[spmem:s2] =	stream.indirect.scatter.add.f32 [tilespmem:s29], [sflag:$0x9], $0x20, s18, s22, $0xb8;
	[tilespmem:$0x1FF00] =	vst v63  }
0x26d: {  	_ =	swait.ge [sflag:s10], $0x1000  }
0x26e: {  	s18 =	sld [smem:$0x7C3]  }
0x26f: {  	[sflag:s10] =	ssyncset.done $0x0  }
0x270: {  	[sflag:s10] =	ssyncadd.s32 $0xFFFFF000  }
0x271: {  	[tilespmem:s24], [sflag:$0x2] =	stream.indirect.gather [hbm4b:s6+s22], $0x20, s18, s22, $0xb8;
	[tilespmem:$0x1FF00] =	vst v63  }
0x272: {  	_ =	swait.ge [sflag:s11], $0x1000  }
0x273: {  	s18 =	sld [smem:$0x7C4]  }
0x274: {  	[sflag:s11] =	ssyncset.done $0x0  }
0x275: {  	[sflag:s11] =	ssyncadd.s32 $0xFFFFF000  }
0x276: {  	[spmem:s2] =	stream.indirect.scatter.add.f32 [tilespmem:s31], [sflag:$0xA], $0x20, s18, s22, $0xb8;
	[tilespmem:$0x1FF00] =	vst v63  }
0x277: {  	_ =	swait.ge [sflag:s12], $0x1000  }
0x278: {  	s18 =	sld [smem:$0x7C5]  }
0x279: {  	[sflag:s12] =	ssyncset.done $0x0  }
0x27a: {  	[sflag:s12] =	ssyncadd.s32 $0xFFFFF000  }
0x27b: {  	[tilespmem:s26], [sflag:$0x3] =	stream.indirect.gather [hbm4b:s6+s22], $0x20, s18, s22, $0xb8;
	[tilespmem:$0x1FF00] =	vst v63  }
0x27c: {  	_ =	swait.ge [sflag:s28], $0x1000  }
0x27d: {  	s18 =	sld [smem:$0x7C6]  }
0x27e: {  	[sflag:s28] =	ssyncset.done $0x0  }
0x27f: {  	[sflag:s28] =	ssyncadd.s32 $0xFFFFF000  }
0x280: {  	[spmem:s2] =	stream.indirect.scatter.add.f32 [tilespmem:s23], [sflag:$0x6], $0x20, s18, s22, $0xb8;
	[tilespmem:$0x1FF00] =	vst v63  }
0x281: {  	_ =	swait.ge [sflag:s13], $0x1000  }
0x282: {  	s18 =	sld [smem:$0x7C7]  }
0x283: {  	[sflag:s13] =	ssyncset.done $0x0  }
0x284: {  	[sflag:s13] =	ssyncadd.s32 $0xFFFFF000  }
0x285: {  	[tilespmem:s29], [sflag:$0x4] =	stream.indirect.gather [hbm4b:s6+s22], $0x20, s18, s22, $0xb8;
	[tilespmem:$0x1FF00] =	vst v63  }
0x286: {  	_ =	swait.ge [sflag:s30], $0x1000  }
0x287: {  	s18 =	sld [smem:$0x7C8]  }
0x288: {  	[sflag:s30] =	ssyncset.done $0x0  }
0x289: {  	[sflag:s30] =	ssyncadd.s32 $0xFFFFF000  }
0x28a: {  	[spmem:s2] =	stream.indirect.scatter.add.f32 [tilespmem:s24], [sflag:$0x7], $0x20, s18, s22, $0xb8;
	[tilespmem:$0x1FF00] =	vst v63  }
0x28b: {  	_ =	swait.ge [sflag:s14], $0x1000  }
0x28c: {  	s18 =	sld [smem:$0x7C9]  }
0x28d: {  	[sflag:s14] =	ssyncset.done $0x0  }
0x28e: {  	[sflag:s14] =	ssyncadd.s32 $0xFFFFF000  }
0x28f: {  	[tilespmem:s31], [sflag:$0x5] =	stream.indirect.gather [hbm4b:s6+s22], $0x20, s18, s22, $0xb8;
	[tilespmem:$0x1FF00] =	vst v63  }
0x290: {  	_ =	swait.ge [sflag:s1], $0x1000  }
0x291: {  	s18 =	sld [smem:$0x7CA]  }
0x292: {  	[sflag:s1] =	ssyncset.done $0x0  }
0x293: {  	[sflag:s1] =	ssyncadd.s32 $0xFFFFF000  }
0x294: {  	[spmem:s2] =	stream.indirect.scatter.add.f32 [tilespmem:s26], [sflag:$0x8], $0x20, s18, s22, $0xb8;
	[tilespmem:$0x1FF00] =	vst v63  }
0x295: {  	_ =	swait.ge [sflag:s0], $0x1000  }
0x296: {  	[sflag:s0] =	ssyncset.done $0x0  }
0x297: {  	[sflag:s0] =	ssyncadd.s32 $0xFFFFF000  }
0x298: {  	_ =	swait.ge [sflag:s7], $0x1000  }
0x299: {  	s18 =	sld [smem:$0x7CB]  }
0x29a: {  	[sflag:s7] =	ssyncset.done $0x0  }
0x29b: {  	[sflag:s7] =	ssyncadd.s32 $0xFFFFF000  }
0x29c: {  	[spmem:s2] =	stream.indirect.scatter.add.f32 [tilespmem:s29], [sflag:$0x9], $0x20, s18, s22, $0xb8;
	[tilespmem:$0x1FF00] =	vst v63  }
0x29d: {  	_ =	swait.ge [sflag:s10], $0x1000  }
0x29e: {  	[sflag:s10] =	ssyncset.done $0x0  }
0x29f: {  	[sflag:s10] =	ssyncadd.s32 $0xFFFFF000  }
0x2a0: {  	_ =	swait.ge [sflag:s11], $0x1000  }
0x2a1: {  	s18 =	sld [smem:$0x7CC]  }
0x2a2: {  	[sflag:s11] =	ssyncset.done $0x0  }
0x2a3: {  	[sflag:s11] =	ssyncadd.s32 $0xFFFFF000  }
0x2a4: {  	[spmem:s2] =	stream.indirect.scatter.add.f32 [tilespmem:s31], [sflag:$0xA], $0x20, s18, s22, $0xb8;
	[tilespmem:$0x1FF00] =	vst v63  }
0x2a5: {  	_ =	swait.ge [sflag:s12], $0x1000  }
0x2a6: {  	[sflag:s12] =	ssyncset.done $0x0  }
0x2a7: {  	[sflag:s12] =	ssyncadd.s32 $0xFFFFF000  }
0x2a8: {  	_ =	swait.ge [sflag:s13], $0x1000  }
0x2a9: {  	[sflag:s13] =	ssyncset.done $0x0  }
0x2aa: {  	s15 =	sadd.s32 $0x1400, s15;
	[sflag:s13] =	ssyncadd.s32 $0xFFFFF000  }
0x2ab: {  	s9 =	smov.u32 s17;
	p2 =	seq.s32 s25, $0x1680;
	_ =	swait.ge [sflag:s14], $0x1000  }
0x2ac: {  	s25 =	smov.u32 s9;
	s8 =	sshrl.u32 @!p2 s15, $0x3;
	[sflag:s14] =	ssyncset.done $0x0  }
0x2ad: {  	s9 =	sadd.s32 @!p2 s5, s8;
	s18 =	simm.s32 @!p2 $0x0;
	[sflag:s14] =	ssyncadd.s32 $0xFFFFF000  }
0x2ae: {  	[tilespmem:s18], [sflag:$0xB] =	stream.linear.gather @!p2 [hbm4b:s9+s18], $0xA00, $0x38;
	[tilespmem:$0x1FF00] =	vst v63  }
0x2af: {  	s8 =	sadd.s32 @!p2 s4, s8;
	s9 =	simm.s32 @!p2 $0xA00  }
0x2b0: {  	[tilespmem:s9], [sflag:$0xB] =	stream.linear.gather @!p2 [hbm4b:s8+s18], $0xA00, $0x38;
	[tilespmem:$0x1FF00] =	vst v63  }
0x2b1: {  	_ =	swait.ge [sflag:s16], $0xA00  }
0x2b2: {  	[sflag:s16] =	ssyncset.done $0x0  }
0x2b3: {  	[sflag:s16] =	ssyncadd.s32 $0xFFFFF600  }
0x2b4: {  	_ =	swait.ge [sflag:s16], $0xA00  }
0x2b5: {  	[sflag:s16] =	ssyncset.done $0x0  }
0x2b6: {  	s9 =	sld [smem:$0x7CD];
	[sflag:s16] =	ssyncadd.s32 $0xFFFFF600  }
0x2b7: {  	[tilespmem:s23], [sflag:$0x1] =	stream.indirect.gather [hbm4b:s6+s22], $0x20, s19, s22, $0xb8;
	[tilespmem:$0x1FF00] =	vst v63  }
0x2b8: {  	s18 =	sld [smem:$0x7CE]  }
0x2b9: {  	[tilespmem:s24], [sflag:$0x2] =	stream.indirect.gather [hbm4b:s6+s22], $0x20, s9, s22, $0xb8;
	[tilespmem:$0x1FF00] =	vst v63  }
0x2ba: {  	_ = 	snop  }
0x2bb: {  	[tilespmem:s26], [sflag:$0x3] =	stream.indirect.gather [hbm4b:s6+s22], $0x20, s18, s22, $0xb8;
	[tilespmem:$0x1FF00] =	vst v63  }
0x2bc: {  	_ =	swait.ge [sflag:s28], $0x1000  }
0x2bd: {  	[sflag:s28] =	ssyncset.done $0x0  }
0x2be: {  	s18 =	sld [smem:$0x7CF];
	[sflag:s28] =	ssyncadd.s32 $0xFFFFF000  }
0x2bf: {  	[spmem:s2] =	stream.indirect.scatter.add.f32 [tilespmem:s23], [sflag:$0x6], $0x20, s20, s22, $0xb8;
	[tilespmem:$0x1FF00] =	vst v63  }
0x2c0: {  	_ = 	snop  }
0x2c1: {  	[tilespmem:s29], [sflag:$0x4] =	stream.indirect.gather [hbm4b:s6+s22], $0x20, s18, s22, $0xb8;
	[tilespmem:$0x1FF00] =	vst v63  }
0x2c2: {  	_ =	swait.ge [sflag:s30], $0x1000  }
0x2c3: {  	s9 =	sld [smem:$0x7D1]  }
0x2c4: {  	[sflag:s30] =	ssyncset.done $0x0  }
0x2c5: {  	s18 =	sld [smem:$0x7D2];
	[sflag:s30] =	ssyncadd.s32 $0xFFFFF000  }
0x2c6: {  	[spmem:s2] =	stream.indirect.scatter.add.f32 [tilespmem:s24], [sflag:$0x7], $0x20, s9, s22, $0xb8;
	[tilespmem:$0x1FF00] =	vst v63  }
0x2c7: {  	_ = 	snop  }
0x2c8: {  	[tilespmem:s31], [sflag:$0x5] =	stream.indirect.gather [hbm4b:s6+s22], $0x20, s18, s22, $0xb8;
	[tilespmem:$0x1FF00] =	vst v63  }
0x2c9: {  	_ =	swait.ge [sflag:s1], $0x1000  }
0x2ca: {  	s18 =	sld [smem:$0x7D3]  }
0x2cb: {  	[sflag:s1] =	ssyncset.done $0x0  }
0x2cc: {  	[sflag:s1] =	ssyncadd.s32 $0xFFFFF000  }
0x2cd: {  	[spmem:s2] =	stream.indirect.scatter.add.f32 [tilespmem:s26], [sflag:$0x8], $0x20, s18, s22, $0xb8;
	[tilespmem:$0x1FF00] =	vst v63  }
0x2ce: {  	_ =	swait.ge [sflag:s0], $0x1000  }
0x2cf: {  	s9 =	sld [smem:$0x7D4]  }
0x2d0: {  	[sflag:s0] =	ssyncset.done $0x0  }
0x2d1: {  	[sflag:s0] =	ssyncadd.s32 $0xFFFFF000  }
0x2d2: {  	[tilespmem:s23], [sflag:$0x1] =	stream.indirect.gather [hbm4b:s6+s22], $0x20, s9, s22, $0xb8;
	[tilespmem:$0x1FF00] =	vst v63  }
0x2d3: {  	_ =	swait.ge [sflag:s7], $0x1000  }
0x2d4: {  	s18 =	sld [smem:$0x7D5]  }
0x2d5: {  	[sflag:s7] =	ssyncset.done $0x0  }
0x2d6: {  	[sflag:s7] =	ssyncadd.s32 $0xFFFFF000  }
0x2d7: {  	[spmem:s2] =	stream.indirect.scatter.add.f32 [tilespmem:s29], [sflag:$0x9], $0x20, s18, s22, $0xb8;
	[tilespmem:$0x1FF00] =	vst v63  }
0x2d8: {  	_ =	swait.ge [sflag:s10], $0x1000  }
0x2d9: {  	s9 =	sld [smem:$0x7D6]  }
0x2da: {  	[sflag:s10] =	ssyncset.done $0x0  }
0x2db: {  	[sflag:s10] =	ssyncadd.s32 $0xFFFFF000  }
0x2dc: {  	[tilespmem:s24], [sflag:$0x2] =	stream.indirect.gather [hbm4b:s6+s22], $0x20, s9, s22, $0xb8;
	[tilespmem:$0x1FF00] =	vst v63  }
0x2dd: {  	_ =	swait.ge [sflag:s11], $0x1000  }
0x2de: {  	s18 =	sld [smem:$0x7D7]  }
0x2df: {  	[sflag:s11] =	ssyncset.done $0x0  }
0x2e0: {  	[sflag:s11] =	ssyncadd.s32 $0xFFFFF000  }
0x2e1: {  	[spmem:s2] =	stream.indirect.scatter.add.f32 [tilespmem:s31], [sflag:$0xA], $0x20, s18, s22, $0xb8;
	[tilespmem:$0x1FF00] =	vst v63  }
0x2e2: {  	_ =	swait.ge [sflag:s12], $0x1000  }
0x2e3: {  	s9 =	sld [smem:$0x7D8]  }
0x2e4: {  	[sflag:s12] =	ssyncset.done $0x0  }
0x2e5: {  	[sflag:s12] =	ssyncadd.s32 $0xFFFFF000  }
0x2e6: {  	[tilespmem:s26], [sflag:$0x3] =	stream.indirect.gather [hbm4b:s6+s22], $0x20, s9, s22, $0xb8;
	[tilespmem:$0x1FF00] =	vst v63  }
0x2e7: {  	_ =	swait.ge [sflag:s28], $0x1000  }
0x2e8: {  	s18 =	sld [smem:$0x7D9]  }
0x2e9: {  	[sflag:s28] =	ssyncset.done $0x0  }
0x2ea: {  	[sflag:s28] =	ssyncadd.s32 $0xFFFFF000  }
0x2eb: {  	[spmem:s2] =	stream.indirect.scatter.add.f32 [tilespmem:s23], [sflag:$0x6], $0x20, s18, s22, $0xb8;
	[tilespmem:$0x1FF00] =	vst v63  }
0x2ec: {  	_ =	swait.ge [sflag:s13], $0x1000  }
0x2ed: {  	s9 =	sld [smem:$0x7DA]  }
0x2ee: {  	[sflag:s13] =	ssyncset.done $0x0  }
0x2ef: {  	[sflag:s13] =	ssyncadd.s32 $0xFFFFF000  }
0x2f0: {  	[tilespmem:s29], [sflag:$0x4] =	stream.indirect.gather [hbm4b:s6+s22], $0x20, s9, s22, $0xb8;
	[tilespmem:$0x1FF00] =	vst v63  }
0x2f1: {  	_ =	swait.ge [sflag:s30], $0x1000  }
0x2f2: {  	s18 =	sld [smem:$0x7DB]  }
0x2f3: {  	[sflag:s30] =	ssyncset.done $0x0  }
0x2f4: {  	[sflag:s30] =	ssyncadd.s32 $0xFFFFF000  }
0x2f5: {  	[spmem:s2] =	stream.indirect.scatter.add.f32 [tilespmem:s24], [sflag:$0x7], $0x20, s18, s22, $0xb8;
	[tilespmem:$0x1FF00] =	vst v63  }
0x2f6: {  	_ =	swait.ge [sflag:s14], $0x1000  }
0x2f7: {  	s9 =	sld [smem:$0x7DC]  }
0x2f8: {  	[sflag:s14] =	ssyncset.done $0x0  }
0x2f9: {  	[sflag:s14] =	ssyncadd.s32 $0xFFFFF000  }
0x2fa: {  	[tilespmem:s31], [sflag:$0x5] =	stream.indirect.gather [hbm4b:s6+s22], $0x20, s9, s22, $0xb8;
	[tilespmem:$0x1FF00] =	vst v63  }
0x2fb: {  	_ =	swait.ge [sflag:s1], $0x1000  }
0x2fc: {  	s18 =	sld [smem:$0x7DD]  }
0x2fd: {  	[sflag:s1] =	ssyncset.done $0x0  }
0x2fe: {  	[sflag:s1] =	ssyncadd.s32 $0xFFFFF000  }
0x2ff: {  	[spmem:s2] =	stream.indirect.scatter.add.f32 [tilespmem:s26], [sflag:$0x8], $0x20, s18, s22, $0xb8;
	[tilespmem:$0x1FF00] =	vst v63  }
0x300: {  	_ =	swait.ge [sflag:s0], $0x1000  }
0x301: {  	s9 =	sld [smem:$0x7DF]  }
0x302: {  	[sflag:s0] =	ssyncset.done $0x0  }
0x303: {  	[sflag:s0] =	ssyncadd.s32 $0xFFFFF000  }
0x304: {  	[tilespmem:s23], [sflag:$0x1] =	stream.indirect.gather [hbm4b:s6+s22], $0x20, s9, s22, $0xb8;
	[tilespmem:$0x1FF00] =	vst v63  }
0x305: {  	_ =	swait.ge [sflag:s7], $0x1000  }
0x306: {  	s18 =	sld [smem:$0x7E0]  }
0x307: {  	[sflag:s7] =	ssyncset.done $0x0  }
0x308: {  	[sflag:s7] =	ssyncadd.s32 $0xFFFFF000  }
0x309: {  	[spmem:s2] =	stream.indirect.scatter.add.f32 [tilespmem:s29], [sflag:$0x9], $0x20, s18, s22, $0xb8;
	[tilespmem:$0x1FF00] =	vst v63  }
0x30a: {  	_ =	swait.ge [sflag:s10], $0x1000  }
0x30b: {  	s9 =	sld [smem:$0x7E2]  }
0x30c: {  	[sflag:s10] =	ssyncset.done $0x0  }
0x30d: {  	[sflag:s10] =	ssyncadd.s32 $0xFFFFF000  }
0x30e: {  	[tilespmem:s24], [sflag:$0x2] =	stream.indirect.gather [hbm4b:s6+s22], $0x20, s9, s22, $0xb8;
	[tilespmem:$0x1FF00] =	vst v63  }
0x30f: {  	_ =	swait.ge [sflag:s11], $0x1000  }
0x310: {  	s18 =	sld [smem:$0x7E3]  }
0x311: {  	[sflag:s11] =	ssyncset.done $0x0  }
0x312: {  	[sflag:s11] =	ssyncadd.s32 $0xFFFFF000  }
0x313: {  	[spmem:s2] =	stream.indirect.scatter.add.f32 [tilespmem:s31], [sflag:$0xA], $0x20, s18, s22, $0xb8;
	[tilespmem:$0x1FF00] =	vst v63  }
0x314: {  	_ =	swait.ge [sflag:s12], $0x1000  }
0x315: {  	s9 =	sld [smem:$0x7E4]  }
0x316: {  	[sflag:s12] =	ssyncset.done $0x0  }
0x317: {  	[sflag:s12] =	ssyncadd.s32 $0xFFFFF000  }
0x318: {  	[tilespmem:s26], [sflag:$0x3] =	stream.indirect.gather [hbm4b:s6+s22], $0x20, s9, s22, $0xb8;
	[tilespmem:$0x1FF00] =	vst v63  }
0x319: {  	_ =	swait.ge [sflag:s28], $0x1000  }
0x31a: {  	s18 =	sld [smem:$0x7E6]  }
0x31b: {  	[sflag:s28] =	ssyncset.done $0x0  }
0x31c: {  	[sflag:s28] =	ssyncadd.s32 $0xFFFFF000  }
0x31d: {  	[spmem:s2] =	stream.indirect.scatter.add.f32 [tilespmem:s23], [sflag:$0x6], $0x20, s18, s22, $0xb8;
	[tilespmem:$0x1FF00] =	vst v63  }
0x31e: {  	_ =	swait.ge [sflag:s13], $0x1000  }
0x31f: {  	s9 =	sld [smem:$0x7E7]  }
0x320: {  	[sflag:s13] =	ssyncset.done $0x0  }
0x321: {  	[sflag:s13] =	ssyncadd.s32 $0xFFFFF000  }
0x322: {  	[tilespmem:s29], [sflag:$0x4] =	stream.indirect.gather [hbm4b:s6+s22], $0x20, s9, s22, $0xb8;
	[tilespmem:$0x1FF00] =	vst v63  }
0x323: {  	_ =	swait.ge [sflag:s30], $0x1000  }
0x324: {  	s18 =	sld [smem:$0x7E8]  }
0x325: {  	[sflag:s30] =	ssyncset.done $0x0  }
0x326: {  	[sflag:s30] =	ssyncadd.s32 $0xFFFFF000  }
0x327: {  	[spmem:s2] =	stream.indirect.scatter.add.f32 [tilespmem:s24], [sflag:$0x7], $0x20, s18, s22, $0xb8;
	[tilespmem:$0x1FF00] =	vst v63  }
0x328: {  	_ =	swait.ge [sflag:s14], $0x1000  }
0x329: {  	s9 =	sld [smem:$0x7EA]  }
0x32a: {  	[sflag:s14] =	ssyncset.done $0x0  }
0x32b: {  	[sflag:s14] =	ssyncadd.s32 $0xFFFFF000  }
0x32c: {  	[tilespmem:s31], [sflag:$0x5] =	stream.indirect.gather [hbm4b:s6+s22], $0x20, s9, s22, $0xb8;
	[tilespmem:$0x1FF00] =	vst v63  }
0x32d: {  	_ =	swait.ge [sflag:s1], $0x1000  }
0x32e: {  	s18 =	sld [smem:$0x7EB]  }
0x32f: {  	[sflag:s1] =	ssyncset.done $0x0  }
0x330: {  	[sflag:s1] =	ssyncadd.s32 $0xFFFFF000  }
0x331: {  	[spmem:s2] =	stream.indirect.scatter.add.f32 [tilespmem:s26], [sflag:$0x8], $0x20, s18, s22, $0xb8;
	[tilespmem:$0x1FF00] =	vst v63  }
0x332: {  	_ =	swait.ge [sflag:s0], $0x1000  }
0x333: {  	s9 =	sld [smem:$0x7ED]  }
0x334: {  	[sflag:s0] =	ssyncset.done $0x0  }
0x335: {  	[sflag:s0] =	ssyncadd.s32 $0xFFFFF000  }
0x336: {  	[tilespmem:s23], [sflag:$0x1] =	stream.indirect.gather [hbm4b:s6+s22], $0x20, s9, s22, $0xb8;
	[tilespmem:$0x1FF00] =	vst v63  }
0x337: {  	_ =	swait.ge [sflag:s7], $0x1000  }
0x338: {  	s18 =	sld [smem:$0x7EF]  }
0x339: {  	[sflag:s7] =	ssyncset.done $0x0  }
0x33a: {  	[sflag:s7] =	ssyncadd.s32 $0xFFFFF000  }
0x33b: {  	[spmem:s2] =	stream.indirect.scatter.add.f32 [tilespmem:s29], [sflag:$0x9], $0x20, s18, s22, $0xb8;
	[tilespmem:$0x1FF00] =	vst v63  }
0x33c: {  	_ =	swait.ge [sflag:s10], $0x1000  }
0x33d: {  	s9 =	sld [smem:$0x7F2]  }
0x33e: {  	[sflag:s10] =	ssyncset.done $0x0  }
0x33f: {  	[sflag:s10] =	ssyncadd.s32 $0xFFFFF000  }
0x340: {  	[tilespmem:s24], [sflag:$0x2] =	stream.indirect.gather [hbm4b:s6+s22], $0x20, s9, s22, $0xb8;
	[tilespmem:$0x1FF00] =	vst v63  }
0x341: {  	_ =	swait.ge [sflag:s11], $0x1000  }
0x342: {  	s18 =	sld [smem:$0x7F3]  }
0x343: {  	[sflag:s11] =	ssyncset.done $0x0  }
0x344: {  	[sflag:s11] =	ssyncadd.s32 $0xFFFFF000  }
0x345: {  	[spmem:s2] =	stream.indirect.scatter.add.f32 [tilespmem:s31], [sflag:$0xA], $0x20, s18, s22, $0xb8;
	[tilespmem:$0x1FF00] =	vst v63  }
0x346: {  	_ =	swait.ge [sflag:s12], $0x1000  }
0x347: {  	s9 =	sld [smem:$0x7F4]  }
0x348: {  	[sflag:s12] =	ssyncset.done $0x0  }
0x349: {  	[sflag:s12] =	ssyncadd.s32 $0xFFFFF000  }
0x34a: {  	[tilespmem:s26], [sflag:$0x3] =	stream.indirect.gather [hbm4b:s6+s22], $0x20, s9, s22, $0xb8;
	[tilespmem:$0x1FF00] =	vst v63  }
0x34b: {  	_ =	swait.ge [sflag:s28], $0x1000  }
0x34c: {  	s18 =	sld [smem:$0x7F5]  }
0x34d: {  	[sflag:s28] =	ssyncset.done $0x0  }
0x34e: {  	[sflag:s28] =	ssyncadd.s32 $0xFFFFF000  }
0x34f: {  	[spmem:s2] =	stream.indirect.scatter.add.f32 [tilespmem:s23], [sflag:$0x6], $0x20, s18, s22, $0xb8;
	[tilespmem:$0x1FF00] =	vst v63  }
0x350: {  	_ =	swait.ge [sflag:s13], $0x1000  }
0x351: {  	s9 =	sld [smem:$0x7F6]  }
0x352: {  	[sflag:s13] =	ssyncset.done $0x0  }
0x353: {  	[sflag:s13] =	ssyncadd.s32 $0xFFFFF000  }
0x354: {  	[tilespmem:s29], [sflag:$0x4] =	stream.indirect.gather [hbm4b:s6+s22], $0x20, s9, s22, $0xb8;
	[tilespmem:$0x1FF00] =	vst v63  }
0x355: {  	_ =	swait.ge [sflag:s30], $0x1000  }
0x356: {  	s18 =	sld [smem:$0x7F7]  }
0x357: {  	[sflag:s30] =	ssyncset.done $0x0  }
0x358: {  	[sflag:s30] =	ssyncadd.s32 $0xFFFFF000  }
0x359: {  	[spmem:s2] =	stream.indirect.scatter.add.f32 [tilespmem:s24], [sflag:$0x7], $0x20, s18, s22, $0xb8;
	[tilespmem:$0x1FF00] =	vst v63  }
0x35a: {  	_ =	swait.ge [sflag:s14], $0x1000  }
0x35b: {  	s9 =	sld [smem:$0x7F8]  }
0x35c: {  	[sflag:s14] =	ssyncset.done $0x0  }
0x35d: {  	[sflag:s14] =	ssyncadd.s32 $0xFFFFF000  }
0x35e: {  	[tilespmem:s31], [sflag:$0x5] =	stream.indirect.gather [hbm4b:s6+s22], $0x20, s9, s22, $0xb8;
	[tilespmem:$0x1FF00] =	vst v63  }
0x35f: {  	_ =	swait.ge [sflag:s1], $0x1000  }
0x360: {  	s18 =	sld [smem:$0x7F9]  }
0x361: {  	[sflag:s1] =	ssyncset.done $0x0  }
0x362: {  	[sflag:s1] =	ssyncadd.s32 $0xFFFFF000  }
0x363: {  	[spmem:s2] =	stream.indirect.scatter.add.f32 [tilespmem:s26], [sflag:$0x8], $0x20, s18, s22, $0xb8;
	[tilespmem:$0x1FF00] =	vst v63  }
0x364: {  	_ =	swait.ge [sflag:s0], $0x1000  }
0x365: {  	[sflag:s0] =	ssyncset.done $0x0  }
0x366: {  	[sflag:s0] =	ssyncadd.s32 $0xFFFFF000  }
0x367: {  	_ =	swait.ge [sflag:s7], $0x1000  }
0x368: {  	s9 =	sld [smem:$0x7FA]  }
0x369: {  	[sflag:s7] =	ssyncset.done $0x0  }
0x36a: {  	[sflag:s7] =	ssyncadd.s32 $0xFFFFF000  }
0x36b: {  	[spmem:s2] =	stream.indirect.scatter.add.f32 [tilespmem:s29], [sflag:$0x9], $0x20, s9, s22, $0xb8;
	[tilespmem:$0x1FF00] =	vst v63  }
0x36c: {  	_ =	swait.ge [sflag:s10], $0x1000  }
0x36d: {  	[sflag:s10] =	ssyncset.done $0x0  }
0x36e: {  	[sflag:s10] =	ssyncadd.s32 $0xFFFFF000  }
0x36f: {  	_ =	swait.ge [sflag:s11], $0x1000  }
0x370: {  	s18 =	sld [smem:$0x7FB]  }
0x371: {  	[sflag:s11] =	ssyncset.done $0x0  }
0x372: {  	[sflag:s11] =	ssyncadd.s32 $0xFFFFF000  }
0x373: {  	[spmem:s2] =	stream.indirect.scatter.add.f32 [tilespmem:s31], [sflag:$0xA], $0x20, s18, s22, $0xb8;
	[tilespmem:$0x1FF00] =	vst v63  }
0x374: {  	_ =	swait.ge [sflag:s12], $0x1000  }
0x375: {  	s17 =	sadd.s32 $0x280, s17;
	[sflag:s12] =	ssyncset.done $0x0  }
0x376: {  	p1 =	sne.s32 s17, $0x1900;
	[sflag:s12] =	ssyncadd.s32 $0xFFFFF000  }
.Ltmp0:
0x377: {  	_ =	swait.ge [sflag:s13], $0x1000;
	(pc) =	sbr.rel @p1 .LBB2_2-.Ltmp0, $4  }
0x378: {  	[sflag:s13] =	ssyncset.done $0x0  }
0x379: {  	[sflag:s13] =	ssyncadd.s32 $0xFFFFF000  }
0x37a: {  	_ =	swait.ge [sflag:s14], $0x1000  }
0x37b: {  	s8 =	rddreg [dreg:$0x4];
	[sflag:s14] =	ssyncset.done $0x0  }
0x37c: {  	s9 =	rddreg [dreg:$0x3];
	[sflag:s14] =	ssyncadd.s32 $0xFFFFF000;
	s8 =	sadd.s32 s25, s8  }
0x37d: {  	[tilespmem:s19], [sflag:$0xC] =	stream.linear.gather [hbm4b:s8+s3], $0xA00, $0x38;
	[tilespmem:$0x1FF00] =	vst v63  }
0x37e: {  	s18 =	sadd.s32 s25, s9  }
0x37f: {  	[tilespmem:s20], [sflag:$0xC] =	stream.linear.gather [hbm4b:s18+s3], $0xA00, $0x38;
	[tilespmem:$0x1FF00] =	vst v63  }
0x380: {  	_ =	swait.ge [sflag:s21], $0xA00  }
0x381: {  	[sflag:s21] =	ssyncset.done $0x0  }
0x382: {  	[sflag:s21] =	ssyncadd.s32 $0xFFFFF600  }
0x383: {  	_ =	swait.ge [sflag:s21], $0xA00  }
0x384: {  	[sflag:s21] =	ssyncset.done $0x0  }
0x385: {  	[sflag:s21] =	ssyncadd.s32 $0xFFFFF600  }
0x386: {  	[tilespmem:s23], [sflag:$0x1] =	stream.indirect.gather [hbm4b:s6+s22], $0x20, s3, s22, $0xb8;
	[tilespmem:$0x1FF00] =	vst v63  }
0x387: {  	_ = 	snop  }
0x388: {  	[tilespmem:s24], [sflag:$0x2] =	stream.indirect.gather [hbm4b:s6+s22], $0x20, s22, s22, $0xb8;
	[tilespmem:$0x1FF00] =	vst v63  }
0x389: {  	s9 =	rddreg [dreg:$0x5]  }
0x38a: {  	[tilespmem:s26], [sflag:$0x3] =	stream.indirect.gather [hbm4b:s6+s22], $0x20, s9, s22, $0xb8;
	[tilespmem:$0x1FF00] =	vst v63  }
0x38b: {  	_ =	swait.ge [sflag:s28], $0x1000  }
0x38c: {  	[sflag:s28] =	ssyncset.done $0x0  }
0x38d: {  	s18 =	simm.s32 $0xA00;
	[sflag:s28] =	ssyncadd.s32 $0xFFFFF000  }
0x38e: {  	[spmem:s2] =	stream.indirect.scatter.add.f32 [tilespmem:s23], [sflag:$0x6], $0x20, s18, s22, $0xb8;
	[tilespmem:$0x1FF00] =	vst v63  }
0x38f: {  	s17 =	rddreg [dreg:$0x6]  }
0x390: {  	[tilespmem:s29], [sflag:$0x4] =	stream.indirect.gather [hbm4b:s6+s22], $0x20, s17, s22, $0xb8;
	[tilespmem:$0x1FF00] =	vst v63  }
0x391: {  	_ =	swait.ge [sflag:s30], $0x1000  }
0x392: {  	[sflag:s30] =	ssyncset.done $0x0  }
0x393: {  	s17 =	rddreg [dreg:$0x7];
	[sflag:s30] =	ssyncadd.s32 $0xFFFFF000  }
0x394: {  	[spmem:s2] =	stream.indirect.scatter.add.f32 [tilespmem:s24], [sflag:$0x7], $0x20, s17, s22, $0xb8;
	[tilespmem:$0x1FF00] =	vst v63  }
0x395: {  	s18 =	rddreg [dreg:$0x8]  }
0x396: {  	[tilespmem:s31], [sflag:$0x5] =	stream.indirect.gather [hbm4b:s6+s22], $0x20, s18, s22, $0xb8;
	[tilespmem:$0x1FF00] =	vst v63  }
0x397: {  	_ =	swait.ge [sflag:s1], $0x1000  }
0x398: {  	[sflag:s1] =	ssyncset.done $0x0  }
0x399: {  	s9 =	rddreg [dreg:$0x9];
	[sflag:s1] =	ssyncadd.s32 $0xFFFFF000  }
0x39a: {  	[spmem:s2] =	stream.indirect.scatter.add.f32 [tilespmem:s26], [sflag:$0x8], $0x20, s9, s22, $0xb8;
	[tilespmem:$0x1FF00] =	vst v63  }
0x39b: {  	_ =	swait.ge [sflag:s0], $0x1000  }
0x39c: {  	[sflag:s0] =	ssyncset.done $0x0  }
0x39d: {  	s17 =	rddreg [dreg:$0xa];
	[sflag:s0] =	ssyncadd.s32 $0xFFFFF000  }
0x39e: {  	[tilespmem:s23], [sflag:$0x1] =	stream.indirect.gather [hbm4b:s6+s22], $0x20, s17, s22, $0xb8;
	[tilespmem:$0x1FF00] =	vst v63  }
0x39f: {  	_ =	swait.ge [sflag:s7], $0x1000  }
0x3a0: {  	[sflag:s7] =	ssyncset.done $0x0  }
0x3a1: {  	s18 =	rddreg [dreg:$0xb];
	[sflag:s7] =	ssyncadd.s32 $0xFFFFF000  }
0x3a2: {  	[spmem:s2] =	stream.indirect.scatter.add.f32 [tilespmem:s29], [sflag:$0x9], $0x20, s18, s22, $0xb8;
	[tilespmem:$0x1FF00] =	vst v63  }
0x3a3: {  	_ =	swait.ge [sflag:s10], $0x1000  }
0x3a4: {  	[sflag:s10] =	ssyncset.done $0x0  }
0x3a5: {  	s9 =	rddreg [dreg:$0xc];
	[sflag:s10] =	ssyncadd.s32 $0xFFFFF000  }
0x3a6: {  	[tilespmem:s24], [sflag:$0x2] =	stream.indirect.gather [hbm4b:s6+s22], $0x20, s9, s22, $0xb8;
	[tilespmem:$0x1FF00] =	vst v63  }
0x3a7: {  	_ =	swait.ge [sflag:s11], $0x1000  }
0x3a8: {  	[sflag:s11] =	ssyncset.done $0x0  }
0x3a9: {  	s17 =	rddreg [dreg:$0xd];
	[sflag:s11] =	ssyncadd.s32 $0xFFFFF000  }
0x3aa: {  	[spmem:s2] =	stream.indirect.scatter.add.f32 [tilespmem:s31], [sflag:$0xA], $0x20, s17, s22, $0xb8;
	[tilespmem:$0x1FF00] =	vst v63  }
0x3ab: {  	_ =	swait.ge [sflag:s12], $0x1000  }
0x3ac: {  	[sflag:s12] =	ssyncset.done $0x0  }
0x3ad: {  	s18 =	rddreg [dreg:$0xe];
	[sflag:s12] =	ssyncadd.s32 $0xFFFFF000  }
0x3ae: {  	[tilespmem:s26], [sflag:$0x3] =	stream.indirect.gather [hbm4b:s6+s22], $0x20, s18, s22, $0xb8;
	[tilespmem:$0x1FF00] =	vst v63  }
0x3af: {  	_ =	swait.ge [sflag:s28], $0x1000  }
0x3b0: {  	[sflag:s28] =	ssyncset.done $0x0  }
0x3b1: {  	s9 =	rddreg [dreg:$0xf];
	[sflag:s28] =	ssyncadd.s32 $0xFFFFF000  }
0x3b2: {  	[spmem:s2] =	stream.indirect.scatter.add.f32 [tilespmem:s23], [sflag:$0x6], $0x20, s9, s22, $0xb8;
	[tilespmem:$0x1FF00] =	vst v63  }
0x3b3: {  	_ =	swait.ge [sflag:s13], $0x1000  }
0x3b4: {  	[sflag:s13] =	ssyncset.done $0x0  }
0x3b5: {  	s17 =	rddreg [dreg:$0x10];
	[sflag:s13] =	ssyncadd.s32 $0xFFFFF000  }
0x3b6: {  	[tilespmem:s29], [sflag:$0x4] =	stream.indirect.gather [hbm4b:s6+s22], $0x20, s17, s22, $0xb8;
	[tilespmem:$0x1FF00] =	vst v63  }
0x3b7: {  	_ =	swait.ge [sflag:s30], $0x1000  }
0x3b8: {  	[sflag:s30] =	ssyncset.done $0x0  }
0x3b9: {  	s18 =	rddreg [dreg:$0x11];
	[sflag:s30] =	ssyncadd.s32 $0xFFFFF000  }
0x3ba: {  	[spmem:s2] =	stream.indirect.scatter.add.f32 [tilespmem:s24], [sflag:$0x7], $0x20, s18, s22, $0xb8;
	[tilespmem:$0x1FF00] =	vst v63  }
0x3bb: {  	_ =	swait.ge [sflag:s14], $0x1000  }
0x3bc: {  	[sflag:s14] =	ssyncset.done $0x0  }
0x3bd: {  	s9 =	rddreg [dreg:$0x12];
	[sflag:s14] =	ssyncadd.s32 $0xFFFFF000  }
0x3be: {  	[tilespmem:s31], [sflag:$0x5] =	stream.indirect.gather [hbm4b:s6+s22], $0x20, s9, s22, $0xb8;
	[tilespmem:$0x1FF00] =	vst v63  }
0x3bf: {  	_ =	swait.ge [sflag:s1], $0x1000  }
0x3c0: {  	[sflag:s1] =	ssyncset.done $0x0  }
0x3c1: {  	s17 =	rddreg [dreg:$0x13];
	[sflag:s1] =	ssyncadd.s32 $0xFFFFF000  }
0x3c2: {  	[spmem:s2] =	stream.indirect.scatter.add.f32 [tilespmem:s26], [sflag:$0x8], $0x20, s17, s22, $0xb8;
	[tilespmem:$0x1FF00] =	vst v63  }
0x3c3: {  	_ =	swait.ge [sflag:s0], $0x1000  }
0x3c4: {  	[sflag:s0] =	ssyncset.done $0x0  }
0x3c5: {  	s18 =	rddreg [dreg:$0x14];
	[sflag:s0] =	ssyncadd.s32 $0xFFFFF000  }
0x3c6: {  	[tilespmem:s23], [sflag:$0x1] =	stream.indirect.gather [hbm4b:s6+s22], $0x20, s18, s22, $0xb8;
	[tilespmem:$0x1FF00] =	vst v63  }
0x3c7: {  	_ =	swait.ge [sflag:s7], $0x1000  }
0x3c8: {  	[sflag:s7] =	ssyncset.done $0x0  }
0x3c9: {  	s9 =	rddreg [dreg:$0x15];
	[sflag:s7] =	ssyncadd.s32 $0xFFFFF000  }
0x3ca: {  	[spmem:s2] =	stream.indirect.scatter.add.f32 [tilespmem:s29], [sflag:$0x9], $0x20, s9, s22, $0xb8;
	[tilespmem:$0x1FF00] =	vst v63  }
0x3cb: {  	_ =	swait.ge [sflag:s10], $0x1000  }
0x3cc: {  	[sflag:s10] =	ssyncset.done $0x0  }
0x3cd: {  	s17 =	rddreg [dreg:$0x16];
	[sflag:s10] =	ssyncadd.s32 $0xFFFFF000  }
0x3ce: {  	[tilespmem:s24], [sflag:$0x2] =	stream.indirect.gather [hbm4b:s6+s22], $0x20, s17, s22, $0xb8;
	[tilespmem:$0x1FF00] =	vst v63  }
0x3cf: {  	_ =	swait.ge [sflag:s11], $0x1000  }
0x3d0: {  	[sflag:s11] =	ssyncset.done $0x0  }
0x3d1: {  	s18 =	rddreg [dreg:$0x17];
	[sflag:s11] =	ssyncadd.s32 $0xFFFFF000  }
0x3d2: {  	[spmem:s2] =	stream.indirect.scatter.add.f32 [tilespmem:s31], [sflag:$0xA], $0x20, s18, s22, $0xb8;
	[tilespmem:$0x1FF00] =	vst v63  }
0x3d3: {  	_ =	swait.ge [sflag:s12], $0x1000  }
0x3d4: {  	[sflag:s12] =	ssyncset.done $0x0  }
0x3d5: {  	s9 =	rddreg [dreg:$0x18];
	[sflag:s12] =	ssyncadd.s32 $0xFFFFF000  }
0x3d6: {  	[tilespmem:s26], [sflag:$0x3] =	stream.indirect.gather [hbm4b:s6+s22], $0x20, s9, s22, $0xb8;
	[tilespmem:$0x1FF00] =	vst v63  }
0x3d7: {  	_ =	swait.ge [sflag:s28], $0x1000  }
0x3d8: {  	[sflag:s28] =	ssyncset.done $0x0  }
0x3d9: {  	s17 =	rddreg [dreg:$0x19];
	[sflag:s28] =	ssyncadd.s32 $0xFFFFF000  }
0x3da: {  	[spmem:s2] =	stream.indirect.scatter.add.f32 [tilespmem:s23], [sflag:$0x6], $0x20, s17, s22, $0xb8;
	[tilespmem:$0x1FF00] =	vst v63  }
0x3db: {  	_ =	swait.ge [sflag:s13], $0x1000  }
0x3dc: {  	[sflag:s13] =	ssyncset.done $0x0  }
0x3dd: {  	s18 =	rddreg [dreg:$0x1a];
	[sflag:s13] =	ssyncadd.s32 $0xFFFFF000  }
0x3de: {  	[tilespmem:s29], [sflag:$0x4] =	stream.indirect.gather [hbm4b:s6+s22], $0x20, s18, s22, $0xb8;
	[tilespmem:$0x1FF00] =	vst v63  }
0x3df: {  	_ =	swait.ge [sflag:s30], $0x1000  }
0x3e0: {  	[sflag:s30] =	ssyncset.done $0x0  }
0x3e1: {  	s9 =	rddreg [dreg:$0x1b];
	[sflag:s30] =	ssyncadd.s32 $0xFFFFF000  }
0x3e2: {  	[spmem:s2] =	stream.indirect.scatter.add.f32 [tilespmem:s24], [sflag:$0x7], $0x20, s9, s22, $0xb8;
	[tilespmem:$0x1FF00] =	vst v63  }
0x3e3: {  	_ =	swait.ge [sflag:s14], $0x1000  }
0x3e4: {  	[sflag:s14] =	ssyncset.done $0x0  }
0x3e5: {  	s17 =	rddreg [dreg:$0x1c];
	[sflag:s14] =	ssyncadd.s32 $0xFFFFF000  }
0x3e6: {  	[tilespmem:s31], [sflag:$0x5] =	stream.indirect.gather [hbm4b:s6+s22], $0x20, s17, s22, $0xb8;
	[tilespmem:$0x1FF00] =	vst v63  }
0x3e7: {  	_ =	swait.ge [sflag:s1], $0x1000  }
0x3e8: {  	[sflag:s1] =	ssyncset.done $0x0  }
0x3e9: {  	s18 =	rddreg [dreg:$0x1d];
	[sflag:s1] =	ssyncadd.s32 $0xFFFFF000  }
0x3ea: {  	[spmem:s2] =	stream.indirect.scatter.add.f32 [tilespmem:s26], [sflag:$0x8], $0x20, s18, s22, $0xb8;
	[tilespmem:$0x1FF00] =	vst v63  }
0x3eb: {  	_ =	swait.ge [sflag:s0], $0x1000  }
0x3ec: {  	[sflag:s0] =	ssyncset.done $0x0  }
0x3ed: {  	s9 =	rddreg [dreg:$0x1e];
	[sflag:s0] =	ssyncadd.s32 $0xFFFFF000  }
0x3ee: {  	[tilespmem:s23], [sflag:$0x1] =	stream.indirect.gather [hbm4b:s6+s22], $0x20, s9, s22, $0xb8;
	[tilespmem:$0x1FF00] =	vst v63  }
0x3ef: {  	_ =	swait.ge [sflag:s7], $0x1000  }
0x3f0: {  	[sflag:s7] =	ssyncset.done $0x0  }
0x3f1: {  	s17 =	rddreg [dreg:$0x1f];
	[sflag:s7] =	ssyncadd.s32 $0xFFFFF000  }
0x3f2: {  	[spmem:s2] =	stream.indirect.scatter.add.f32 [tilespmem:s29], [sflag:$0x9], $0x20, s17, s22, $0xb8;
	[tilespmem:$0x1FF00] =	vst v63  }
0x3f3: {  	_ =	swait.ge [sflag:s10], $0x1000  }
0x3f4: {  	s18 =	sld [smem:$0x7C3]  }
0x3f5: {  	[sflag:s10] =	ssyncset.done $0x0  }
0x3f6: {  	[sflag:s10] =	ssyncadd.s32 $0xFFFFF000  }
0x3f7: {  	[tilespmem:s24], [sflag:$0x2] =	stream.indirect.gather [hbm4b:s6+s22], $0x20, s18, s22, $0xb8;
	[tilespmem:$0x1FF00] =	vst v63  }
0x3f8: {  	_ =	swait.ge [sflag:s11], $0x1000  }
0x3f9: {  	s9 =	sld [smem:$0x7C4]  }
0x3fa: {  	[sflag:s11] =	ssyncset.done $0x0  }
0x3fb: {  	[sflag:s11] =	ssyncadd.s32 $0xFFFFF000  }
0x3fc: {  	[spmem:s2] =	stream.indirect.scatter.add.f32 [tilespmem:s31], [sflag:$0xA], $0x20, s9, s22, $0xb8;
	[tilespmem:$0x1FF00] =	vst v63  }
0x3fd: {  	_ =	swait.ge [sflag:s12], $0x1000  }
0x3fe: {  	s17 =	sld [smem:$0x7C5]  }
0x3ff: {  	[sflag:s12] =	ssyncset.done $0x0  }
0x400: {  	[sflag:s12] =	ssyncadd.s32 $0xFFFFF000  }
0x401: {  	[tilespmem:s26], [sflag:$0x3] =	stream.indirect.gather [hbm4b:s6+s22], $0x20, s17, s22, $0xb8;
	[tilespmem:$0x1FF00] =	vst v63  }
0x402: {  	_ =	swait.ge [sflag:s28], $0x1000  }
0x403: {  	s18 =	sld [smem:$0x7C6]  }
0x404: {  	[sflag:s28] =	ssyncset.done $0x0  }
0x405: {  	[sflag:s28] =	ssyncadd.s32 $0xFFFFF000  }
0x406: {  	[spmem:s2] =	stream.indirect.scatter.add.f32 [tilespmem:s23], [sflag:$0x6], $0x20, s18, s22, $0xb8;
	[tilespmem:$0x1FF00] =	vst v63  }
0x407: {  	_ =	swait.ge [sflag:s13], $0x1000  }
0x408: {  	s9 =	sld [smem:$0x7C7]  }
0x409: {  	[sflag:s13] =	ssyncset.done $0x0  }
0x40a: {  	[sflag:s13] =	ssyncadd.s32 $0xFFFFF000  }
0x40b: {  	[tilespmem:s29], [sflag:$0x4] =	stream.indirect.gather [hbm4b:s6+s22], $0x20, s9, s22, $0xb8;
	[tilespmem:$0x1FF00] =	vst v63  }
0x40c: {  	_ =	swait.ge [sflag:s30], $0x1000  }
0x40d: {  	s17 =	sld [smem:$0x7C8]  }
0x40e: {  	[sflag:s30] =	ssyncset.done $0x0  }
0x40f: {  	[sflag:s30] =	ssyncadd.s32 $0xFFFFF000  }
0x410: {  	[spmem:s2] =	stream.indirect.scatter.add.f32 [tilespmem:s24], [sflag:$0x7], $0x20, s17, s22, $0xb8;
	[tilespmem:$0x1FF00] =	vst v63  }
0x411: {  	_ =	swait.ge [sflag:s14], $0x1000  }
0x412: {  	s18 =	sld [smem:$0x7C9]  }
0x413: {  	[sflag:s14] =	ssyncset.done $0x0  }
0x414: {  	[sflag:s14] =	ssyncadd.s32 $0xFFFFF000  }
0x415: {  	[tilespmem:s31], [sflag:$0x5] =	stream.indirect.gather [hbm4b:s6+s22], $0x20, s18, s22, $0xb8;
	[tilespmem:$0x1FF00] =	vst v63  }
0x416: {  	_ =	swait.ge [sflag:s1], $0x1000  }
0x417: {  	s9 =	sld [smem:$0x7CA]  }
0x418: {  	[sflag:s1] =	ssyncset.done $0x0  }
0x419: {  	[sflag:s1] =	ssyncadd.s32 $0xFFFFF000  }
0x41a: {  	[spmem:s2] =	stream.indirect.scatter.add.f32 [tilespmem:s26], [sflag:$0x8], $0x20, s9, s22, $0xb8;
	[tilespmem:$0x1FF00] =	vst v63  }
0x41b: {  	_ =	swait.ge [sflag:s0], $0x1000  }
0x41c: {  	[sflag:s0] =	ssyncset.done $0x0  }
0x41d: {  	[sflag:s0] =	ssyncadd.s32 $0xFFFFF000  }
0x41e: {  	_ =	swait.ge [sflag:s7], $0x1000  }
0x41f: {  	s17 =	sld [smem:$0x7CB]  }
0x420: {  	[sflag:s7] =	ssyncset.done $0x0  }
0x421: {  	[sflag:s7] =	ssyncadd.s32 $0xFFFFF000  }
0x422: {  	[spmem:s2] =	stream.indirect.scatter.add.f32 [tilespmem:s29], [sflag:$0x9], $0x20, s17, s22, $0xb8;
	[tilespmem:$0x1FF00] =	vst v63  }
0x423: {  	_ =	swait.ge [sflag:s10], $0x1000  }
0x424: {  	[sflag:s10] =	ssyncset.done $0x0  }
0x425: {  	[sflag:s10] =	ssyncadd.s32 $0xFFFFF000  }
0x426: {  	_ =	swait.ge [sflag:s11], $0x1000  }
0x427: {  	s18 =	sld [smem:$0x7CC]  }
0x428: {  	[sflag:s11] =	ssyncset.done $0x0  }
0x429: {  	[sflag:s11] =	ssyncadd.s32 $0xFFFFF000  }
0x42a: {  	[spmem:s2] =	stream.indirect.scatter.add.f32 [tilespmem:s31], [sflag:$0xA], $0x20, s18, s22, $0xb8;
	[tilespmem:$0x1FF00] =	vst v63  }
0x42b: {  	_ =	swait.ge [sflag:s12], $0x1000  }
0x42c: {  	[sflag:s12] =	ssyncset.done $0x0  }
0x42d: {  	[sflag:s12] =	ssyncadd.s32 $0xFFFFF000  }
0x42e: {  	_ =	swait.ge [sflag:s13], $0x1000  }
0x42f: {  	[sflag:s13] =	ssyncset.done $0x0  }
0x430: {  	[sflag:s13] =	ssyncadd.s32 $0xFFFFF000  }
0x431: {  	p1 =	seq.s32 s25, $0x1680;
	s8 =	sadd.s32 $0x1400, s15;
	_ =	swait.ge [sflag:s14], $0x1000  }
0x432: {  	s8 =	sshrl.u32 @!p1 s8, $0x3;
	[sflag:s14] =	ssyncset.done $0x0  }
0x433: {  	s15 =	simm.s32 @!p1 $0x0;
	s9 =	sadd.s32 @!p1 s5, s8;
	[sflag:s14] =	ssyncadd.s32 $0xFFFFF000  }
0x434: {  	[tilespmem:s15], [sflag:$0xB] =	stream.linear.gather @!p1 [hbm4b:s9+s15], $0xA00, $0x38;
	[tilespmem:$0x1FF00] =	vst v63  }
0x435: {  	s8 =	sadd.s32 @!p1 s4, s8;
	s9 =	simm.s32 @!p1 $0xA00  }
0x436: {  	[tilespmem:s9], [sflag:$0xB] =	stream.linear.gather @!p1 [hbm4b:s8+s15], $0xA00, $0x38;
	[tilespmem:$0x1FF00] =	vst v63  }
0x437: {  	_ =	swait.ge [sflag:s16], $0xA00  }
0x438: {  	[sflag:s16] =	ssyncset.done $0x0  }
0x439: {  	[sflag:s16] =	ssyncadd.s32 $0xFFFFF600  }
0x43a: {  	_ =	swait.ge [sflag:s16], $0xA00  }
0x43b: {  	[sflag:s16] =	ssyncset.done $0x0  }
0x43c: {  	s9 =	sld [smem:$0x7CD];
	[sflag:s16] =	ssyncadd.s32 $0xFFFFF600  }
0x43d: {  	[tilespmem:s23], [sflag:$0x1] =	stream.indirect.gather [hbm4b:s6+s22], $0x20, s19, s22, $0xb8;
	[tilespmem:$0x1FF00] =	vst v63  }
0x43e: {  	s15 =	sld [smem:$0x7CE]  }
0x43f: {  	[tilespmem:s24], [sflag:$0x2] =	stream.indirect.gather [hbm4b:s6+s22], $0x20, s9, s22, $0xb8;
	[tilespmem:$0x1FF00] =	vst v63  }
0x440: {  	_ = 	snop  }
0x441: {  	[tilespmem:s26], [sflag:$0x3] =	stream.indirect.gather [hbm4b:s6+s22], $0x20, s15, s22, $0xb8;
	[tilespmem:$0x1FF00] =	vst v63  }
0x442: {  	_ =	swait.ge [sflag:s28], $0x1000  }
0x443: {  	[sflag:s28] =	ssyncset.done $0x0  }
0x444: {  	s17 =	sld [smem:$0x7CF];
	[sflag:s28] =	ssyncadd.s32 $0xFFFFF000  }
0x445: {  	[spmem:s2] =	stream.indirect.scatter.add.f32 [tilespmem:s23], [sflag:$0x6], $0x20, s20, s22, $0xb8;
	[tilespmem:$0x1FF00] =	vst v63  }
0x446: {  	_ = 	snop  }
0x447: {  	[tilespmem:s29], [sflag:$0x4] =	stream.indirect.gather [hbm4b:s6+s22], $0x20, s17, s22, $0xb8;
	[tilespmem:$0x1FF00] =	vst v63  }
0x448: {  	_ =	swait.ge [sflag:s30], $0x1000  }
0x449: {  	s18 =	sld [smem:$0x7D1]  }
0x44a: {  	[sflag:s30] =	ssyncset.done $0x0  }
0x44b: {  	s25 =	sld [smem:$0x7D2];
	[sflag:s30] =	ssyncadd.s32 $0xFFFFF000  }
0x44c: {  	[spmem:s2] =	stream.indirect.scatter.add.f32 [tilespmem:s24], [sflag:$0x7], $0x20, s18, s22, $0xb8;
	[tilespmem:$0x1FF00] =	vst v63  }
0x44d: {  	_ = 	snop  }
0x44e: {  	[tilespmem:s31], [sflag:$0x5] =	stream.indirect.gather [hbm4b:s6+s22], $0x20, s25, s22, $0xb8;
	[tilespmem:$0x1FF00] =	vst v63  }
0x44f: {  	_ =	swait.ge [sflag:s1], $0x1000  }
0x450: {  	s15 =	sld [smem:$0x7D3]  }
0x451: {  	[sflag:s1] =	ssyncset.done $0x0  }
0x452: {  	[sflag:s1] =	ssyncadd.s32 $0xFFFFF000  }
0x453: {  	[spmem:s2] =	stream.indirect.scatter.add.f32 [tilespmem:s26], [sflag:$0x8], $0x20, s15, s22, $0xb8;
	[tilespmem:$0x1FF00] =	vst v63  }
0x454: {  	_ =	swait.ge [sflag:s0], $0x1000  }
0x455: {  	s17 =	sld [smem:$0x7D4]  }
0x456: {  	[sflag:s0] =	ssyncset.done $0x0  }
0x457: {  	[sflag:s0] =	ssyncadd.s32 $0xFFFFF000  }
0x458: {  	[tilespmem:s23], [sflag:$0x1] =	stream.indirect.gather [hbm4b:s6+s22], $0x20, s17, s22, $0xb8;
	[tilespmem:$0x1FF00] =	vst v63  }
0x459: {  	_ =	swait.ge [sflag:s7], $0x1000  }
0x45a: {  	s18 =	sld [smem:$0x7D5]  }
0x45b: {  	[sflag:s7] =	ssyncset.done $0x0  }
0x45c: {  	[sflag:s7] =	ssyncadd.s32 $0xFFFFF000  }
0x45d: {  	[spmem:s2] =	stream.indirect.scatter.add.f32 [tilespmem:s29], [sflag:$0x9], $0x20, s18, s22, $0xb8;
	[tilespmem:$0x1FF00] =	vst v63  }
0x45e: {  	_ =	swait.ge [sflag:s10], $0x1000  }
0x45f: {  	s25 =	sld [smem:$0x7D6]  }
0x460: {  	[sflag:s10] =	ssyncset.done $0x0  }
0x461: {  	[sflag:s10] =	ssyncadd.s32 $0xFFFFF000  }
0x462: {  	[tilespmem:s24], [sflag:$0x2] =	stream.indirect.gather [hbm4b:s6+s22], $0x20, s25, s22, $0xb8;
	[tilespmem:$0x1FF00] =	vst v63  }
0x463: {  	_ =	swait.ge [sflag:s11], $0x1000  }
0x464: {  	s9 =	sld [smem:$0x7D7]  }
0x465: {  	[sflag:s11] =	ssyncset.done $0x0  }
0x466: {  	[sflag:s11] =	ssyncadd.s32 $0xFFFFF000  }
0x467: {  	[spmem:s2] =	stream.indirect.scatter.add.f32 [tilespmem:s31], [sflag:$0xA], $0x20, s9, s22, $0xb8;
	[tilespmem:$0x1FF00] =	vst v63  }
0x468: {  	_ =	swait.ge [sflag:s12], $0x1000  }
0x469: {  	s15 =	sld [smem:$0x7D8]  }
0x46a: {  	[sflag:s12] =	ssyncset.done $0x0  }
0x46b: {  	[sflag:s12] =	ssyncadd.s32 $0xFFFFF000  }
0x46c: {  	[tilespmem:s26], [sflag:$0x3] =	stream.indirect.gather [hbm4b:s6+s22], $0x20, s15, s22, $0xb8;
	[tilespmem:$0x1FF00] =	vst v63  }
0x46d: {  	_ =	swait.ge [sflag:s28], $0x1000  }
0x46e: {  	s17 =	sld [smem:$0x7D9]  }
0x46f: {  	[sflag:s28] =	ssyncset.done $0x0  }
0x470: {  	[sflag:s28] =	ssyncadd.s32 $0xFFFFF000  }
0x471: {  	[spmem:s2] =	stream.indirect.scatter.add.f32 [tilespmem:s23], [sflag:$0x6], $0x20, s17, s22, $0xb8;
	[tilespmem:$0x1FF00] =	vst v63  }
0x472: {  	_ =	swait.ge [sflag:s13], $0x1000  }
0x473: {  	s18 =	sld [smem:$0x7DA]  }
0x474: {  	[sflag:s13] =	ssyncset.done $0x0  }
0x475: {  	[sflag:s13] =	ssyncadd.s32 $0xFFFFF000  }
0x476: {  	[tilespmem:s29], [sflag:$0x4] =	stream.indirect.gather [hbm4b:s6+s22], $0x20, s18, s22, $0xb8;
	[tilespmem:$0x1FF00] =	vst v63  }
0x477: {  	_ =	swait.ge [sflag:s30], $0x1000  }
0x478: {  	s25 =	sld [smem:$0x7DB]  }
0x479: {  	[sflag:s30] =	ssyncset.done $0x0  }
0x47a: {  	[sflag:s30] =	ssyncadd.s32 $0xFFFFF000  }
0x47b: {  	[spmem:s2] =	stream.indirect.scatter.add.f32 [tilespmem:s24], [sflag:$0x7], $0x20, s25, s22, $0xb8;
	[tilespmem:$0x1FF00] =	vst v63  }
0x47c: {  	_ =	swait.ge [sflag:s14], $0x1000  }
0x47d: {  	s9 =	sld [smem:$0x7DC]  }
0x47e: {  	[sflag:s14] =	ssyncset.done $0x0  }
0x47f: {  	[sflag:s14] =	ssyncadd.s32 $0xFFFFF000  }
0x480: {  	[tilespmem:s31], [sflag:$0x5] =	stream.indirect.gather [hbm4b:s6+s22], $0x20, s9, s22, $0xb8;
	[tilespmem:$0x1FF00] =	vst v63  }
0x481: {  	_ =	swait.ge [sflag:s1], $0x1000  }
0x482: {  	s15 =	sld [smem:$0x7DD]  }
0x483: {  	[sflag:s1] =	ssyncset.done $0x0  }
0x484: {  	[sflag:s1] =	ssyncadd.s32 $0xFFFFF000  }
0x485: {  	[spmem:s2] =	stream.indirect.scatter.add.f32 [tilespmem:s26], [sflag:$0x8], $0x20, s15, s22, $0xb8;
	[tilespmem:$0x1FF00] =	vst v63  }
0x486: {  	_ =	swait.ge [sflag:s0], $0x1000  }
0x487: {  	s17 =	sld [smem:$0x7DF]  }
0x488: {  	[sflag:s0] =	ssyncset.done $0x0  }
0x489: {  	[sflag:s0] =	ssyncadd.s32 $0xFFFFF000  }
0x48a: {  	[tilespmem:s23], [sflag:$0x1] =	stream.indirect.gather [hbm4b:s6+s22], $0x20, s17, s22, $0xb8;
	[tilespmem:$0x1FF00] =	vst v63  }
0x48b: {  	_ =	swait.ge [sflag:s7], $0x1000  }
0x48c: {  	s18 =	sld [smem:$0x7E0]  }
0x48d: {  	[sflag:s7] =	ssyncset.done $0x0  }
0x48e: {  	[sflag:s7] =	ssyncadd.s32 $0xFFFFF000  }
0x48f: {  	[spmem:s2] =	stream.indirect.scatter.add.f32 [tilespmem:s29], [sflag:$0x9], $0x20, s18, s22, $0xb8;
	[tilespmem:$0x1FF00] =	vst v63  }
0x490: {  	_ =	swait.ge [sflag:s10], $0x1000  }
0x491: {  	s25 =	sld [smem:$0x7E2]  }
0x492: {  	[sflag:s10] =	ssyncset.done $0x0  }
0x493: {  	[sflag:s10] =	ssyncadd.s32 $0xFFFFF000  }
0x494: {  	[tilespmem:s24], [sflag:$0x2] =	stream.indirect.gather [hbm4b:s6+s22], $0x20, s25, s22, $0xb8;
	[tilespmem:$0x1FF00] =	vst v63  }
0x495: {  	_ =	swait.ge [sflag:s11], $0x1000  }
0x496: {  	s9 =	sld [smem:$0x7E3]  }
0x497: {  	[sflag:s11] =	ssyncset.done $0x0  }
0x498: {  	[sflag:s11] =	ssyncadd.s32 $0xFFFFF000  }
0x499: {  	[spmem:s2] =	stream.indirect.scatter.add.f32 [tilespmem:s31], [sflag:$0xA], $0x20, s9, s22, $0xb8;
	[tilespmem:$0x1FF00] =	vst v63  }
0x49a: {  	_ =	swait.ge [sflag:s12], $0x1000  }
0x49b: {  	s15 =	sld [smem:$0x7E4]  }
0x49c: {  	[sflag:s12] =	ssyncset.done $0x0  }
0x49d: {  	[sflag:s12] =	ssyncadd.s32 $0xFFFFF000  }
0x49e: {  	[tilespmem:s26], [sflag:$0x3] =	stream.indirect.gather [hbm4b:s6+s22], $0x20, s15, s22, $0xb8;
	[tilespmem:$0x1FF00] =	vst v63  }
0x49f: {  	_ =	swait.ge [sflag:s28], $0x1000  }
0x4a0: {  	s17 =	sld [smem:$0x7E6]  }
0x4a1: {  	[sflag:s28] =	ssyncset.done $0x0  }
0x4a2: {  	[sflag:s28] =	ssyncadd.s32 $0xFFFFF000  }
0x4a3: {  	[spmem:s2] =	stream.indirect.scatter.add.f32 [tilespmem:s23], [sflag:$0x6], $0x20, s17, s22, $0xb8;
	[tilespmem:$0x1FF00] =	vst v63  }
0x4a4: {  	_ =	swait.ge [sflag:s13], $0x1000  }
0x4a5: {  	s18 =	sld [smem:$0x7E7]  }
0x4a6: {  	[sflag:s13] =	ssyncset.done $0x0  }
0x4a7: {  	[sflag:s13] =	ssyncadd.s32 $0xFFFFF000  }
0x4a8: {  	[tilespmem:s29], [sflag:$0x4] =	stream.indirect.gather [hbm4b:s6+s22], $0x20, s18, s22, $0xb8;
	[tilespmem:$0x1FF00] =	vst v63  }
0x4a9: {  	_ =	swait.ge [sflag:s30], $0x1000  }
0x4aa: {  	s25 =	sld [smem:$0x7E8]  }
0x4ab: {  	[sflag:s30] =	ssyncset.done $0x0  }
0x4ac: {  	[sflag:s30] =	ssyncadd.s32 $0xFFFFF000  }
0x4ad: {  	[spmem:s2] =	stream.indirect.scatter.add.f32 [tilespmem:s24], [sflag:$0x7], $0x20, s25, s22, $0xb8;
	[tilespmem:$0x1FF00] =	vst v63  }
0x4ae: {  	_ =	swait.ge [sflag:s14], $0x1000  }
0x4af: {  	s9 =	sld [smem:$0x7EA]  }
0x4b0: {  	[sflag:s14] =	ssyncset.done $0x0  }
0x4b1: {  	[sflag:s14] =	ssyncadd.s32 $0xFFFFF000  }
0x4b2: {  	[tilespmem:s31], [sflag:$0x5] =	stream.indirect.gather [hbm4b:s6+s22], $0x20, s9, s22, $0xb8;
	[tilespmem:$0x1FF00] =	vst v63  }
0x4b3: {  	_ =	swait.ge [sflag:s1], $0x1000  }
0x4b4: {  	s15 =	sld [smem:$0x7EB]  }
0x4b5: {  	[sflag:s1] =	ssyncset.done $0x0  }
0x4b6: {  	[sflag:s1] =	ssyncadd.s32 $0xFFFFF000  }
0x4b7: {  	[spmem:s2] =	stream.indirect.scatter.add.f32 [tilespmem:s26], [sflag:$0x8], $0x20, s15, s22, $0xb8;
	[tilespmem:$0x1FF00] =	vst v63  }
0x4b8: {  	_ =	swait.ge [sflag:s0], $0x1000  }
0x4b9: {  	s17 =	sld [smem:$0x7ED]  }
0x4ba: {  	[sflag:s0] =	ssyncset.done $0x0  }
0x4bb: {  	[sflag:s0] =	ssyncadd.s32 $0xFFFFF000  }
0x4bc: {  	[tilespmem:s23], [sflag:$0x1] =	stream.indirect.gather [hbm4b:s6+s22], $0x20, s17, s22, $0xb8;
	[tilespmem:$0x1FF00] =	vst v63  }
0x4bd: {  	_ =	swait.ge [sflag:s7], $0x1000  }
0x4be: {  	s18 =	sld [smem:$0x7EF]  }
0x4bf: {  	[sflag:s7] =	ssyncset.done $0x0  }
0x4c0: {  	[sflag:s7] =	ssyncadd.s32 $0xFFFFF000  }
0x4c1: {  	[spmem:s2] =	stream.indirect.scatter.add.f32 [tilespmem:s29], [sflag:$0x9], $0x20, s18, s22, $0xb8;
	[tilespmem:$0x1FF00] =	vst v63  }
0x4c2: {  	_ =	swait.ge [sflag:s10], $0x1000  }
0x4c3: {  	s25 =	sld [smem:$0x7F2]  }
0x4c4: {  	[sflag:s10] =	ssyncset.done $0x0  }
0x4c5: {  	[sflag:s10] =	ssyncadd.s32 $0xFFFFF000  }
0x4c6: {  	[tilespmem:s24], [sflag:$0x2] =	stream.indirect.gather [hbm4b:s6+s22], $0x20, s25, s22, $0xb8;
	[tilespmem:$0x1FF00] =	vst v63  }
0x4c7: {  	_ =	swait.ge [sflag:s11], $0x1000  }
0x4c8: {  	s9 =	sld [smem:$0x7F3]  }
0x4c9: {  	[sflag:s11] =	ssyncset.done $0x0  }
0x4ca: {  	[sflag:s11] =	ssyncadd.s32 $0xFFFFF000  }
0x4cb: {  	[spmem:s2] =	stream.indirect.scatter.add.f32 [tilespmem:s31], [sflag:$0xA], $0x20, s9, s22, $0xb8;
	[tilespmem:$0x1FF00] =	vst v63  }
0x4cc: {  	_ =	swait.ge [sflag:s12], $0x1000  }
0x4cd: {  	s15 =	sld [smem:$0x7F4]  }
0x4ce: {  	[sflag:s12] =	ssyncset.done $0x0  }
0x4cf: {  	[sflag:s12] =	ssyncadd.s32 $0xFFFFF000  }
0x4d0: {  	[tilespmem:s26], [sflag:$0x3] =	stream.indirect.gather [hbm4b:s6+s22], $0x20, s15, s22, $0xb8;
	[tilespmem:$0x1FF00] =	vst v63  }
0x4d1: {  	_ =	swait.ge [sflag:s28], $0x1000  }
0x4d2: {  	s17 =	sld [smem:$0x7F5]  }
0x4d3: {  	[sflag:s28] =	ssyncset.done $0x0  }
0x4d4: {  	[sflag:s28] =	ssyncadd.s32 $0xFFFFF000  }
0x4d5: {  	[spmem:s2] =	stream.indirect.scatter.add.f32 [tilespmem:s23], [sflag:$0x6], $0x20, s17, s22, $0xb8;
	[tilespmem:$0x1FF00] =	vst v63  }
0x4d6: {  	_ =	swait.ge [sflag:s13], $0x1000  }
0x4d7: {  	s18 =	sld [smem:$0x7F6]  }
0x4d8: {  	[sflag:s13] =	ssyncset.done $0x0  }
0x4d9: {  	[sflag:s13] =	ssyncadd.s32 $0xFFFFF000  }
0x4da: {  	[tilespmem:s29], [sflag:$0x4] =	stream.indirect.gather [hbm4b:s6+s22], $0x20, s18, s22, $0xb8;
	[tilespmem:$0x1FF00] =	vst v63  }
0x4db: {  	_ =	swait.ge [sflag:s30], $0x1000  }
0x4dc: {  	s25 =	sld [smem:$0x7F7]  }
0x4dd: {  	[sflag:s30] =	ssyncset.done $0x0  }
0x4de: {  	[sflag:s30] =	ssyncadd.s32 $0xFFFFF000  }
0x4df: {  	[spmem:s2] =	stream.indirect.scatter.add.f32 [tilespmem:s24], [sflag:$0x7], $0x20, s25, s22, $0xb8;
	[tilespmem:$0x1FF00] =	vst v63  }
0x4e0: {  	_ =	swait.ge [sflag:s14], $0x1000  }
0x4e1: {  	s9 =	sld [smem:$0x7F8]  }
0x4e2: {  	[sflag:s14] =	ssyncset.done $0x0  }
0x4e3: {  	[sflag:s14] =	ssyncadd.s32 $0xFFFFF000  }
0x4e4: {  	[tilespmem:s31], [sflag:$0x5] =	stream.indirect.gather [hbm4b:s6+s22], $0x20, s9, s22, $0xb8;
	[tilespmem:$0x1FF00] =	vst v63  }
0x4e5: {  	_ =	swait.ge [sflag:s1], $0x1000  }
0x4e6: {  	s15 =	sld [smem:$0x7F9]  }
0x4e7: {  	[sflag:s1] =	ssyncset.done $0x0  }
0x4e8: {  	[sflag:s1] =	ssyncadd.s32 $0xFFFFF000  }
0x4e9: {  	[spmem:s2] =	stream.indirect.scatter.add.f32 [tilespmem:s26], [sflag:$0x8], $0x20, s15, s22, $0xb8;
	[tilespmem:$0x1FF00] =	vst v63  }
0x4ea: {  	_ =	swait.ge [sflag:s0], $0x1000  }
0x4eb: {  	[sflag:s0] =	ssyncset.done $0x0  }
0x4ec: {  	[sflag:s0] =	ssyncadd.s32 $0xFFFFF000  }
0x4ed: {  	_ =	swait.ge [sflag:s7], $0x1000  }
0x4ee: {  	s17 =	sld [smem:$0x7FA]  }
0x4ef: {  	[sflag:s7] =	ssyncset.done $0x0  }
0x4f0: {  	[sflag:s7] =	ssyncadd.s32 $0xFFFFF000  }
0x4f1: {  	[spmem:s2] =	stream.indirect.scatter.add.f32 [tilespmem:s29], [sflag:$0x9], $0x20, s17, s22, $0xb8;
	[tilespmem:$0x1FF00] =	vst v63  }
0x4f2: {  	_ =	swait.ge [sflag:s10], $0x1000  }
0x4f3: {  	[sflag:s10] =	ssyncset.done $0x0  }
0x4f4: {  	[sflag:s10] =	ssyncadd.s32 $0xFFFFF000  }
0x4f5: {  	_ =	swait.ge [sflag:s11], $0x1000  }
0x4f6: {  	s18 =	sld [smem:$0x7FB]  }
0x4f7: {  	[sflag:s11] =	ssyncset.done $0x0  }
0x4f8: {  	[sflag:s11] =	ssyncadd.s32 $0xFFFFF000  }
0x4f9: {  	[spmem:s2] =	stream.indirect.scatter.add.f32 [tilespmem:s31], [sflag:$0xA], $0x20, s18, s22, $0xb8;
	[tilespmem:$0x1FF00] =	vst v63  }
0x4fa: {  	_ =	swait.ge [sflag:s12], $0x1000  }
0x4fb: {  	[sflag:s12] =	ssyncset.done $0x0  }
0x4fc: {  	[sflag:s12] =	ssyncadd.s32 $0xFFFFF000  }
0x4fd: {  	_ =	swait.ge [sflag:s13], $0x1000  }
0x4fe: {  	[sflag:s13] =	ssyncset.done $0x0  }
0x4ff: {  	[sflag:s13] =	ssyncadd.s32 $0xFFFFF000  }
0x500: {  	_ =	swait.ge [sflag:s14], $0x1000  }
0x501: {  	[sflag:s14] =	ssyncset.done $0x0  }
0x502: {  	[sflag:s14] =	ssyncadd.s32 $0xFFFFF000  }
0x503: {  	[bflag:$0x0] =	sbarrier.arrive $0xFFFF  }
0x504: {  	s15 =	sld [smem:$0x7FD]  }
0x505: {  	s8 =	sld [smem:$0x7E9]  }
0x506: {  	s9 =	sld [smem:$0x7FC];
	_ =	sdelay $0x2  }
0x507: {  	[hbm:s8], [sflag:s15] =	dma.local @p0 [spmem:s9], $0x3020  }
0x508: {  	s8 =	simm.s32 @p0 $0xD  }
0x509: {  	_ =	swait.ge @p0 [sflag:s8], $0x3020  }
0x50a: {  	[sflag:s8] =	ssyncset.done @p0 $0x0  }
0x50b: {  	[sflag:s8] =	ssyncadd.s32 @p0 $0xFFFFCFE0;
	s8 =	sld [smem:$0x7F0]  }
0x50c: {  	s9 =	sld [smem:$0x7E5];
	_ =	sdelay $0x1  }
0x50d: {  	s8 =	sshrl.u32 @!p0 s8, $0x3  }
0x50e: {  	[hbm:s9], [sflag:s15] =	dma.local @!p0 [spmem:s8], $0x30E0  }
0x50f: {  	s8 =	simm.s32 @!p0 $0xD  }
0x510: {  	_ =	swait.ge @!p0 [sflag:s8], $0x30E0  }
0x511: {  	s17 =	sld [smem:$0x7C2]  }
0x512: {  	s25 =	sld [smem:$0x7EC];
	_ =	sdelay $0x1  }
0x513: {  	s17 =	sadd.s32 $0x1, s17  }
0x514: {  	p1 =	sne.s32 s17, s25  }
.Ltmp1:
0x515: {  	_ = 	snop;
	(pc) =	sbr.rel @p1 .LBB2_1-.Ltmp1, $3  }
0x516: {  	_ =	sdelay $0x1  }
0x517: {  	[sflag:s8] =	ssyncset.done @!p0 $0x0  }
0x518: {  	[sflag:s8] =	ssyncadd.s32 @!p0 $0xFFFFCF20  }
0x519: {  	_ =	sfence.sel $0x180000  }
0x51a: {  	[bflag:$0x0] =	sbarrier.arrive $0xFFFF  }
0x51b: {  	_ =	strace $0x90000047  }
0x51c: {  	s0 =	stileid.u32;
	[bflag:$0x2] =	sbarrier.arrive $0xFFFF  }
0x51d: {  	p0 =	sne.s32 s0, $0x0;
	s0 =	rddreg [dreg:$0x2]  }
0x51e: {  	s0 =	sadd.s32 @!p0 $0x100000, s0  }
0x51f: {  	[sflag:s0] =	ssyncadd.tile.s32 @!p0 $0x1;
	_ =	shalt  }
.Lfunc_end2:
_tile_overlayer_lowered:
.L_overlay_start_2:
0x520: {  	(tag) =	ssettag $0x2  }
0x521: {  	s0 =	rddreg [dreg:$0x0];
	s2 =	stileid.u32  }
0x522: {  	s1 =	rddreg [dreg:$0x1];
	p0 =	sne.s32 s2, $0x0  }
0x523: {  	s3 =	rddreg [dreg:$0x2];
	[bflag:$0x3] =	sbarrier.arrive $0xFFFF;
	s2 =	simm.s32 @!p0 $0x1C0D  }
0x524: {  	[timem:s3], [sflag:s2] =	dma.local @!p0 [hbm:s0], s1  }
0x525: {  	s0 =	simm.s32 @!p0 $0xD  }
0x526: {  	_ =	swait.ge @!p0 [sflag:s0], s1  }
0x527: {  	s1 =	ssub.s32 @!p0 $0x0, s1;
	[sflag:s0] =	ssyncset.done @!p0 $0x0  }
0x528: {  	[sflag:s0] =	ssyncadd.s32 @!p0 s1  }
0x529: {  	[bflag:$0x3] =	sbarrier.arrive $0xFFFF  }
0x52a: {  	_ =	shalt  }

// kernel: kernel.9.cloned.1.call-start
scs
__scs_entry_jumppad:
0x0: {  	(pc) =	sbr.rel $0x88, $3  }
0x1: {  	(tag) =	ssettag $0x0;
	lr =	simm.s32 $0x1  }
0x2: {  	[smem:$0x3F93] =	sst lr;
	_ =	strace $0xD0000000  }
0x3: {  	_ = 	snop  }
0x4: {  	_ = 	snop  }
0x5: {  	_ = 	snop  }
0x6: {  	_ = 	snop  }
0x7: {  	_ = 	snop  }
__scs_overlays_trampoline_lowered:
0x8: {  	[smem:$0x3FA2] =	sst s0  }
0x9: {  	[smem:$0x3FA3] =	sst s1  }
0xa: {  	[smem:$0x3FA4] =	sst s2  }
0xb: {  	[smem:$0x3FA5] =	sst s3  }
0xc: {  	[smem:$0x3FA6] =	sst s4  }
0xd: {  	[smem:$0x3FA7] =	sst s5  }
0xe: {  	[smem:$0x3FA8] =	sst s6  }
0xf: {  	[smem:$0x3FA9] =	sst s7  }
0x10: {  	[smem:$0x3FAA] =	sst s8  }
0x11: {  	[smem:$0x3FAB] =	sst s9;
	s0 =	simm.s32 @!p0 $0x0  }
0x12: {  	s1 =	sld [smem:$0x3F91];
	s0 =	simm.s32 @p0 $0x1  }
0x13: {  	[smem:$0x3FAC] =	sst s0;
	s0 =	simm.s32 @!p1 $0x0  }
0x14: {  	s2 =	sld [smem:$0x3F90];
	s0 =	simm.s32 @p1 $0x1  }
0x15: {  	[smem:$0x3FAD] =	sst s0;
	s0 =	simm.s32 @!p2 $0x0  }
0x16: {  	s3 =	sld [smem:$0x3FDB];
	s0 =	simm.s32 @p2 $0x1  }
0x17: {  	s4 =	simm.s32 $0x1BF5;
	[smem:$0x3FAF] =	sst s0  }
0x18: {  	s0 =	sld [smem:$0x3F92];
	_ =	swait.ge [sflag:s4], $0x0  }
0x19: {  	s7 =	sld [smem:$0x3F93]  }
0x1a: {  	s8 =	sadd.s32 $0xFFFFE003, lr  }
0x1b: {  	s9 =	sadd.s32 $0xFFFFFEF7, lr;
	s5 =	simm.s32 $0xFFFFFFFF;
	p2 =	slt.u32 s8, $0xFFFFF086  }
0x1c: {  	p1 =	slt.u32 s9, $0xF7A;
	s5 =	simm.s32 @!p2 $0x0  }
0x1d: {  	s5 =	simm.s32 @p1 $0x1;
	p0 =	seq.s32 s7, s2  }
0x1e: {  	s7 =	smul.u32 @!p0 $0xF7A, s2;
	p2 =	seq.s32 @!p0 s5, $0x0  }
0x1f: {  	s9 =	smul.u32 $0xF7A, s1;
	s8 =	simm.s32 @!p0 $0x1BF5;
	p2 =	por !p2, p0  }
0x20: {  	[sflag:s8] =	ssyncset.s32 @!p0 $0xFFFFF086;
	s6 =	sadd.s32 @!p0 s3, s7;
	s7 =	simm.s32 @!p0 $0x108  }
0x21: {  	s3 =	sadd.s32 s3, s9;
	s6 =	sadd.s32 @!p0 $0x88, s6;
	s7 =	simm.s32 @p2 $0x1082  }
0x22: {  	[simem:s7], [sflag:s8] =	dma.local @!p0 [hbm:s6], $0xF7A  }
0x23: {  	s9 =	sor.u32 $0xD0000000, s2;
	s6 =	simm.s32 $0x108;
	_ =	swait.ge @!p0 [sflag:s8], $0x0  }
0x24: {  	s3 =	sadd.s32 $0x88, s3;
	s6 =	simm.s32 @!p1 $0x1082;
	[sflag:s4] =	ssyncset.s32 $0xFFFFF086  }
0x25: {  	[simem:s6], [sflag:s4] =	dma.local [hbm:s3], $0xF7A  }
0x26: {  	[smem:$0x3F93] =	sst s1;
	(tag) =	ssettag s2;
	_ =	strace s9  }
0x27: {  	s1 =	sld [smem:$0x3FA3]  }
0x28: {  	s2 =	sld [smem:$0x3FA4]  }
0x29: {  	s4 =	sld [smem:$0x3FA6]  }
0x2a: {  	p0 =	seq.s32 s5, $0x0;
	s5 =	sld [smem:$0x3FA7]  }
0x2b: {  	s6 =	sld [smem:$0x3FA8]  }
0x2c: {  	s7 =	sld [smem:$0x3FA9]  }
0x2d: {  	s3 =	simm.s32 $0x108;
	s8 =	sld [smem:$0x3FAA]  }
0x2e: {  	s3 =	simm.s32 @!p0 $0x1082;
	s9 =	sld [smem:$0x3FAB]  }
0x2f: {  	lr =	sadd.s32 s0, s3;
	s0 =	sld [smem:$0x3FA2]  }
0x30: {  	s3 =	sld [smem:$0x3FA5]  }
0x31: {  	[smem:$0x3FAE] =	sst s10  }
0x32: {  	s10 =	sld [smem:$0x3FAC];
	_ =	sdelay $0x3  }
0x33: {  	p0 =	seq.s32 s10, $0x1;
	s10 =	sld [smem:$0x3FAE];
	_ =	sdelay $0x3  }
0x34: {  	[smem:$0x3FAE] =	sst s10  }
0x35: {  	s10 =	sld [smem:$0x3FAD];
	_ =	sdelay $0x3  }
0x36: {  	p1 =	seq.s32 s10, $0x1;
	s10 =	sld [smem:$0x3FAE];
	_ =	sdelay $0x3  }
0x37: {  	[smem:$0x3FAE] =	sst s10  }
0x38: {  	s10 =	sld [smem:$0x3FAF]  }
0x39: {  	_ = 	snop;
	(pc) =	sbr.ind lr, $3  }
0x3a: {  	_ = 	snop  }
0x3b: {  	_ = 	snop  }
0x3c: {  	p2 =	seq.s32 s10, $0x1;
	s10 =	sld [smem:$0x3FAE]  }
0x3d: {  	_ =	shalt  }
0x3e: {  	_ =	shalt  }
0x3f: {  	_ =	shalt  }
0x40: {  	_ =	shalt  }
0x41: {  	_ =	shalt  }
0x42: {  	_ =	shalt  }
0x43: {  	_ =	shalt  }
0x44: {  	_ =	shalt  }
0x45: {  	_ =	shalt  }
0x46: {  	_ =	shalt  }
0x47: {  	_ =	shalt  }
0x48: {  	_ =	shalt  }
0x49: {  	_ =	shalt  }
0x4a: {  	_ =	shalt  }
0x4b: {  	_ =	shalt  }
0x4c: {  	_ =	shalt  }
0x4d: {  	_ =	shalt  }
0x4e: {  	_ =	shalt  }
0x4f: {  	_ =	shalt  }
0x50: {  	_ =	shalt  }
0x51: {  	_ =	shalt  }
0x52: {  	_ =	shalt  }
0x53: {  	_ =	shalt  }
0x54: {  	_ =	shalt  }
0x55: {  	_ =	shalt  }
0x56: {  	_ =	shalt  }
0x57: {  	_ =	shalt  }
0x58: {  	_ =	shalt  }
0x59: {  	_ =	shalt  }
0x5a: {  	_ =	shalt  }
0x5b: {  	_ =	shalt  }
0x5c: {  	_ =	shalt  }
0x5d: {  	_ =	shalt  }
0x5e: {  	_ =	shalt  }
0x5f: {  	_ =	shalt  }
0x60: {  	_ =	shalt  }
0x61: {  	_ =	shalt  }
0x62: {  	_ =	shalt  }
0x63: {  	_ =	shalt  }
0x64: {  	_ =	shalt  }
0x65: {  	_ =	shalt  }
0x66: {  	_ =	shalt  }
0x67: {  	_ =	shalt  }
0x68: {  	_ =	shalt  }
0x69: {  	_ =	shalt  }
0x6a: {  	_ =	shalt  }
0x6b: {  	_ =	shalt  }
0x6c: {  	_ =	shalt  }
0x6d: {  	_ =	shalt  }
0x6e: {  	_ =	shalt  }
0x6f: {  	_ =	shalt  }
0x70: {  	_ =	shalt  }
0x71: {  	_ =	shalt  }
0x72: {  	_ =	shalt  }
0x73: {  	_ =	shalt  }
0x74: {  	_ =	shalt  }
0x75: {  	_ =	shalt  }
0x76: {  	_ =	shalt  }
0x77: {  	_ =	shalt  }
0x78: {  	_ =	shalt  }
0x79: {  	_ =	shalt  }
0x7a: {  	_ =	shalt  }
0x7b: {  	_ =	shalt  }
0x7c: {  	_ =	shalt  }
0x7d: {  	_ =	shalt  }
0x7e: {  	_ =	shalt  }
0x7f: {  	_ =	shalt  }
0x80: {  	_ =	shalt  }
0x81: {  	_ =	shalt  }
0x82: {  	_ =	shalt  }
0x83: {  	_ =	shalt  }
0x84: {  	_ =	shalt  }
0x85: {  	_ =	shalt  }
0x86: {  	_ =	shalt  }
0x87: {  	_ =	shalt  }
.Lfunc_end0:
.L_simem_size_0:
called_computation.1_lowered:
.L_overlay_start_0:
0x88: {  	s2 =	sld [smem:$0x3FD9]  }
0x89: {  	s3 =	sld [smem:$0x3FFE];
	_ =	sdelay $0x1  }
0x8a: {  	s1 =	srdreg.scid  }
0x8b: {  	s0 =	sand.u32 $0x1, s1  }
0x8c: {  	s17 =	sshll.u32 s0, $0xA;
	s2 =	sadd.s32 s3, s2  }
0x8d: {  	s2 =	sadd.s32 s2, s17  }
0x8e: {  	[smem:$0x3FBA] =	sst s2  }
0x8f: {  	_ = 	snop  }
0x90: {  	s2 =	sld [smem:$0x3FD0];
	(tm) =	ssettm $0x1  }
0x91: {  	s18 =	sld [smem:$0x3FFB];
	_ =	sdelay $0x3  }
0x92: {  	_ =	strace s18  }
0x93: {  	s3 =	sld [smem:$0x3FFC];
	_ =	sdelay $0x3  }
0x94: {  	_ =	strace s3  }
0x95: {  	s3 =	sld [smem:$0x3FFD];
	_ =	sdelay $0x3  }
0x96: {  	_ =	strace s3  }
0x97: {  	_ =	strace $0x8FFFFFFF  }
0x98: {  	s19 =	sld [smem:$0x3FDB];
	_ =	sdelay $0x1  }
0x99: {  	s4 =	simm.s32 $_scs_section_size  }
0x9a: {  	s5 =	simm.s32 $_size__tile_overlayer_lowered;
	s6 =	simm.s32 $_tile_overlayer_lowered  }
0x9b: {  	s22 =	simm.s32 $0x1BFF;
	s21 =	sshll.u32 s6, $0x1;
	s3 =	sadd.s32 s4, s19  }
0x9c: {  	s7 =	simm.s32 $0x0;
	s20 =	sshll.u32 s5, $0x1;
	s5 =	sadd.s32 s21, s3  }
0x9d: {  	[timem:s7], [sflag:s22] =	dma.local [hbm:s5], s20  }
0x9e: {  	_ =	swait.ge [sflag:s22], s20  }
0x9f: {  	s4 =	ssub.s32 $0x0, s20;
	[sflag:s22] =	ssyncset.done $0x0  }
0xa0: {  	[sflag:s22] =	ssyncadd.s32 s4;
	_ =	sdelay $0x1  }
0xa1: {  	s23 =	simm.s32 $0x1B8B  }
0xa2: {  	_ =	swait.ge [sflag:s23], $0x1  }
0xa3: {  	[sflag:s23] =	ssyncset.done $0x0  }
0xa4: {  	s25 =	simm.s32 $0x1B8E;
	s24 =	sld [smem:$0x3FFE];
	[sflag:s23] =	ssyncadd.s32 $0xFFFFFFFF  }
0xa5: {  	s26 =	simm.s32 $execute0_lowered;
	[smem:$0x3FD2] =	sst s25  }
0xa6: {  	s5 =	sshll.u32 s26, $0x1;
	_ =	strace $0x80000049;
	[dreg:$0x1] =	wrdreg $0xFFFFFFFF  }
0xa7: {  	s28 =	simm.s32 $_size_execute0_lowered;
	s3 =	sadd.s32 s3, s5;
	[dreg:$0x0] =	wrdreg $0x0  }
0xa8: {  	s5 =	sshll.u32 s28, $0x1;
	[dreg:$0x2] =	wrdreg s3  }
0xa9: {  	[dreg:$0x3] =	wrdreg s5  }
0xaa: {  	[dreg:$0x4] =	wrdreg $0xC0  }
0xab: {  	_ =	task [dreg:s7], $0x5FFFF  }
0xac: {  	[dreg:$0x1] =	wrdreg $0xFFFFFFFF  }
0xad: {  	[dreg:$0x0] =	wrdreg $0x60  }
0xae: {  	[dreg:$0x2] =	wrdreg s24  }
0xaf: {  	[dreg:$0x3] =	wrdreg s2  }
0xb0: {  	[dreg:$0x4] =	wrdreg $0x78000  }
0xb1: {  	[dreg:$0x5] =	wrdreg $0x9  }
0xb2: {  	_ =	task.clear_ibuf [dreg:s7], $0x6FFFF;
	_ =	strace $0x90000049  }
0xb3: {  	s29 =	simm.s32 $0x9;
	_ =	strace $0x8000004B  }
0xb4: {  	_ =	swait.ge [sflag:s29], $0x1  }
0xb5: {  	[sflag:s29] =	ssyncadd.s32 $0xFFFFFFFF  }
0xb6: {  	_ =	strace $0x9000004B  }
0xb7: {  	_ =	sfence  }
0xb8: {  	s30 =	sld [smem:$0x0];
	_ =	sdelay $0x2  }
0xb9: {  	s31 =	sshll.u32 s1, $0xD;
	s1 =	sshrl.u32 s1, $0x2  }
0xba: {  	s3 =	sand.u32 $0x4000, s31;
	s1 =	sadd.s32 s1, s30  }
0xbb: {  	s0 =	sor.u32 s3, s0;
	s1 =	sshll.u32 s1, $0x11  }
0xbc: {  	s0 =	sor.u32 s1, s0  }
0xbd: {  	s0 =	sadd.s32 $0x8F2B, s0  }
0xbe: {  	[sflag:s0] =	ssyncadd.remote.s32 $0x1  }
0xbf: {  	_ =	sfence.sel $0xFFFF  }
0xc0: {  	[dreg:$0x0] =	wrdreg $0xFFFFFFFF;
	(pc) =	sbr.abs _section_cstart, $3  }
0xc1: {  	[dreg:$0x1] =	wrdreg $0xFFFFFFFF  }
0xc2: {  	_ =	task.clear_ibuf [dreg:s7], $0x2FFFF;
	_ =	strace $0x9FFFFFFF  }
0xc3: {  	(tm) =	ssettm $0x7FFFFFFF  }
tec
execute0_lowered:
.L_overlay_start_1:
0x0: {  	(tag) =	ssettag $0x1  }
0x1: {  	s0 =	srdreg.scid;
	s13 =	stileid.u32  }
0x2: {  	s7 =	sand.u32 $0x1, s0;
	s3 =	smul.u32 $0xC800, s13  }
0x3: {  	s8 =	rddreg [dreg:$0x0];
	s0 =	smul.u32 $0xC8000, s7  }
0x4: {  	s1 =	rddreg [dreg:$0x1]  }
0x5: {  	s2 =	rddreg [dreg:$0x2];
	s0 =	sadd.s32 s3, s0;
	s3 =	simm.s32 $0x0  }
0x6: {  	s24 =	simm.s32 $0x100;
	[smem:$0x7FF] =	sst s3  }
0x7: {  	s25 =	simm.s32 $0x180;
	_ =	strace $0x8000004A;
	[dreg:$0x6] =	wrdreg s24  }
0x8: {  	s26 =	simm.s32 $0xA80;
	[dreg:$0x7] =	wrdreg s25  }
0x9: {  	s10 =	simm.s32 $0xB00;
	[dreg:$0x8] =	wrdreg s26  }
0xa: {  	s11 =	simm.s32 $0x280;
	[dreg:$0xa] =	wrdreg s10  }
0xb: {  	s12 =	simm.s32 $0xB80;
	[dreg:$0xb] =	wrdreg s11  }
0xc: {  	s14 =	simm.s32 $0x300;
	[dreg:$0xc] =	wrdreg s12  }
0xd: {  	s15 =	simm.s32 $0xC00;
	[dreg:$0xd] =	wrdreg s14  }
0xe: {  	s16 =	simm.s32 $0x380;
	[dreg:$0xe] =	wrdreg s15  }
0xf: {  	s17 =	simm.s32 $0xC80;
	[dreg:$0xf] =	wrdreg s16  }
0x10: {  	s18 =	simm.s32 $0x400;
	[dreg:$0x10] =	wrdreg s17  }
0x11: {  	s19 =	simm.s32 $0xD00;
	[dreg:$0x11] =	wrdreg s18  }
0x12: {  	s20 =	simm.s32 $0x480;
	[dreg:$0x12] =	wrdreg s19  }
0x13: {  	s21 =	simm.s32 $0xD80;
	[dreg:$0x13] =	wrdreg s20  }
0x14: {  	s22 =	simm.s32 $0x500;
	[dreg:$0x14] =	wrdreg s21  }
0x15: {  	s23 =	simm.s32 $0xE00;
	[dreg:$0x15] =	wrdreg s22  }
0x16: {  	s5 =	sadd.s32 $0xA00, s0;
	s0 =	sadd.s32 $0x1400, s0;
	[dreg:$0x16] =	wrdreg s23  }
0x17: {  	s24 =	simm.s32 $0x580;
	[smem:$0x7EE] =	sst s0  }
0x18: {  	s25 =	simm.s32 $0xE80;
	[dreg:$0x17] =	wrdreg s24  }
0x19: {  	s26 =	simm.s32 $0x600;
	[dreg:$0x18] =	wrdreg s25  }
0x1a: {  	s10 =	simm.s32 $0x680;
	[dreg:$0x19] =	wrdreg s26  }
0x1b: {  	s11 =	simm.s32 $0xF80;
	[dreg:$0x1b] =	wrdreg s10  }
0x1c: {  	s12 =	simm.s32 $0x700;
	[dreg:$0x1c] =	wrdreg s11  }
0x1d: {  	s14 =	simm.s32 $0x1000;
	[dreg:$0x1d] =	wrdreg s12  }
0x1e: {  	s15 =	simm.s32 $0x780;
	[dreg:$0x1e] =	wrdreg s14  }
0x1f: {  	s16 =	simm.s32 $0x1080;
	[dreg:$0x1f] =	wrdreg s15  }
0x20: {  	s17 =	simm.s32 $0x800;
	[smem:$0x7C2] =	sst s16  }
0x21: {  	s18 =	simm.s32 $0x1100;
	[smem:$0x7C3] =	sst s17  }
0x22: {  	s19 =	simm.s32 $0x880;
	[smem:$0x7C4] =	sst s18  }
0x23: {  	s20 =	simm.s32 $0x1180;
	[smem:$0x7C5] =	sst s19  }
0x24: {  	s21 =	simm.s32 $0x900;
	[smem:$0x7C6] =	sst s20  }
0x25: {  	s4 =	sadd.s32 $0x2C00, s8;
	s22 =	simm.s32 $0x1200;
	[smem:$0x7C7] =	sst s21  }
0x26: {  	s6 =	sshrl.u32 s5, $0x3;
	s23 =	simm.s32 $0x980;
	[smem:$0x7C8] =	sst s22  }
0x27: {  	s5 =	sadd.s32 $0x34C00, s8;
	s9 =	sadd.s32 s6, s4;
	[smem:$0x7C9] =	sst s23  }
0x28: {  	s6 =	sadd.s32 s6, s5;
	[dreg:$0x4] =	wrdreg s9  }
0x29: {  	s24 =	simm.s32 $0x1280;
	[dreg:$0x5] =	wrdreg s6  }
0x2a: {  	s25 =	simm.s32 $0x1300;
	[smem:$0x7CA] =	sst s24  }
0x2b: {  	s26 =	simm.s32 $0x1380;
	[smem:$0x7CB] =	sst s25  }
0x2c: {  	s10 =	simm.s32 $0x1500;
	[smem:$0x7CC] =	sst s26  }
0x2d: {  	s11 =	simm.s32 $0x1580;
	[smem:$0x7CE] =	sst s10  }
0x2e: {  	s12 =	simm.s32 $0x1E80;
	[smem:$0x7CF] =	sst s11  }
0x2f: {  	s14 =	simm.s32 $0x1600;
	[smem:$0x7D0] =	sst s12  }
0x30: {  	s15 =	simm.s32 $0x1F00;
	[smem:$0x7D2] =	sst s14  }
0x31: {  	s17 =	simm.s32 $0x1680;
	[smem:$0x7D3] =	sst s15  }
0x32: {  	s18 =	simm.s32 $0x1F80;
	[smem:$0x7D4] =	sst s17  }
0x33: {  	s19 =	simm.s32 $0x1700;
	[smem:$0x7D5] =	sst s18  }
0x34: {  	s21 =	simm.s32 $0x2000;
	[smem:$0x7D6] =	sst s19  }
0x35: {  	s22 =	simm.s32 $0x1780;
	[smem:$0x7D7] =	sst s21  }
0x36: {  	s23 =	simm.s32 $0x2080;
	[smem:$0x7D8] =	sst s22  }
0x37: {  	s9 =	simm.s32 $0x200;
	[smem:$0x7D9] =	sst s23  }
0x38: {  	s6 =	sadd.s32 $0x66C00, s8;
	s8 =	sadd.s32 $0xC8800, s8;
	[dreg:$0x9] =	wrdreg s9  }
0x39: {  	s24 =	simm.s32 $0x1800;
	[smem:$0x7D1] =	sst s8  }
0x3a: {  	s25 =	simm.s32 $0x2100;
	[smem:$0x7DA] =	sst s24  }
0x3b: {  	s26 =	simm.s32 $0x1880;
	[smem:$0x7DB] =	sst s25  }
0x3c: {  	s18 =	simm.s32 $0x2200;
	[smem:$0x7DC] =	sst s26  }
0x3d: {  	s19 =	simm.s32 $0x1980;
	[smem:$0x7E0] =	sst s18  }
0x3e: {  	s28 =	simm.s32 $0x1;
	s22 =	simm.s32 $0x1A00;
	[smem:$0x7E2] =	sst s19  }
0x3f: {  	s29 =	simm.s32 $0x5800;
	s23 =	simm.s32 $0x2300;
	[smem:$0x7E4] =	sst s22  }
0x40: {  	s12 =	sshll.u32 s13, $0x6;
	s9 =	simm.s32 $0xF00;
	[smem:$0x7E6] =	sst s23  }
0x41: {  	s15 =	sor.u32 $0x1C0D, s12;
	s12 =	simm.s32 $0x2180;
	[dreg:$0x1a] =	wrdreg s9  }
0x42: {  	s30 =	simm.s32 $0x2;
	s24 =	simm.s32 $0x1A80;
	[smem:$0x7DD] =	sst s12  }
0x43: {  	s31 =	simm.s32 $0x6800;
	s25 =	simm.s32 $0x2380;
	[smem:$0x7E7] =	sst s24  }
0x44: {  	p0 =	seq.s32 s13, $0xF;
	s26 =	simm.s32 $0x1B00;
	[smem:$0x7E8] =	sst s25  }
0x45: {  	s16 =	ssub.s32 $0x2, s7;
	s8 =	simm.s32 $0x2400;
	[smem:$0x7EA] =	sst s26  }
0x46: {  	s20 =	sshll.u32 s7, $0x4;
	s18 =	simm.s32 $0x2500;
	[smem:$0x7EB] =	sst s8  }
0x47: {  	s7 =	smul.u32 $0x186A00, s7;
	s19 =	simm.s32 $0x1C80;
	[smem:$0x7F3] =	sst s18  }
0x48: {  	s11 =	smul.u32 $0x18700, s13;
	s22 =	simm.s32 $0x2600;
	[smem:$0x7F4] =	sst s19  }
0x49: {  	s10 =	sshrl.u32 s16, $0x1;
	s23 =	simm.s32 $0x1D80;
	[smem:$0x7F7] =	sst s22  }
0x4a: {  	s9 =	simm.s32 $0x1480;
	s14 =	sadd.s32 s11, s2;
	[smem:$0x7F8] =	sst s23  }
0x4b: {  	s21 =	sadd.s32 s11, s7;
	s7 =	sshrl.u32 s7, $0x3;
	[smem:$0x7FD] =	sst s15  }
0x4c: {  	s12 =	simm.s32 $0x2480;
	s19 =	simm.s32 $0x1400;
	[smem:$0x7CD] =	sst s9  }
0x4d: {  	s22 =	simm.s32 $0x80;
	s24 =	simm.s32 $0x2680;
	[smem:$0x7EF] =	sst s12  }
0x4e: {  	s23 =	simm.s32 $0x2800;
	s25 =	simm.s32 $0x2700;
	[smem:$0x7F0] =	sst s14  }
0x4f: {  	s26 =	simm.s32 $0x2780;
	s9 =	ssub.s32 s16, s10;
	[smem:$0x7F9] =	sst s24  }
0x50: {  	s10 =	sor.u32 s13, s20;
	s16 =	simm.s32 $0x1900;
	[smem:$0x7FA] =	sst s25  }
0x51: {  	s20 =	simm.s32 $0x2280;
	[smem:$0x7FB] =	sst s26;
	s24 =	simm.s32 $0x3800  }
0x52: {  	s26 =	simm.s32 $0x4800;
	s12 =	simm.s32 $0x8;
	[smem:$0x7DF] =	sst s16  }
0x53: {  	s10 =	smul.u32 $0xC800, s10;
	[smem:$0x7E3] =	sst s20;
	s11 =	smax.u32 s9, $0x1  }
0x54: {  	s13 =	simm.s32 $0x9;
	s16 =	simm.s32 $0x1C00;
	[smem:$0x7EC] =	sst s11  }
0x55: {  	s20 =	simm.s32 $0x2580;
	[smem:$0x7F2] =	sst s16;
	s10 =	sshrl.u32 s10, $0x3  }
0x56: {  	[smem:$0x7F5] =	sst s20;
	s20 =	simm.s32 $0x1E00;
	s17 =	sadd.s32 s5, s10  }
0x57: {  	s11 =	simm.s32 $0x5;
	s10 =	sadd.s32 s4, s10;
	[smem:$0x7DE] =	sst s17  }
0x58: {  	s16 =	simm.s32 $0xC;
	[smem:$0x7E1] =	sst s10;
	s17 =	sshrl.u32 s14, $0x3  }
0x59: {  	s10 =	sshrl.u32 s21, $0x3;
	s21 =	simm.s32 $0x1D00;
	[smem:$0x7F1] =	sst s17  }
0x5a: {  	s10 =	sadd.s32 s1, s10;
	s1 =	sadd.s32 s1, s7;
	[smem:$0x7F6] =	sst s21  }
0x5b: {  	s14 =	simm.s32 $0xA;
	[smem:$0x7E5] =	sst s10;
	s1 =	sadd.s32 $0x2DD20, s1  }
0x5c: {  	s7 =	sadd.s32 $0x16E900, s2;
	s10 =	simm.s32 $0x1B80;
	[smem:$0x7E9] =	sst s1  }
0x5d: {  	s21 =	simm.s32 $0xB;
	s0 =	sshrl.u32 @p0 s7, $0x3;
	[smem:$0x7ED] =	sst s10  }
0x5e: {  	s17 =	simm.s32 $0x0;
	s7 =	simm.s32 $0x4;
	[smem:$0x7FC] =	sst s0  }
0x5f: {  	s1 =	simm.s32 $0x3;
	s0 =	simm.s32 $0x6;
	s10 =	simm.s32 $0x7  }
.LBB2_1:
0x60: {  	s8 =	sld [smem:$0x7D1]  }
0x61: {  	s9 =	sld [smem:$0x7F1];
	_ =	sdelay $0x1  }
0x62: {  	[smem:$0x7C1] =	sst s17  }
0x63: {  	[spmem:s9], [sflag:s15] =	dma.local [hbm:s8], $0x30E0  }
0x64: {  	s15 =	simm.s32 $0xD  }
0x65: {  	_ =	swait.ge [sflag:s15], $0x30E0  }
0x66: {  	[sflag:s15] =	ssyncset.done $0x0  }
0x67: {  	[sflag:s15] =	ssyncadd.s32 $0xFFFFCF20  }
0x68: {  	[bflag:$0x0] =	sbarrier.arrive $0xFFFF  }
0x69: {  	s17 =	sld [smem:$0x7DE];
	_ =	sdelay $0x1  }
0x6a: {  	s25 =	sld [smem:$0x7E1]  }
0x6b: {  	[tilespmem:s3], [sflag:$0xB] =	stream.linear.gather [hbm4b:s17+s3], $0xA00, $0x38;
	[tilespmem:$0x1FF00] =	vst v63  }
0x6c: {  	s15 =	simm.s32 $0xA00;
	s18 =	rddreg [dreg:$0x5]  }
0x6d: {  	[tilespmem:s15], [sflag:$0xB] =	stream.linear.gather [hbm4b:s25+s3], $0xA00, $0x38;
	[tilespmem:$0x1FF00] =	vst v63  }
0x6e: {  	s8 =	sadd.s32 $0x0, s18;
	s17 =	rddreg [dreg:$0x4]  }
0x6f: {  	[tilespmem:s19], [sflag:$0xC] =	stream.linear.gather [hbm4b:s8+s3], $0xA00, $0x38;
	[tilespmem:$0x1FF00] =	vst v63  }
0x70: {  	s18 =	sadd.s32 $0x0, s17  }
0x71: {  	[tilespmem:s20], [sflag:$0xC] =	stream.linear.gather [hbm4b:s18+s3], $0xA00, $0x38;
	[tilespmem:$0x1FF00] =	vst v63  }
0x72: {  	_ =	swait.ge [sflag:s21], $0xA00  }
0x73: {  	[sflag:s21] =	ssyncset.done $0x0  }
0x74: {  	[sflag:s21] =	ssyncadd.s32 $0xFFFFF600  }
0x75: {  	_ =	swait.ge [sflag:s21], $0xA00  }
0x76: {  	[sflag:s21] =	ssyncset.done $0x0  }
0x77: {  	[sflag:s21] =	ssyncadd.s32 $0xFFFFF600  }
0x78: {  	[tilespmem:s23], [sflag:$0x1] =	stream.indirect.gather [hbm4b:s6+s22], $0x20, s3, s22, $0xb8;
	[tilespmem:$0x1FF00] =	vst v63  }
0x79: {  	_ = 	snop  }
0x7a: {  	[tilespmem:s24], [sflag:$0x2] =	stream.indirect.gather [hbm4b:s6+s22], $0x20, s22, s22, $0xb8;
	[tilespmem:$0x1FF00] =	vst v63  }
0x7b: {  	s25 =	rddreg [dreg:$0x6]  }
0x7c: {  	[tilespmem:s26], [sflag:$0x3] =	stream.indirect.gather [hbm4b:s6+s22], $0x20, s25, s22, $0xb8;
	[tilespmem:$0x1FF00] =	vst v63  }
0x7d: {  	_ =	swait.ge [sflag:s28], $0x1000  }
0x7e: {  	[sflag:s28] =	ssyncset.done $0x0  }
0x7f: {  	[sflag:s28] =	ssyncadd.s32 $0xFFFFF000  }
0x80: {  	[spmem:s2] =	stream.indirect.scatter.add.f32 [tilespmem:s23], [sflag:$0x6], $0x20, s15, s22, $0xb8;
	[tilespmem:$0x1FF00] =	vst v63  }
0x81: {  	s9 =	rddreg [dreg:$0x7]  }
0x82: {  	[tilespmem:s29], [sflag:$0x4] =	stream.indirect.gather [hbm4b:s6+s22], $0x20, s9, s22, $0xb8;
	[tilespmem:$0x1FF00] =	vst v63  }
0x83: {  	_ =	swait.ge [sflag:s30], $0x1000  }
0x84: {  	[sflag:s30] =	ssyncset.done $0x0  }
0x85: {  	s17 =	rddreg [dreg:$0x8];
	[sflag:s30] =	ssyncadd.s32 $0xFFFFF000  }
0x86: {  	[spmem:s2] =	stream.indirect.scatter.add.f32 [tilespmem:s24], [sflag:$0x7], $0x20, s17, s22, $0xb8;
	[tilespmem:$0x1FF00] =	vst v63  }
0x87: {  	s18 =	rddreg [dreg:$0x9]  }
0x88: {  	[tilespmem:s31], [sflag:$0x5] =	stream.indirect.gather [hbm4b:s6+s22], $0x20, s18, s22, $0xb8;
	[tilespmem:$0x1FF00] =	vst v63  }
0x89: {  	_ =	swait.ge [sflag:s1], $0x1000  }
0x8a: {  	[sflag:s1] =	ssyncset.done $0x0  }
0x8b: {  	s25 =	rddreg [dreg:$0xa];
	[sflag:s1] =	ssyncadd.s32 $0xFFFFF000  }
0x8c: {  	[spmem:s2] =	stream.indirect.scatter.add.f32 [tilespmem:s26], [sflag:$0x8], $0x20, s25, s22, $0xb8;
	[tilespmem:$0x1FF00] =	vst v63  }
0x8d: {  	_ =	swait.ge [sflag:s0], $0x1000  }
0x8e: {  	[sflag:s0] =	ssyncset.done $0x0  }
0x8f: {  	s9 =	rddreg [dreg:$0xb];
	[sflag:s0] =	ssyncadd.s32 $0xFFFFF000  }
0x90: {  	[tilespmem:s23], [sflag:$0x1] =	stream.indirect.gather [hbm4b:s6+s22], $0x20, s9, s22, $0xb8;
	[tilespmem:$0x1FF00] =	vst v63  }
0x91: {  	_ =	swait.ge [sflag:s7], $0x1000  }
0x92: {  	[sflag:s7] =	ssyncset.done $0x0  }
0x93: {  	s15 =	rddreg [dreg:$0xc];
	[sflag:s7] =	ssyncadd.s32 $0xFFFFF000  }
0x94: {  	[spmem:s2] =	stream.indirect.scatter.add.f32 [tilespmem:s29], [sflag:$0x9], $0x20, s15, s22, $0xb8;
	[tilespmem:$0x1FF00] =	vst v63  }
0x95: {  	_ =	swait.ge [sflag:s10], $0x1000  }
0x96: {  	[sflag:s10] =	ssyncset.done $0x0  }
0x97: {  	s17 =	rddreg [dreg:$0xd];
	[sflag:s10] =	ssyncadd.s32 $0xFFFFF000  }
0x98: {  	[tilespmem:s24], [sflag:$0x2] =	stream.indirect.gather [hbm4b:s6+s22], $0x20, s17, s22, $0xb8;
	[tilespmem:$0x1FF00] =	vst v63  }
0x99: {  	_ =	swait.ge [sflag:s11], $0x1000  }
0x9a: {  	[sflag:s11] =	ssyncset.done $0x0  }
0x9b: {  	s18 =	rddreg [dreg:$0xe];
	[sflag:s11] =	ssyncadd.s32 $0xFFFFF000  }
0x9c: {  	[spmem:s2] =	stream.indirect.scatter.add.f32 [tilespmem:s31], [sflag:$0xA], $0x20, s18, s22, $0xb8;
	[tilespmem:$0x1FF00] =	vst v63  }
0x9d: {  	_ =	swait.ge [sflag:s12], $0x1000  }
0x9e: {  	[sflag:s12] =	ssyncset.done $0x0  }
0x9f: {  	s25 =	rddreg [dreg:$0xf];
	[sflag:s12] =	ssyncadd.s32 $0xFFFFF000  }
0xa0: {  	[tilespmem:s26], [sflag:$0x3] =	stream.indirect.gather [hbm4b:s6+s22], $0x20, s25, s22, $0xb8;
	[tilespmem:$0x1FF00] =	vst v63  }
0xa1: {  	_ =	swait.ge [sflag:s28], $0x1000  }
0xa2: {  	[sflag:s28] =	ssyncset.done $0x0  }
0xa3: {  	s9 =	rddreg [dreg:$0x10];
	[sflag:s28] =	ssyncadd.s32 $0xFFFFF000  }
0xa4: {  	[spmem:s2] =	stream.indirect.scatter.add.f32 [tilespmem:s23], [sflag:$0x6], $0x20, s9, s22, $0xb8;
	[tilespmem:$0x1FF00] =	vst v63  }
0xa5: {  	_ =	swait.ge [sflag:s13], $0x1000  }
0xa6: {  	[sflag:s13] =	ssyncset.done $0x0  }
0xa7: {  	s15 =	rddreg [dreg:$0x11];
	[sflag:s13] =	ssyncadd.s32 $0xFFFFF000  }
0xa8: {  	[tilespmem:s29], [sflag:$0x4] =	stream.indirect.gather [hbm4b:s6+s22], $0x20, s15, s22, $0xb8;
	[tilespmem:$0x1FF00] =	vst v63  }
0xa9: {  	_ =	swait.ge [sflag:s30], $0x1000  }
0xaa: {  	[sflag:s30] =	ssyncset.done $0x0  }
0xab: {  	s17 =	rddreg [dreg:$0x12];
	[sflag:s30] =	ssyncadd.s32 $0xFFFFF000  }
0xac: {  	[spmem:s2] =	stream.indirect.scatter.add.f32 [tilespmem:s24], [sflag:$0x7], $0x20, s17, s22, $0xb8;
	[tilespmem:$0x1FF00] =	vst v63  }
0xad: {  	_ =	swait.ge [sflag:s14], $0x1000  }
0xae: {  	[sflag:s14] =	ssyncset.done $0x0  }
0xaf: {  	s18 =	rddreg [dreg:$0x13];
	[sflag:s14] =	ssyncadd.s32 $0xFFFFF000  }
0xb0: {  	[tilespmem:s31], [sflag:$0x5] =	stream.indirect.gather [hbm4b:s6+s22], $0x20, s18, s22, $0xb8;
	[tilespmem:$0x1FF00] =	vst v63  }
0xb1: {  	_ =	swait.ge [sflag:s1], $0x1000  }
0xb2: {  	[sflag:s1] =	ssyncset.done $0x0  }
0xb3: {  	s25 =	rddreg [dreg:$0x14];
	[sflag:s1] =	ssyncadd.s32 $0xFFFFF000  }
0xb4: {  	[spmem:s2] =	stream.indirect.scatter.add.f32 [tilespmem:s26], [sflag:$0x8], $0x20, s25, s22, $0xb8;
	[tilespmem:$0x1FF00] =	vst v63  }
0xb5: {  	_ =	swait.ge [sflag:s0], $0x1000  }
0xb6: {  	[sflag:s0] =	ssyncset.done $0x0  }
0xb7: {  	s9 =	rddreg [dreg:$0x15];
	[sflag:s0] =	ssyncadd.s32 $0xFFFFF000  }
0xb8: {  	[tilespmem:s23], [sflag:$0x1] =	stream.indirect.gather [hbm4b:s6+s22], $0x20, s9, s22, $0xb8;
	[tilespmem:$0x1FF00] =	vst v63  }
0xb9: {  	_ =	swait.ge [sflag:s7], $0x1000  }
0xba: {  	[sflag:s7] =	ssyncset.done $0x0  }
0xbb: {  	s15 =	rddreg [dreg:$0x16];
	[sflag:s7] =	ssyncadd.s32 $0xFFFFF000  }
0xbc: {  	[spmem:s2] =	stream.indirect.scatter.add.f32 [tilespmem:s29], [sflag:$0x9], $0x20, s15, s22, $0xb8;
	[tilespmem:$0x1FF00] =	vst v63  }
0xbd: {  	_ =	swait.ge [sflag:s10], $0x1000  }
0xbe: {  	[sflag:s10] =	ssyncset.done $0x0  }
0xbf: {  	s17 =	rddreg [dreg:$0x17];
	[sflag:s10] =	ssyncadd.s32 $0xFFFFF000  }
0xc0: {  	[tilespmem:s24], [sflag:$0x2] =	stream.indirect.gather [hbm4b:s6+s22], $0x20, s17, s22, $0xb8;
	[tilespmem:$0x1FF00] =	vst v63  }
0xc1: {  	_ =	swait.ge [sflag:s11], $0x1000  }
0xc2: {  	[sflag:s11] =	ssyncset.done $0x0  }
0xc3: {  	s18 =	rddreg [dreg:$0x18];
	[sflag:s11] =	ssyncadd.s32 $0xFFFFF000  }
0xc4: {  	[spmem:s2] =	stream.indirect.scatter.add.f32 [tilespmem:s31], [sflag:$0xA], $0x20, s18, s22, $0xb8;
	[tilespmem:$0x1FF00] =	vst v63  }
0xc5: {  	_ =	swait.ge [sflag:s12], $0x1000  }
0xc6: {  	[sflag:s12] =	ssyncset.done $0x0  }
0xc7: {  	s25 =	rddreg [dreg:$0x19];
	[sflag:s12] =	ssyncadd.s32 $0xFFFFF000  }
0xc8: {  	[tilespmem:s26], [sflag:$0x3] =	stream.indirect.gather [hbm4b:s6+s22], $0x20, s25, s22, $0xb8;
	[tilespmem:$0x1FF00] =	vst v63  }
0xc9: {  	_ =	swait.ge [sflag:s28], $0x1000  }
0xca: {  	[sflag:s28] =	ssyncset.done $0x0  }
0xcb: {  	s9 =	rddreg [dreg:$0x1a];
	[sflag:s28] =	ssyncadd.s32 $0xFFFFF000  }
0xcc: {  	[spmem:s2] =	stream.indirect.scatter.add.f32 [tilespmem:s23], [sflag:$0x6], $0x20, s9, s22, $0xb8;
	[tilespmem:$0x1FF00] =	vst v63  }
0xcd: {  	_ =	swait.ge [sflag:s13], $0x1000  }
0xce: {  	[sflag:s13] =	ssyncset.done $0x0  }
0xcf: {  	s15 =	rddreg [dreg:$0x1b];
	[sflag:s13] =	ssyncadd.s32 $0xFFFFF000  }
0xd0: {  	[tilespmem:s29], [sflag:$0x4] =	stream.indirect.gather [hbm4b:s6+s22], $0x20, s15, s22, $0xb8;
	[tilespmem:$0x1FF00] =	vst v63  }
0xd1: {  	_ =	swait.ge [sflag:s30], $0x1000  }
0xd2: {  	[sflag:s30] =	ssyncset.done $0x0  }
0xd3: {  	s17 =	rddreg [dreg:$0x1c];
	[sflag:s30] =	ssyncadd.s32 $0xFFFFF000  }
0xd4: {  	[spmem:s2] =	stream.indirect.scatter.add.f32 [tilespmem:s24], [sflag:$0x7], $0x20, s17, s22, $0xb8;
	[tilespmem:$0x1FF00] =	vst v63  }
0xd5: {  	_ =	swait.ge [sflag:s14], $0x1000  }
0xd6: {  	[sflag:s14] =	ssyncset.done $0x0  }
0xd7: {  	s18 =	rddreg [dreg:$0x1d];
	[sflag:s14] =	ssyncadd.s32 $0xFFFFF000  }
0xd8: {  	[tilespmem:s31], [sflag:$0x5] =	stream.indirect.gather [hbm4b:s6+s22], $0x20, s18, s22, $0xb8;
	[tilespmem:$0x1FF00] =	vst v63  }
0xd9: {  	_ =	swait.ge [sflag:s1], $0x1000  }
0xda: {  	[sflag:s1] =	ssyncset.done $0x0  }
0xdb: {  	s25 =	rddreg [dreg:$0x1e];
	[sflag:s1] =	ssyncadd.s32 $0xFFFFF000  }
0xdc: {  	[spmem:s2] =	stream.indirect.scatter.add.f32 [tilespmem:s26], [sflag:$0x8], $0x20, s25, s22, $0xb8;
	[tilespmem:$0x1FF00] =	vst v63  }
0xdd: {  	_ =	swait.ge [sflag:s0], $0x1000  }
0xde: {  	[sflag:s0] =	ssyncset.done $0x0  }
0xdf: {  	s9 =	rddreg [dreg:$0x1f];
	[sflag:s0] =	ssyncadd.s32 $0xFFFFF000  }
0xe0: {  	[tilespmem:s23], [sflag:$0x1] =	stream.indirect.gather [hbm4b:s6+s22], $0x20, s9, s22, $0xb8;
	[tilespmem:$0x1FF00] =	vst v63  }
0xe1: {  	_ =	swait.ge [sflag:s7], $0x1000  }
0xe2: {  	s15 =	sld [smem:$0x7C2]  }
0xe3: {  	[sflag:s7] =	ssyncset.done $0x0  }
0xe4: {  	[sflag:s7] =	ssyncadd.s32 $0xFFFFF000  }
0xe5: {  	[spmem:s2] =	stream.indirect.scatter.add.f32 [tilespmem:s29], [sflag:$0x9], $0x20, s15, s22, $0xb8;
	[tilespmem:$0x1FF00] =	vst v63  }
0xe6: {  	_ =	swait.ge [sflag:s10], $0x1000  }
0xe7: {  	s17 =	sld [smem:$0x7C3]  }
0xe8: {  	[sflag:s10] =	ssyncset.done $0x0  }
0xe9: {  	[sflag:s10] =	ssyncadd.s32 $0xFFFFF000  }
0xea: {  	[tilespmem:s24], [sflag:$0x2] =	stream.indirect.gather [hbm4b:s6+s22], $0x20, s17, s22, $0xb8;
	[tilespmem:$0x1FF00] =	vst v63  }
0xeb: {  	_ =	swait.ge [sflag:s11], $0x1000  }
0xec: {  	s18 =	sld [smem:$0x7C4]  }
0xed: {  	[sflag:s11] =	ssyncset.done $0x0  }
0xee: {  	[sflag:s11] =	ssyncadd.s32 $0xFFFFF000  }
0xef: {  	[spmem:s2] =	stream.indirect.scatter.add.f32 [tilespmem:s31], [sflag:$0xA], $0x20, s18, s22, $0xb8;
	[tilespmem:$0x1FF00] =	vst v63  }
0xf0: {  	_ =	swait.ge [sflag:s12], $0x1000  }
0xf1: {  	s25 =	sld [smem:$0x7C5]  }
0xf2: {  	[sflag:s12] =	ssyncset.done $0x0  }
0xf3: {  	[sflag:s12] =	ssyncadd.s32 $0xFFFFF000  }
0xf4: {  	[tilespmem:s26], [sflag:$0x3] =	stream.indirect.gather [hbm4b:s6+s22], $0x20, s25, s22, $0xb8;
	[tilespmem:$0x1FF00] =	vst v63  }
0xf5: {  	_ =	swait.ge [sflag:s28], $0x1000  }
0xf6: {  	s9 =	sld [smem:$0x7C6]  }
0xf7: {  	[sflag:s28] =	ssyncset.done $0x0  }
0xf8: {  	[sflag:s28] =	ssyncadd.s32 $0xFFFFF000  }
0xf9: {  	[spmem:s2] =	stream.indirect.scatter.add.f32 [tilespmem:s23], [sflag:$0x6], $0x20, s9, s22, $0xb8;
	[tilespmem:$0x1FF00] =	vst v63  }
0xfa: {  	_ =	swait.ge [sflag:s13], $0x1000  }
0xfb: {  	s15 =	sld [smem:$0x7C7]  }
0xfc: {  	[sflag:s13] =	ssyncset.done $0x0  }
0xfd: {  	[sflag:s13] =	ssyncadd.s32 $0xFFFFF000  }
0xfe: {  	[tilespmem:s29], [sflag:$0x4] =	stream.indirect.gather [hbm4b:s6+s22], $0x20, s15, s22, $0xb8;
	[tilespmem:$0x1FF00] =	vst v63  }
0xff: {  	_ =	swait.ge [sflag:s30], $0x1000  }
0x100: {  	s17 =	sld [smem:$0x7C8]  }
0x101: {  	[sflag:s30] =	ssyncset.done $0x0  }
0x102: {  	[sflag:s30] =	ssyncadd.s32 $0xFFFFF000  }
0x103: {  	[spmem:s2] =	stream.indirect.scatter.add.f32 [tilespmem:s24], [sflag:$0x7], $0x20, s17, s22, $0xb8;
	[tilespmem:$0x1FF00] =	vst v63  }
0x104: {  	_ =	swait.ge [sflag:s14], $0x1000  }
0x105: {  	s18 =	sld [smem:$0x7C9]  }
0x106: {  	[sflag:s14] =	ssyncset.done $0x0  }
0x107: {  	[sflag:s14] =	ssyncadd.s32 $0xFFFFF000  }
0x108: {  	[tilespmem:s31], [sflag:$0x5] =	stream.indirect.gather [hbm4b:s6+s22], $0x20, s18, s22, $0xb8;
	[tilespmem:$0x1FF00] =	vst v63  }
0x109: {  	_ =	swait.ge [sflag:s1], $0x1000  }
0x10a: {  	s25 =	sld [smem:$0x7CA]  }
0x10b: {  	[sflag:s1] =	ssyncset.done $0x0  }
0x10c: {  	[sflag:s1] =	ssyncadd.s32 $0xFFFFF000  }
0x10d: {  	[spmem:s2] =	stream.indirect.scatter.add.f32 [tilespmem:s26], [sflag:$0x8], $0x20, s25, s22, $0xb8;
	[tilespmem:$0x1FF00] =	vst v63  }
0x10e: {  	_ =	swait.ge [sflag:s0], $0x1000  }
0x10f: {  	[sflag:s0] =	ssyncset.done $0x0  }
0x110: {  	[sflag:s0] =	ssyncadd.s32 $0xFFFFF000  }
0x111: {  	_ =	swait.ge [sflag:s7], $0x1000  }
0x112: {  	s9 =	sld [smem:$0x7CB]  }
0x113: {  	[sflag:s7] =	ssyncset.done $0x0  }
0x114: {  	[sflag:s7] =	ssyncadd.s32 $0xFFFFF000  }
0x115: {  	[spmem:s2] =	stream.indirect.scatter.add.f32 [tilespmem:s29], [sflag:$0x9], $0x20, s9, s22, $0xb8;
	[tilespmem:$0x1FF00] =	vst v63  }
0x116: {  	_ =	swait.ge [sflag:s10], $0x1000  }
0x117: {  	[sflag:s10] =	ssyncset.done $0x0  }
0x118: {  	[sflag:s10] =	ssyncadd.s32 $0xFFFFF000  }
0x119: {  	_ =	swait.ge [sflag:s11], $0x1000  }
0x11a: {  	s15 =	sld [smem:$0x7CC]  }
0x11b: {  	[sflag:s11] =	ssyncset.done $0x0  }
0x11c: {  	[sflag:s11] =	ssyncadd.s32 $0xFFFFF000  }
0x11d: {  	[spmem:s2] =	stream.indirect.scatter.add.f32 [tilespmem:s31], [sflag:$0xA], $0x20, s15, s22, $0xb8;
	[tilespmem:$0x1FF00] =	vst v63  }
0x11e: {  	_ =	swait.ge [sflag:s12], $0x1000  }
0x11f: {  	[sflag:s12] =	ssyncset.done $0x0  }
0x120: {  	[sflag:s12] =	ssyncadd.s32 $0xFFFFF000  }
0x121: {  	_ =	swait.ge [sflag:s13], $0x1000  }
0x122: {  	[sflag:s13] =	ssyncset.done $0x0  }
0x123: {  	[sflag:s13] =	ssyncadd.s32 $0xFFFFF000  }
0x124: {  	_ =	swait.ge [sflag:s14], $0x1000  }
0x125: {  	s18 =	sld [smem:$0x7EE];
	_ =	sdelay $0x1  }
0x126: {  	p1 =	por $0x0, $0x0  }
0x127: {  	[sflag:s14] =	ssyncset.done $0x0;
	s8 =	sshrl.u32 @!p1 s18, $0x3  }
0x128: {  	s15 =	simm.s32 @!p1 $0x0;
	[sflag:s14] =	ssyncadd.s32 $0xFFFFF000;
	s9 =	sadd.s32 @!p1 s5, s8  }
0x129: {  	[tilespmem:s15], [sflag:$0xB] =	stream.linear.gather @!p1 [hbm4b:s9+s15], $0xA00, $0x38;
	[tilespmem:$0x1FF00] =	vst v63  }
0x12a: {  	s8 =	sadd.s32 @!p1 s4, s8;
	s9 =	simm.s32 @!p1 $0xA00  }
0x12b: {  	[tilespmem:s9], [sflag:$0xB] =	stream.linear.gather @!p1 [hbm4b:s8+s15], $0xA00, $0x38;
	[tilespmem:$0x1FF00] =	vst v63  }
0x12c: {  	_ =	swait.ge [sflag:s16], $0xA00  }
0x12d: {  	[sflag:s16] =	ssyncset.done $0x0  }
0x12e: {  	[sflag:s16] =	ssyncadd.s32 $0xFFFFF600  }
0x12f: {  	_ =	swait.ge [sflag:s16], $0xA00  }
0x130: {  	[sflag:s16] =	ssyncset.done $0x0  }
0x131: {  	s17 =	sld [smem:$0x7CD];
	[sflag:s16] =	ssyncadd.s32 $0xFFFFF600  }
0x132: {  	[tilespmem:s23], [sflag:$0x1] =	stream.indirect.gather [hbm4b:s6+s22], $0x20, s19, s22, $0xb8;
	[tilespmem:$0x1FF00] =	vst v63  }
0x133: {  	s25 =	sld [smem:$0x7CE]  }
0x134: {  	[tilespmem:s24], [sflag:$0x2] =	stream.indirect.gather [hbm4b:s6+s22], $0x20, s17, s22, $0xb8;
	[tilespmem:$0x1FF00] =	vst v63  }
0x135: {  	_ = 	snop  }
0x136: {  	[tilespmem:s26], [sflag:$0x3] =	stream.indirect.gather [hbm4b:s6+s22], $0x20, s25, s22, $0xb8;
	[tilespmem:$0x1FF00] =	vst v63  }
0x137: {  	_ =	swait.ge [sflag:s28], $0x1000  }
0x138: {  	[sflag:s28] =	ssyncset.done $0x0  }
0x139: {  	s9 =	sld [smem:$0x7CF];
	[sflag:s28] =	ssyncadd.s32 $0xFFFFF000  }
0x13a: {  	[spmem:s2] =	stream.indirect.scatter.add.f32 [tilespmem:s23], [sflag:$0x6], $0x20, s20, s22, $0xb8;
	[tilespmem:$0x1FF00] =	vst v63  }
0x13b: {  	_ = 	snop  }
0x13c: {  	[tilespmem:s29], [sflag:$0x4] =	stream.indirect.gather [hbm4b:s6+s22], $0x20, s9, s22, $0xb8;
	[tilespmem:$0x1FF00] =	vst v63  }
0x13d: {  	_ =	swait.ge [sflag:s30], $0x1000  }
0x13e: {  	s15 =	sld [smem:$0x7D0]  }
0x13f: {  	[sflag:s30] =	ssyncset.done $0x0  }
0x140: {  	s17 =	sld [smem:$0x7D2];
	[sflag:s30] =	ssyncadd.s32 $0xFFFFF000  }
0x141: {  	[spmem:s2] =	stream.indirect.scatter.add.f32 [tilespmem:s24], [sflag:$0x7], $0x20, s15, s22, $0xb8;
	[tilespmem:$0x1FF00] =	vst v63  }
0x142: {  	_ = 	snop  }
0x143: {  	[tilespmem:s31], [sflag:$0x5] =	stream.indirect.gather [hbm4b:s6+s22], $0x20, s17, s22, $0xb8;
	[tilespmem:$0x1FF00] =	vst v63  }
0x144: {  	_ =	swait.ge [sflag:s1], $0x1000  }
0x145: {  	s25 =	sld [smem:$0x7D3]  }
0x146: {  	[sflag:s1] =	ssyncset.done $0x0  }
0x147: {  	[sflag:s1] =	ssyncadd.s32 $0xFFFFF000  }
0x148: {  	[spmem:s2] =	stream.indirect.scatter.add.f32 [tilespmem:s26], [sflag:$0x8], $0x20, s25, s22, $0xb8;
	[tilespmem:$0x1FF00] =	vst v63  }
0x149: {  	_ =	swait.ge [sflag:s0], $0x1000  }
0x14a: {  	s9 =	sld [smem:$0x7D4]  }
0x14b: {  	[sflag:s0] =	ssyncset.done $0x0  }
0x14c: {  	[sflag:s0] =	ssyncadd.s32 $0xFFFFF000  }
0x14d: {  	[tilespmem:s23], [sflag:$0x1] =	stream.indirect.gather [hbm4b:s6+s22], $0x20, s9, s22, $0xb8;
	[tilespmem:$0x1FF00] =	vst v63  }
0x14e: {  	_ =	swait.ge [sflag:s7], $0x1000  }
0x14f: {  	s15 =	sld [smem:$0x7D5]  }
0x150: {  	[sflag:s7] =	ssyncset.done $0x0  }
0x151: {  	[sflag:s7] =	ssyncadd.s32 $0xFFFFF000  }
0x152: {  	[spmem:s2] =	stream.indirect.scatter.add.f32 [tilespmem:s29], [sflag:$0x9], $0x20, s15, s22, $0xb8;
	[tilespmem:$0x1FF00] =	vst v63  }
0x153: {  	_ =	swait.ge [sflag:s10], $0x1000  }
0x154: {  	s17 =	sld [smem:$0x7D6]  }
0x155: {  	[sflag:s10] =	ssyncset.done $0x0  }
0x156: {  	[sflag:s10] =	ssyncadd.s32 $0xFFFFF000  }
0x157: {  	[tilespmem:s24], [sflag:$0x2] =	stream.indirect.gather [hbm4b:s6+s22], $0x20, s17, s22, $0xb8;
	[tilespmem:$0x1FF00] =	vst v63  }
0x158: {  	_ =	swait.ge [sflag:s11], $0x1000  }
0x159: {  	s25 =	sld [smem:$0x7D7]  }
0x15a: {  	[sflag:s11] =	ssyncset.done $0x0  }
0x15b: {  	[sflag:s11] =	ssyncadd.s32 $0xFFFFF000  }
0x15c: {  	[spmem:s2] =	stream.indirect.scatter.add.f32 [tilespmem:s31], [sflag:$0xA], $0x20, s25, s22, $0xb8;
	[tilespmem:$0x1FF00] =	vst v63  }
0x15d: {  	_ =	swait.ge [sflag:s12], $0x1000  }
0x15e: {  	s9 =	sld [smem:$0x7D8]  }
0x15f: {  	[sflag:s12] =	ssyncset.done $0x0  }
0x160: {  	[sflag:s12] =	ssyncadd.s32 $0xFFFFF000  }
0x161: {  	[tilespmem:s26], [sflag:$0x3] =	stream.indirect.gather [hbm4b:s6+s22], $0x20, s9, s22, $0xb8;
	[tilespmem:$0x1FF00] =	vst v63  }
0x162: {  	_ =	swait.ge [sflag:s28], $0x1000  }
0x163: {  	s15 =	sld [smem:$0x7D9]  }
0x164: {  	[sflag:s28] =	ssyncset.done $0x0  }
0x165: {  	[sflag:s28] =	ssyncadd.s32 $0xFFFFF000  }
0x166: {  	[spmem:s2] =	stream.indirect.scatter.add.f32 [tilespmem:s23], [sflag:$0x6], $0x20, s15, s22, $0xb8;
	[tilespmem:$0x1FF00] =	vst v63  }
0x167: {  	_ =	swait.ge [sflag:s13], $0x1000  }
0x168: {  	s17 =	sld [smem:$0x7DA]  }
0x169: {  	[sflag:s13] =	ssyncset.done $0x0  }
0x16a: {  	[sflag:s13] =	ssyncadd.s32 $0xFFFFF000  }
0x16b: {  	[tilespmem:s29], [sflag:$0x4] =	stream.indirect.gather [hbm4b:s6+s22], $0x20, s17, s22, $0xb8;
	[tilespmem:$0x1FF00] =	vst v63  }
0x16c: {  	_ =	swait.ge [sflag:s30], $0x1000  }
0x16d: {  	s25 =	sld [smem:$0x7DB]  }
0x16e: {  	[sflag:s30] =	ssyncset.done $0x0  }
0x16f: {  	[sflag:s30] =	ssyncadd.s32 $0xFFFFF000  }
0x170: {  	[spmem:s2] =	stream.indirect.scatter.add.f32 [tilespmem:s24], [sflag:$0x7], $0x20, s25, s22, $0xb8;
	[tilespmem:$0x1FF00] =	vst v63  }
0x171: {  	_ =	swait.ge [sflag:s14], $0x1000  }
0x172: {  	s9 =	sld [smem:$0x7DC]  }
0x173: {  	[sflag:s14] =	ssyncset.done $0x0  }
0x174: {  	[sflag:s14] =	ssyncadd.s32 $0xFFFFF000  }
0x175: {  	[tilespmem:s31], [sflag:$0x5] =	stream.indirect.gather [hbm4b:s6+s22], $0x20, s9, s22, $0xb8;
	[tilespmem:$0x1FF00] =	vst v63  }
0x176: {  	_ =	swait.ge [sflag:s1], $0x1000  }
0x177: {  	s15 =	sld [smem:$0x7DD]  }
0x178: {  	[sflag:s1] =	ssyncset.done $0x0  }
0x179: {  	[sflag:s1] =	ssyncadd.s32 $0xFFFFF000  }
0x17a: {  	[spmem:s2] =	stream.indirect.scatter.add.f32 [tilespmem:s26], [sflag:$0x8], $0x20, s15, s22, $0xb8;
	[tilespmem:$0x1FF00] =	vst v63  }
0x17b: {  	_ =	swait.ge [sflag:s0], $0x1000  }
0x17c: {  	s17 =	sld [smem:$0x7DF]  }
0x17d: {  	[sflag:s0] =	ssyncset.done $0x0  }
0x17e: {  	[sflag:s0] =	ssyncadd.s32 $0xFFFFF000  }
0x17f: {  	[tilespmem:s23], [sflag:$0x1] =	stream.indirect.gather [hbm4b:s6+s22], $0x20, s17, s22, $0xb8;
	[tilespmem:$0x1FF00] =	vst v63  }
0x180: {  	_ =	swait.ge [sflag:s7], $0x1000  }
0x181: {  	s25 =	sld [smem:$0x7E0]  }
0x182: {  	[sflag:s7] =	ssyncset.done $0x0  }
0x183: {  	[sflag:s7] =	ssyncadd.s32 $0xFFFFF000  }
0x184: {  	[spmem:s2] =	stream.indirect.scatter.add.f32 [tilespmem:s29], [sflag:$0x9], $0x20, s25, s22, $0xb8;
	[tilespmem:$0x1FF00] =	vst v63  }
0x185: {  	_ =	swait.ge [sflag:s10], $0x1000  }
0x186: {  	s9 =	sld [smem:$0x7E2]  }
0x187: {  	[sflag:s10] =	ssyncset.done $0x0  }
0x188: {  	[sflag:s10] =	ssyncadd.s32 $0xFFFFF000  }
0x189: {  	[tilespmem:s24], [sflag:$0x2] =	stream.indirect.gather [hbm4b:s6+s22], $0x20, s9, s22, $0xb8;
	[tilespmem:$0x1FF00] =	vst v63  }
0x18a: {  	_ =	swait.ge [sflag:s11], $0x1000  }
0x18b: {  	s15 =	sld [smem:$0x7E3]  }
0x18c: {  	[sflag:s11] =	ssyncset.done $0x0  }
0x18d: {  	[sflag:s11] =	ssyncadd.s32 $0xFFFFF000  }
0x18e: {  	[spmem:s2] =	stream.indirect.scatter.add.f32 [tilespmem:s31], [sflag:$0xA], $0x20, s15, s22, $0xb8;
	[tilespmem:$0x1FF00] =	vst v63  }
0x18f: {  	_ =	swait.ge [sflag:s12], $0x1000  }
0x190: {  	s17 =	sld [smem:$0x7E4]  }
0x191: {  	[sflag:s12] =	ssyncset.done $0x0  }
0x192: {  	[sflag:s12] =	ssyncadd.s32 $0xFFFFF000  }
0x193: {  	[tilespmem:s26], [sflag:$0x3] =	stream.indirect.gather [hbm4b:s6+s22], $0x20, s17, s22, $0xb8;
	[tilespmem:$0x1FF00] =	vst v63  }
0x194: {  	_ =	swait.ge [sflag:s28], $0x1000  }
0x195: {  	s25 =	sld [smem:$0x7E6]  }
0x196: {  	[sflag:s28] =	ssyncset.done $0x0  }
0x197: {  	[sflag:s28] =	ssyncadd.s32 $0xFFFFF000  }
0x198: {  	[spmem:s2] =	stream.indirect.scatter.add.f32 [tilespmem:s23], [sflag:$0x6], $0x20, s25, s22, $0xb8;
	[tilespmem:$0x1FF00] =	vst v63  }
0x199: {  	_ =	swait.ge [sflag:s13], $0x1000  }
0x19a: {  	s9 =	sld [smem:$0x7E7]  }
0x19b: {  	[sflag:s13] =	ssyncset.done $0x0  }
0x19c: {  	[sflag:s13] =	ssyncadd.s32 $0xFFFFF000  }
0x19d: {  	[tilespmem:s29], [sflag:$0x4] =	stream.indirect.gather [hbm4b:s6+s22], $0x20, s9, s22, $0xb8;
	[tilespmem:$0x1FF00] =	vst v63  }
0x19e: {  	_ =	swait.ge [sflag:s30], $0x1000  }
0x19f: {  	s15 =	sld [smem:$0x7E8]  }
0x1a0: {  	[sflag:s30] =	ssyncset.done $0x0  }
0x1a1: {  	[sflag:s30] =	ssyncadd.s32 $0xFFFFF000  }
0x1a2: {  	[spmem:s2] =	stream.indirect.scatter.add.f32 [tilespmem:s24], [sflag:$0x7], $0x20, s15, s22, $0xb8;
	[tilespmem:$0x1FF00] =	vst v63  }
0x1a3: {  	_ =	swait.ge [sflag:s14], $0x1000  }
0x1a4: {  	s17 =	sld [smem:$0x7EA]  }
0x1a5: {  	[sflag:s14] =	ssyncset.done $0x0  }
0x1a6: {  	[sflag:s14] =	ssyncadd.s32 $0xFFFFF000  }
0x1a7: {  	[tilespmem:s31], [sflag:$0x5] =	stream.indirect.gather [hbm4b:s6+s22], $0x20, s17, s22, $0xb8;
	[tilespmem:$0x1FF00] =	vst v63  }
0x1a8: {  	_ =	swait.ge [sflag:s1], $0x1000  }
0x1a9: {  	s25 =	sld [smem:$0x7EB]  }
0x1aa: {  	[sflag:s1] =	ssyncset.done $0x0  }
0x1ab: {  	[sflag:s1] =	ssyncadd.s32 $0xFFFFF000  }
0x1ac: {  	[spmem:s2] =	stream.indirect.scatter.add.f32 [tilespmem:s26], [sflag:$0x8], $0x20, s25, s22, $0xb8;
	[tilespmem:$0x1FF00] =	vst v63  }
0x1ad: {  	_ =	swait.ge [sflag:s0], $0x1000  }
0x1ae: {  	s9 =	sld [smem:$0x7ED]  }
0x1af: {  	[sflag:s0] =	ssyncset.done $0x0  }
0x1b0: {  	[sflag:s0] =	ssyncadd.s32 $0xFFFFF000  }
0x1b1: {  	[tilespmem:s23], [sflag:$0x1] =	stream.indirect.gather [hbm4b:s6+s22], $0x20, s9, s22, $0xb8;
	[tilespmem:$0x1FF00] =	vst v63  }
0x1b2: {  	_ =	swait.ge [sflag:s7], $0x1000  }
0x1b3: {  	s15 =	sld [smem:$0x7EF]  }
0x1b4: {  	[sflag:s7] =	ssyncset.done $0x0  }
0x1b5: {  	[sflag:s7] =	ssyncadd.s32 $0xFFFFF000  }
0x1b6: {  	[spmem:s2] =	stream.indirect.scatter.add.f32 [tilespmem:s29], [sflag:$0x9], $0x20, s15, s22, $0xb8;
	[tilespmem:$0x1FF00] =	vst v63  }
0x1b7: {  	_ =	swait.ge [sflag:s10], $0x1000  }
0x1b8: {  	s17 =	sld [smem:$0x7F2]  }
0x1b9: {  	[sflag:s10] =	ssyncset.done $0x0  }
0x1ba: {  	[sflag:s10] =	ssyncadd.s32 $0xFFFFF000  }
0x1bb: {  	[tilespmem:s24], [sflag:$0x2] =	stream.indirect.gather [hbm4b:s6+s22], $0x20, s17, s22, $0xb8;
	[tilespmem:$0x1FF00] =	vst v63  }
0x1bc: {  	_ =	swait.ge [sflag:s11], $0x1000  }
0x1bd: {  	s25 =	sld [smem:$0x7F3]  }
0x1be: {  	[sflag:s11] =	ssyncset.done $0x0  }
0x1bf: {  	[sflag:s11] =	ssyncadd.s32 $0xFFFFF000  }
0x1c0: {  	[spmem:s2] =	stream.indirect.scatter.add.f32 [tilespmem:s31], [sflag:$0xA], $0x20, s25, s22, $0xb8;
	[tilespmem:$0x1FF00] =	vst v63  }
0x1c1: {  	_ =	swait.ge [sflag:s12], $0x1000  }
0x1c2: {  	s9 =	sld [smem:$0x7F4]  }
0x1c3: {  	[sflag:s12] =	ssyncset.done $0x0  }
0x1c4: {  	[sflag:s12] =	ssyncadd.s32 $0xFFFFF000  }
0x1c5: {  	[tilespmem:s26], [sflag:$0x3] =	stream.indirect.gather [hbm4b:s6+s22], $0x20, s9, s22, $0xb8;
	[tilespmem:$0x1FF00] =	vst v63  }
0x1c6: {  	_ =	swait.ge [sflag:s28], $0x1000  }
0x1c7: {  	s15 =	sld [smem:$0x7F5]  }
0x1c8: {  	[sflag:s28] =	ssyncset.done $0x0  }
0x1c9: {  	[sflag:s28] =	ssyncadd.s32 $0xFFFFF000  }
0x1ca: {  	[spmem:s2] =	stream.indirect.scatter.add.f32 [tilespmem:s23], [sflag:$0x6], $0x20, s15, s22, $0xb8;
	[tilespmem:$0x1FF00] =	vst v63  }
0x1cb: {  	_ =	swait.ge [sflag:s13], $0x1000  }
0x1cc: {  	s17 =	sld [smem:$0x7F6]  }
0x1cd: {  	[sflag:s13] =	ssyncset.done $0x0  }
0x1ce: {  	[sflag:s13] =	ssyncadd.s32 $0xFFFFF000  }
0x1cf: {  	[tilespmem:s29], [sflag:$0x4] =	stream.indirect.gather [hbm4b:s6+s22], $0x20, s17, s22, $0xb8;
	[tilespmem:$0x1FF00] =	vst v63  }
0x1d0: {  	_ =	swait.ge [sflag:s30], $0x1000  }
0x1d1: {  	s25 =	sld [smem:$0x7F7]  }
0x1d2: {  	[sflag:s30] =	ssyncset.done $0x0  }
0x1d3: {  	[sflag:s30] =	ssyncadd.s32 $0xFFFFF000  }
0x1d4: {  	[spmem:s2] =	stream.indirect.scatter.add.f32 [tilespmem:s24], [sflag:$0x7], $0x20, s25, s22, $0xb8;
	[tilespmem:$0x1FF00] =	vst v63  }
0x1d5: {  	_ =	swait.ge [sflag:s14], $0x1000  }
0x1d6: {  	s9 =	sld [smem:$0x7F8]  }
0x1d7: {  	[sflag:s14] =	ssyncset.done $0x0  }
0x1d8: {  	[sflag:s14] =	ssyncadd.s32 $0xFFFFF000  }
0x1d9: {  	[tilespmem:s31], [sflag:$0x5] =	stream.indirect.gather [hbm4b:s6+s22], $0x20, s9, s22, $0xb8;
	[tilespmem:$0x1FF00] =	vst v63  }
0x1da: {  	_ =	swait.ge [sflag:s1], $0x1000  }
0x1db: {  	s15 =	sld [smem:$0x7F9]  }
0x1dc: {  	[sflag:s1] =	ssyncset.done $0x0  }
0x1dd: {  	[sflag:s1] =	ssyncadd.s32 $0xFFFFF000  }
0x1de: {  	[spmem:s2] =	stream.indirect.scatter.add.f32 [tilespmem:s26], [sflag:$0x8], $0x20, s15, s22, $0xb8;
	[tilespmem:$0x1FF00] =	vst v63  }
0x1df: {  	_ =	swait.ge [sflag:s0], $0x1000  }
0x1e0: {  	[sflag:s0] =	ssyncset.done $0x0  }
0x1e1: {  	[sflag:s0] =	ssyncadd.s32 $0xFFFFF000  }
0x1e2: {  	_ =	swait.ge [sflag:s7], $0x1000  }
0x1e3: {  	s17 =	sld [smem:$0x7FA]  }
0x1e4: {  	[sflag:s7] =	ssyncset.done $0x0  }
0x1e5: {  	[sflag:s7] =	ssyncadd.s32 $0xFFFFF000  }
0x1e6: {  	[spmem:s2] =	stream.indirect.scatter.add.f32 [tilespmem:s29], [sflag:$0x9], $0x20, s17, s22, $0xb8;
	[tilespmem:$0x1FF00] =	vst v63  }
0x1e7: {  	_ =	swait.ge [sflag:s10], $0x1000  }
0x1e8: {  	[sflag:s10] =	ssyncset.done $0x0  }
0x1e9: {  	[sflag:s10] =	ssyncadd.s32 $0xFFFFF000  }
0x1ea: {  	_ =	swait.ge [sflag:s11], $0x1000  }
0x1eb: {  	s25 =	sld [smem:$0x7FB]  }
0x1ec: {  	[sflag:s11] =	ssyncset.done $0x0  }
0x1ed: {  	[sflag:s11] =	ssyncadd.s32 $0xFFFFF000  }
0x1ee: {  	[spmem:s2] =	stream.indirect.scatter.add.f32 [tilespmem:s31], [sflag:$0xA], $0x20, s25, s22, $0xb8;
	[tilespmem:$0x1FF00] =	vst v63  }
0x1ef: {  	_ =	swait.ge [sflag:s12], $0x1000  }
0x1f0: {  	[sflag:s12] =	ssyncset.done $0x0  }
0x1f1: {  	[sflag:s12] =	ssyncadd.s32 $0xFFFFF000  }
0x1f2: {  	_ =	swait.ge [sflag:s13], $0x1000  }
0x1f3: {  	[sflag:s13] =	ssyncset.done $0x0  }
0x1f4: {  	[sflag:s13] =	ssyncadd.s32 $0xFFFFF000  }
0x1f5: {  	s15 =	smov.u32 s18;
	s17 =	simm.s32 $0x500;
	_ =	swait.ge [sflag:s14], $0x1000  }
0x1f6: {  	s25 =	simm.s32 $0x280;
	s8 =	rddreg [dreg:$0x5];
	[sflag:s14] =	ssyncset.done $0x0  }
.LBB2_2:
0x1f7: {  	[sflag:s14] =	ssyncadd.s32 $0xFFFFF000;
	s18 =	rddreg [dreg:$0x4];
	s8 =	sadd.s32 s25, s8  }
0x1f8: {  	[tilespmem:s19], [sflag:$0xC] =	stream.linear.gather [hbm4b:s8+s3], $0xA00, $0x38;
	[tilespmem:$0x1FF00] =	vst v63  }
0x1f9: {  	s18 =	sadd.s32 s25, s18  }
0x1fa: {  	[tilespmem:s20], [sflag:$0xC] =	stream.linear.gather [hbm4b:s18+s3], $0xA00, $0x38;
	[tilespmem:$0x1FF00] =	vst v63  }
0x1fb: {  	_ =	swait.ge [sflag:s21], $0xA00  }
0x1fc: {  	[sflag:s21] =	ssyncset.done $0x0  }
0x1fd: {  	[sflag:s21] =	ssyncadd.s32 $0xFFFFF600  }
0x1fe: {  	_ =	swait.ge [sflag:s21], $0xA00  }
0x1ff: {  	[sflag:s21] =	ssyncset.done $0x0  }
0x200: {  	[sflag:s21] =	ssyncadd.s32 $0xFFFFF600  }
0x201: {  	[tilespmem:s23], [sflag:$0x1] =	stream.indirect.gather [hbm4b:s6+s22], $0x20, s3, s22, $0xb8;
	[tilespmem:$0x1FF00] =	vst v63  }
0x202: {  	_ = 	snop  }
0x203: {  	[tilespmem:s24], [sflag:$0x2] =	stream.indirect.gather [hbm4b:s6+s22], $0x20, s22, s22, $0xb8;
	[tilespmem:$0x1FF00] =	vst v63  }
0x204: {  	s18 =	rddreg [dreg:$0x6]  }
0x205: {  	[tilespmem:s26], [sflag:$0x3] =	stream.indirect.gather [hbm4b:s6+s22], $0x20, s18, s22, $0xb8;
	[tilespmem:$0x1FF00] =	vst v63  }
0x206: {  	_ =	swait.ge [sflag:s28], $0x1000  }
0x207: {  	[sflag:s28] =	ssyncset.done $0x0  }
0x208: {  	s18 =	simm.s32 $0xA00;
	[sflag:s28] =	ssyncadd.s32 $0xFFFFF000  }
0x209: {  	[spmem:s2] =	stream.indirect.scatter.add.f32 [tilespmem:s23], [sflag:$0x6], $0x20, s18, s22, $0xb8;
	[tilespmem:$0x1FF00] =	vst v63  }
0x20a: {  	s8 =	rddreg [dreg:$0x7]  }
0x20b: {  	[tilespmem:s29], [sflag:$0x4] =	stream.indirect.gather [hbm4b:s6+s22], $0x20, s8, s22, $0xb8;
	[tilespmem:$0x1FF00] =	vst v63  }
0x20c: {  	_ =	swait.ge [sflag:s30], $0x1000  }
0x20d: {  	[sflag:s30] =	ssyncset.done $0x0  }
0x20e: {  	s8 =	rddreg [dreg:$0x8];
	[sflag:s30] =	ssyncadd.s32 $0xFFFFF000  }
0x20f: {  	[spmem:s2] =	stream.indirect.scatter.add.f32 [tilespmem:s24], [sflag:$0x7], $0x20, s8, s22, $0xb8;
	[tilespmem:$0x1FF00] =	vst v63  }
0x210: {  	s18 =	rddreg [dreg:$0x9]  }
0x211: {  	[tilespmem:s31], [sflag:$0x5] =	stream.indirect.gather [hbm4b:s6+s22], $0x20, s18, s22, $0xb8;
	[tilespmem:$0x1FF00] =	vst v63  }
0x212: {  	_ =	swait.ge [sflag:s1], $0x1000  }
0x213: {  	[sflag:s1] =	ssyncset.done $0x0  }
0x214: {  	s18 =	rddreg [dreg:$0xa];
	[sflag:s1] =	ssyncadd.s32 $0xFFFFF000  }
0x215: {  	[spmem:s2] =	stream.indirect.scatter.add.f32 [tilespmem:s26], [sflag:$0x8], $0x20, s18, s22, $0xb8;
	[tilespmem:$0x1FF00] =	vst v63  }
0x216: {  	_ =	swait.ge [sflag:s0], $0x1000  }
0x217: {  	[sflag:s0] =	ssyncset.done $0x0  }
0x218: {  	s18 =	rddreg [dreg:$0xb];
	[sflag:s0] =	ssyncadd.s32 $0xFFFFF000  }
0x219: {  	[tilespmem:s23], [sflag:$0x1] =	stream.indirect.gather [hbm4b:s6+s22], $0x20, s18, s22, $0xb8;
	[tilespmem:$0x1FF00] =	vst v63  }
0x21a: {  	_ =	swait.ge [sflag:s7], $0x1000  }
0x21b: {  	[sflag:s7] =	ssyncset.done $0x0  }
0x21c: {  	s18 =	rddreg [dreg:$0xc];
	[sflag:s7] =	ssyncadd.s32 $0xFFFFF000  }
0x21d: {  	[spmem:s2] =	stream.indirect.scatter.add.f32 [tilespmem:s29], [sflag:$0x9], $0x20, s18, s22, $0xb8;
	[tilespmem:$0x1FF00] =	vst v63  }
0x21e: {  	_ =	swait.ge [sflag:s10], $0x1000  }
0x21f: {  	[sflag:s10] =	ssyncset.done $0x0  }
0x220: {  	s18 =	rddreg [dreg:$0xd];
	[sflag:s10] =	ssyncadd.s32 $0xFFFFF000  }
0x221: {  	[tilespmem:s24], [sflag:$0x2] =	stream.indirect.gather [hbm4b:s6+s22], $0x20, s18, s22, $0xb8;
	[tilespmem:$0x1FF00] =	vst v63  }
0x222: {  	_ =	swait.ge [sflag:s11], $0x1000  }
0x223: {  	[sflag:s11] =	ssyncset.done $0x0  }
0x224: {  	s18 =	rddreg [dreg:$0xe];
	[sflag:s11] =	ssyncadd.s32 $0xFFFFF000  }
0x225: {  	[spmem:s2] =	stream.indirect.scatter.add.f32 [tilespmem:s31], [sflag:$0xA], $0x20, s18, s22, $0xb8;
	[tilespmem:$0x1FF00] =	vst v63  }
0x226: {  	_ =	swait.ge [sflag:s12], $0x1000  }
0x227: {  	[sflag:s12] =	ssyncset.done $0x0  }
0x228: {  	s18 =	rddreg [dreg:$0xf];
	[sflag:s12] =	ssyncadd.s32 $0xFFFFF000  }
0x229: {  	[tilespmem:s26], [sflag:$0x3] =	stream.indirect.gather [hbm4b:s6+s22], $0x20, s18, s22, $0xb8;
	[tilespmem:$0x1FF00] =	vst v63  }
0x22a: {  	_ =	swait.ge [sflag:s28], $0x1000  }
0x22b: {  	[sflag:s28] =	ssyncset.done $0x0  }
0x22c: {  	s18 =	rddreg [dreg:$0x10];
	[sflag:s28] =	ssyncadd.s32 $0xFFFFF000  }
0x22d: {  	[spmem:s2] =	stream.indirect.scatter.add.f32 [tilespmem:s23], [sflag:$0x6], $0x20, s18, s22, $0xb8;
	[tilespmem:$0x1FF00] =	vst v63  }
0x22e: {  	_ =	swait.ge [sflag:s13], $0x1000  }
0x22f: {  	[sflag:s13] =	ssyncset.done $0x0  }
0x230: {  	s18 =	rddreg [dreg:$0x11];
	[sflag:s13] =	ssyncadd.s32 $0xFFFFF000  }
0x231: {  	[tilespmem:s29], [sflag:$0x4] =	stream.indirect.gather [hbm4b:s6+s22], $0x20, s18, s22, $0xb8;
	[tilespmem:$0x1FF00] =	vst v63  }
0x232: {  	_ =	swait.ge [sflag:s30], $0x1000  }
0x233: {  	[sflag:s30] =	ssyncset.done $0x0  }
0x234: {  	s18 =	rddreg [dreg:$0x12];
	[sflag:s30] =	ssyncadd.s32 $0xFFFFF000  }
0x235: {  	[spmem:s2] =	stream.indirect.scatter.add.f32 [tilespmem:s24], [sflag:$0x7], $0x20, s18, s22, $0xb8;
	[tilespmem:$0x1FF00] =	vst v63  }
0x236: {  	_ =	swait.ge [sflag:s14], $0x1000  }
0x237: {  	[sflag:s14] =	ssyncset.done $0x0  }
0x238: {  	s18 =	rddreg [dreg:$0x13];
	[sflag:s14] =	ssyncadd.s32 $0xFFFFF000  }
0x239: {  	[tilespmem:s31], [sflag:$0x5] =	stream.indirect.gather [hbm4b:s6+s22], $0x20, s18, s22, $0xb8;
	[tilespmem:$0x1FF00] =	vst v63  }
0x23a: {  	_ =	swait.ge [sflag:s1], $0x1000  }
0x23b: {  	[sflag:s1] =	ssyncset.done $0x0  }
0x23c: {  	s18 =	rddreg [dreg:$0x14];
	[sflag:s1] =	ssyncadd.s32 $0xFFFFF000  }
0x23d: {  	[spmem:s2] =	stream.indirect.scatter.add.f32 [tilespmem:s26], [sflag:$0x8], $0x20, s18, s22, $0xb8;
	[tilespmem:$0x1FF00] =	vst v63  }
0x23e: {  	_ =	swait.ge [sflag:s0], $0x1000  }
0x23f: {  	[sflag:s0] =	ssyncset.done $0x0  }
0x240: {  	s18 =	rddreg [dreg:$0x15];
	[sflag:s0] =	ssyncadd.s32 $0xFFFFF000  }
0x241: {  	[tilespmem:s23], [sflag:$0x1] =	stream.indirect.gather [hbm4b:s6+s22], $0x20, s18, s22, $0xb8;
	[tilespmem:$0x1FF00] =	vst v63  }
0x242: {  	_ =	swait.ge [sflag:s7], $0x1000  }
0x243: {  	[sflag:s7] =	ssyncset.done $0x0  }
0x244: {  	s18 =	rddreg [dreg:$0x16];
	[sflag:s7] =	ssyncadd.s32 $0xFFFFF000  }
0x245: {  	[spmem:s2] =	stream.indirect.scatter.add.f32 [tilespmem:s29], [sflag:$0x9], $0x20, s18, s22, $0xb8;
	[tilespmem:$0x1FF00] =	vst v63  }
0x246: {  	_ =	swait.ge [sflag:s10], $0x1000  }
0x247: {  	[sflag:s10] =	ssyncset.done $0x0  }
0x248: {  	s18 =	rddreg [dreg:$0x17];
	[sflag:s10] =	ssyncadd.s32 $0xFFFFF000  }
0x249: {  	[tilespmem:s24], [sflag:$0x2] =	stream.indirect.gather [hbm4b:s6+s22], $0x20, s18, s22, $0xb8;
	[tilespmem:$0x1FF00] =	vst v63  }
0x24a: {  	_ =	swait.ge [sflag:s11], $0x1000  }
0x24b: {  	[sflag:s11] =	ssyncset.done $0x0  }
0x24c: {  	s18 =	rddreg [dreg:$0x18];
	[sflag:s11] =	ssyncadd.s32 $0xFFFFF000  }
0x24d: {  	[spmem:s2] =	stream.indirect.scatter.add.f32 [tilespmem:s31], [sflag:$0xA], $0x20, s18, s22, $0xb8;
	[tilespmem:$0x1FF00] =	vst v63  }
0x24e: {  	_ =	swait.ge [sflag:s12], $0x1000  }
0x24f: {  	[sflag:s12] =	ssyncset.done $0x0  }
0x250: {  	s18 =	rddreg [dreg:$0x19];
	[sflag:s12] =	ssyncadd.s32 $0xFFFFF000  }
0x251: {  	[tilespmem:s26], [sflag:$0x3] =	stream.indirect.gather [hbm4b:s6+s22], $0x20, s18, s22, $0xb8;
	[tilespmem:$0x1FF00] =	vst v63  }
0x252: {  	_ =	swait.ge [sflag:s28], $0x1000  }
0x253: {  	[sflag:s28] =	ssyncset.done $0x0  }
0x254: {  	s18 =	rddreg [dreg:$0x1a];
	[sflag:s28] =	ssyncadd.s32 $0xFFFFF000  }
0x255: {  	[spmem:s2] =	stream.indirect.scatter.add.f32 [tilespmem:s23], [sflag:$0x6], $0x20, s18, s22, $0xb8;
	[tilespmem:$0x1FF00] =	vst v63  }
0x256: {  	_ =	swait.ge [sflag:s13], $0x1000  }
0x257: {  	[sflag:s13] =	ssyncset.done $0x0  }
0x258: {  	s18 =	rddreg [dreg:$0x1b];
	[sflag:s13] =	ssyncadd.s32 $0xFFFFF000  }
0x259: {  	[tilespmem:s29], [sflag:$0x4] =	stream.indirect.gather [hbm4b:s6+s22], $0x20, s18, s22, $0xb8;
	[tilespmem:$0x1FF00] =	vst v63  }
0x25a: {  	_ =	swait.ge [sflag:s30], $0x1000  }
0x25b: {  	[sflag:s30] =	ssyncset.done $0x0  }
0x25c: {  	s18 =	rddreg [dreg:$0x1c];
	[sflag:s30] =	ssyncadd.s32 $0xFFFFF000  }
0x25d: {  	[spmem:s2] =	stream.indirect.scatter.add.f32 [tilespmem:s24], [sflag:$0x7], $0x20, s18, s22, $0xb8;
	[tilespmem:$0x1FF00] =	vst v63  }
0x25e: {  	_ =	swait.ge [sflag:s14], $0x1000  }
0x25f: {  	[sflag:s14] =	ssyncset.done $0x0  }
0x260: {  	s18 =	rddreg [dreg:$0x1d];
	[sflag:s14] =	ssyncadd.s32 $0xFFFFF000  }
0x261: {  	[tilespmem:s31], [sflag:$0x5] =	stream.indirect.gather [hbm4b:s6+s22], $0x20, s18, s22, $0xb8;
	[tilespmem:$0x1FF00] =	vst v63  }
0x262: {  	_ =	swait.ge [sflag:s1], $0x1000  }
0x263: {  	[sflag:s1] =	ssyncset.done $0x0  }
0x264: {  	s18 =	rddreg [dreg:$0x1e];
	[sflag:s1] =	ssyncadd.s32 $0xFFFFF000  }
0x265: {  	[spmem:s2] =	stream.indirect.scatter.add.f32 [tilespmem:s26], [sflag:$0x8], $0x20, s18, s22, $0xb8;
	[tilespmem:$0x1FF00] =	vst v63  }
0x266: {  	_ =	swait.ge [sflag:s0], $0x1000  }
0x267: {  	[sflag:s0] =	ssyncset.done $0x0  }
0x268: {  	s18 =	rddreg [dreg:$0x1f];
	[sflag:s0] =	ssyncadd.s32 $0xFFFFF000  }
0x269: {  	[tilespmem:s23], [sflag:$0x1] =	stream.indirect.gather [hbm4b:s6+s22], $0x20, s18, s22, $0xb8;
	[tilespmem:$0x1FF00] =	vst v63  }
0x26a: {  	_ =	swait.ge [sflag:s7], $0x1000  }
0x26b: {  	s18 =	sld [smem:$0x7C2]  }
0x26c: {  	[sflag:s7] =	ssyncset.done $0x0  }
0x26d: {  	[sflag:s7] =	ssyncadd.s32 $0xFFFFF000  }
0x26e: {  	[spmem:s2] =	stream.indirect.scatter.add.f32 [tilespmem:s29], [sflag:$0x9], $0x20, s18, s22, $0xb8;
	[tilespmem:$0x1FF00] =	vst v63  }
0x26f: {  	_ =	swait.ge [sflag:s10], $0x1000  }
0x270: {  	s18 =	sld [smem:$0x7C3]  }
0x271: {  	[sflag:s10] =	ssyncset.done $0x0  }
0x272: {  	[sflag:s10] =	ssyncadd.s32 $0xFFFFF000  }
0x273: {  	[tilespmem:s24], [sflag:$0x2] =	stream.indirect.gather [hbm4b:s6+s22], $0x20, s18, s22, $0xb8;
	[tilespmem:$0x1FF00] =	vst v63  }
0x274: {  	_ =	swait.ge [sflag:s11], $0x1000  }
0x275: {  	s18 =	sld [smem:$0x7C4]  }
0x276: {  	[sflag:s11] =	ssyncset.done $0x0  }
0x277: {  	[sflag:s11] =	ssyncadd.s32 $0xFFFFF000  }
0x278: {  	[spmem:s2] =	stream.indirect.scatter.add.f32 [tilespmem:s31], [sflag:$0xA], $0x20, s18, s22, $0xb8;
	[tilespmem:$0x1FF00] =	vst v63  }
0x279: {  	_ =	swait.ge [sflag:s12], $0x1000  }
0x27a: {  	s18 =	sld [smem:$0x7C5]  }
0x27b: {  	[sflag:s12] =	ssyncset.done $0x0  }
0x27c: {  	[sflag:s12] =	ssyncadd.s32 $0xFFFFF000  }
0x27d: {  	[tilespmem:s26], [sflag:$0x3] =	stream.indirect.gather [hbm4b:s6+s22], $0x20, s18, s22, $0xb8;
	[tilespmem:$0x1FF00] =	vst v63  }
0x27e: {  	_ =	swait.ge [sflag:s28], $0x1000  }
0x27f: {  	s18 =	sld [smem:$0x7C6]  }
0x280: {  	[sflag:s28] =	ssyncset.done $0x0  }
0x281: {  	[sflag:s28] =	ssyncadd.s32 $0xFFFFF000  }
0x282: {  	[spmem:s2] =	stream.indirect.scatter.add.f32 [tilespmem:s23], [sflag:$0x6], $0x20, s18, s22, $0xb8;
	[tilespmem:$0x1FF00] =	vst v63  }
0x283: {  	_ =	swait.ge [sflag:s13], $0x1000  }
0x284: {  	s18 =	sld [smem:$0x7C7]  }
0x285: {  	[sflag:s13] =	ssyncset.done $0x0  }
0x286: {  	[sflag:s13] =	ssyncadd.s32 $0xFFFFF000  }
0x287: {  	[tilespmem:s29], [sflag:$0x4] =	stream.indirect.gather [hbm4b:s6+s22], $0x20, s18, s22, $0xb8;
	[tilespmem:$0x1FF00] =	vst v63  }
0x288: {  	_ =	swait.ge [sflag:s30], $0x1000  }
0x289: {  	s18 =	sld [smem:$0x7C8]  }
0x28a: {  	[sflag:s30] =	ssyncset.done $0x0  }
0x28b: {  	[sflag:s30] =	ssyncadd.s32 $0xFFFFF000  }
0x28c: {  	[spmem:s2] =	stream.indirect.scatter.add.f32 [tilespmem:s24], [sflag:$0x7], $0x20, s18, s22, $0xb8;
	[tilespmem:$0x1FF00] =	vst v63  }
0x28d: {  	_ =	swait.ge [sflag:s14], $0x1000  }
0x28e: {  	s18 =	sld [smem:$0x7C9]  }
0x28f: {  	[sflag:s14] =	ssyncset.done $0x0  }
0x290: {  	[sflag:s14] =	ssyncadd.s32 $0xFFFFF000  }
0x291: {  	[tilespmem:s31], [sflag:$0x5] =	stream.indirect.gather [hbm4b:s6+s22], $0x20, s18, s22, $0xb8;
	[tilespmem:$0x1FF00] =	vst v63  }
0x292: {  	_ =	swait.ge [sflag:s1], $0x1000  }
0x293: {  	s18 =	sld [smem:$0x7CA]  }
0x294: {  	[sflag:s1] =	ssyncset.done $0x0  }
0x295: {  	[sflag:s1] =	ssyncadd.s32 $0xFFFFF000  }
0x296: {  	[spmem:s2] =	stream.indirect.scatter.add.f32 [tilespmem:s26], [sflag:$0x8], $0x20, s18, s22, $0xb8;
	[tilespmem:$0x1FF00] =	vst v63  }
0x297: {  	_ =	swait.ge [sflag:s0], $0x1000  }
0x298: {  	[sflag:s0] =	ssyncset.done $0x0  }
0x299: {  	[sflag:s0] =	ssyncadd.s32 $0xFFFFF000  }
0x29a: {  	_ =	swait.ge [sflag:s7], $0x1000  }
0x29b: {  	s18 =	sld [smem:$0x7CB]  }
0x29c: {  	[sflag:s7] =	ssyncset.done $0x0  }
0x29d: {  	[sflag:s7] =	ssyncadd.s32 $0xFFFFF000  }
0x29e: {  	[spmem:s2] =	stream.indirect.scatter.add.f32 [tilespmem:s29], [sflag:$0x9], $0x20, s18, s22, $0xb8;
	[tilespmem:$0x1FF00] =	vst v63  }
0x29f: {  	_ =	swait.ge [sflag:s10], $0x1000  }
0x2a0: {  	[sflag:s10] =	ssyncset.done $0x0  }
0x2a1: {  	[sflag:s10] =	ssyncadd.s32 $0xFFFFF000  }
0x2a2: {  	_ =	swait.ge [sflag:s11], $0x1000  }
0x2a3: {  	s18 =	sld [smem:$0x7CC]  }
0x2a4: {  	[sflag:s11] =	ssyncset.done $0x0  }
0x2a5: {  	[sflag:s11] =	ssyncadd.s32 $0xFFFFF000  }
0x2a6: {  	[spmem:s2] =	stream.indirect.scatter.add.f32 [tilespmem:s31], [sflag:$0xA], $0x20, s18, s22, $0xb8;
	[tilespmem:$0x1FF00] =	vst v63  }
0x2a7: {  	_ =	swait.ge [sflag:s12], $0x1000  }
0x2a8: {  	[sflag:s12] =	ssyncset.done $0x0  }
0x2a9: {  	[sflag:s12] =	ssyncadd.s32 $0xFFFFF000  }
0x2aa: {  	_ =	swait.ge [sflag:s13], $0x1000  }
0x2ab: {  	[sflag:s13] =	ssyncset.done $0x0  }
0x2ac: {  	s15 =	sadd.s32 $0x1400, s15;
	[sflag:s13] =	ssyncadd.s32 $0xFFFFF000  }
0x2ad: {  	s9 =	smov.u32 s17;
	p2 =	seq.s32 s25, $0x1680;
	_ =	swait.ge [sflag:s14], $0x1000  }
0x2ae: {  	s25 =	smov.u32 s9;
	s8 =	sshrl.u32 @!p2 s15, $0x3;
	[sflag:s14] =	ssyncset.done $0x0  }
0x2af: {  	s9 =	sadd.s32 @!p2 s5, s8;
	s18 =	simm.s32 @!p2 $0x0;
	[sflag:s14] =	ssyncadd.s32 $0xFFFFF000  }
0x2b0: {  	[tilespmem:s18], [sflag:$0xB] =	stream.linear.gather @!p2 [hbm4b:s9+s18], $0xA00, $0x38;
	[tilespmem:$0x1FF00] =	vst v63  }
0x2b1: {  	s8 =	sadd.s32 @!p2 s4, s8;
	s9 =	simm.s32 @!p2 $0xA00  }
0x2b2: {  	[tilespmem:s9], [sflag:$0xB] =	stream.linear.gather @!p2 [hbm4b:s8+s18], $0xA00, $0x38;
	[tilespmem:$0x1FF00] =	vst v63  }
0x2b3: {  	_ =	swait.ge [sflag:s16], $0xA00  }
0x2b4: {  	[sflag:s16] =	ssyncset.done $0x0  }
0x2b5: {  	[sflag:s16] =	ssyncadd.s32 $0xFFFFF600  }
0x2b6: {  	_ =	swait.ge [sflag:s16], $0xA00  }
0x2b7: {  	[sflag:s16] =	ssyncset.done $0x0  }
0x2b8: {  	s9 =	sld [smem:$0x7CD];
	[sflag:s16] =	ssyncadd.s32 $0xFFFFF600  }
0x2b9: {  	[tilespmem:s23], [sflag:$0x1] =	stream.indirect.gather [hbm4b:s6+s22], $0x20, s19, s22, $0xb8;
	[tilespmem:$0x1FF00] =	vst v63  }
0x2ba: {  	s18 =	sld [smem:$0x7CE]  }
0x2bb: {  	[tilespmem:s24], [sflag:$0x2] =	stream.indirect.gather [hbm4b:s6+s22], $0x20, s9, s22, $0xb8;
	[tilespmem:$0x1FF00] =	vst v63  }
0x2bc: {  	_ = 	snop  }
0x2bd: {  	[tilespmem:s26], [sflag:$0x3] =	stream.indirect.gather [hbm4b:s6+s22], $0x20, s18, s22, $0xb8;
	[tilespmem:$0x1FF00] =	vst v63  }
0x2be: {  	_ =	swait.ge [sflag:s28], $0x1000  }
0x2bf: {  	[sflag:s28] =	ssyncset.done $0x0  }
0x2c0: {  	s18 =	sld [smem:$0x7CF];
	[sflag:s28] =	ssyncadd.s32 $0xFFFFF000  }
0x2c1: {  	[spmem:s2] =	stream.indirect.scatter.add.f32 [tilespmem:s23], [sflag:$0x6], $0x20, s20, s22, $0xb8;
	[tilespmem:$0x1FF00] =	vst v63  }
0x2c2: {  	_ = 	snop  }
0x2c3: {  	[tilespmem:s29], [sflag:$0x4] =	stream.indirect.gather [hbm4b:s6+s22], $0x20, s18, s22, $0xb8;
	[tilespmem:$0x1FF00] =	vst v63  }
0x2c4: {  	_ =	swait.ge [sflag:s30], $0x1000  }
0x2c5: {  	s9 =	sld [smem:$0x7D0]  }
0x2c6: {  	[sflag:s30] =	ssyncset.done $0x0  }
0x2c7: {  	s18 =	sld [smem:$0x7D2];
	[sflag:s30] =	ssyncadd.s32 $0xFFFFF000  }
0x2c8: {  	[spmem:s2] =	stream.indirect.scatter.add.f32 [tilespmem:s24], [sflag:$0x7], $0x20, s9, s22, $0xb8;
	[tilespmem:$0x1FF00] =	vst v63  }
0x2c9: {  	_ = 	snop  }
0x2ca: {  	[tilespmem:s31], [sflag:$0x5] =	stream.indirect.gather [hbm4b:s6+s22], $0x20, s18, s22, $0xb8;
	[tilespmem:$0x1FF00] =	vst v63  }
0x2cb: {  	_ =	swait.ge [sflag:s1], $0x1000  }
0x2cc: {  	s18 =	sld [smem:$0x7D3]  }
0x2cd: {  	[sflag:s1] =	ssyncset.done $0x0  }
0x2ce: {  	[sflag:s1] =	ssyncadd.s32 $0xFFFFF000  }
0x2cf: {  	[spmem:s2] =	stream.indirect.scatter.add.f32 [tilespmem:s26], [sflag:$0x8], $0x20, s18, s22, $0xb8;
	[tilespmem:$0x1FF00] =	vst v63  }
0x2d0: {  	_ =	swait.ge [sflag:s0], $0x1000  }
0x2d1: {  	s9 =	sld [smem:$0x7D4]  }
0x2d2: {  	[sflag:s0] =	ssyncset.done $0x0  }
0x2d3: {  	[sflag:s0] =	ssyncadd.s32 $0xFFFFF000  }
0x2d4: {  	[tilespmem:s23], [sflag:$0x1] =	stream.indirect.gather [hbm4b:s6+s22], $0x20, s9, s22, $0xb8;
	[tilespmem:$0x1FF00] =	vst v63  }
0x2d5: {  	_ =	swait.ge [sflag:s7], $0x1000  }
0x2d6: {  	s18 =	sld [smem:$0x7D5]  }
0x2d7: {  	[sflag:s7] =	ssyncset.done $0x0  }
0x2d8: {  	[sflag:s7] =	ssyncadd.s32 $0xFFFFF000  }
0x2d9: {  	[spmem:s2] =	stream.indirect.scatter.add.f32 [tilespmem:s29], [sflag:$0x9], $0x20, s18, s22, $0xb8;
	[tilespmem:$0x1FF00] =	vst v63  }
0x2da: {  	_ =	swait.ge [sflag:s10], $0x1000  }
0x2db: {  	s9 =	sld [smem:$0x7D6]  }
0x2dc: {  	[sflag:s10] =	ssyncset.done $0x0  }
0x2dd: {  	[sflag:s10] =	ssyncadd.s32 $0xFFFFF000  }
0x2de: {  	[tilespmem:s24], [sflag:$0x2] =	stream.indirect.gather [hbm4b:s6+s22], $0x20, s9, s22, $0xb8;
	[tilespmem:$0x1FF00] =	vst v63  }
0x2df: {  	_ =	swait.ge [sflag:s11], $0x1000  }
0x2e0: {  	s18 =	sld [smem:$0x7D7]  }
0x2e1: {  	[sflag:s11] =	ssyncset.done $0x0  }
0x2e2: {  	[sflag:s11] =	ssyncadd.s32 $0xFFFFF000  }
0x2e3: {  	[spmem:s2] =	stream.indirect.scatter.add.f32 [tilespmem:s31], [sflag:$0xA], $0x20, s18, s22, $0xb8;
	[tilespmem:$0x1FF00] =	vst v63  }
0x2e4: {  	_ =	swait.ge [sflag:s12], $0x1000  }
0x2e5: {  	s9 =	sld [smem:$0x7D8]  }
0x2e6: {  	[sflag:s12] =	ssyncset.done $0x0  }
0x2e7: {  	[sflag:s12] =	ssyncadd.s32 $0xFFFFF000  }
0x2e8: {  	[tilespmem:s26], [sflag:$0x3] =	stream.indirect.gather [hbm4b:s6+s22], $0x20, s9, s22, $0xb8;
	[tilespmem:$0x1FF00] =	vst v63  }
0x2e9: {  	_ =	swait.ge [sflag:s28], $0x1000  }
0x2ea: {  	s18 =	sld [smem:$0x7D9]  }
0x2eb: {  	[sflag:s28] =	ssyncset.done $0x0  }
0x2ec: {  	[sflag:s28] =	ssyncadd.s32 $0xFFFFF000  }
0x2ed: {  	[spmem:s2] =	stream.indirect.scatter.add.f32 [tilespmem:s23], [sflag:$0x6], $0x20, s18, s22, $0xb8;
	[tilespmem:$0x1FF00] =	vst v63  }
0x2ee: {  	_ =	swait.ge [sflag:s13], $0x1000  }
0x2ef: {  	s9 =	sld [smem:$0x7DA]  }
0x2f0: {  	[sflag:s13] =	ssyncset.done $0x0  }
0x2f1: {  	[sflag:s13] =	ssyncadd.s32 $0xFFFFF000  }
0x2f2: {  	[tilespmem:s29], [sflag:$0x4] =	stream.indirect.gather [hbm4b:s6+s22], $0x20, s9, s22, $0xb8;
	[tilespmem:$0x1FF00] =	vst v63  }
0x2f3: {  	_ =	swait.ge [sflag:s30], $0x1000  }
0x2f4: {  	s18 =	sld [smem:$0x7DB]  }
0x2f5: {  	[sflag:s30] =	ssyncset.done $0x0  }
0x2f6: {  	[sflag:s30] =	ssyncadd.s32 $0xFFFFF000  }
0x2f7: {  	[spmem:s2] =	stream.indirect.scatter.add.f32 [tilespmem:s24], [sflag:$0x7], $0x20, s18, s22, $0xb8;
	[tilespmem:$0x1FF00] =	vst v63  }
0x2f8: {  	_ =	swait.ge [sflag:s14], $0x1000  }
0x2f9: {  	s9 =	sld [smem:$0x7DC]  }
0x2fa: {  	[sflag:s14] =	ssyncset.done $0x0  }
0x2fb: {  	[sflag:s14] =	ssyncadd.s32 $0xFFFFF000  }
0x2fc: {  	[tilespmem:s31], [sflag:$0x5] =	stream.indirect.gather [hbm4b:s6+s22], $0x20, s9, s22, $0xb8;
	[tilespmem:$0x1FF00] =	vst v63  }
0x2fd: {  	_ =	swait.ge [sflag:s1], $0x1000  }
0x2fe: {  	s18 =	sld [smem:$0x7DD]  }
0x2ff: {  	[sflag:s1] =	ssyncset.done $0x0  }
0x300: {  	[sflag:s1] =	ssyncadd.s32 $0xFFFFF000  }
0x301: {  	[spmem:s2] =	stream.indirect.scatter.add.f32 [tilespmem:s26], [sflag:$0x8], $0x20, s18, s22, $0xb8;
	[tilespmem:$0x1FF00] =	vst v63  }
0x302: {  	_ =	swait.ge [sflag:s0], $0x1000  }
0x303: {  	s9 =	sld [smem:$0x7DF]  }
0x304: {  	[sflag:s0] =	ssyncset.done $0x0  }
0x305: {  	[sflag:s0] =	ssyncadd.s32 $0xFFFFF000  }
0x306: {  	[tilespmem:s23], [sflag:$0x1] =	stream.indirect.gather [hbm4b:s6+s22], $0x20, s9, s22, $0xb8;
	[tilespmem:$0x1FF00] =	vst v63  }
0x307: {  	_ =	swait.ge [sflag:s7], $0x1000  }
0x308: {  	s18 =	sld [smem:$0x7E0]  }
0x309: {  	[sflag:s7] =	ssyncset.done $0x0  }
0x30a: {  	[sflag:s7] =	ssyncadd.s32 $0xFFFFF000  }
0x30b: {  	[spmem:s2] =	stream.indirect.scatter.add.f32 [tilespmem:s29], [sflag:$0x9], $0x20, s18, s22, $0xb8;
	[tilespmem:$0x1FF00] =	vst v63  }
0x30c: {  	_ =	swait.ge [sflag:s10], $0x1000  }
0x30d: {  	s9 =	sld [smem:$0x7E2]  }
0x30e: {  	[sflag:s10] =	ssyncset.done $0x0  }
0x30f: {  	[sflag:s10] =	ssyncadd.s32 $0xFFFFF000  }
0x310: {  	[tilespmem:s24], [sflag:$0x2] =	stream.indirect.gather [hbm4b:s6+s22], $0x20, s9, s22, $0xb8;
	[tilespmem:$0x1FF00] =	vst v63  }
0x311: {  	_ =	swait.ge [sflag:s11], $0x1000  }
0x312: {  	s18 =	sld [smem:$0x7E3]  }
0x313: {  	[sflag:s11] =	ssyncset.done $0x0  }
0x314: {  	[sflag:s11] =	ssyncadd.s32 $0xFFFFF000  }
0x315: {  	[spmem:s2] =	stream.indirect.scatter.add.f32 [tilespmem:s31], [sflag:$0xA], $0x20, s18, s22, $0xb8;
	[tilespmem:$0x1FF00] =	vst v63  }
0x316: {  	_ =	swait.ge [sflag:s12], $0x1000  }
0x317: {  	s9 =	sld [smem:$0x7E4]  }
0x318: {  	[sflag:s12] =	ssyncset.done $0x0  }
0x319: {  	[sflag:s12] =	ssyncadd.s32 $0xFFFFF000  }
0x31a: {  	[tilespmem:s26], [sflag:$0x3] =	stream.indirect.gather [hbm4b:s6+s22], $0x20, s9, s22, $0xb8;
	[tilespmem:$0x1FF00] =	vst v63  }
0x31b: {  	_ =	swait.ge [sflag:s28], $0x1000  }
0x31c: {  	s18 =	sld [smem:$0x7E6]  }
0x31d: {  	[sflag:s28] =	ssyncset.done $0x0  }
0x31e: {  	[sflag:s28] =	ssyncadd.s32 $0xFFFFF000  }
0x31f: {  	[spmem:s2] =	stream.indirect.scatter.add.f32 [tilespmem:s23], [sflag:$0x6], $0x20, s18, s22, $0xb8;
	[tilespmem:$0x1FF00] =	vst v63  }
0x320: {  	_ =	swait.ge [sflag:s13], $0x1000  }
0x321: {  	s9 =	sld [smem:$0x7E7]  }
0x322: {  	[sflag:s13] =	ssyncset.done $0x0  }
0x323: {  	[sflag:s13] =	ssyncadd.s32 $0xFFFFF000  }
0x324: {  	[tilespmem:s29], [sflag:$0x4] =	stream.indirect.gather [hbm4b:s6+s22], $0x20, s9, s22, $0xb8;
	[tilespmem:$0x1FF00] =	vst v63  }
0x325: {  	_ =	swait.ge [sflag:s30], $0x1000  }
0x326: {  	s18 =	sld [smem:$0x7E8]  }
0x327: {  	[sflag:s30] =	ssyncset.done $0x0  }
0x328: {  	[sflag:s30] =	ssyncadd.s32 $0xFFFFF000  }
0x329: {  	[spmem:s2] =	stream.indirect.scatter.add.f32 [tilespmem:s24], [sflag:$0x7], $0x20, s18, s22, $0xb8;
	[tilespmem:$0x1FF00] =	vst v63  }
0x32a: {  	_ =	swait.ge [sflag:s14], $0x1000  }
0x32b: {  	s9 =	sld [smem:$0x7EA]  }
0x32c: {  	[sflag:s14] =	ssyncset.done $0x0  }
0x32d: {  	[sflag:s14] =	ssyncadd.s32 $0xFFFFF000  }
0x32e: {  	[tilespmem:s31], [sflag:$0x5] =	stream.indirect.gather [hbm4b:s6+s22], $0x20, s9, s22, $0xb8;
	[tilespmem:$0x1FF00] =	vst v63  }
0x32f: {  	_ =	swait.ge [sflag:s1], $0x1000  }
0x330: {  	s18 =	sld [smem:$0x7EB]  }
0x331: {  	[sflag:s1] =	ssyncset.done $0x0  }
0x332: {  	[sflag:s1] =	ssyncadd.s32 $0xFFFFF000  }
0x333: {  	[spmem:s2] =	stream.indirect.scatter.add.f32 [tilespmem:s26], [sflag:$0x8], $0x20, s18, s22, $0xb8;
	[tilespmem:$0x1FF00] =	vst v63  }
0x334: {  	_ =	swait.ge [sflag:s0], $0x1000  }
0x335: {  	s9 =	sld [smem:$0x7ED]  }
0x336: {  	[sflag:s0] =	ssyncset.done $0x0  }
0x337: {  	[sflag:s0] =	ssyncadd.s32 $0xFFFFF000  }
0x338: {  	[tilespmem:s23], [sflag:$0x1] =	stream.indirect.gather [hbm4b:s6+s22], $0x20, s9, s22, $0xb8;
	[tilespmem:$0x1FF00] =	vst v63  }
0x339: {  	_ =	swait.ge [sflag:s7], $0x1000  }
0x33a: {  	s18 =	sld [smem:$0x7EF]  }
0x33b: {  	[sflag:s7] =	ssyncset.done $0x0  }
0x33c: {  	[sflag:s7] =	ssyncadd.s32 $0xFFFFF000  }
0x33d: {  	[spmem:s2] =	stream.indirect.scatter.add.f32 [tilespmem:s29], [sflag:$0x9], $0x20, s18, s22, $0xb8;
	[tilespmem:$0x1FF00] =	vst v63  }
0x33e: {  	_ =	swait.ge [sflag:s10], $0x1000  }
0x33f: {  	s9 =	sld [smem:$0x7F2]  }
0x340: {  	[sflag:s10] =	ssyncset.done $0x0  }
0x341: {  	[sflag:s10] =	ssyncadd.s32 $0xFFFFF000  }
0x342: {  	[tilespmem:s24], [sflag:$0x2] =	stream.indirect.gather [hbm4b:s6+s22], $0x20, s9, s22, $0xb8;
	[tilespmem:$0x1FF00] =	vst v63  }
0x343: {  	_ =	swait.ge [sflag:s11], $0x1000  }
0x344: {  	s18 =	sld [smem:$0x7F3]  }
0x345: {  	[sflag:s11] =	ssyncset.done $0x0  }
0x346: {  	[sflag:s11] =	ssyncadd.s32 $0xFFFFF000  }
0x347: {  	[spmem:s2] =	stream.indirect.scatter.add.f32 [tilespmem:s31], [sflag:$0xA], $0x20, s18, s22, $0xb8;
	[tilespmem:$0x1FF00] =	vst v63  }
0x348: {  	_ =	swait.ge [sflag:s12], $0x1000  }
0x349: {  	s9 =	sld [smem:$0x7F4]  }
0x34a: {  	[sflag:s12] =	ssyncset.done $0x0  }
0x34b: {  	[sflag:s12] =	ssyncadd.s32 $0xFFFFF000  }
0x34c: {  	[tilespmem:s26], [sflag:$0x3] =	stream.indirect.gather [hbm4b:s6+s22], $0x20, s9, s22, $0xb8;
	[tilespmem:$0x1FF00] =	vst v63  }
0x34d: {  	_ =	swait.ge [sflag:s28], $0x1000  }
0x34e: {  	s18 =	sld [smem:$0x7F5]  }
0x34f: {  	[sflag:s28] =	ssyncset.done $0x0  }
0x350: {  	[sflag:s28] =	ssyncadd.s32 $0xFFFFF000  }
0x351: {  	[spmem:s2] =	stream.indirect.scatter.add.f32 [tilespmem:s23], [sflag:$0x6], $0x20, s18, s22, $0xb8;
	[tilespmem:$0x1FF00] =	vst v63  }
0x352: {  	_ =	swait.ge [sflag:s13], $0x1000  }
0x353: {  	s9 =	sld [smem:$0x7F6]  }
0x354: {  	[sflag:s13] =	ssyncset.done $0x0  }
0x355: {  	[sflag:s13] =	ssyncadd.s32 $0xFFFFF000  }
0x356: {  	[tilespmem:s29], [sflag:$0x4] =	stream.indirect.gather [hbm4b:s6+s22], $0x20, s9, s22, $0xb8;
	[tilespmem:$0x1FF00] =	vst v63  }
0x357: {  	_ =	swait.ge [sflag:s30], $0x1000  }
0x358: {  	s18 =	sld [smem:$0x7F7]  }
0x359: {  	[sflag:s30] =	ssyncset.done $0x0  }
0x35a: {  	[sflag:s30] =	ssyncadd.s32 $0xFFFFF000  }
0x35b: {  	[spmem:s2] =	stream.indirect.scatter.add.f32 [tilespmem:s24], [sflag:$0x7], $0x20, s18, s22, $0xb8;
	[tilespmem:$0x1FF00] =	vst v63  }
0x35c: {  	_ =	swait.ge [sflag:s14], $0x1000  }
0x35d: {  	s9 =	sld [smem:$0x7F8]  }
0x35e: {  	[sflag:s14] =	ssyncset.done $0x0  }
0x35f: {  	[sflag:s14] =	ssyncadd.s32 $0xFFFFF000  }
0x360: {  	[tilespmem:s31], [sflag:$0x5] =	stream.indirect.gather [hbm4b:s6+s22], $0x20, s9, s22, $0xb8;
	[tilespmem:$0x1FF00] =	vst v63  }
0x361: {  	_ =	swait.ge [sflag:s1], $0x1000  }
0x362: {  	s18 =	sld [smem:$0x7F9]  }
0x363: {  	[sflag:s1] =	ssyncset.done $0x0  }
0x364: {  	[sflag:s1] =	ssyncadd.s32 $0xFFFFF000  }
0x365: {  	[spmem:s2] =	stream.indirect.scatter.add.f32 [tilespmem:s26], [sflag:$0x8], $0x20, s18, s22, $0xb8;
	[tilespmem:$0x1FF00] =	vst v63  }
0x366: {  	_ =	swait.ge [sflag:s0], $0x1000  }
0x367: {  	[sflag:s0] =	ssyncset.done $0x0  }
0x368: {  	[sflag:s0] =	ssyncadd.s32 $0xFFFFF000  }
0x369: {  	_ =	swait.ge [sflag:s7], $0x1000  }
0x36a: {  	s9 =	sld [smem:$0x7FA]  }
0x36b: {  	[sflag:s7] =	ssyncset.done $0x0  }
0x36c: {  	[sflag:s7] =	ssyncadd.s32 $0xFFFFF000  }
0x36d: {  	[spmem:s2] =	stream.indirect.scatter.add.f32 [tilespmem:s29], [sflag:$0x9], $0x20, s9, s22, $0xb8;
	[tilespmem:$0x1FF00] =	vst v63  }
0x36e: {  	_ =	swait.ge [sflag:s10], $0x1000  }
0x36f: {  	[sflag:s10] =	ssyncset.done $0x0  }
0x370: {  	[sflag:s10] =	ssyncadd.s32 $0xFFFFF000  }
0x371: {  	_ =	swait.ge [sflag:s11], $0x1000  }
0x372: {  	s18 =	sld [smem:$0x7FB]  }
0x373: {  	[sflag:s11] =	ssyncset.done $0x0  }
0x374: {  	[sflag:s11] =	ssyncadd.s32 $0xFFFFF000  }
0x375: {  	[spmem:s2] =	stream.indirect.scatter.add.f32 [tilespmem:s31], [sflag:$0xA], $0x20, s18, s22, $0xb8;
	[tilespmem:$0x1FF00] =	vst v63  }
0x376: {  	_ =	swait.ge [sflag:s12], $0x1000  }
0x377: {  	s17 =	sadd.s32 $0x280, s17;
	[sflag:s12] =	ssyncset.done $0x0  }
0x378: {  	p1 =	sne.s32 s17, $0x1900;
	[sflag:s12] =	ssyncadd.s32 $0xFFFFF000  }
.Ltmp0:
0x379: {  	_ =	swait.ge [sflag:s13], $0x1000;
	(pc) =	sbr.rel @p1 .LBB2_2-.Ltmp0, $4  }
0x37a: {  	[sflag:s13] =	ssyncset.done $0x0  }
0x37b: {  	[sflag:s13] =	ssyncadd.s32 $0xFFFFF000  }
0x37c: {  	_ =	swait.ge [sflag:s14], $0x1000  }
0x37d: {  	s8 =	rddreg [dreg:$0x5];
	[sflag:s14] =	ssyncset.done $0x0  }
0x37e: {  	s9 =	rddreg [dreg:$0x4];
	[sflag:s14] =	ssyncadd.s32 $0xFFFFF000;
	s8 =	sadd.s32 s25, s8  }
0x37f: {  	[tilespmem:s19], [sflag:$0xC] =	stream.linear.gather [hbm4b:s8+s3], $0xA00, $0x38;
	[tilespmem:$0x1FF00] =	vst v63  }
0x380: {  	s18 =	sadd.s32 s25, s9  }
0x381: {  	[tilespmem:s20], [sflag:$0xC] =	stream.linear.gather [hbm4b:s18+s3], $0xA00, $0x38;
	[tilespmem:$0x1FF00] =	vst v63  }
0x382: {  	_ =	swait.ge [sflag:s21], $0xA00  }
0x383: {  	[sflag:s21] =	ssyncset.done $0x0  }
0x384: {  	[sflag:s21] =	ssyncadd.s32 $0xFFFFF600  }
0x385: {  	_ =	swait.ge [sflag:s21], $0xA00  }
0x386: {  	[sflag:s21] =	ssyncset.done $0x0  }
0x387: {  	[sflag:s21] =	ssyncadd.s32 $0xFFFFF600  }
0x388: {  	[tilespmem:s23], [sflag:$0x1] =	stream.indirect.gather [hbm4b:s6+s22], $0x20, s3, s22, $0xb8;
	[tilespmem:$0x1FF00] =	vst v63  }
0x389: {  	_ = 	snop  }
0x38a: {  	[tilespmem:s24], [sflag:$0x2] =	stream.indirect.gather [hbm4b:s6+s22], $0x20, s22, s22, $0xb8;
	[tilespmem:$0x1FF00] =	vst v63  }
0x38b: {  	s9 =	rddreg [dreg:$0x6]  }
0x38c: {  	[tilespmem:s26], [sflag:$0x3] =	stream.indirect.gather [hbm4b:s6+s22], $0x20, s9, s22, $0xb8;
	[tilespmem:$0x1FF00] =	vst v63  }
0x38d: {  	_ =	swait.ge [sflag:s28], $0x1000  }
0x38e: {  	[sflag:s28] =	ssyncset.done $0x0  }
0x38f: {  	s18 =	simm.s32 $0xA00;
	[sflag:s28] =	ssyncadd.s32 $0xFFFFF000  }
0x390: {  	[spmem:s2] =	stream.indirect.scatter.add.f32 [tilespmem:s23], [sflag:$0x6], $0x20, s18, s22, $0xb8;
	[tilespmem:$0x1FF00] =	vst v63  }
0x391: {  	s17 =	rddreg [dreg:$0x7]  }
0x392: {  	[tilespmem:s29], [sflag:$0x4] =	stream.indirect.gather [hbm4b:s6+s22], $0x20, s17, s22, $0xb8;
	[tilespmem:$0x1FF00] =	vst v63  }
0x393: {  	_ =	swait.ge [sflag:s30], $0x1000  }
0x394: {  	[sflag:s30] =	ssyncset.done $0x0  }
0x395: {  	s17 =	rddreg [dreg:$0x8];
	[sflag:s30] =	ssyncadd.s32 $0xFFFFF000  }
0x396: {  	[spmem:s2] =	stream.indirect.scatter.add.f32 [tilespmem:s24], [sflag:$0x7], $0x20, s17, s22, $0xb8;
	[tilespmem:$0x1FF00] =	vst v63  }
0x397: {  	s18 =	rddreg [dreg:$0x9]  }
0x398: {  	[tilespmem:s31], [sflag:$0x5] =	stream.indirect.gather [hbm4b:s6+s22], $0x20, s18, s22, $0xb8;
	[tilespmem:$0x1FF00] =	vst v63  }
0x399: {  	_ =	swait.ge [sflag:s1], $0x1000  }
0x39a: {  	[sflag:s1] =	ssyncset.done $0x0  }
0x39b: {  	s9 =	rddreg [dreg:$0xa];
	[sflag:s1] =	ssyncadd.s32 $0xFFFFF000  }
0x39c: {  	[spmem:s2] =	stream.indirect.scatter.add.f32 [tilespmem:s26], [sflag:$0x8], $0x20, s9, s22, $0xb8;
	[tilespmem:$0x1FF00] =	vst v63  }
0x39d: {  	_ =	swait.ge [sflag:s0], $0x1000  }
0x39e: {  	[sflag:s0] =	ssyncset.done $0x0  }
0x39f: {  	s17 =	rddreg [dreg:$0xb];
	[sflag:s0] =	ssyncadd.s32 $0xFFFFF000  }
0x3a0: {  	[tilespmem:s23], [sflag:$0x1] =	stream.indirect.gather [hbm4b:s6+s22], $0x20, s17, s22, $0xb8;
	[tilespmem:$0x1FF00] =	vst v63  }
0x3a1: {  	_ =	swait.ge [sflag:s7], $0x1000  }
0x3a2: {  	[sflag:s7] =	ssyncset.done $0x0  }
0x3a3: {  	s18 =	rddreg [dreg:$0xc];
	[sflag:s7] =	ssyncadd.s32 $0xFFFFF000  }
0x3a4: {  	[spmem:s2] =	stream.indirect.scatter.add.f32 [tilespmem:s29], [sflag:$0x9], $0x20, s18, s22, $0xb8;
	[tilespmem:$0x1FF00] =	vst v63  }
0x3a5: {  	_ =	swait.ge [sflag:s10], $0x1000  }
0x3a6: {  	[sflag:s10] =	ssyncset.done $0x0  }
0x3a7: {  	s9 =	rddreg [dreg:$0xd];
	[sflag:s10] =	ssyncadd.s32 $0xFFFFF000  }
0x3a8: {  	[tilespmem:s24], [sflag:$0x2] =	stream.indirect.gather [hbm4b:s6+s22], $0x20, s9, s22, $0xb8;
	[tilespmem:$0x1FF00] =	vst v63  }
0x3a9: {  	_ =	swait.ge [sflag:s11], $0x1000  }
0x3aa: {  	[sflag:s11] =	ssyncset.done $0x0  }
0x3ab: {  	s17 =	rddreg [dreg:$0xe];
	[sflag:s11] =	ssyncadd.s32 $0xFFFFF000  }
0x3ac: {  	[spmem:s2] =	stream.indirect.scatter.add.f32 [tilespmem:s31], [sflag:$0xA], $0x20, s17, s22, $0xb8;
	[tilespmem:$0x1FF00] =	vst v63  }
0x3ad: {  	_ =	swait.ge [sflag:s12], $0x1000  }
0x3ae: {  	[sflag:s12] =	ssyncset.done $0x0  }
0x3af: {  	s18 =	rddreg [dreg:$0xf];
	[sflag:s12] =	ssyncadd.s32 $0xFFFFF000  }
0x3b0: {  	[tilespmem:s26], [sflag:$0x3] =	stream.indirect.gather [hbm4b:s6+s22], $0x20, s18, s22, $0xb8;
	[tilespmem:$0x1FF00] =	vst v63  }
0x3b1: {  	_ =	swait.ge [sflag:s28], $0x1000  }
0x3b2: {  	[sflag:s28] =	ssyncset.done $0x0  }
0x3b3: {  	s9 =	rddreg [dreg:$0x10];
	[sflag:s28] =	ssyncadd.s32 $0xFFFFF000  }
0x3b4: {  	[spmem:s2] =	stream.indirect.scatter.add.f32 [tilespmem:s23], [sflag:$0x6], $0x20, s9, s22, $0xb8;
	[tilespmem:$0x1FF00] =	vst v63  }
0x3b5: {  	_ =	swait.ge [sflag:s13], $0x1000  }
0x3b6: {  	[sflag:s13] =	ssyncset.done $0x0  }
0x3b7: {  	s17 =	rddreg [dreg:$0x11];
	[sflag:s13] =	ssyncadd.s32 $0xFFFFF000  }
0x3b8: {  	[tilespmem:s29], [sflag:$0x4] =	stream.indirect.gather [hbm4b:s6+s22], $0x20, s17, s22, $0xb8;
	[tilespmem:$0x1FF00] =	vst v63  }
0x3b9: {  	_ =	swait.ge [sflag:s30], $0x1000  }
0x3ba: {  	[sflag:s30] =	ssyncset.done $0x0  }
0x3bb: {  	s18 =	rddreg [dreg:$0x12];
	[sflag:s30] =	ssyncadd.s32 $0xFFFFF000  }
0x3bc: {  	[spmem:s2] =	stream.indirect.scatter.add.f32 [tilespmem:s24], [sflag:$0x7], $0x20, s18, s22, $0xb8;
	[tilespmem:$0x1FF00] =	vst v63  }
0x3bd: {  	_ =	swait.ge [sflag:s14], $0x1000  }
0x3be: {  	[sflag:s14] =	ssyncset.done $0x0  }
0x3bf: {  	s9 =	rddreg [dreg:$0x13];
	[sflag:s14] =	ssyncadd.s32 $0xFFFFF000  }
0x3c0: {  	[tilespmem:s31], [sflag:$0x5] =	stream.indirect.gather [hbm4b:s6+s22], $0x20, s9, s22, $0xb8;
	[tilespmem:$0x1FF00] =	vst v63  }
0x3c1: {  	_ =	swait.ge [sflag:s1], $0x1000  }
0x3c2: {  	[sflag:s1] =	ssyncset.done $0x0  }
0x3c3: {  	s17 =	rddreg [dreg:$0x14];
	[sflag:s1] =	ssyncadd.s32 $0xFFFFF000  }
0x3c4: {  	[spmem:s2] =	stream.indirect.scatter.add.f32 [tilespmem:s26], [sflag:$0x8], $0x20, s17, s22, $0xb8;
	[tilespmem:$0x1FF00] =	vst v63  }
0x3c5: {  	_ =	swait.ge [sflag:s0], $0x1000  }
0x3c6: {  	[sflag:s0] =	ssyncset.done $0x0  }
0x3c7: {  	s18 =	rddreg [dreg:$0x15];
	[sflag:s0] =	ssyncadd.s32 $0xFFFFF000  }
0x3c8: {  	[tilespmem:s23], [sflag:$0x1] =	stream.indirect.gather [hbm4b:s6+s22], $0x20, s18, s22, $0xb8;
	[tilespmem:$0x1FF00] =	vst v63  }
0x3c9: {  	_ =	swait.ge [sflag:s7], $0x1000  }
0x3ca: {  	[sflag:s7] =	ssyncset.done $0x0  }
0x3cb: {  	s9 =	rddreg [dreg:$0x16];
	[sflag:s7] =	ssyncadd.s32 $0xFFFFF000  }
0x3cc: {  	[spmem:s2] =	stream.indirect.scatter.add.f32 [tilespmem:s29], [sflag:$0x9], $0x20, s9, s22, $0xb8;
	[tilespmem:$0x1FF00] =	vst v63  }
0x3cd: {  	_ =	swait.ge [sflag:s10], $0x1000  }
0x3ce: {  	[sflag:s10] =	ssyncset.done $0x0  }
0x3cf: {  	s17 =	rddreg [dreg:$0x17];
	[sflag:s10] =	ssyncadd.s32 $0xFFFFF000  }
0x3d0: {  	[tilespmem:s24], [sflag:$0x2] =	stream.indirect.gather [hbm4b:s6+s22], $0x20, s17, s22, $0xb8;
	[tilespmem:$0x1FF00] =	vst v63  }
0x3d1: {  	_ =	swait.ge [sflag:s11], $0x1000  }
0x3d2: {  	[sflag:s11] =	ssyncset.done $0x0  }
0x3d3: {  	s18 =	rddreg [dreg:$0x18];
	[sflag:s11] =	ssyncadd.s32 $0xFFFFF000  }
0x3d4: {  	[spmem:s2] =	stream.indirect.scatter.add.f32 [tilespmem:s31], [sflag:$0xA], $0x20, s18, s22, $0xb8;
	[tilespmem:$0x1FF00] =	vst v63  }
0x3d5: {  	_ =	swait.ge [sflag:s12], $0x1000  }
0x3d6: {  	[sflag:s12] =	ssyncset.done $0x0  }
0x3d7: {  	s9 =	rddreg [dreg:$0x19];
	[sflag:s12] =	ssyncadd.s32 $0xFFFFF000  }
0x3d8: {  	[tilespmem:s26], [sflag:$0x3] =	stream.indirect.gather [hbm4b:s6+s22], $0x20, s9, s22, $0xb8;
	[tilespmem:$0x1FF00] =	vst v63  }
0x3d9: {  	_ =	swait.ge [sflag:s28], $0x1000  }
0x3da: {  	[sflag:s28] =	ssyncset.done $0x0  }
0x3db: {  	s17 =	rddreg [dreg:$0x1a];
	[sflag:s28] =	ssyncadd.s32 $0xFFFFF000  }
0x3dc: {  	[spmem:s2] =	stream.indirect.scatter.add.f32 [tilespmem:s23], [sflag:$0x6], $0x20, s17, s22, $0xb8;
	[tilespmem:$0x1FF00] =	vst v63  }
0x3dd: {  	_ =	swait.ge [sflag:s13], $0x1000  }
0x3de: {  	[sflag:s13] =	ssyncset.done $0x0  }
0x3df: {  	s18 =	rddreg [dreg:$0x1b];
	[sflag:s13] =	ssyncadd.s32 $0xFFFFF000  }
0x3e0: {  	[tilespmem:s29], [sflag:$0x4] =	stream.indirect.gather [hbm4b:s6+s22], $0x20, s18, s22, $0xb8;
	[tilespmem:$0x1FF00] =	vst v63  }
0x3e1: {  	_ =	swait.ge [sflag:s30], $0x1000  }
0x3e2: {  	[sflag:s30] =	ssyncset.done $0x0  }
0x3e3: {  	s9 =	rddreg [dreg:$0x1c];
	[sflag:s30] =	ssyncadd.s32 $0xFFFFF000  }
0x3e4: {  	[spmem:s2] =	stream.indirect.scatter.add.f32 [tilespmem:s24], [sflag:$0x7], $0x20, s9, s22, $0xb8;
	[tilespmem:$0x1FF00] =	vst v63  }
0x3e5: {  	_ =	swait.ge [sflag:s14], $0x1000  }
0x3e6: {  	[sflag:s14] =	ssyncset.done $0x0  }
0x3e7: {  	s17 =	rddreg [dreg:$0x1d];
	[sflag:s14] =	ssyncadd.s32 $0xFFFFF000  }
0x3e8: {  	[tilespmem:s31], [sflag:$0x5] =	stream.indirect.gather [hbm4b:s6+s22], $0x20, s17, s22, $0xb8;
	[tilespmem:$0x1FF00] =	vst v63  }
0x3e9: {  	_ =	swait.ge [sflag:s1], $0x1000  }
0x3ea: {  	[sflag:s1] =	ssyncset.done $0x0  }
0x3eb: {  	s18 =	rddreg [dreg:$0x1e];
	[sflag:s1] =	ssyncadd.s32 $0xFFFFF000  }
0x3ec: {  	[spmem:s2] =	stream.indirect.scatter.add.f32 [tilespmem:s26], [sflag:$0x8], $0x20, s18, s22, $0xb8;
	[tilespmem:$0x1FF00] =	vst v63  }
0x3ed: {  	_ =	swait.ge [sflag:s0], $0x1000  }
0x3ee: {  	[sflag:s0] =	ssyncset.done $0x0  }
0x3ef: {  	s9 =	rddreg [dreg:$0x1f];
	[sflag:s0] =	ssyncadd.s32 $0xFFFFF000  }
0x3f0: {  	[tilespmem:s23], [sflag:$0x1] =	stream.indirect.gather [hbm4b:s6+s22], $0x20, s9, s22, $0xb8;
	[tilespmem:$0x1FF00] =	vst v63  }
0x3f1: {  	_ =	swait.ge [sflag:s7], $0x1000  }
0x3f2: {  	s17 =	sld [smem:$0x7C2]  }
0x3f3: {  	[sflag:s7] =	ssyncset.done $0x0  }
0x3f4: {  	[sflag:s7] =	ssyncadd.s32 $0xFFFFF000  }
0x3f5: {  	[spmem:s2] =	stream.indirect.scatter.add.f32 [tilespmem:s29], [sflag:$0x9], $0x20, s17, s22, $0xb8;
	[tilespmem:$0x1FF00] =	vst v63  }
0x3f6: {  	_ =	swait.ge [sflag:s10], $0x1000  }
0x3f7: {  	s18 =	sld [smem:$0x7C3]  }
0x3f8: {  	[sflag:s10] =	ssyncset.done $0x0  }
0x3f9: {  	[sflag:s10] =	ssyncadd.s32 $0xFFFFF000  }
0x3fa: {  	[tilespmem:s24], [sflag:$0x2] =	stream.indirect.gather [hbm4b:s6+s22], $0x20, s18, s22, $0xb8;
	[tilespmem:$0x1FF00] =	vst v63  }
0x3fb: {  	_ =	swait.ge [sflag:s11], $0x1000  }
0x3fc: {  	s9 =	sld [smem:$0x7C4]  }
0x3fd: {  	[sflag:s11] =	ssyncset.done $0x0  }
0x3fe: {  	[sflag:s11] =	ssyncadd.s32 $0xFFFFF000  }
0x3ff: {  	[spmem:s2] =	stream.indirect.scatter.add.f32 [tilespmem:s31], [sflag:$0xA], $0x20, s9, s22, $0xb8;
	[tilespmem:$0x1FF00] =	vst v63  }
0x400: {  	_ =	swait.ge [sflag:s12], $0x1000  }
0x401: {  	s17 =	sld [smem:$0x7C5]  }
0x402: {  	[sflag:s12] =	ssyncset.done $0x0  }
0x403: {  	[sflag:s12] =	ssyncadd.s32 $0xFFFFF000  }
0x404: {  	[tilespmem:s26], [sflag:$0x3] =	stream.indirect.gather [hbm4b:s6+s22], $0x20, s17, s22, $0xb8;
	[tilespmem:$0x1FF00] =	vst v63  }
0x405: {  	_ =	swait.ge [sflag:s28], $0x1000  }
0x406: {  	s18 =	sld [smem:$0x7C6]  }
0x407: {  	[sflag:s28] =	ssyncset.done $0x0  }
0x408: {  	[sflag:s28] =	ssyncadd.s32 $0xFFFFF000  }
0x409: {  	[spmem:s2] =	stream.indirect.scatter.add.f32 [tilespmem:s23], [sflag:$0x6], $0x20, s18, s22, $0xb8;
	[tilespmem:$0x1FF00] =	vst v63  }
0x40a: {  	_ =	swait.ge [sflag:s13], $0x1000  }
0x40b: {  	s9 =	sld [smem:$0x7C7]  }
0x40c: {  	[sflag:s13] =	ssyncset.done $0x0  }
0x40d: {  	[sflag:s13] =	ssyncadd.s32 $0xFFFFF000  }
0x40e: {  	[tilespmem:s29], [sflag:$0x4] =	stream.indirect.gather [hbm4b:s6+s22], $0x20, s9, s22, $0xb8;
	[tilespmem:$0x1FF00] =	vst v63  }
0x40f: {  	_ =	swait.ge [sflag:s30], $0x1000  }
0x410: {  	s17 =	sld [smem:$0x7C8]  }
0x411: {  	[sflag:s30] =	ssyncset.done $0x0  }
0x412: {  	[sflag:s30] =	ssyncadd.s32 $0xFFFFF000  }
0x413: {  	[spmem:s2] =	stream.indirect.scatter.add.f32 [tilespmem:s24], [sflag:$0x7], $0x20, s17, s22, $0xb8;
	[tilespmem:$0x1FF00] =	vst v63  }
0x414: {  	_ =	swait.ge [sflag:s14], $0x1000  }
0x415: {  	s18 =	sld [smem:$0x7C9]  }
0x416: {  	[sflag:s14] =	ssyncset.done $0x0  }
0x417: {  	[sflag:s14] =	ssyncadd.s32 $0xFFFFF000  }
0x418: {  	[tilespmem:s31], [sflag:$0x5] =	stream.indirect.gather [hbm4b:s6+s22], $0x20, s18, s22, $0xb8;
	[tilespmem:$0x1FF00] =	vst v63  }
0x419: {  	_ =	swait.ge [sflag:s1], $0x1000  }
0x41a: {  	s9 =	sld [smem:$0x7CA]  }
0x41b: {  	[sflag:s1] =	ssyncset.done $0x0  }
0x41c: {  	[sflag:s1] =	ssyncadd.s32 $0xFFFFF000  }
0x41d: {  	[spmem:s2] =	stream.indirect.scatter.add.f32 [tilespmem:s26], [sflag:$0x8], $0x20, s9, s22, $0xb8;
	[tilespmem:$0x1FF00] =	vst v63  }
0x41e: {  	_ =	swait.ge [sflag:s0], $0x1000  }
0x41f: {  	[sflag:s0] =	ssyncset.done $0x0  }
0x420: {  	[sflag:s0] =	ssyncadd.s32 $0xFFFFF000  }
0x421: {  	_ =	swait.ge [sflag:s7], $0x1000  }
0x422: {  	s17 =	sld [smem:$0x7CB]  }
0x423: {  	[sflag:s7] =	ssyncset.done $0x0  }
0x424: {  	[sflag:s7] =	ssyncadd.s32 $0xFFFFF000  }
0x425: {  	[spmem:s2] =	stream.indirect.scatter.add.f32 [tilespmem:s29], [sflag:$0x9], $0x20, s17, s22, $0xb8;
	[tilespmem:$0x1FF00] =	vst v63  }
0x426: {  	_ =	swait.ge [sflag:s10], $0x1000  }
0x427: {  	[sflag:s10] =	ssyncset.done $0x0  }
0x428: {  	[sflag:s10] =	ssyncadd.s32 $0xFFFFF000  }
0x429: {  	_ =	swait.ge [sflag:s11], $0x1000  }
0x42a: {  	s18 =	sld [smem:$0x7CC]  }
0x42b: {  	[sflag:s11] =	ssyncset.done $0x0  }
0x42c: {  	[sflag:s11] =	ssyncadd.s32 $0xFFFFF000  }
0x42d: {  	[spmem:s2] =	stream.indirect.scatter.add.f32 [tilespmem:s31], [sflag:$0xA], $0x20, s18, s22, $0xb8;
	[tilespmem:$0x1FF00] =	vst v63  }
0x42e: {  	_ =	swait.ge [sflag:s12], $0x1000  }
0x42f: {  	[sflag:s12] =	ssyncset.done $0x0  }
0x430: {  	[sflag:s12] =	ssyncadd.s32 $0xFFFFF000  }
0x431: {  	_ =	swait.ge [sflag:s13], $0x1000  }
0x432: {  	[sflag:s13] =	ssyncset.done $0x0  }
0x433: {  	[sflag:s13] =	ssyncadd.s32 $0xFFFFF000  }
0x434: {  	p1 =	seq.s32 s25, $0x1680;
	s8 =	sadd.s32 $0x1400, s15;
	_ =	swait.ge [sflag:s14], $0x1000  }
0x435: {  	s8 =	sshrl.u32 @!p1 s8, $0x3;
	[sflag:s14] =	ssyncset.done $0x0  }
0x436: {  	s15 =	simm.s32 @!p1 $0x0;
	s9 =	sadd.s32 @!p1 s5, s8;
	[sflag:s14] =	ssyncadd.s32 $0xFFFFF000  }
0x437: {  	[tilespmem:s15], [sflag:$0xB] =	stream.linear.gather @!p1 [hbm4b:s9+s15], $0xA00, $0x38;
	[tilespmem:$0x1FF00] =	vst v63  }
0x438: {  	s8 =	sadd.s32 @!p1 s4, s8;
	s9 =	simm.s32 @!p1 $0xA00  }
0x439: {  	[tilespmem:s9], [sflag:$0xB] =	stream.linear.gather @!p1 [hbm4b:s8+s15], $0xA00, $0x38;
	[tilespmem:$0x1FF00] =	vst v63  }
0x43a: {  	_ =	swait.ge [sflag:s16], $0xA00  }
0x43b: {  	[sflag:s16] =	ssyncset.done $0x0  }
0x43c: {  	[sflag:s16] =	ssyncadd.s32 $0xFFFFF600  }
0x43d: {  	_ =	swait.ge [sflag:s16], $0xA00  }
0x43e: {  	[sflag:s16] =	ssyncset.done $0x0  }
0x43f: {  	s9 =	sld [smem:$0x7CD];
	[sflag:s16] =	ssyncadd.s32 $0xFFFFF600  }
0x440: {  	[tilespmem:s23], [sflag:$0x1] =	stream.indirect.gather [hbm4b:s6+s22], $0x20, s19, s22, $0xb8;
	[tilespmem:$0x1FF00] =	vst v63  }
0x441: {  	s15 =	sld [smem:$0x7CE]  }
0x442: {  	[tilespmem:s24], [sflag:$0x2] =	stream.indirect.gather [hbm4b:s6+s22], $0x20, s9, s22, $0xb8;
	[tilespmem:$0x1FF00] =	vst v63  }
0x443: {  	_ = 	snop  }
0x444: {  	[tilespmem:s26], [sflag:$0x3] =	stream.indirect.gather [hbm4b:s6+s22], $0x20, s15, s22, $0xb8;
	[tilespmem:$0x1FF00] =	vst v63  }
0x445: {  	_ =	swait.ge [sflag:s28], $0x1000  }
0x446: {  	[sflag:s28] =	ssyncset.done $0x0  }
0x447: {  	s17 =	sld [smem:$0x7CF];
	[sflag:s28] =	ssyncadd.s32 $0xFFFFF000  }
0x448: {  	[spmem:s2] =	stream.indirect.scatter.add.f32 [tilespmem:s23], [sflag:$0x6], $0x20, s20, s22, $0xb8;
	[tilespmem:$0x1FF00] =	vst v63  }
0x449: {  	_ = 	snop  }
0x44a: {  	[tilespmem:s29], [sflag:$0x4] =	stream.indirect.gather [hbm4b:s6+s22], $0x20, s17, s22, $0xb8;
	[tilespmem:$0x1FF00] =	vst v63  }
0x44b: {  	_ =	swait.ge [sflag:s30], $0x1000  }
0x44c: {  	s18 =	sld [smem:$0x7D0]  }
0x44d: {  	[sflag:s30] =	ssyncset.done $0x0  }
0x44e: {  	s25 =	sld [smem:$0x7D2];
	[sflag:s30] =	ssyncadd.s32 $0xFFFFF000  }
0x44f: {  	[spmem:s2] =	stream.indirect.scatter.add.f32 [tilespmem:s24], [sflag:$0x7], $0x20, s18, s22, $0xb8;
	[tilespmem:$0x1FF00] =	vst v63  }
0x450: {  	_ = 	snop  }
0x451: {  	[tilespmem:s31], [sflag:$0x5] =	stream.indirect.gather [hbm4b:s6+s22], $0x20, s25, s22, $0xb8;
	[tilespmem:$0x1FF00] =	vst v63  }
0x452: {  	_ =	swait.ge [sflag:s1], $0x1000  }
0x453: {  	s15 =	sld [smem:$0x7D3]  }
0x454: {  	[sflag:s1] =	ssyncset.done $0x0  }
0x455: {  	[sflag:s1] =	ssyncadd.s32 $0xFFFFF000  }
0x456: {  	[spmem:s2] =	stream.indirect.scatter.add.f32 [tilespmem:s26], [sflag:$0x8], $0x20, s15, s22, $0xb8;
	[tilespmem:$0x1FF00] =	vst v63  }
0x457: {  	_ =	swait.ge [sflag:s0], $0x1000  }
0x458: {  	s17 =	sld [smem:$0x7D4]  }
0x459: {  	[sflag:s0] =	ssyncset.done $0x0  }
0x45a: {  	[sflag:s0] =	ssyncadd.s32 $0xFFFFF000  }
0x45b: {  	[tilespmem:s23], [sflag:$0x1] =	stream.indirect.gather [hbm4b:s6+s22], $0x20, s17, s22, $0xb8;
	[tilespmem:$0x1FF00] =	vst v63  }
0x45c: {  	_ =	swait.ge [sflag:s7], $0x1000  }
0x45d: {  	s18 =	sld [smem:$0x7D5]  }
0x45e: {  	[sflag:s7] =	ssyncset.done $0x0  }
0x45f: {  	[sflag:s7] =	ssyncadd.s32 $0xFFFFF000  }
0x460: {  	[spmem:s2] =	stream.indirect.scatter.add.f32 [tilespmem:s29], [sflag:$0x9], $0x20, s18, s22, $0xb8;
	[tilespmem:$0x1FF00] =	vst v63  }
0x461: {  	_ =	swait.ge [sflag:s10], $0x1000  }
0x462: {  	s25 =	sld [smem:$0x7D6]  }
0x463: {  	[sflag:s10] =	ssyncset.done $0x0  }
0x464: {  	[sflag:s10] =	ssyncadd.s32 $0xFFFFF000  }
0x465: {  	[tilespmem:s24], [sflag:$0x2] =	stream.indirect.gather [hbm4b:s6+s22], $0x20, s25, s22, $0xb8;
	[tilespmem:$0x1FF00] =	vst v63  }
0x466: {  	_ =	swait.ge [sflag:s11], $0x1000  }
0x467: {  	s9 =	sld [smem:$0x7D7]  }
0x468: {  	[sflag:s11] =	ssyncset.done $0x0  }
0x469: {  	[sflag:s11] =	ssyncadd.s32 $0xFFFFF000  }
0x46a: {  	[spmem:s2] =	stream.indirect.scatter.add.f32 [tilespmem:s31], [sflag:$0xA], $0x20, s9, s22, $0xb8;
	[tilespmem:$0x1FF00] =	vst v63  }
0x46b: {  	_ =	swait.ge [sflag:s12], $0x1000  }
0x46c: {  	s15 =	sld [smem:$0x7D8]  }
0x46d: {  	[sflag:s12] =	ssyncset.done $0x0  }
0x46e: {  	[sflag:s12] =	ssyncadd.s32 $0xFFFFF000  }
0x46f: {  	[tilespmem:s26], [sflag:$0x3] =	stream.indirect.gather [hbm4b:s6+s22], $0x20, s15, s22, $0xb8;
	[tilespmem:$0x1FF00] =	vst v63  }
0x470: {  	_ =	swait.ge [sflag:s28], $0x1000  }
0x471: {  	s17 =	sld [smem:$0x7D9]  }
0x472: {  	[sflag:s28] =	ssyncset.done $0x0  }
0x473: {  	[sflag:s28] =	ssyncadd.s32 $0xFFFFF000  }
0x474: {  	[spmem:s2] =	stream.indirect.scatter.add.f32 [tilespmem:s23], [sflag:$0x6], $0x20, s17, s22, $0xb8;
	[tilespmem:$0x1FF00] =	vst v63  }
0x475: {  	_ =	swait.ge [sflag:s13], $0x1000  }
0x476: {  	s18 =	sld [smem:$0x7DA]  }
0x477: {  	[sflag:s13] =	ssyncset.done $0x0  }
0x478: {  	[sflag:s13] =	ssyncadd.s32 $0xFFFFF000  }
0x479: {  	[tilespmem:s29], [sflag:$0x4] =	stream.indirect.gather [hbm4b:s6+s22], $0x20, s18, s22, $0xb8;
	[tilespmem:$0x1FF00] =	vst v63  }
0x47a: {  	_ =	swait.ge [sflag:s30], $0x1000  }
0x47b: {  	s25 =	sld [smem:$0x7DB]  }
0x47c: {  	[sflag:s30] =	ssyncset.done $0x0  }
0x47d: {  	[sflag:s30] =	ssyncadd.s32 $0xFFFFF000  }
0x47e: {  	[spmem:s2] =	stream.indirect.scatter.add.f32 [tilespmem:s24], [sflag:$0x7], $0x20, s25, s22, $0xb8;
	[tilespmem:$0x1FF00] =	vst v63  }
0x47f: {  	_ =	swait.ge [sflag:s14], $0x1000  }
0x480: {  	s9 =	sld [smem:$0x7DC]  }
0x481: {  	[sflag:s14] =	ssyncset.done $0x0  }
0x482: {  	[sflag:s14] =	ssyncadd.s32 $0xFFFFF000  }
0x483: {  	[tilespmem:s31], [sflag:$0x5] =	stream.indirect.gather [hbm4b:s6+s22], $0x20, s9, s22, $0xb8;
	[tilespmem:$0x1FF00] =	vst v63  }
0x484: {  	_ =	swait.ge [sflag:s1], $0x1000  }
0x485: {  	s15 =	sld [smem:$0x7DD]  }
0x486: {  	[sflag:s1] =	ssyncset.done $0x0  }
0x487: {  	[sflag:s1] =	ssyncadd.s32 $0xFFFFF000  }
0x488: {  	[spmem:s2] =	stream.indirect.scatter.add.f32 [tilespmem:s26], [sflag:$0x8], $0x20, s15, s22, $0xb8;
	[tilespmem:$0x1FF00] =	vst v63  }
0x489: {  	_ =	swait.ge [sflag:s0], $0x1000  }
0x48a: {  	s17 =	sld [smem:$0x7DF]  }
0x48b: {  	[sflag:s0] =	ssyncset.done $0x0  }
0x48c: {  	[sflag:s0] =	ssyncadd.s32 $0xFFFFF000  }
0x48d: {  	[tilespmem:s23], [sflag:$0x1] =	stream.indirect.gather [hbm4b:s6+s22], $0x20, s17, s22, $0xb8;
	[tilespmem:$0x1FF00] =	vst v63  }
0x48e: {  	_ =	swait.ge [sflag:s7], $0x1000  }
0x48f: {  	s18 =	sld [smem:$0x7E0]  }
0x490: {  	[sflag:s7] =	ssyncset.done $0x0  }
0x491: {  	[sflag:s7] =	ssyncadd.s32 $0xFFFFF000  }
0x492: {  	[spmem:s2] =	stream.indirect.scatter.add.f32 [tilespmem:s29], [sflag:$0x9], $0x20, s18, s22, $0xb8;
	[tilespmem:$0x1FF00] =	vst v63  }
0x493: {  	_ =	swait.ge [sflag:s10], $0x1000  }
0x494: {  	s25 =	sld [smem:$0x7E2]  }
0x495: {  	[sflag:s10] =	ssyncset.done $0x0  }
0x496: {  	[sflag:s10] =	ssyncadd.s32 $0xFFFFF000  }
0x497: {  	[tilespmem:s24], [sflag:$0x2] =	stream.indirect.gather [hbm4b:s6+s22], $0x20, s25, s22, $0xb8;
	[tilespmem:$0x1FF00] =	vst v63  }
0x498: {  	_ =	swait.ge [sflag:s11], $0x1000  }
0x499: {  	s9 =	sld [smem:$0x7E3]  }
0x49a: {  	[sflag:s11] =	ssyncset.done $0x0  }
0x49b: {  	[sflag:s11] =	ssyncadd.s32 $0xFFFFF000  }
0x49c: {  	[spmem:s2] =	stream.indirect.scatter.add.f32 [tilespmem:s31], [sflag:$0xA], $0x20, s9, s22, $0xb8;
	[tilespmem:$0x1FF00] =	vst v63  }
0x49d: {  	_ =	swait.ge [sflag:s12], $0x1000  }
0x49e: {  	s15 =	sld [smem:$0x7E4]  }
0x49f: {  	[sflag:s12] =	ssyncset.done $0x0  }
0x4a0: {  	[sflag:s12] =	ssyncadd.s32 $0xFFFFF000  }
0x4a1: {  	[tilespmem:s26], [sflag:$0x3] =	stream.indirect.gather [hbm4b:s6+s22], $0x20, s15, s22, $0xb8;
	[tilespmem:$0x1FF00] =	vst v63  }
0x4a2: {  	_ =	swait.ge [sflag:s28], $0x1000  }
0x4a3: {  	s17 =	sld [smem:$0x7E6]  }
0x4a4: {  	[sflag:s28] =	ssyncset.done $0x0  }
0x4a5: {  	[sflag:s28] =	ssyncadd.s32 $0xFFFFF000  }
0x4a6: {  	[spmem:s2] =	stream.indirect.scatter.add.f32 [tilespmem:s23], [sflag:$0x6], $0x20, s17, s22, $0xb8;
	[tilespmem:$0x1FF00] =	vst v63  }
0x4a7: {  	_ =	swait.ge [sflag:s13], $0x1000  }
0x4a8: {  	s18 =	sld [smem:$0x7E7]  }
0x4a9: {  	[sflag:s13] =	ssyncset.done $0x0  }
0x4aa: {  	[sflag:s13] =	ssyncadd.s32 $0xFFFFF000  }
0x4ab: {  	[tilespmem:s29], [sflag:$0x4] =	stream.indirect.gather [hbm4b:s6+s22], $0x20, s18, s22, $0xb8;
	[tilespmem:$0x1FF00] =	vst v63  }
0x4ac: {  	_ =	swait.ge [sflag:s30], $0x1000  }
0x4ad: {  	s25 =	sld [smem:$0x7E8]  }
0x4ae: {  	[sflag:s30] =	ssyncset.done $0x0  }
0x4af: {  	[sflag:s30] =	ssyncadd.s32 $0xFFFFF000  }
0x4b0: {  	[spmem:s2] =	stream.indirect.scatter.add.f32 [tilespmem:s24], [sflag:$0x7], $0x20, s25, s22, $0xb8;
	[tilespmem:$0x1FF00] =	vst v63  }
0x4b1: {  	_ =	swait.ge [sflag:s14], $0x1000  }
0x4b2: {  	s9 =	sld [smem:$0x7EA]  }
0x4b3: {  	[sflag:s14] =	ssyncset.done $0x0  }
0x4b4: {  	[sflag:s14] =	ssyncadd.s32 $0xFFFFF000  }
0x4b5: {  	[tilespmem:s31], [sflag:$0x5] =	stream.indirect.gather [hbm4b:s6+s22], $0x20, s9, s22, $0xb8;
	[tilespmem:$0x1FF00] =	vst v63  }
0x4b6: {  	_ =	swait.ge [sflag:s1], $0x1000  }
0x4b7: {  	s15 =	sld [smem:$0x7EB]  }
0x4b8: {  	[sflag:s1] =	ssyncset.done $0x0  }
0x4b9: {  	[sflag:s1] =	ssyncadd.s32 $0xFFFFF000  }
0x4ba: {  	[spmem:s2] =	stream.indirect.scatter.add.f32 [tilespmem:s26], [sflag:$0x8], $0x20, s15, s22, $0xb8;
	[tilespmem:$0x1FF00] =	vst v63  }
0x4bb: {  	_ =	swait.ge [sflag:s0], $0x1000  }
0x4bc: {  	s17 =	sld [smem:$0x7ED]  }
0x4bd: {  	[sflag:s0] =	ssyncset.done $0x0  }
0x4be: {  	[sflag:s0] =	ssyncadd.s32 $0xFFFFF000  }
0x4bf: {  	[tilespmem:s23], [sflag:$0x1] =	stream.indirect.gather [hbm4b:s6+s22], $0x20, s17, s22, $0xb8;
	[tilespmem:$0x1FF00] =	vst v63  }
0x4c0: {  	_ =	swait.ge [sflag:s7], $0x1000  }
0x4c1: {  	s18 =	sld [smem:$0x7EF]  }
0x4c2: {  	[sflag:s7] =	ssyncset.done $0x0  }
0x4c3: {  	[sflag:s7] =	ssyncadd.s32 $0xFFFFF000  }
0x4c4: {  	[spmem:s2] =	stream.indirect.scatter.add.f32 [tilespmem:s29], [sflag:$0x9], $0x20, s18, s22, $0xb8;
	[tilespmem:$0x1FF00] =	vst v63  }
0x4c5: {  	_ =	swait.ge [sflag:s10], $0x1000  }
0x4c6: {  	s25 =	sld [smem:$0x7F2]  }
0x4c7: {  	[sflag:s10] =	ssyncset.done $0x0  }
0x4c8: {  	[sflag:s10] =	ssyncadd.s32 $0xFFFFF000  }
0x4c9: {  	[tilespmem:s24], [sflag:$0x2] =	stream.indirect.gather [hbm4b:s6+s22], $0x20, s25, s22, $0xb8;
	[tilespmem:$0x1FF00] =	vst v63  }
0x4ca: {  	_ =	swait.ge [sflag:s11], $0x1000  }
0x4cb: {  	s9 =	sld [smem:$0x7F3]  }
0x4cc: {  	[sflag:s11] =	ssyncset.done $0x0  }
0x4cd: {  	[sflag:s11] =	ssyncadd.s32 $0xFFFFF000  }
0x4ce: {  	[spmem:s2] =	stream.indirect.scatter.add.f32 [tilespmem:s31], [sflag:$0xA], $0x20, s9, s22, $0xb8;
	[tilespmem:$0x1FF00] =	vst v63  }
0x4cf: {  	_ =	swait.ge [sflag:s12], $0x1000  }
0x4d0: {  	s15 =	sld [smem:$0x7F4]  }
0x4d1: {  	[sflag:s12] =	ssyncset.done $0x0  }
0x4d2: {  	[sflag:s12] =	ssyncadd.s32 $0xFFFFF000  }
0x4d3: {  	[tilespmem:s26], [sflag:$0x3] =	stream.indirect.gather [hbm4b:s6+s22], $0x20, s15, s22, $0xb8;
	[tilespmem:$0x1FF00] =	vst v63  }
0x4d4: {  	_ =	swait.ge [sflag:s28], $0x1000  }
0x4d5: {  	s17 =	sld [smem:$0x7F5]  }
0x4d6: {  	[sflag:s28] =	ssyncset.done $0x0  }
0x4d7: {  	[sflag:s28] =	ssyncadd.s32 $0xFFFFF000  }
0x4d8: {  	[spmem:s2] =	stream.indirect.scatter.add.f32 [tilespmem:s23], [sflag:$0x6], $0x20, s17, s22, $0xb8;
	[tilespmem:$0x1FF00] =	vst v63  }
0x4d9: {  	_ =	swait.ge [sflag:s13], $0x1000  }
0x4da: {  	s18 =	sld [smem:$0x7F6]  }
0x4db: {  	[sflag:s13] =	ssyncset.done $0x0  }
0x4dc: {  	[sflag:s13] =	ssyncadd.s32 $0xFFFFF000  }
0x4dd: {  	[tilespmem:s29], [sflag:$0x4] =	stream.indirect.gather [hbm4b:s6+s22], $0x20, s18, s22, $0xb8;
	[tilespmem:$0x1FF00] =	vst v63  }
0x4de: {  	_ =	swait.ge [sflag:s30], $0x1000  }
0x4df: {  	s25 =	sld [smem:$0x7F7]  }
0x4e0: {  	[sflag:s30] =	ssyncset.done $0x0  }
0x4e1: {  	[sflag:s30] =	ssyncadd.s32 $0xFFFFF000  }
0x4e2: {  	[spmem:s2] =	stream.indirect.scatter.add.f32 [tilespmem:s24], [sflag:$0x7], $0x20, s25, s22, $0xb8;
	[tilespmem:$0x1FF00] =	vst v63  }
0x4e3: {  	_ =	swait.ge [sflag:s14], $0x1000  }
0x4e4: {  	s9 =	sld [smem:$0x7F8]  }
0x4e5: {  	[sflag:s14] =	ssyncset.done $0x0  }
0x4e6: {  	[sflag:s14] =	ssyncadd.s32 $0xFFFFF000  }
0x4e7: {  	[tilespmem:s31], [sflag:$0x5] =	stream.indirect.gather [hbm4b:s6+s22], $0x20, s9, s22, $0xb8;
	[tilespmem:$0x1FF00] =	vst v63  }
0x4e8: {  	_ =	swait.ge [sflag:s1], $0x1000  }
0x4e9: {  	s15 =	sld [smem:$0x7F9]  }
0x4ea: {  	[sflag:s1] =	ssyncset.done $0x0  }
0x4eb: {  	[sflag:s1] =	ssyncadd.s32 $0xFFFFF000  }
0x4ec: {  	[spmem:s2] =	stream.indirect.scatter.add.f32 [tilespmem:s26], [sflag:$0x8], $0x20, s15, s22, $0xb8;
	[tilespmem:$0x1FF00] =	vst v63  }
0x4ed: {  	_ =	swait.ge [sflag:s0], $0x1000  }
0x4ee: {  	[sflag:s0] =	ssyncset.done $0x0  }
0x4ef: {  	[sflag:s0] =	ssyncadd.s32 $0xFFFFF000  }
0x4f0: {  	_ =	swait.ge [sflag:s7], $0x1000  }
0x4f1: {  	s17 =	sld [smem:$0x7FA]  }
0x4f2: {  	[sflag:s7] =	ssyncset.done $0x0  }
0x4f3: {  	[sflag:s7] =	ssyncadd.s32 $0xFFFFF000  }
0x4f4: {  	[spmem:s2] =	stream.indirect.scatter.add.f32 [tilespmem:s29], [sflag:$0x9], $0x20, s17, s22, $0xb8;
	[tilespmem:$0x1FF00] =	vst v63  }
0x4f5: {  	_ =	swait.ge [sflag:s10], $0x1000  }
0x4f6: {  	[sflag:s10] =	ssyncset.done $0x0  }
0x4f7: {  	[sflag:s10] =	ssyncadd.s32 $0xFFFFF000  }
0x4f8: {  	_ =	swait.ge [sflag:s11], $0x1000  }
0x4f9: {  	s18 =	sld [smem:$0x7FB]  }
0x4fa: {  	[sflag:s11] =	ssyncset.done $0x0  }
0x4fb: {  	[sflag:s11] =	ssyncadd.s32 $0xFFFFF000  }
0x4fc: {  	[spmem:s2] =	stream.indirect.scatter.add.f32 [tilespmem:s31], [sflag:$0xA], $0x20, s18, s22, $0xb8;
	[tilespmem:$0x1FF00] =	vst v63  }
0x4fd: {  	_ =	swait.ge [sflag:s12], $0x1000  }
0x4fe: {  	[sflag:s12] =	ssyncset.done $0x0  }
0x4ff: {  	[sflag:s12] =	ssyncadd.s32 $0xFFFFF000  }
0x500: {  	_ =	swait.ge [sflag:s13], $0x1000  }
0x501: {  	[sflag:s13] =	ssyncset.done $0x0  }
0x502: {  	[sflag:s13] =	ssyncadd.s32 $0xFFFFF000  }
0x503: {  	_ =	swait.ge [sflag:s14], $0x1000  }
0x504: {  	[sflag:s14] =	ssyncset.done $0x0  }
0x505: {  	[sflag:s14] =	ssyncadd.s32 $0xFFFFF000  }
0x506: {  	[bflag:$0x0] =	sbarrier.arrive $0xFFFF  }
0x507: {  	s15 =	sld [smem:$0x7FD]  }
0x508: {  	s8 =	sld [smem:$0x7E9]  }
0x509: {  	s9 =	sld [smem:$0x7FC];
	_ =	sdelay $0x2  }
0x50a: {  	[hbm:s8], [sflag:s15] =	dma.local @p0 [spmem:s9], $0x3020  }
0x50b: {  	s8 =	simm.s32 @p0 $0xD  }
0x50c: {  	_ =	swait.ge @p0 [sflag:s8], $0x3020  }
0x50d: {  	[sflag:s8] =	ssyncset.done @p0 $0x0  }
0x50e: {  	[sflag:s8] =	ssyncadd.s32 @p0 $0xFFFFCFE0;
	s8 =	sld [smem:$0x7F0]  }
0x50f: {  	s9 =	sld [smem:$0x7E5];
	_ =	sdelay $0x1  }
0x510: {  	s8 =	sshrl.u32 @!p0 s8, $0x3  }
0x511: {  	[hbm:s9], [sflag:s15] =	dma.local @!p0 [spmem:s8], $0x30E0  }
0x512: {  	s8 =	simm.s32 @!p0 $0xD  }
0x513: {  	_ =	swait.ge @!p0 [sflag:s8], $0x30E0  }
0x514: {  	s17 =	sld [smem:$0x7C1]  }
0x515: {  	s25 =	sld [smem:$0x7EC];
	_ =	sdelay $0x1  }
0x516: {  	s17 =	sadd.s32 $0x1, s17  }
0x517: {  	p1 =	sne.s32 s17, s25  }
.Ltmp1:
0x518: {  	_ = 	snop;
	(pc) =	sbr.rel @p1 .LBB2_1-.Ltmp1, $3  }
0x519: {  	_ =	sdelay $0x1  }
0x51a: {  	[sflag:s8] =	ssyncset.done @!p0 $0x0  }
0x51b: {  	[sflag:s8] =	ssyncadd.s32 @!p0 $0xFFFFCF20  }
0x51c: {  	_ =	sfence.sel $0x180000  }
0x51d: {  	[bflag:$0x0] =	sbarrier.arrive $0xFFFF  }
0x51e: {  	_ =	strace $0x9000004A  }
0x51f: {  	s0 =	stileid.u32;
	[bflag:$0x2] =	sbarrier.arrive $0xFFFF  }
0x520: {  	p0 =	sne.s32 s0, $0x0;
	s0 =	rddreg [dreg:$0x3]  }
0x521: {  	s0 =	sadd.s32 @!p0 $0x100000, s0  }
0x522: {  	[sflag:s0] =	ssyncadd.tile.s32 @!p0 $0x1;
	_ =	shalt  }
.Lfunc_end2:
_tile_overlayer_lowered:
.L_overlay_start_2:
0x523: {  	(tag) =	ssettag $0x2  }
0x524: {  	s0 =	rddreg [dreg:$0x0];
	s2 =	stileid.u32  }
0x525: {  	s1 =	rddreg [dreg:$0x1];
	p0 =	sne.s32 s2, $0x0  }
0x526: {  	s3 =	rddreg [dreg:$0x2];
	[bflag:$0x3] =	sbarrier.arrive $0xFFFF;
	s2 =	simm.s32 @!p0 $0x1C0D  }
0x527: {  	[timem:s3], [sflag:s2] =	dma.local @!p0 [hbm:s0], s1  }
0x528: {  	s0 =	simm.s32 @!p0 $0xD  }
0x529: {  	_ =	swait.ge @!p0 [sflag:s0], s1  }
0x52a: {  	s1 =	ssub.s32 @!p0 $0x0, s1;
	[sflag:s0] =	ssyncset.done @!p0 $0x0  }
0x52b: {  	[sflag:s0] =	ssyncadd.s32 @!p0 s1  }
0x52c: {  	[bflag:$0x3] =	sbarrier.arrive $0xFFFF  }
0x52d: {  	_ =	shalt  }

</sc_bundles>
